<compile_context>
chip_gen: v7x
topology: tpu7x:2x2x1
jax: 0.10.2.dev20260603
libtpu: 0.0.44.dev20260713+nightly
codegen_flags: <defaults>
</compile_context>

<pallas_src>
import functools

import jax
import jax.numpy as jnp
from jax import lax
from jax.experimental import pallas as pl
from jax.experimental.pallas import tpu as pltpu
from jax.experimental.pallas import tpu_sc as plsc

N = 10000
E = 320000
D = 128
BN_EPS = 1e-5

NC = 2
NS = 16
NW = NC * NS
EDGES_PER_TILE = E // NW
CHUNK = 80
NCHUNK = EDGES_PER_TILE // CHUNK
GROUP = 5
NGROUP = NCHUNK // GROUP
NBUF = 3
ACC_ROWS = N
ROW_STRIDE = 624
ROW_WIN = 640
ZROWS = 8
DEI_BLOCKS = 79
DEI_BATCH = 1024
DEI_NBATCH = 10


def _sc_segment_sum(features, edge_index):
    mesh = plsc.VectorSubcoreMesh(core_axis_name="c", subcore_axis_name="s")

    @functools.partial(
        pl.kernel,
        out_type=(jax.ShapeDtypeStruct((NC, N, D), jnp.float32),
                  jax.ShapeDtypeStruct((E,), jnp.int32),
                  jax.ShapeDtypeStruct((E,), jnp.int32)),
        mesh=mesh,
        scratch_types=[
            pltpu.VMEM((2, GROUP, CHUNK), jnp.int32),
            pltpu.VMEM((2, GROUP, CHUNK), jnp.int32),
            pltpu.VMEM((2, 2, DEI_BATCH), jnp.int32),
            pltpu.VMEM((NBUF, CHUNK, D), jnp.float32),
            pltpu.VMEM((ZROWS, D), jnp.float32),
            pltpu.VMEM_SHARED((ACC_ROWS, D), jnp.float32),
            pltpu.SemaphoreType.DMA((NBUF,)),
            pltpu.SemaphoreType.DMA((NBUF,)),
            pltpu.SemaphoreType.DMA((2,)),
            pltpu.SemaphoreType.DMA((2,)),
            pltpu.SemaphoreType.DMA((2,)),
            pltpu.SemaphoreType.DMA,
        ],
    )
    def k(features_hbm, ei_hbm, out_hbm, src_hbm, dst_hbm,
          src_idx, dst_idx, dei, rows, zbuf, acc,
          gsem, ssem, isem, din, dout, zsem):
        cid = lax.axis_index("c")
        sid = lax.axis_index("s")
        wid = cid * NS + sid
        ebase = wid * EDGES_PER_TILE
        al = pl.multiple_of((ebase // 128) * 128, 128)

        def _dei_sizes(kk):
            return DEI_BATCH if kk < DEI_NBATCH - 1 else (
                DEI_BLOCKS * 128 - (DEI_NBATCH - 1) * DEI_BATCH)

        def _in_desc(kk):
            sz = _dei_sizes(kk)
            off = pl.multiple_of(al + kk * DEI_BATCH, 128)
            return (ei_hbm.at[:, pl.ds(off, sz)],
                    dei.at[kk % 2, :, pl.ds(0, sz)], din.at[kk % 2])

        def _out_descs(kk):
            sz = _dei_sizes(kk)
            off = pl.multiple_of(al + kk * DEI_BATCH, 128)
            return ((dei.at[kk % 2, 0, pl.ds(0, sz)],
                     src_hbm.at[pl.ds(off, sz)], dout.at[kk % 2]),
                    (dei.at[kk % 2, 1, pl.ds(0, sz)],
                     dst_hbm.at[pl.ds(off, sz)], dout.at[kk % 2]))

        pltpu.async_copy(*_in_desc(0))
        pltpu.async_copy(*_in_desc(1))
        for kk in range(DEI_NBATCH):
            pltpu.make_async_copy(*_in_desc(kk)).wait()
            d0, d1 = _out_descs(kk)
            pltpu.async_copy(*d0)
            pltpu.async_copy(*d1)
            if kk + 2 < DEI_NBATCH:
                pltpu.make_async_copy(*d0).wait()
                pltpu.make_async_copy(*d1).wait()
                pltpu.async_copy(*_in_desc(kk + 2))

        def zstore(i, carry):
            zbuf[i // (D // 16), pl.ds((i % (D // 16)) * 16, 16)] = (
                jnp.zeros((16,), jnp.float32))
            return carry

        lax.fori_loop(0, ZROWS * (D // 16), zstore, 0)
        base = sid * ROW_STRIDE
        for q in range(ROW_WIN // ZROWS):
            pltpu.async_copy(zbuf, acc.at[pl.ds(base + q * ZROWS, ZROWS)],
                             zsem)
        for q in range(ROW_WIN // ZROWS):
            pltpu.make_async_copy(zbuf, acc.at[pl.ds(base + q * ZROWS, ZROWS)],
                                  zsem).wait()

        for kk in range(DEI_NBATCH - 2, DEI_NBATCH):
            d0, d1 = _out_descs(kk)
            pltpu.make_async_copy(*d0).wait()
            pltpu.make_async_copy(*d1).wait()

        def _stage_group(g, sem):
            for rr in range(GROUP):
                off = pl.multiple_of(ebase + g * (GROUP * CHUNK) + rr * CHUNK,
                                     16)
                pltpu.async_copy(src_hbm.at[pl.ds(off, CHUNK)],
                                 src_idx.at[g % 2, rr], sem)
                pltpu.async_copy(dst_hbm.at[pl.ds(off, CHUNK)],
                                 dst_idx.at[g % 2, rr], sem)

        def _wait_group(g, sem):
            for rr in range(GROUP):
                off = pl.multiple_of(ebase + g * (GROUP * CHUNK) + rr * CHUNK,
                                     16)
                pltpu.make_async_copy(src_hbm.at[pl.ds(off, CHUNK)],
                                      src_idx.at[g % 2, rr], sem).wait()
                pltpu.make_async_copy(dst_hbm.at[pl.ds(off, CHUNK)],
                                      dst_idx.at[g % 2, rr], sem).wait()

        _stage_group(0, isem.at[0])
        _wait_group(0, isem.at[0])
        plsc.subcore_barrier()

        for w in range(NBUF - 1):
            pltpu.async_copy(features_hbm.at[src_idx.at[0, w]], rows.at[w],
                             gsem.at[w])

        def body(j, carry):
            g = j // GROUP
            r = j % GROUP
            pg = g % 2
            pj = j % NBUF
            nxt = j + NBUF - 1

            @pl.when(jnp.logical_and(r == 0, g < NGROUP - 1))
            def _stage_next_group():
                _stage_group(g + 1, isem.at[(g + 1) % 2])

            @pl.when(jnp.logical_and(r == GROUP - NBUF + 1, g < NGROUP - 1))
            def _wait_next_group():
                _wait_group(g + 1, isem.at[(g + 1) % 2])

            @pl.when(nxt < NCHUNK)
            def _fire_next_gather():
                @pl.when(j >= 1)
                def _reuse_wait():
                    pltpu.make_async_copy(rows.at[nxt % NBUF],
                                          acc.at[dst_idx.at[pg, r]],
                                          ssem.at[nxt % NBUF]).wait()
                pltpu.async_copy(
                    features_hbm.at[src_idx.at[(nxt // GROUP) % 2,
                                               nxt % GROUP]],
                    rows.at[nxt % NBUF], gsem.at[nxt % NBUF])

            pltpu.make_async_copy(features_hbm.at[src_idx.at[pg, r]],
                                  rows.at[pj], gsem.at[pj]).wait()
            pltpu.async_copy(rows.at[pj], acc.at[dst_idx.at[pg, r]],
                             ssem.at[pj], add=True)
            return carry

        lax.fori_loop(0, NCHUNK, body, 0)
        for c in range(NCHUNK - NBUF, NCHUNK):
            pltpu.make_async_copy(rows.at[c % NBUF],
                                  acc.at[dst_idx.at[(c // GROUP) % 2,
                                                    c % GROUP]],
                                  ssem.at[c % NBUF]).wait()

        plsc.subcore_barrier()
        pltpu.sync_copy(acc.at[pl.ds(base, ROW_WIN)],
                        out_hbm.at[cid, pl.ds(base, ROW_WIN)])

    return k(features, edge_index)


def _tc_body(f_ref, p_ref, w_ref, b_ref, g_ref, be_ref, o_ref):
    f = f_ref[...]
    h = f + (p_ref[0] + p_ref[1])
    y = jnp.dot(h, w_ref[...], preferred_element_type=jnp.float32) + b_ref[...]
    mean = jnp.mean(y, axis=0, keepdims=True)
    c = y - mean
    var = jnp.mean(c * c, axis=0, keepdims=True)
    yn = c * lax.rsqrt(var + BN_EPS) * g_ref[...] + be_ref[...]
    o_ref[...] = f + jnp.maximum(yn, 0.0)


def kernel(features, edge_index, norm, W, b, gamma, beta):
    del norm
    partials, _, _ = _sc_segment_sum(features, edge_index)
    return pl.pallas_call(
        _tc_body,
        out_shape=jax.ShapeDtypeStruct((N, D), jnp.float32),
    )(features, partials, W, b.reshape(1, D), gamma.reshape(1, D),
      beta.reshape(1, D))

# --- scband reference (transcript-rebuilt; emitter-appended) ---
"""Pipeline reference for scband-ginlayer-64862596104930 (READ-ONLY COPY).

The authoritative reference and input builder live on the scoring server;
editing this copy changes nothing except your own understanding.
"""

import jax, jax.numpy as jnp
import numpy as np

N = 10000
E = 320000
D = 128
EPS_GIN = 0.0  # init_eps, non-learnable buffer
BN_EPS = 1e-5


def setup_inputs(seed: int = 0) -> dict:
    key = jax.random.key(seed)
    ks = jax.random.split(key, 6)
    features = jax.random.normal(ks[0], (N, D), dtype=jnp.float32)
    edge_index = jax.random.randint(ks[1], (2, E), 0, N, dtype=jnp.int32)
    norm = jnp.ones((N, 1), dtype=jnp.float32)
    # apply_func: Linear(128 -> 128)
    W = jax.random.normal(ks[2], (D, D), dtype=jnp.float32) * 0.05
    b = jnp.zeros((D,), dtype=jnp.float32)
    # BatchNorm1d params
    gamma = jnp.ones((D,), dtype=jnp.float32)
    beta = jnp.zeros((D,), dtype=jnp.float32)
    return {"features": features, "edge_index": edge_index, "norm": norm,
            "W": W, "b": b, "gamma": gamma, "beta": beta}


def reference(features, edge_index, norm, W, b, gamma, beta):
    h_in = features
    src = edge_index[0]
    dst = edge_index[1]
    # update_all(copy_u('h','m'), sum('m','neigh')): gather from src, scatter-add to dst
    m = jnp.take(features, src, axis=0)
    neigh = jax.ops.segment_sum(m, dst, num_segments=N)
    h = (1.0 + EPS_GIN) * features + neigh
    # apply_func (Linear)
    h = h @ W + b
    # BatchNorm1d (training-mode batch statistics, biased variance)
    mean = jnp.mean(h, axis=0)
    var = jnp.mean((h - mean) ** 2, axis=0)
    h = (h - mean) / jnp.sqrt(var + BN_EPS) * gamma + beta
    # activation
    h = jax.nn.relu(h)
    # residual (indim == outdim)
    h = h_in + h
    # dropout p=0.0 -> identity
    return h

if __name__ == "__main__":
    import jax
    _d = setup_inputs()
    print(jax.jit(kernel)(*tuple(_d.values())))

</pallas_src>

<mosaic_0001>
#map = affine_map<(d0, d1) -> (0, 0)>
#map1 = affine_map<(d0, d1) -> (0, 0, 0)>
#map2 = affine_map<(d0, d1) -> (0)>
module attributes {stable_mosaic.version = 14 : i64} {
  func.func @k(%arg0: i32, %arg1: i32, %arg2: memref<10000x128xf32, #tpu.memory_space<hbm>>, %arg3: memref<2x320000xi32, #tpu.memory_space<hbm>>, %arg4: memref<2x10000x128xf32, #tpu.memory_space<hbm>>, %arg5: memref<320000xi32, #tpu.memory_space<hbm>>, %arg6: memref<320000xi32, #tpu.memory_space<hbm>>, %arg7: memref<2x5x80xi32, #tpu.memory_space<vmem>>, %arg8: memref<2x5x80xi32, #tpu.memory_space<vmem>>, %arg9: memref<2x2x1024xi32, #tpu.memory_space<vmem>>, %arg10: memref<3x80x128xf32, #tpu.memory_space<vmem>>, %arg11: memref<8x128xf32, #tpu.memory_space<vmem>>, %arg12: memref<10000x128xf32, #tpu.memory_space<vmem_shared>>, %arg13: memref<3x!tpu.dma_semaphore, #tpu.memory_space<semaphore_mem>>, %arg14: memref<3x!tpu.dma_semaphore, #tpu.memory_space<semaphore_mem>>, %arg15: memref<2x!tpu.dma_semaphore, #tpu.memory_space<semaphore_mem>>, %arg16: memref<2x!tpu.dma_semaphore, #tpu.memory_space<semaphore_mem>>, %arg17: memref<2x!tpu.dma_semaphore, #tpu.memory_space<semaphore_mem>>, %arg18: memref<!tpu.dma_semaphore, #tpu.memory_space<semaphore_mem>>) attributes {dimension_semantics = [#tpu.dimension_semantics<core_parallel>, #tpu.dimension_semantics<subcore_parallel>], iteration_bounds = array<i64: 2, 16>, scalar_prefetch = 0 : i64, scratch_operands = 12 : i64, tpu.core_type = #tpu.core_type<sc_vector_subcore>, window_params = [{transform_indices = #map}, {transform_indices = #map}, {transform_indices = #map1}, {transform_indices = #map2}, {transform_indices = #map2}]} {
    %mul3A = arith.constant 16 : i32
    %mul3A_0 = arith.muli %arg0, %mul3A : i32
    %add3A = arith.addi %mul3A_0, %arg1 : i32
    %mul3A_1 = arith.constant 10000 : i32
    %mul3A_2 = arith.muli %add3A, %mul3A_1 : i32
    %jit3A = arith.constant 128 : i32
    %div3A = arith.divsi %mul3A_2, %jit3A : i32
    %sign3A = arith.constant 0 : i32
    %sign3A_3 = arith.cmpi sgt, %mul3A_2, %sign3A : i32
    %sign3A_4 = arith.extui %sign3A_3 : i1 to i32
    %sign3A_5 = arith.constant 0 : i32
    %sign3A_6 = arith.cmpi slt, %mul3A_2, %sign3A_5 : i32
    %sign3A_7 = arith.extui %sign3A_6 : i1 to i32
    %sign3A_8 = arith.subi %sign3A_4, %sign3A_7 : i32
    %sign3A_9 = arith.constant 0 : i32
    %sign3A_10 = arith.cmpi sgt, %jit3A, %sign3A_9 : i32
    %sign3A_11 = arith.extui %sign3A_10 : i1 to i32
    %sign3A_12 = arith.constant 0 : i32
    %sign3A_13 = arith.cmpi slt, %jit3A, %sign3A_12 : i32
    %sign3A_14 = arith.extui %sign3A_13 : i1 to i32
    %sign3A_15 = arith.subi %sign3A_11, %sign3A_14 : i32
    %ne3A = arith.cmpi ne, %sign3A_8, %sign3A_15 : i32
    %rem3A = arith.remsi %mul3A_2, %jit3A : i32
    %ne3A_16 = arith.constant 0 : i32
    %ne3A_17 = arith.cmpi ne, %rem3A, %ne3A_16 : i32
    %and3A = arith.andi %ne3A, %ne3A_17 : i1
    %sub3A = arith.constant 1 : i32
    %sub3A_18 = arith.subi %div3A, %sub3A : i32
    %select_n3A = arith.select %and3A, %sub3A_18, %div3A : i32
    %mul3A_19 = arith.constant 128 : i32
    %mul3A_20 = arith.muli %select_n3A, %mul3A_19 : i32
    %multiple_of3A = tpu.assume_multiple %mul3A_20, 128 : i32
    %add3A_21 = arith.constant 0 : i32
    %add3A_22 = arith.addi %multiple_of3A, %add3A_21 : i32
    %multiple_of3A_23 = tpu.assume_multiple %add3A_22, 128 : i32
    %dma_start3A = arith.constant 0 : i32
    %dma_start3A_24 = arith.constant 0 : i32
    %dma_start3A_25 = arith.constant 0 : i32
    %dma_start3A_26 = arith.constant 0 : i32
    %dma_start3A_27 = tpu.memref_slice %arg9[%dma_start3A, %dma_start3A_25, %dma_start3A_26] : memref<2x2x1024xi32, #tpu.memory_space<vmem>> -> memref<1x2x1024xi32, #tpu.memory_space<vmem>>
    %dma_start3A_28 = tpu.memref_squeeze %dma_start3A_27 : memref<1x2x1024xi32, #tpu.memory_space<vmem>> -> memref<2x1024xi32, #tpu.memory_space<vmem>>
    %dma_start3A_29 = arith.constant 0 : i32
    %dma_start3A_30 = tpu.memref_slice %arg3[%dma_start3A_29, %multiple_of3A_23] : memref<2x320000xi32, #tpu.memory_space<hbm>> -> memref<2x1024xi32, #tpu.memory_space<hbm>>
    %dma_start3A_31 = tpu.memref_slice %arg16[%dma_start3A_24] : memref<2x!tpu.dma_semaphore, #tpu.memory_space<semaphore_mem>> -> memref<1x!tpu.dma_semaphore, #tpu.memory_space<semaphore_mem>>
    %dma_start3A_32 = tpu.memref_squeeze %dma_start3A_31 : memref<1x!tpu.dma_semaphore, #tpu.memory_space<semaphore_mem>> -> memref<!tpu.dma_semaphore, #tpu.memory_space<semaphore_mem>>
    %dma_start3A_33 = arith.constant 0 : i32
    %dma_start3A_34 = arith.constant 0 : i32
    %dma_start3A_35 = tpu.memref_slice %arg9[%dma_start3A, %dma_start3A_33, %dma_start3A_34] : memref<2x2x1024xi32, #tpu.memory_space<vmem>> -> memref<1x2x1024xi32, #tpu.memory_space<vmem>>
    %dma_start3A_36 = tpu.memref_squeeze %dma_start3A_35 : memref<1x2x1024xi32, #tpu.memory_space<vmem>> -> memref<2x1024xi32, #tpu.memory_space<vmem>>
    %dma_start3A_37 = arith.constant 0 : i32
    %dma_start3A_38 = tpu.memref_slice %arg3[%dma_start3A_37, %multiple_of3A_23] : memref<2x320000xi32, #tpu.memory_space<hbm>> -> memref<2x1024xi32, #tpu.memory_space<hbm>>
    tpu.enqueue_dma source(%dma_start3A_38 : memref<2x1024xi32, #tpu.memory_space<hbm>>) target(%dma_start3A_36 : memref<2x1024xi32, #tpu.memory_space<vmem>>) target_semaphore(%dma_start3A_32 : memref<!tpu.dma_semaphore, #tpu.memory_space<semaphore_mem>>)
    %add3A_39 = arith.constant 1024 : i32
    %add3A_40 = arith.addi %multiple_of3A, %add3A_39 : i32
    %multiple_of3A_41 = tpu.assume_multiple %add3A_40, 128 : i32
    %dma_start3A_42 = arith.constant 1 : i32
    %dma_start3A_43 = arith.constant 1 : i32
    %dma_start3A_44 = arith.constant 0 : i32
    %dma_start3A_45 = arith.constant 0 : i32
    %dma_start3A_46 = tpu.memref_slice %arg9[%dma_start3A_42, %dma_start3A_44, %dma_start3A_45] : memref<2x2x1024xi32, #tpu.memory_space<vmem>> -> memref<1x2x1024xi32, #tpu.memory_space<vmem>>
    %dma_start3A_47 = tpu.memref_squeeze %dma_start3A_46 : memref<1x2x1024xi32, #tpu.memory_space<vmem>> -> memref<2x1024xi32, #tpu.memory_space<vmem>>
    %dma_start3A_48 = arith.constant 0 : i32
    %dma_start3A_49 = tpu.memref_slice %arg3[%dma_start3A_48, %multiple_of3A_41] : memref<2x320000xi32, #tpu.memory_space<hbm>> -> memref<2x1024xi32, #tpu.memory_space<hbm>>
    %dma_start3A_50 = tpu.memref_slice %arg16[%dma_start3A_43] : memref<2x!tpu.dma_semaphore, #tpu.memory_space<semaphore_mem>> -> memref<1x!tpu.dma_semaphore, #tpu.memory_space<semaphore_mem>>
    %dma_start3A_51 = tpu.memref_squeeze %dma_start3A_50 : memref<1x!tpu.dma_semaphore, #tpu.memory_space<semaphore_mem>> -> memref<!tpu.dma_semaphore, #tpu.memory_space<semaphore_mem>>
    %dma_start3A_52 = arith.constant 0 : i32
    %dma_start3A_53 = arith.constant 0 : i32
    %dma_start3A_54 = tpu.memref_slice %arg9[%dma_start3A_42, %dma_start3A_52, %dma_start3A_53] : memref<2x2x1024xi32, #tpu.memory_space<vmem>> -> memref<1x2x1024xi32, #tpu.memory_space<vmem>>
    %dma_start3A_55 = tpu.memref_squeeze %dma_start3A_54 : memref<1x2x1024xi32, #tpu.memory_space<vmem>> -> memref<2x1024xi32, #tpu.memory_space<vmem>>
    %dma_start3A_56 = arith.constant 0 : i32
    %dma_start3A_57 = tpu.memref_slice %arg3[%dma_start3A_56, %multiple_of3A_41] : memref<2x320000xi32, #tpu.memory_space<hbm>> -> memref<2x1024xi32, #tpu.memory_space<hbm>>
    tpu.enqueue_dma source(%dma_start3A_57 : memref<2x1024xi32, #tpu.memory_space<hbm>>) target(%dma_start3A_55 : memref<2x1024xi32, #tpu.memory_space<vmem>>) target_semaphore(%dma_start3A_51 : memref<!tpu.dma_semaphore, #tpu.memory_space<semaphore_mem>>)
    %add3A_58 = arith.constant 0 : i32
    %add3A_59 = arith.addi %multiple_of3A, %add3A_58 : i32
    %multiple_of3A_60 = tpu.assume_multiple %add3A_59, 128 : i32
    %dma_wait3A = arith.constant 0 : i32
    %dma_wait3A_61 = arith.constant 0 : i32
    %dma_wait3A_62 = arith.constant 0 : i32
    %dma_wait3A_63 = arith.constant 0 : i32
    %dma_wait3A_64 = tpu.memref_slice %arg9[%dma_wait3A, %dma_wait3A_62, %dma_wait3A_63] : memref<2x2x1024xi32, #tpu.memory_space<vmem>> -> memref<1x2x1024xi32, #tpu.memory_space<vmem>>
    %dma_wait3A_65 = tpu.memref_squeeze %dma_wait3A_64 : memref<1x2x1024xi32, #tpu.memory_space<vmem>> -> memref<2x1024xi32, #tpu.memory_space<vmem>>
    %dma_wait3A_66 = arith.constant 0 : i32
    %dma_wait3A_67 = tpu.memref_slice %arg3[%dma_wait3A_66, %multiple_of3A_60] : memref<2x320000xi32, #tpu.memory_space<hbm>> -> memref<2x1024xi32, #tpu.memory_space<hbm>>
    %dma_wait3A_68 = tpu.memref_slice %arg16[%dma_wait3A_61] : memref<2x!tpu.dma_semaphore, #tpu.memory_space<semaphore_mem>> -> memref<1x!tpu.dma_semaphore, #tpu.memory_space<semaphore_mem>>
    %dma_wait3A_69 = tpu.memref_squeeze %dma_wait3A_68 : memref<1x!tpu.dma_semaphore, #tpu.memory_space<semaphore_mem>> -> memref<!tpu.dma_semaphore, #tpu.memory_space<semaphore_mem>>
    %dma_wait3A_70 = arith.constant 0 : i32
    %dma_wait3A_71 = arith.constant 0 : i32
    %dma_wait3A_72 = tpu.memref_slice %arg9[%dma_wait3A, %dma_wait3A_70, %dma_wait3A_71] : memref<2x2x1024xi32, #tpu.memory_space<vmem>> -> memref<1x2x1024xi32, #tpu.memory_space<vmem>>
    %dma_wait3A_73 = tpu.memref_squeeze %dma_wait3A_72 : memref<1x2x1024xi32, #tpu.memory_space<vmem>> -> memref<2x1024xi32, #tpu.memory_space<vmem>>
    %dma_wait3A_74 = arith.constant 0 : i32
    %dma_wait3A_75 = tpu.memref_slice %arg3[%dma_wait3A_74, %multiple_of3A_60] : memref<2x320000xi32, #tpu.memory_space<hbm>> -> memref<2x1024xi32, #tpu.memory_space<hbm>>
    tpu.wait_dma2 semaphore(%dma_wait3A_69 : memref<!tpu.dma_semaphore, #tpu.memory_space<semaphore_mem>>) src(%dma_wait3A_75 : memref<2x1024xi32, #tpu.memory_space<hbm>>) dst(%dma_wait3A_73 : memref<2x1024xi32, #tpu.memory_space<vmem>>)
    %add3A_76 = arith.constant 0 : i32
    %add3A_77 = arith.addi %multiple_of3A, %add3A_76 : i32
    %multiple_of3A_78 = tpu.assume_multiple %add3A_77, 128 : i32
    %dma_start3A_79 = arith.constant 0 : i32
    %dma_start3A_80 = arith.constant 0 : i32
    %dma_start3A_81 = arith.constant 0 : i32
    %dma_start3A_82 = arith.constant 0 : i32
    %dma_start3A_83 = tpu.memref_slice %arg9[%dma_start3A_79, %dma_start3A_80, %dma_start3A_82] : memref<2x2x1024xi32, #tpu.memory_space<vmem>> -> memref<1x1x1024xi32, #tpu.memory_space<vmem>>
    %dma_start3A_84 = tpu.memref_squeeze %dma_start3A_83 : memref<1x1x1024xi32, #tpu.memory_space<vmem>> -> memref<1024xi32, #tpu.memory_space<vmem>>
    %dma_start3A_85 = tpu.memref_slice %arg5[%multiple_of3A_78] : memref<320000xi32, #tpu.memory_space<hbm>> -> memref<1024xi32, #tpu.memory_space<hbm>>
    %dma_start3A_86 = tpu.memref_slice %arg17[%dma_start3A_81] : memref<2x!tpu.dma_semaphore, #tpu.memory_space<semaphore_mem>> -> memref<1x!tpu.dma_semaphore, #tpu.memory_space<semaphore_mem>>
    %dma_start3A_87 = tpu.memref_squeeze %dma_start3A_86 : memref<1x!tpu.dma_semaphore, #tpu.memory_space<semaphore_mem>> -> memref<!tpu.dma_semaphore, #tpu.memory_space<semaphore_mem>>
    %dma_start3A_88 = tpu.memref_slice %arg5[%multiple_of3A_78] : memref<320000xi32, #tpu.memory_space<hbm>> -> memref<1024xi32, #tpu.memory_space<hbm>>
    %dma_start3A_89 = arith.constant 0 : i32
    %dma_start3A_90 = tpu.memref_slice %arg9[%dma_start3A_79, %dma_start3A_80, %dma_start3A_89] : memref<2x2x1024xi32, #tpu.memory_space<vmem>> -> memref<1x1x1024xi32, #tpu.memory_space<vmem>>
    %dma_start3A_91 = tpu.memref_squeeze %dma_start3A_90 : memref<1x1x1024xi32, #tpu.memory_space<vmem>> -> memref<1024xi32, #tpu.memory_space<vmem>>
    tpu.enqueue_dma source(%dma_start3A_91 : memref<1024xi32, #tpu.memory_space<vmem>>) target(%dma_start3A_88 : memref<1024xi32, #tpu.memory_space<hbm>>) target_semaphore(%dma_start3A_87 : memref<!tpu.dma_semaphore, #tpu.memory_space<semaphore_mem>>)
    %dma_start3A_92 = arith.constant 0 : i32
    %dma_start3A_93 = arith.constant 1 : i32
    %dma_start3A_94 = arith.constant 0 : i32
    %dma_start3A_95 = arith.constant 0 : i32
    %dma_start3A_96 = tpu.memref_slice %arg9[%dma_start3A_92, %dma_start3A_93, %dma_start3A_95] : memref<2x2x1024xi32, #tpu.memory_space<vmem>> -> memref<1x1x1024xi32, #tpu.memory_space<vmem>>
    %dma_start3A_97 = tpu.memref_squeeze %dma_start3A_96 : memref<1x1x1024xi32, #tpu.memory_space<vmem>> -> memref<1024xi32, #tpu.memory_space<vmem>>
    %dma_start3A_98 = tpu.memref_slice %arg6[%multiple_of3A_78] : memref<320000xi32, #tpu.memory_space<hbm>> -> memref<1024xi32, #tpu.memory_space<hbm>>
    %dma_start3A_99 = tpu.memref_slice %arg17[%dma_start3A_94] : memref<2x!tpu.dma_semaphore, #tpu.memory_space<semaphore_mem>> -> memref<1x!tpu.dma_semaphore, #tpu.memory_space<semaphore_mem>>
    %dma_start3A_100 = tpu.memref_squeeze %dma_start3A_99 : memref<1x!tpu.dma_semaphore, #tpu.memory_space<semaphore_mem>> -> memref<!tpu.dma_semaphore, #tpu.memory_space<semaphore_mem>>
    %dma_start3A_101 = tpu.memref_slice %arg6[%multiple_of3A_78] : memref<320000xi32, #tpu.memory_space<hbm>> -> memref<1024xi32, #tpu.memory_space<hbm>>
    %dma_start3A_102 = arith.constant 0 : i32
    %dma_start3A_103 = tpu.memref_slice %arg9[%dma_start3A_92, %dma_start3A_93, %dma_start3A_102] : memref<2x2x1024xi32, #tpu.memory_space<vmem>> -> memref<1x1x1024xi32, #tpu.memory_space<vmem>>
    %dma_start3A_104 = tpu.memref_squeeze %dma_start3A_103 : memref<1x1x1024xi32, #tpu.memory_space<vmem>> -> memref<1024xi32, #tpu.memory_space<vmem>>
    tpu.enqueue_dma source(%dma_start3A_104 : memref<1024xi32, #tpu.memory_space<vmem>>) target(%dma_start3A_101 : memref<1024xi32, #tpu.memory_space<hbm>>) target_semaphore(%dma_start3A_100 : memref<!tpu.dma_semaphore, #tpu.memory_space<semaphore_mem>>)
    %dma_wait3A_105 = arith.constant 0 : i32
    %dma_wait3A_106 = arith.constant 0 : i32
    %dma_wait3A_107 = arith.constant 0 : i32
    %dma_wait3A_108 = arith.constant 0 : i32
    %dma_wait3A_109 = tpu.memref_slice %arg9[%dma_wait3A_105, %dma_wait3A_106, %dma_wait3A_108] : memref<2x2x1024xi32, #tpu.memory_space<vmem>> -> memref<1x1x1024xi32, #tpu.memory_space<vmem>>
    %dma_wait3A_110 = tpu.memref_squeeze %dma_wait3A_109 : memref<1x1x1024xi32, #tpu.memory_space<vmem>> -> memref<1024xi32, #tpu.memory_space<vmem>>
    %dma_wait3A_111 = tpu.memref_slice %arg5[%multiple_of3A_78] : memref<320000xi32, #tpu.memory_space<hbm>> -> memref<1024xi32, #tpu.memory_space<hbm>>
    %dma_wait3A_112 = tpu.memref_slice %arg17[%dma_wait3A_107] : memref<2x!tpu.dma_semaphore, #tpu.memory_space<semaphore_mem>> -> memref<1x!tpu.dma_semaphore, #tpu.memory_space<semaphore_mem>>
    %dma_wait3A_113 = tpu.memref_squeeze %dma_wait3A_112 : memref<1x!tpu.dma_semaphore, #tpu.memory_space<semaphore_mem>> -> memref<!tpu.dma_semaphore, #tpu.memory_space<semaphore_mem>>
    %dma_wait3A_114 = tpu.memref_slice %arg5[%multiple_of3A_78] : memref<320000xi32, #tpu.memory_space<hbm>> -> memref<1024xi32, #tpu.memory_space<hbm>>
    %dma_wait3A_115 = arith.constant 0 : i32
    %dma_wait3A_116 = tpu.memref_slice %arg9[%dma_wait3A_105, %dma_wait3A_106, %dma_wait3A_115] : memref<2x2x1024xi32, #tpu.memory_space<vmem>> -> memref<1x1x1024xi32, #tpu.memory_space<vmem>>
    %dma_wait3A_117 = tpu.memref_squeeze %dma_wait3A_116 : memref<1x1x1024xi32, #tpu.memory_space<vmem>> -> memref<1024xi32, #tpu.memory_space<vmem>>
    tpu.wait_dma2 semaphore(%dma_wait3A_113 : memref<!tpu.dma_semaphore, #tpu.memory_space<semaphore_mem>>) src(%dma_wait3A_117 : memref<1024xi32, #tpu.memory_space<vmem>>) dst(%dma_wait3A_114 : memref<1024xi32, #tpu.memory_space<hbm>>)
    %dma_wait3A_118 = arith.constant 0 : i32
    %dma_wait3A_119 = arith.constant 1 : i32
    %dma_wait3A_120 = arith.constant 0 : i32
    %dma_wait3A_121 = arith.constant 0 : i32
    %dma_wait3A_122 = tpu.memref_slice %arg9[%dma_wait3A_118, %dma_wait3A_119, %dma_wait3A_121] : memref<2x2x1024xi32, #tpu.memory_space<vmem>> -> memref<1x1x1024xi32, #tpu.memory_space<vmem>>
    %dma_wait3A_123 = tpu.memref_squeeze %dma_wait3A_122 : memref<1x1x1024xi32, #tpu.memory_space<vmem>> -> memref<1024xi32, #tpu.memory_space<vmem>>
    %dma_wait3A_124 = tpu.memref_slice %arg6[%multiple_of3A_78] : memref<320000xi32, #tpu.memory_space<hbm>> -> memref<1024xi32, #tpu.memory_space<hbm>>
    %dma_wait3A_125 = tpu.memref_slice %arg17[%dma_wait3A_120] : memref<2x!tpu.dma_semaphore, #tpu.memory_space<semaphore_mem>> -> memref<1x!tpu.dma_semaphore, #tpu.memory_space<semaphore_mem>>
    %dma_wait3A_126 = tpu.memref_squeeze %dma_wait3A_125 : memref<1x!tpu.dma_semaphore, #tpu.memory_space<semaphore_mem>> -> memref<!tpu.dma_semaphore, #tpu.memory_space<semaphore_mem>>
    %dma_wait3A_127 = tpu.memref_slice %arg6[%multiple_of3A_78] : memref<320000xi32, #tpu.memory_space<hbm>> -> memref<1024xi32, #tpu.memory_space<hbm>>
    %dma_wait3A_128 = arith.constant 0 : i32
    %dma_wait3A_129 = tpu.memref_slice %arg9[%dma_wait3A_118, %dma_wait3A_119, %dma_wait3A_128] : memref<2x2x1024xi32, #tpu.memory_space<vmem>> -> memref<1x1x1024xi32, #tpu.memory_space<vmem>>
    %dma_wait3A_130 = tpu.memref_squeeze %dma_wait3A_129 : memref<1x1x1024xi32, #tpu.memory_space<vmem>> -> memref<1024xi32, #tpu.memory_space<vmem>>
    tpu.wait_dma2 semaphore(%dma_wait3A_126 : memref<!tpu.dma_semaphore, #tpu.memory_space<semaphore_mem>>) src(%dma_wait3A_130 : memref<1024xi32, #tpu.memory_space<vmem>>) dst(%dma_wait3A_127 : memref<1024xi32, #tpu.memory_space<hbm>>)
    %add3A_131 = arith.constant 2048 : i32
    %add3A_132 = arith.addi %multiple_of3A, %add3A_131 : i32
    %multiple_of3A_133 = tpu.assume_multiple %add3A_132, 128 : i32
    %dma_start3A_134 = arith.constant 0 : i32
    %dma_start3A_135 = arith.constant 0 : i32
    %dma_start3A_136 = arith.constant 0 : i32
    %dma_start3A_137 = arith.constant 0 : i32
    %dma_start3A_138 = tpu.memref_slice %arg9[%dma_start3A_134, %dma_start3A_136, %dma_start3A_137] : memref<2x2x1024xi32, #tpu.memory_space<vmem>> -> memref<1x2x1024xi32, #tpu.memory_space<vmem>>
    %dma_start3A_139 = tpu.memref_squeeze %dma_start3A_138 : memref<1x2x1024xi32, #tpu.memory_space<vmem>> -> memref<2x1024xi32, #tpu.memory_space<vmem>>
    %dma_start3A_140 = arith.constant 0 : i32
    %dma_start3A_141 = tpu.memref_slice %arg3[%dma_start3A_140, %multiple_of3A_133] : memref<2x320000xi32, #tpu.memory_space<hbm>> -> memref<2x1024xi32, #tpu.memory_space<hbm>>
    %dma_start3A_142 = tpu.memref_slice %arg16[%dma_start3A_135] : memref<2x!tpu.dma_semaphore, #tpu.memory_space<semaphore_mem>> -> memref<1x!tpu.dma_semaphore, #tpu.memory_space<semaphore_mem>>
    %dma_start3A_143 = tpu.memref_squeeze %dma_start3A_142 : memref<1x!tpu.dma_semaphore, #tpu.memory_space<semaphore_mem>> -> memref<!tpu.dma_semaphore, #tpu.memory_space<semaphore_mem>>
    %dma_start3A_144 = arith.constant 0 : i32
    %dma_start3A_145 = arith.constant 0 : i32
    %dma_start3A_146 = tpu.memref_slice %arg9[%dma_start3A_134, %dma_start3A_144, %dma_start3A_145] : memref<2x2x1024xi32, #tpu.memory_space<vmem>> -> memref<1x2x1024xi32, #tpu.memory_space<vmem>>
    %dma_start3A_147 = tpu.memref_squeeze %dma_start3A_146 : memref<1x2x1024xi32, #tpu.memory_space<vmem>> -> memref<2x1024xi32, #tpu.memory_space<vmem>>
    %dma_start3A_148 = arith.constant 0 : i32
    %dma_start3A_149 = tpu.memref_slice %arg3[%dma_start3A_148, %multiple_of3A_133] : memref<2x320000xi32, #tpu.memory_space<hbm>> -> memref<2x1024xi32, #tpu.memory_space<hbm>>
    tpu.enqueue_dma source(%dma_start3A_149 : memref<2x1024xi32, #tpu.memory_space<hbm>>) target(%dma_start3A_147 : memref<2x1024xi32, #tpu.memory_space<vmem>>) target_semaphore(%dma_start3A_143 : memref<!tpu.dma_semaphore, #tpu.memory_space<semaphore_mem>>)
    %add3A_150 = arith.constant 1024 : i32
    %add3A_151 = arith.addi %multiple_of3A, %add3A_150 : i32
    %multiple_of3A_152 = tpu.assume_multiple %add3A_151, 128 : i32
    %dma_wait3A_153 = arith.constant 1 : i32
    %dma_wait3A_154 = arith.constant 1 : i32
    %dma_wait3A_155 = arith.constant 0 : i32
    %dma_wait3A_156 = arith.constant 0 : i32
    %dma_wait3A_157 = tpu.memref_slice %arg9[%dma_wait3A_153, %dma_wait3A_155, %dma_wait3A_156] : memref<2x2x1024xi32, #tpu.memory_space<vmem>> -> memref<1x2x1024xi32, #tpu.memory_space<vmem>>
    %dma_wait3A_158 = tpu.memref_squeeze %dma_wait3A_157 : memref<1x2x1024xi32, #tpu.memory_space<vmem>> -> memref<2x1024xi32, #tpu.memory_space<vmem>>
    %dma_wait3A_159 = arith.constant 0 : i32
    %dma_wait3A_160 = tpu.memref_slice %arg3[%dma_wait3A_159, %multiple_of3A_152] : memref<2x320000xi32, #tpu.memory_space<hbm>> -> memref<2x1024xi32, #tpu.memory_space<hbm>>
    %dma_wait3A_161 = tpu.memref_slice %arg16[%dma_wait3A_154] : memref<2x!tpu.dma_semaphore, #tpu.memory_space<semaphore_mem>> -> memref<1x!tpu.dma_semaphore, #tpu.memory_space<semaphore_mem>>
    %dma_wait3A_162 = tpu.memref_squeeze %dma_wait3A_161 : memref<1x!tpu.dma_semaphore, #tpu.memory_space<semaphore_mem>> -> memref<!tpu.dma_semaphore, #tpu.memory_space<semaphore_mem>>
    %dma_wait3A_163 = arith.constant 0 : i32
    %dma_wait3A_164 = arith.constant 0 : i32
    %dma_wait3A_165 = tpu.memref_slice %arg9[%dma_wait3A_153, %dma_wait3A_163, %dma_wait3A_164] : memref<2x2x1024xi32, #tpu.memory_space<vmem>> -> memref<1x2x1024xi32, #tpu.memory_space<vmem>>
    %dma_wait3A_166 = tpu.memref_squeeze %dma_wait3A_165 : memref<1x2x1024xi32, #tpu.memory_space<vmem>> -> memref<2x1024xi32, #tpu.memory_space<vmem>>
    %dma_wait3A_167 = arith.constant 0 : i32
    %dma_wait3A_168 = tpu.memref_slice %arg3[%dma_wait3A_167, %multiple_of3A_152] : memref<2x320000xi32, #tpu.memory_space<hbm>> -> memref<2x1024xi32, #tpu.memory_space<hbm>>
    tpu.wait_dma2 semaphore(%dma_wait3A_162 : memref<!tpu.dma_semaphore, #tpu.memory_space<semaphore_mem>>) src(%dma_wait3A_168 : memref<2x1024xi32, #tpu.memory_space<hbm>>) dst(%dma_wait3A_166 : memref<2x1024xi32, #tpu.memory_space<vmem>>)
    %add3A_169 = arith.constant 1024 : i32
    %add3A_170 = arith.addi %multiple_of3A, %add3A_169 : i32
    %multiple_of3A_171 = tpu.assume_multiple %add3A_170, 128 : i32
    %dma_start3A_172 = arith.constant 1 : i32
    %dma_start3A_173 = arith.constant 0 : i32
    %dma_start3A_174 = arith.constant 1 : i32
    %dma_start3A_175 = arith.constant 0 : i32
    %dma_start3A_176 = tpu.memref_slice %arg9[%dma_start3A_172, %dma_start3A_173, %dma_start3A_175] : memref<2x2x1024xi32, #tpu.memory_space<vmem>> -> memref<1x1x1024xi32, #tpu.memory_space<vmem>>
    %dma_start3A_177 = tpu.memref_squeeze %dma_start3A_176 : memref<1x1x1024xi32, #tpu.memory_space<vmem>> -> memref<1024xi32, #tpu.memory_space<vmem>>
    %dma_start3A_178 = tpu.memref_slice %arg5[%multiple_of3A_171] : memref<320000xi32, #tpu.memory_space<hbm>> -> memref<1024xi32, #tpu.memory_space<hbm>>
    %dma_start3A_179 = tpu.memref_slice %arg17[%dma_start3A_174] : memref<2x!tpu.dma_semaphore, #tpu.memory_space<semaphore_mem>> -> memref<1x!tpu.dma_semaphore, #tpu.memory_space<semaphore_mem>>
    %dma_start3A_180 = tpu.memref_squeeze %dma_start3A_179 : memref<1x!tpu.dma_semaphore, #tpu.memory_space<semaphore_mem>> -> memref<!tpu.dma_semaphore, #tpu.memory_space<semaphore_mem>>
    %dma_start3A_181 = tpu.memref_slice %arg5[%multiple_of3A_171] : memref<320000xi32, #tpu.memory_space<hbm>> -> memref<1024xi32, #tpu.memory_space<hbm>>
    %dma_start3A_182 = arith.constant 0 : i32
    %dma_start3A_183 = tpu.memref_slice %arg9[%dma_start3A_172, %dma_start3A_173, %dma_start3A_182] : memref<2x2x1024xi32, #tpu.memory_space<vmem>> -> memref<1x1x1024xi32, #tpu.memory_space<vmem>>
    %dma_start3A_184 = tpu.memref_squeeze %dma_start3A_183 : memref<1x1x1024xi32, #tpu.memory_space<vmem>> -> memref<1024xi32, #tpu.memory_space<vmem>>
    tpu.enqueue_dma source(%dma_start3A_184 : memref<1024xi32, #tpu.memory_space<vmem>>) target(%dma_start3A_181 : memref<1024xi32, #tpu.memory_space<hbm>>) target_semaphore(%dma_start3A_180 : memref<!tpu.dma_semaphore, #tpu.memory_space<semaphore_mem>>)
    %dma_start3A_185 = arith.constant 1 : i32
    %dma_start3A_186 = arith.constant 1 : i32
    %dma_start3A_187 = arith.constant 1 : i32
    %dma_start3A_188 = arith.constant 0 : i32
    %dma_start3A_189 = tpu.memref_slice %arg9[%dma_start3A_185, %dma_start3A_186, %dma_start3A_188] : memref<2x2x1024xi32, #tpu.memory_space<vmem>> -> memref<1x1x1024xi32, #tpu.memory_space<vmem>>
    %dma_start3A_190 = tpu.memref_squeeze %dma_start3A_189 : memref<1x1x1024xi32, #tpu.memory_space<vmem>> -> memref<1024xi32, #tpu.memory_space<vmem>>
    %dma_start3A_191 = tpu.memref_slice %arg6[%multiple_of3A_171] : memref<320000xi32, #tpu.memory_space<hbm>> -> memref<1024xi32, #tpu.memory_space<hbm>>
    %dma_start3A_192 = tpu.memref_slice %arg17[%dma_start3A_187] : memref<2x!tpu.dma_semaphore, #tpu.memory_space<semaphore_mem>> -> memref<1x!tpu.dma_semaphore, #tpu.memory_space<semaphore_mem>>
    %dma_start3A_193 = tpu.memref_squeeze %dma_start3A_192 : memref<1x!tpu.dma_semaphore, #tpu.memory_space<semaphore_mem>> -> memref<!tpu.dma_semaphore, #tpu.memory_space<semaphore_mem>>
    %dma_start3A_194 = tpu.memref_slice %arg6[%multiple_of3A_171] : memref<320000xi32, #tpu.memory_space<hbm>> -> memref<1024xi32, #tpu.memory_space<hbm>>
    %dma_start3A_195 = arith.constant 0 : i32
    %dma_start3A_196 = tpu.memref_slice %arg9[%dma_start3A_185, %dma_start3A_186, %dma_start3A_195] : memref<2x2x1024xi32, #tpu.memory_space<vmem>> -> memref<1x1x1024xi32, #tpu.memory_space<vmem>>
    %dma_start3A_197 = tpu.memref_squeeze %dma_start3A_196 : memref<1x1x1024xi32, #tpu.memory_space<vmem>> -> memref<1024xi32, #tpu.memory_space<vmem>>
    tpu.enqueue_dma source(%dma_start3A_197 : memref<1024xi32, #tpu.memory_space<vmem>>) target(%dma_start3A_194 : memref<1024xi32, #tpu.memory_space<hbm>>) target_semaphore(%dma_start3A_193 : memref<!tpu.dma_semaphore, #tpu.memory_space<semaphore_mem>>)
    %dma_wait3A_198 = arith.constant 1 : i32
    %dma_wait3A_199 = arith.constant 0 : i32
    %dma_wait3A_200 = arith.constant 1 : i32
    %dma_wait3A_201 = arith.constant 0 : i32
    %dma_wait3A_202 = tpu.memref_slice %arg9[%dma_wait3A_198, %dma_wait3A_199, %dma_wait3A_201] : memref<2x2x1024xi32, #tpu.memory_space<vmem>> -> memref<1x1x1024xi32, #tpu.memory_space<vmem>>
    %dma_wait3A_203 = tpu.memref_squeeze %dma_wait3A_202 : memref<1x1x1024xi32, #tpu.memory_space<vmem>> -> memref<1024xi32, #tpu.memory_space<vmem>>
    %dma_wait3A_204 = tpu.memref_slice %arg5[%multiple_of3A_171] : memref<320000xi32, #tpu.memory_space<hbm>> -> memref<1024xi32, #tpu.memory_space<hbm>>
    %dma_wait3A_205 = tpu.memref_slice %arg17[%dma_wait3A_200] : memref<2x!tpu.dma_semaphore, #tpu.memory_space<semaphore_mem>> -> memref<1x!tpu.dma_semaphore, #tpu.memory_space<semaphore_mem>>
    %dma_wait3A_206 = tpu.memref_squeeze %dma_wait3A_205 : memref<1x!tpu.dma_semaphore, #tpu.memory_space<semaphore_mem>> -> memref<!tpu.dma_semaphore, #tpu.memory_space<semaphore_mem>>
    %dma_wait3A_207 = tpu.memref_slice %arg5[%multiple_of3A_171] : memref<320000xi32, #tpu.memory_space<hbm>> -> memref<1024xi32, #tpu.memory_space<hbm>>
    %dma_wait3A_208 = arith.constant 0 : i32
    %dma_wait3A_209 = tpu.memref_slice %arg9[%dma_wait3A_198, %dma_wait3A_199, %dma_wait3A_208] : memref<2x2x1024xi32, #tpu.memory_space<vmem>> -> memref<1x1x1024xi32, #tpu.memory_space<vmem>>
    %dma_wait3A_210 = tpu.memref_squeeze %dma_wait3A_209 : memref<1x1x1024xi32, #tpu.memory_space<vmem>> -> memref<1024xi32, #tpu.memory_space<vmem>>
    tpu.wait_dma2 semaphore(%dma_wait3A_206 : memref<!tpu.dma_semaphore, #tpu.memory_space<semaphore_mem>>) src(%dma_wait3A_210 : memref<1024xi32, #tpu.memory_space<vmem>>) dst(%dma_wait3A_207 : memref<1024xi32, #tpu.memory_space<hbm>>)
    %dma_wait3A_211 = arith.constant 1 : i32
    %dma_wait3A_212 = arith.constant 1 : i32
    %dma_wait3A_213 = arith.constant 1 : i32
    %dma_wait3A_214 = arith.constant 0 : i32
    %dma_wait3A_215 = tpu.memref_slice %arg9[%dma_wait3A_211, %dma_wait3A_212, %dma_wait3A_214] : memref<2x2x1024xi32, #tpu.memory_space<vmem>> -> memref<1x1x1024xi32, #tpu.memory_space<vmem>>
    %dma_wait3A_216 = tpu.memref_squeeze %dma_wait3A_215 : memref<1x1x1024xi32, #tpu.memory_space<vmem>> -> memref<1024xi32, #tpu.memory_space<vmem>>
    %dma_wait3A_217 = tpu.memref_slice %arg6[%multiple_of3A_171] : memref<320000xi32, #tpu.memory_space<hbm>> -> memref<1024xi32, #tpu.memory_space<hbm>>
    %dma_wait3A_218 = tpu.memref_slice %arg17[%dma_wait3A_213] : memref<2x!tpu.dma_semaphore, #tpu.memory_space<semaphore_mem>> -> memref<1x!tpu.dma_semaphore, #tpu.memory_space<semaphore_mem>>
    %dma_wait3A_219 = tpu.memref_squeeze %dma_wait3A_218 : memref<1x!tpu.dma_semaphore, #tpu.memory_space<semaphore_mem>> -> memref<!tpu.dma_semaphore, #tpu.memory_space<semaphore_mem>>
    %dma_wait3A_220 = tpu.memref_slice %arg6[%multiple_of3A_171] : memref<320000xi32, #tpu.memory_space<hbm>> -> memref<1024xi32, #tpu.memory_space<hbm>>
    %dma_wait3A_221 = arith.constant 0 : i32
    %dma_wait3A_222 = tpu.memref_slice %arg9[%dma_wait3A_211, %dma_wait3A_212, %dma_wait3A_221] : memref<2x2x1024xi32, #tpu.memory_space<vmem>> -> memref<1x1x1024xi32, #tpu.memory_space<vmem>>
    %dma_wait3A_223 = tpu.memref_squeeze %dma_wait3A_222 : memref<1x1x1024xi32, #tpu.memory_space<vmem>> -> memref<1024xi32, #tpu.memory_space<vmem>>
    tpu.wait_dma2 semaphore(%dma_wait3A_219 : memref<!tpu.dma_semaphore, #tpu.memory_space<semaphore_mem>>) src(%dma_wait3A_223 : memref<1024xi32, #tpu.memory_space<vmem>>) dst(%dma_wait3A_220 : memref<1024xi32, #tpu.memory_space<hbm>>)
    %add3A_224 = arith.constant 3072 : i32
    %add3A_225 = arith.addi %multiple_of3A, %add3A_224 : i32
    %multiple_of3A_226 = tpu.assume_multiple %add3A_225, 128 : i32
    %dma_start3A_227 = arith.constant 1 : i32
    %dma_start3A_228 = arith.constant 1 : i32
    %dma_start3A_229 = arith.constant 0 : i32
    %dma_start3A_230 = arith.constant 0 : i32
    %dma_start3A_231 = tpu.memref_slice %arg9[%dma_start3A_227, %dma_start3A_229, %dma_start3A_230] : memref<2x2x1024xi32, #tpu.memory_space<vmem>> -> memref<1x2x1024xi32, #tpu.memory_space<vmem>>
    %dma_start3A_232 = tpu.memref_squeeze %dma_start3A_231 : memref<1x2x1024xi32, #tpu.memory_space<vmem>> -> memref<2x1024xi32, #tpu.memory_space<vmem>>
    %dma_start3A_233 = arith.constant 0 : i32
    %dma_start3A_234 = tpu.memref_slice %arg3[%dma_start3A_233, %multiple_of3A_226] : memref<2x320000xi32, #tpu.memory_space<hbm>> -> memref<2x1024xi32, #tpu.memory_space<hbm>>
    %dma_start3A_235 = tpu.memref_slice %arg16[%dma_start3A_228] : memref<2x!tpu.dma_semaphore, #tpu.memory_space<semaphore_mem>> -> memref<1x!tpu.dma_semaphore, #tpu.memory_space<semaphore_mem>>
    %dma_start3A_236 = tpu.memref_squeeze %dma_start3A_235 : memref<1x!tpu.dma_semaphore, #tpu.memory_space<semaphore_mem>> -> memref<!tpu.dma_semaphore, #tpu.memory_space<semaphore_mem>>
    %dma_start3A_237 = arith.constant 0 : i32
    %dma_start3A_238 = arith.constant 0 : i32
    %dma_start3A_239 = tpu.memref_slice %arg9[%dma_start3A_227, %dma_start3A_237, %dma_start3A_238] : memref<2x2x1024xi32, #tpu.memory_space<vmem>> -> memref<1x2x1024xi32, #tpu.memory_space<vmem>>
    %dma_start3A_240 = tpu.memref_squeeze %dma_start3A_239 : memref<1x2x1024xi32, #tpu.memory_space<vmem>> -> memref<2x1024xi32, #tpu.memory_space<vmem>>
    %dma_start3A_241 = arith.constant 0 : i32
    %dma_start3A_242 = tpu.memref_slice %arg3[%dma_start3A_241, %multiple_of3A_226] : memref<2x320000xi32, #tpu.memory_space<hbm>> -> memref<2x1024xi32, #tpu.memory_space<hbm>>
    tpu.enqueue_dma source(%dma_start3A_242 : memref<2x1024xi32, #tpu.memory_space<hbm>>) target(%dma_start3A_240 : memref<2x1024xi32, #tpu.memory_space<vmem>>) target_semaphore(%dma_start3A_236 : memref<!tpu.dma_semaphore, #tpu.memory_space<semaphore_mem>>)
    %add3A_243 = arith.constant 2048 : i32
    %add3A_244 = arith.addi %multiple_of3A, %add3A_243 : i32
    %multiple_of3A_245 = tpu.assume_multiple %add3A_244, 128 : i32
    %dma_wait3A_246 = arith.constant 0 : i32
    %dma_wait3A_247 = arith.constant 0 : i32
    %dma_wait3A_248 = arith.constant 0 : i32
    %dma_wait3A_249 = arith.constant 0 : i32
    %dma_wait3A_250 = tpu.memref_slice %arg9[%dma_wait3A_246, %dma_wait3A_248, %dma_wait3A_249] : memref<2x2x1024xi32, #tpu.memory_space<vmem>> -> memref<1x2x1024xi32, #tpu.memory_space<vmem>>
    %dma_wait3A_251 = tpu.memref_squeeze %dma_wait3A_250 : memref<1x2x1024xi32, #tpu.memory_space<vmem>> -> memref<2x1024xi32, #tpu.memory_space<vmem>>
    %dma_wait3A_252 = arith.constant 0 : i32
    %dma_wait3A_253 = tpu.memref_slice %arg3[%dma_wait3A_252, %multiple_of3A_245] : memref<2x320000xi32, #tpu.memory_space<hbm>> -> memref<2x1024xi32, #tpu.memory_space<hbm>>
    %dma_wait3A_254 = tpu.memref_slice %arg16[%dma_wait3A_247] : memref<2x!tpu.dma_semaphore, #tpu.memory_space<semaphore_mem>> -> memref<1x!tpu.dma_semaphore, #tpu.memory_space<semaphore_mem>>
    %dma_wait3A_255 = tpu.memref_squeeze %dma_wait3A_254 : memref<1x!tpu.dma_semaphore, #tpu.memory_space<semaphore_mem>> -> memref<!tpu.dma_semaphore, #tpu.memory_space<semaphore_mem>>
    %dma_wait3A_256 = arith.constant 0 : i32
    %dma_wait3A_257 = arith.constant 0 : i32
    %dma_wait3A_258 = tpu.memref_slice %arg9[%dma_wait3A_246, %dma_wait3A_256, %dma_wait3A_257] : memref<2x2x1024xi32, #tpu.memory_space<vmem>> -> memref<1x2x1024xi32, #tpu.memory_space<vmem>>
    %dma_wait3A_259 = tpu.memref_squeeze %dma_wait3A_258 : memref<1x2x1024xi32, #tpu.memory_space<vmem>> -> memref<2x1024xi32, #tpu.memory_space<vmem>>
    %dma_wait3A_260 = arith.constant 0 : i32
    %dma_wait3A_261 = tpu.memref_slice %arg3[%dma_wait3A_260, %multiple_of3A_245] : memref<2x320000xi32, #tpu.memory_space<hbm>> -> memref<2x1024xi32, #tpu.memory_space<hbm>>
    tpu.wait_dma2 semaphore(%dma_wait3A_255 : memref<!tpu.dma_semaphore, #tpu.memory_space<semaphore_mem>>) src(%dma_wait3A_261 : memref<2x1024xi32, #tpu.memory_space<hbm>>) dst(%dma_wait3A_259 : memref<2x1024xi32, #tpu.memory_space<vmem>>)
    %add3A_262 = arith.constant 2048 : i32
    %add3A_263 = arith.addi %multiple_of3A, %add3A_262 : i32
    %multiple_of3A_264 = tpu.assume_multiple %add3A_263, 128 : i32
    %dma_start3A_265 = arith.constant 0 : i32
    %dma_start3A_266 = arith.constant 0 : i32
    %dma_start3A_267 = arith.constant 0 : i32
    %dma_start3A_268 = arith.constant 0 : i32
    %dma_start3A_269 = tpu.memref_slice %arg9[%dma_start3A_265, %dma_start3A_266, %dma_start3A_268] : memref<2x2x1024xi32, #tpu.memory_space<vmem>> -> memref<1x1x1024xi32, #tpu.memory_space<vmem>>
    %dma_start3A_270 = tpu.memref_squeeze %dma_start3A_269 : memref<1x1x1024xi32, #tpu.memory_space<vmem>> -> memref<1024xi32, #tpu.memory_space<vmem>>
    %dma_start3A_271 = tpu.memref_slice %arg5[%multiple_of3A_264] : memref<320000xi32, #tpu.memory_space<hbm>> -> memref<1024xi32, #tpu.memory_space<hbm>>
    %dma_start3A_272 = tpu.memref_slice %arg17[%dma_start3A_267] : memref<2x!tpu.dma_semaphore, #tpu.memory_space<semaphore_mem>> -> memref<1x!tpu.dma_semaphore, #tpu.memory_space<semaphore_mem>>
    %dma_start3A_273 = tpu.memref_squeeze %dma_start3A_272 : memref<1x!tpu.dma_semaphore, #tpu.memory_space<semaphore_mem>> -> memref<!tpu.dma_semaphore, #tpu.memory_space<semaphore_mem>>
    %dma_start3A_274 = tpu.memref_slice %arg5[%multiple_of3A_264] : memref<320000xi32, #tpu.memory_space<hbm>> -> memref<1024xi32, #tpu.memory_space<hbm>>
    %dma_start3A_275 = arith.constant 0 : i32
    %dma_start3A_276 = tpu.memref_slice %arg9[%dma_start3A_265, %dma_start3A_266, %dma_start3A_275] : memref<2x2x1024xi32, #tpu.memory_space<vmem>> -> memref<1x1x1024xi32, #tpu.memory_space<vmem>>
    %dma_start3A_277 = tpu.memref_squeeze %dma_start3A_276 : memref<1x1x1024xi32, #tpu.memory_space<vmem>> -> memref<1024xi32, #tpu.memory_space<vmem>>
    tpu.enqueue_dma source(%dma_start3A_277 : memref<1024xi32, #tpu.memory_space<vmem>>) target(%dma_start3A_274 : memref<1024xi32, #tpu.memory_space<hbm>>) target_semaphore(%dma_start3A_273 : memref<!tpu.dma_semaphore, #tpu.memory_space<semaphore_mem>>)
    %dma_start3A_278 = arith.constant 0 : i32
    %dma_start3A_279 = arith.constant 1 : i32
    %dma_start3A_280 = arith.constant 0 : i32
    %dma_start3A_281 = arith.constant 0 : i32
    %dma_start3A_282 = tpu.memref_slice %arg9[%dma_start3A_278, %dma_start3A_279, %dma_start3A_281] : memref<2x2x1024xi32, #tpu.memory_space<vmem>> -> memref<1x1x1024xi32, #tpu.memory_space<vmem>>
    %dma_start3A_283 = tpu.memref_squeeze %dma_start3A_282 : memref<1x1x1024xi32, #tpu.memory_space<vmem>> -> memref<1024xi32, #tpu.memory_space<vmem>>
    %dma_start3A_284 = tpu.memref_slice %arg6[%multiple_of3A_264] : memref<320000xi32, #tpu.memory_space<hbm>> -> memref<1024xi32, #tpu.memory_space<hbm>>
    %dma_start3A_285 = tpu.memref_slice %arg17[%dma_start3A_280] : memref<2x!tpu.dma_semaphore, #tpu.memory_space<semaphore_mem>> -> memref<1x!tpu.dma_semaphore, #tpu.memory_space<semaphore_mem>>
    %dma_start3A_286 = tpu.memref_squeeze %dma_start3A_285 : memref<1x!tpu.dma_semaphore, #tpu.memory_space<semaphore_mem>> -> memref<!tpu.dma_semaphore, #tpu.memory_space<semaphore_mem>>
    %dma_start3A_287 = tpu.memref_slice %arg6[%multiple_of3A_264] : memref<320000xi32, #tpu.memory_space<hbm>> -> memref<1024xi32, #tpu.memory_space<hbm>>
    %dma_start3A_288 = arith.constant 0 : i32
    %dma_start3A_289 = tpu.memref_slice %arg9[%dma_start3A_278, %dma_start3A_279, %dma_start3A_288] : memref<2x2x1024xi32, #tpu.memory_space<vmem>> -> memref<1x1x1024xi32, #tpu.memory_space<vmem>>
    %dma_start3A_290 = tpu.memref_squeeze %dma_start3A_289 : memref<1x1x1024xi32, #tpu.memory_space<vmem>> -> memref<1024xi32, #tpu.memory_space<vmem>>
    tpu.enqueue_dma source(%dma_start3A_290 : memref<1024xi32, #tpu.memory_space<vmem>>) target(%dma_start3A_287 : memref<1024xi32, #tpu.memory_space<hbm>>) target_semaphore(%dma_start3A_286 : memref<!tpu.dma_semaphore, #tpu.memory_space<semaphore_mem>>)
    %dma_wait3A_291 = arith.constant 0 : i32
    %dma_wait3A_292 = arith.constant 0 : i32
    %dma_wait3A_293 = arith.constant 0 : i32
    %dma_wait3A_294 = arith.constant 0 : i32
    %dma_wait3A_295 = tpu.memref_slice %arg9[%dma_wait3A_291, %dma_wait3A_292, %dma_wait3A_294] : memref<2x2x1024xi32, #tpu.memory_space<vmem>> -> memref<1x1x1024xi32, #tpu.memory_space<vmem>>
    %dma_wait3A_296 = tpu.memref_squeeze %dma_wait3A_295 : memref<1x1x1024xi32, #tpu.memory_space<vmem>> -> memref<1024xi32, #tpu.memory_space<vmem>>
    %dma_wait3A_297 = tpu.memref_slice %arg5[%multiple_of3A_264] : memref<320000xi32, #tpu.memory_space<hbm>> -> memref<1024xi32, #tpu.memory_space<hbm>>
    %dma_wait3A_298 = tpu.memref_slice %arg17[%dma_wait3A_293] : memref<2x!tpu.dma_semaphore, #tpu.memory_space<semaphore_mem>> -> memref<1x!tpu.dma_semaphore, #tpu.memory_space<semaphore_mem>>
    %dma_wait3A_299 = tpu.memref_squeeze %dma_wait3A_298 : memref<1x!tpu.dma_semaphore, #tpu.memory_space<semaphore_mem>> -> memref<!tpu.dma_semaphore, #tpu.memory_space<semaphore_mem>>
    %dma_wait3A_300 = tpu.memref_slice %arg5[%multiple_of3A_264] : memref<320000xi32, #tpu.memory_space<hbm>> -> memref<1024xi32, #tpu.memory_space<hbm>>
    %dma_wait3A_301 = arith.constant 0 : i32
    %dma_wait3A_302 = tpu.memref_slice %arg9[%dma_wait3A_291, %dma_wait3A_292, %dma_wait3A_301] : memref<2x2x1024xi32, #tpu.memory_space<vmem>> -> memref<1x1x1024xi32, #tpu.memory_space<vmem>>
    %dma_wait3A_303 = tpu.memref_squeeze %dma_wait3A_302 : memref<1x1x1024xi32, #tpu.memory_space<vmem>> -> memref<1024xi32, #tpu.memory_space<vmem>>
    tpu.wait_dma2 semaphore(%dma_wait3A_299 : memref<!tpu.dma_semaphore, #tpu.memory_space<semaphore_mem>>) src(%dma_wait3A_303 : memref<1024xi32, #tpu.memory_space<vmem>>) dst(%dma_wait3A_300 : memref<1024xi32, #tpu.memory_space<hbm>>)
    %dma_wait3A_304 = arith.constant 0 : i32
    %dma_wait3A_305 = arith.constant 1 : i32
    %dma_wait3A_306 = arith.constant 0 : i32
    %dma_wait3A_307 = arith.constant 0 : i32
    %dma_wait3A_308 = tpu.memref_slice %arg9[%dma_wait3A_304, %dma_wait3A_305, %dma_wait3A_307] : memref<2x2x1024xi32, #tpu.memory_space<vmem>> -> memref<1x1x1024xi32, #tpu.memory_space<vmem>>
    %dma_wait3A_309 = tpu.memref_squeeze %dma_wait3A_308 : memref<1x1x1024xi32, #tpu.memory_space<vmem>> -> memref<1024xi32, #tpu.memory_space<vmem>>
    %dma_wait3A_310 = tpu.memref_slice %arg6[%multiple_of3A_264] : memref<320000xi32, #tpu.memory_space<hbm>> -> memref<1024xi32, #tpu.memory_space<hbm>>
    %dma_wait3A_311 = tpu.memref_slice %arg17[%dma_wait3A_306] : memref<2x!tpu.dma_semaphore, #tpu.memory_space<semaphore_mem>> -> memref<1x!tpu.dma_semaphore, #tpu.memory_space<semaphore_mem>>
    %dma_wait3A_312 = tpu.memref_squeeze %dma_wait3A_311 : memref<1x!tpu.dma_semaphore, #tpu.memory_space<semaphore_mem>> -> memref<!tpu.dma_semaphore, #tpu.memory_space<semaphore_mem>>
    %dma_wait3A_313 = tpu.memref_slice %arg6[%multiple_of3A_264] : memref<320000xi32, #tpu.memory_space<hbm>> -> memref<1024xi32, #tpu.memory_space<hbm>>
    %dma_wait3A_314 = arith.constant 0 : i32
    %dma_wait3A_315 = tpu.memref_slice %arg9[%dma_wait3A_304, %dma_wait3A_305, %dma_wait3A_314] : memref<2x2x1024xi32, #tpu.memory_space<vmem>> -> memref<1x1x1024xi32, #tpu.memory_space<vmem>>
    %dma_wait3A_316 = tpu.memref_squeeze %dma_wait3A_315 : memref<1x1x1024xi32, #tpu.memory_space<vmem>> -> memref<1024xi32, #tpu.memory_space<vmem>>
    tpu.wait_dma2 semaphore(%dma_wait3A_312 : memref<!tpu.dma_semaphore, #tpu.memory_space<semaphore_mem>>) src(%dma_wait3A_316 : memref<1024xi32, #tpu.memory_space<vmem>>) dst(%dma_wait3A_313 : memref<1024xi32, #tpu.memory_space<hbm>>)
    %add3A_317 = arith.constant 4096 : i32
    %add3A_318 = arith.addi %multiple_of3A, %add3A_317 : i32
    %multiple_of3A_319 = tpu.assume_multiple %add3A_318, 128 : i32
    %dma_start3A_320 = arith.constant 0 : i32
    %dma_start3A_321 = arith.constant 0 : i32
    %dma_start3A_322 = arith.constant 0 : i32
    %dma_start3A_323 = arith.constant 0 : i32
    %dma_start3A_324 = tpu.memref_slice %arg9[%dma_start3A_320, %dma_start3A_322, %dma_start3A_323] : memref<2x2x1024xi32, #tpu.memory_space<vmem>> -> memref<1x2x1024xi32, #tpu.memory_space<vmem>>
    %dma_start3A_325 = tpu.memref_squeeze %dma_start3A_324 : memref<1x2x1024xi32, #tpu.memory_space<vmem>> -> memref<2x1024xi32, #tpu.memory_space<vmem>>
    %dma_start3A_326 = arith.constant 0 : i32
    %dma_start3A_327 = tpu.memref_slice %arg3[%dma_start3A_326, %multiple_of3A_319] : memref<2x320000xi32, #tpu.memory_space<hbm>> -> memref<2x1024xi32, #tpu.memory_space<hbm>>
    %dma_start3A_328 = tpu.memref_slice %arg16[%dma_start3A_321] : memref<2x!tpu.dma_semaphore, #tpu.memory_space<semaphore_mem>> -> memref<1x!tpu.dma_semaphore, #tpu.memory_space<semaphore_mem>>
    %dma_start3A_329 = tpu.memref_squeeze %dma_start3A_328 : memref<1x!tpu.dma_semaphore, #tpu.memory_space<semaphore_mem>> -> memref<!tpu.dma_semaphore, #tpu.memory_space<semaphore_mem>>
    %dma_start3A_330 = arith.constant 0 : i32
    %dma_start3A_331 = arith.constant 0 : i32
    %dma_start3A_332 = tpu.memref_slice %arg9[%dma_start3A_320, %dma_start3A_330, %dma_start3A_331] : memref<2x2x1024xi32, #tpu.memory_space<vmem>> -> memref<1x2x1024xi32, #tpu.memory_space<vmem>>
    %dma_start3A_333 = tpu.memref_squeeze %dma_start3A_332 : memref<1x2x1024xi32, #tpu.memory_space<vmem>> -> memref<2x1024xi32, #tpu.memory_space<vmem>>
    %dma_start3A_334 = arith.constant 0 : i32
    %dma_start3A_335 = tpu.memref_slice %arg3[%dma_start3A_334, %multiple_of3A_319] : memref<2x320000xi32, #tpu.memory_space<hbm>> -> memref<2x1024xi32, #tpu.memory_space<hbm>>
    tpu.enqueue_dma source(%dma_start3A_335 : memref<2x1024xi32, #tpu.memory_space<hbm>>) target(%dma_start3A_333 : memref<2x1024xi32, #tpu.memory_space<vmem>>) target_semaphore(%dma_start3A_329 : memref<!tpu.dma_semaphore, #tpu.memory_space<semaphore_mem>>)
    %add3A_336 = arith.constant 3072 : i32
    %add3A_337 = arith.addi %multiple_of3A, %add3A_336 : i32
    %multiple_of3A_338 = tpu.assume_multiple %add3A_337, 128 : i32
    %dma_wait3A_339 = arith.constant 1 : i32
    %dma_wait3A_340 = arith.constant 1 : i32
    %dma_wait3A_341 = arith.constant 0 : i32
    %dma_wait3A_342 = arith.constant 0 : i32
    %dma_wait3A_343 = tpu.memref_slice %arg9[%dma_wait3A_339, %dma_wait3A_341, %dma_wait3A_342] : memref<2x2x1024xi32, #tpu.memory_space<vmem>> -> memref<1x2x1024xi32, #tpu.memory_space<vmem>>
    %dma_wait3A_344 = tpu.memref_squeeze %dma_wait3A_343 : memref<1x2x1024xi32, #tpu.memory_space<vmem>> -> memref<2x1024xi32, #tpu.memory_space<vmem>>
    %dma_wait3A_345 = arith.constant 0 : i32
    %dma_wait3A_346 = tpu.memref_slice %arg3[%dma_wait3A_345, %multiple_of3A_338] : memref<2x320000xi32, #tpu.memory_space<hbm>> -> memref<2x1024xi32, #tpu.memory_space<hbm>>
    %dma_wait3A_347 = tpu.memref_slice %arg16[%dma_wait3A_340] : memref<2x!tpu.dma_semaphore, #tpu.memory_space<semaphore_mem>> -> memref<1x!tpu.dma_semaphore, #tpu.memory_space<semaphore_mem>>
    %dma_wait3A_348 = tpu.memref_squeeze %dma_wait3A_347 : memref<1x!tpu.dma_semaphore, #tpu.memory_space<semaphore_mem>> -> memref<!tpu.dma_semaphore, #tpu.memory_space<semaphore_mem>>
    %dma_wait3A_349 = arith.constant 0 : i32
    %dma_wait3A_350 = arith.constant 0 : i32
    %dma_wait3A_351 = tpu.memref_slice %arg9[%dma_wait3A_339, %dma_wait3A_349, %dma_wait3A_350] : memref<2x2x1024xi32, #tpu.memory_space<vmem>> -> memref<1x2x1024xi32, #tpu.memory_space<vmem>>
    %dma_wait3A_352 = tpu.memref_squeeze %dma_wait3A_351 : memref<1x2x1024xi32, #tpu.memory_space<vmem>> -> memref<2x1024xi32, #tpu.memory_space<vmem>>
    %dma_wait3A_353 = arith.constant 0 : i32
    %dma_wait3A_354 = tpu.memref_slice %arg3[%dma_wait3A_353, %multiple_of3A_338] : memref<2x320000xi32, #tpu.memory_space<hbm>> -> memref<2x1024xi32, #tpu.memory_space<hbm>>
    tpu.wait_dma2 semaphore(%dma_wait3A_348 : memref<!tpu.dma_semaphore, #tpu.memory_space<semaphore_mem>>) src(%dma_wait3A_354 : memref<2x1024xi32, #tpu.memory_space<hbm>>) dst(%dma_wait3A_352 : memref<2x1024xi32, #tpu.memory_space<vmem>>)
    %add3A_355 = arith.constant 3072 : i32
    %add3A_356 = arith.addi %multiple_of3A, %add3A_355 : i32
    %multiple_of3A_357 = tpu.assume_multiple %add3A_356, 128 : i32
    %dma_start3A_358 = arith.constant 1 : i32
    %dma_start3A_359 = arith.constant 0 : i32
    %dma_start3A_360 = arith.constant 1 : i32
    %dma_start3A_361 = arith.constant 0 : i32
    %dma_start3A_362 = tpu.memref_slice %arg9[%dma_start3A_358, %dma_start3A_359, %dma_start3A_361] : memref<2x2x1024xi32, #tpu.memory_space<vmem>> -> memref<1x1x1024xi32, #tpu.memory_space<vmem>>
    %dma_start3A_363 = tpu.memref_squeeze %dma_start3A_362 : memref<1x1x1024xi32, #tpu.memory_space<vmem>> -> memref<1024xi32, #tpu.memory_space<vmem>>
    %dma_start3A_364 = tpu.memref_slice %arg5[%multiple_of3A_357] : memref<320000xi32, #tpu.memory_space<hbm>> -> memref<1024xi32, #tpu.memory_space<hbm>>
    %dma_start3A_365 = tpu.memref_slice %arg17[%dma_start3A_360] : memref<2x!tpu.dma_semaphore, #tpu.memory_space<semaphore_mem>> -> memref<1x!tpu.dma_semaphore, #tpu.memory_space<semaphore_mem>>
    %dma_start3A_366 = tpu.memref_squeeze %dma_start3A_365 : memref<1x!tpu.dma_semaphore, #tpu.memory_space<semaphore_mem>> -> memref<!tpu.dma_semaphore, #tpu.memory_space<semaphore_mem>>
    %dma_start3A_367 = tpu.memref_slice %arg5[%multiple_of3A_357] : memref<320000xi32, #tpu.memory_space<hbm>> -> memref<1024xi32, #tpu.memory_space<hbm>>
    %dma_start3A_368 = arith.constant 0 : i32
    %dma_start3A_369 = tpu.memref_slice %arg9[%dma_start3A_358, %dma_start3A_359, %dma_start3A_368] : memref<2x2x1024xi32, #tpu.memory_space<vmem>> -> memref<1x1x1024xi32, #tpu.memory_space<vmem>>
    %dma_start3A_370 = tpu.memref_squeeze %dma_start3A_369 : memref<1x1x1024xi32, #tpu.memory_space<vmem>> -> memref<1024xi32, #tpu.memory_space<vmem>>
    tpu.enqueue_dma source(%dma_start3A_370 : memref<1024xi32, #tpu.memory_space<vmem>>) target(%dma_start3A_367 : memref<1024xi32, #tpu.memory_space<hbm>>) target_semaphore(%dma_start3A_366 : memref<!tpu.dma_semaphore, #tpu.memory_space<semaphore_mem>>)
    %dma_start3A_371 = arith.constant 1 : i32
    %dma_start3A_372 = arith.constant 1 : i32
    %dma_start3A_373 = arith.constant 1 : i32
    %dma_start3A_374 = arith.constant 0 : i32
    %dma_start3A_375 = tpu.memref_slice %arg9[%dma_start3A_371, %dma_start3A_372, %dma_start3A_374] : memref<2x2x1024xi32, #tpu.memory_space<vmem>> -> memref<1x1x1024xi32, #tpu.memory_space<vmem>>
    %dma_start3A_376 = tpu.memref_squeeze %dma_start3A_375 : memref<1x1x1024xi32, #tpu.memory_space<vmem>> -> memref<1024xi32, #tpu.memory_space<vmem>>
    %dma_start3A_377 = tpu.memref_slice %arg6[%multiple_of3A_357] : memref<320000xi32, #tpu.memory_space<hbm>> -> memref<1024xi32, #tpu.memory_space<hbm>>
    %dma_start3A_378 = tpu.memref_slice %arg17[%dma_start3A_373] : memref<2x!tpu.dma_semaphore, #tpu.memory_space<semaphore_mem>> -> memref<1x!tpu.dma_semaphore, #tpu.memory_space<semaphore_mem>>
    %dma_start3A_379 = tpu.memref_squeeze %dma_start3A_378 : memref<1x!tpu.dma_semaphore, #tpu.memory_space<semaphore_mem>> -> memref<!tpu.dma_semaphore, #tpu.memory_space<semaphore_mem>>
    %dma_start3A_380 = tpu.memref_slice %arg6[%multiple_of3A_357] : memref<320000xi32, #tpu.memory_space<hbm>> -> memref<1024xi32, #tpu.memory_space<hbm>>
    %dma_start3A_381 = arith.constant 0 : i32
    %dma_start3A_382 = tpu.memref_slice %arg9[%dma_start3A_371, %dma_start3A_372, %dma_start3A_381] : memref<2x2x1024xi32, #tpu.memory_space<vmem>> -> memref<1x1x1024xi32, #tpu.memory_space<vmem>>
    %dma_start3A_383 = tpu.memref_squeeze %dma_start3A_382 : memref<1x1x1024xi32, #tpu.memory_space<vmem>> -> memref<1024xi32, #tpu.memory_space<vmem>>
    tpu.enqueue_dma source(%dma_start3A_383 : memref<1024xi32, #tpu.memory_space<vmem>>) target(%dma_start3A_380 : memref<1024xi32, #tpu.memory_space<hbm>>) target_semaphore(%dma_start3A_379 : memref<!tpu.dma_semaphore, #tpu.memory_space<semaphore_mem>>)
    %dma_wait3A_384 = arith.constant 1 : i32
    %dma_wait3A_385 = arith.constant 0 : i32
    %dma_wait3A_386 = arith.constant 1 : i32
    %dma_wait3A_387 = arith.constant 0 : i32
    %dma_wait3A_388 = tpu.memref_slice %arg9[%dma_wait3A_384, %dma_wait3A_385, %dma_wait3A_387] : memref<2x2x1024xi32, #tpu.memory_space<vmem>> -> memref<1x1x1024xi32, #tpu.memory_space<vmem>>
    %dma_wait3A_389 = tpu.memref_squeeze %dma_wait3A_388 : memref<1x1x1024xi32, #tpu.memory_space<vmem>> -> memref<1024xi32, #tpu.memory_space<vmem>>
    %dma_wait3A_390 = tpu.memref_slice %arg5[%multiple_of3A_357] : memref<320000xi32, #tpu.memory_space<hbm>> -> memref<1024xi32, #tpu.memory_space<hbm>>
    %dma_wait3A_391 = tpu.memref_slice %arg17[%dma_wait3A_386] : memref<2x!tpu.dma_semaphore, #tpu.memory_space<semaphore_mem>> -> memref<1x!tpu.dma_semaphore, #tpu.memory_space<semaphore_mem>>
    %dma_wait3A_392 = tpu.memref_squeeze %dma_wait3A_391 : memref<1x!tpu.dma_semaphore, #tpu.memory_space<semaphore_mem>> -> memref<!tpu.dma_semaphore, #tpu.memory_space<semaphore_mem>>
    %dma_wait3A_393 = tpu.memref_slice %arg5[%multiple_of3A_357] : memref<320000xi32, #tpu.memory_space<hbm>> -> memref<1024xi32, #tpu.memory_space<hbm>>
    %dma_wait3A_394 = arith.constant 0 : i32
    %dma_wait3A_395 = tpu.memref_slice %arg9[%dma_wait3A_384, %dma_wait3A_385, %dma_wait3A_394] : memref<2x2x1024xi32, #tpu.memory_space<vmem>> -> memref<1x1x1024xi32, #tpu.memory_space<vmem>>
    %dma_wait3A_396 = tpu.memref_squeeze %dma_wait3A_395 : memref<1x1x1024xi32, #tpu.memory_space<vmem>> -> memref<1024xi32, #tpu.memory_space<vmem>>
    tpu.wait_dma2 semaphore(%dma_wait3A_392 : memref<!tpu.dma_semaphore, #tpu.memory_space<semaphore_mem>>) src(%dma_wait3A_396 : memref<1024xi32, #tpu.memory_space<vmem>>) dst(%dma_wait3A_393 : memref<1024xi32, #tpu.memory_space<hbm>>)
    %dma_wait3A_397 = arith.constant 1 : i32
    %dma_wait3A_398 = arith.constant 1 : i32
    %dma_wait3A_399 = arith.constant 1 : i32
    %dma_wait3A_400 = arith.constant 0 : i32
    %dma_wait3A_401 = tpu.memref_slice %arg9[%dma_wait3A_397, %dma_wait3A_398, %dma_wait3A_400] : memref<2x2x1024xi32, #tpu.memory_space<vmem>> -> memref<1x1x1024xi32, #tpu.memory_space<vmem>>
    %dma_wait3A_402 = tpu.memref_squeeze %dma_wait3A_401 : memref<1x1x1024xi32, #tpu.memory_space<vmem>> -> memref<1024xi32, #tpu.memory_space<vmem>>
    %dma_wait3A_403 = tpu.memref_slice %arg6[%multiple_of3A_357] : memref<320000xi32, #tpu.memory_space<hbm>> -> memref<1024xi32, #tpu.memory_space<hbm>>
    %dma_wait3A_404 = tpu.memref_slice %arg17[%dma_wait3A_399] : memref<2x!tpu.dma_semaphore, #tpu.memory_space<semaphore_mem>> -> memref<1x!tpu.dma_semaphore, #tpu.memory_space<semaphore_mem>>
    %dma_wait3A_405 = tpu.memref_squeeze %dma_wait3A_404 : memref<1x!tpu.dma_semaphore, #tpu.memory_space<semaphore_mem>> -> memref<!tpu.dma_semaphore, #tpu.memory_space<semaphore_mem>>
    %dma_wait3A_406 = tpu.memref_slice %arg6[%multiple_of3A_357] : memref<320000xi32, #tpu.memory_space<hbm>> -> memref<1024xi32, #tpu.memory_space<hbm>>
    %dma_wait3A_407 = arith.constant 0 : i32
    %dma_wait3A_408 = tpu.memref_slice %arg9[%dma_wait3A_397, %dma_wait3A_398, %dma_wait3A_407] : memref<2x2x1024xi32, #tpu.memory_space<vmem>> -> memref<1x1x1024xi32, #tpu.memory_space<vmem>>
    %dma_wait3A_409 = tpu.memref_squeeze %dma_wait3A_408 : memref<1x1x1024xi32, #tpu.memory_space<vmem>> -> memref<1024xi32, #tpu.memory_space<vmem>>
    tpu.wait_dma2 semaphore(%dma_wait3A_405 : memref<!tpu.dma_semaphore, #tpu.memory_space<semaphore_mem>>) src(%dma_wait3A_409 : memref<1024xi32, #tpu.memory_space<vmem>>) dst(%dma_wait3A_406 : memref<1024xi32, #tpu.memory_space<hbm>>)
    %add3A_410 = arith.constant 5120 : i32
    %add3A_411 = arith.addi %multiple_of3A, %add3A_410 : i32
    %multiple_of3A_412 = tpu.assume_multiple %add3A_411, 128 : i32
    %dma_start3A_413 = arith.constant 1 : i32
    %dma_start3A_414 = arith.constant 1 : i32
    %dma_start3A_415 = arith.constant 0 : i32
    %dma_start3A_416 = arith.constant 0 : i32
    %dma_start3A_417 = tpu.memref_slice %arg9[%dma_start3A_413, %dma_start3A_415, %dma_start3A_416] : memref<2x2x1024xi32, #tpu.memory_space<vmem>> -> memref<1x2x1024xi32, #tpu.memory_space<vmem>>
    %dma_start3A_418 = tpu.memref_squeeze %dma_start3A_417 : memref<1x2x1024xi32, #tpu.memory_space<vmem>> -> memref<2x1024xi32, #tpu.memory_space<vmem>>
    %dma_start3A_419 = arith.constant 0 : i32
    %dma_start3A_420 = tpu.memref_slice %arg3[%dma_start3A_419, %multiple_of3A_412] : memref<2x320000xi32, #tpu.memory_space<hbm>> -> memref<2x1024xi32, #tpu.memory_space<hbm>>
    %dma_start3A_421 = tpu.memref_slice %arg16[%dma_start3A_414] : memref<2x!tpu.dma_semaphore, #tpu.memory_space<semaphore_mem>> -> memref<1x!tpu.dma_semaphore, #tpu.memory_space<semaphore_mem>>
    %dma_start3A_422 = tpu.memref_squeeze %dma_start3A_421 : memref<1x!tpu.dma_semaphore, #tpu.memory_space<semaphore_mem>> -> memref<!tpu.dma_semaphore, #tpu.memory_space<semaphore_mem>>
    %dma_start3A_423 = arith.constant 0 : i32
    %dma_start3A_424 = arith.constant 0 : i32
    %dma_start3A_425 = tpu.memref_slice %arg9[%dma_start3A_413, %dma_start3A_423, %dma_start3A_424] : memref<2x2x1024xi32, #tpu.memory_space<vmem>> -> memref<1x2x1024xi32, #tpu.memory_space<vmem>>
    %dma_start3A_426 = tpu.memref_squeeze %dma_start3A_425 : memref<1x2x1024xi32, #tpu.memory_space<vmem>> -> memref<2x1024xi32, #tpu.memory_space<vmem>>
    %dma_start3A_427 = arith.constant 0 : i32
    %dma_start3A_428 = tpu.memref_slice %arg3[%dma_start3A_427, %multiple_of3A_412] : memref<2x320000xi32, #tpu.memory_space<hbm>> -> memref<2x1024xi32, #tpu.memory_space<hbm>>
    tpu.enqueue_dma source(%dma_start3A_428 : memref<2x1024xi32, #tpu.memory_space<hbm>>) target(%dma_start3A_426 : memref<2x1024xi32, #tpu.memory_space<vmem>>) target_semaphore(%dma_start3A_422 : memref<!tpu.dma_semaphore, #tpu.memory_space<semaphore_mem>>)
    %add3A_429 = arith.constant 4096 : i32
    %add3A_430 = arith.addi %multiple_of3A, %add3A_429 : i32
    %multiple_of3A_431 = tpu.assume_multiple %add3A_430, 128 : i32
    %dma_wait3A_432 = arith.constant 0 : i32
    %dma_wait3A_433 = arith.constant 0 : i32
    %dma_wait3A_434 = arith.constant 0 : i32
    %dma_wait3A_435 = arith.constant 0 : i32
    %dma_wait3A_436 = tpu.memref_slice %arg9[%dma_wait3A_432, %dma_wait3A_434, %dma_wait3A_435] : memref<2x2x1024xi32, #tpu.memory_space<vmem>> -> memref<1x2x1024xi32, #tpu.memory_space<vmem>>
    %dma_wait3A_437 = tpu.memref_squeeze %dma_wait3A_436 : memref<1x2x1024xi32, #tpu.memory_space<vmem>> -> memref<2x1024xi32, #tpu.memory_space<vmem>>
    %dma_wait3A_438 = arith.constant 0 : i32
    %dma_wait3A_439 = tpu.memref_slice %arg3[%dma_wait3A_438, %multiple_of3A_431] : memref<2x320000xi32, #tpu.memory_space<hbm>> -> memref<2x1024xi32, #tpu.memory_space<hbm>>
    %dma_wait3A_440 = tpu.memref_slice %arg16[%dma_wait3A_433] : memref<2x!tpu.dma_semaphore, #tpu.memory_space<semaphore_mem>> -> memref<1x!tpu.dma_semaphore, #tpu.memory_space<semaphore_mem>>
    %dma_wait3A_441 = tpu.memref_squeeze %dma_wait3A_440 : memref<1x!tpu.dma_semaphore, #tpu.memory_space<semaphore_mem>> -> memref<!tpu.dma_semaphore, #tpu.memory_space<semaphore_mem>>
    %dma_wait3A_442 = arith.constant 0 : i32
    %dma_wait3A_443 = arith.constant 0 : i32
    %dma_wait3A_444 = tpu.memref_slice %arg9[%dma_wait3A_432, %dma_wait3A_442, %dma_wait3A_443] : memref<2x2x1024xi32, #tpu.memory_space<vmem>> -> memref<1x2x1024xi32, #tpu.memory_space<vmem>>
    %dma_wait3A_445 = tpu.memref_squeeze %dma_wait3A_444 : memref<1x2x1024xi32, #tpu.memory_space<vmem>> -> memref<2x1024xi32, #tpu.memory_space<vmem>>
    %dma_wait3A_446 = arith.constant 0 : i32
    %dma_wait3A_447 = tpu.memref_slice %arg3[%dma_wait3A_446, %multiple_of3A_431] : memref<2x320000xi32, #tpu.memory_space<hbm>> -> memref<2x1024xi32, #tpu.memory_space<hbm>>
    tpu.wait_dma2 semaphore(%dma_wait3A_441 : memref<!tpu.dma_semaphore, #tpu.memory_space<semaphore_mem>>) src(%dma_wait3A_447 : memref<2x1024xi32, #tpu.memory_space<hbm>>) dst(%dma_wait3A_445 : memref<2x1024xi32, #tpu.memory_space<vmem>>)
    %add3A_448 = arith.constant 4096 : i32
    %add3A_449 = arith.addi %multiple_of3A, %add3A_448 : i32
    %multiple_of3A_450 = tpu.assume_multiple %add3A_449, 128 : i32
    %dma_start3A_451 = arith.constant 0 : i32
    %dma_start3A_452 = arith.constant 0 : i32
    %dma_start3A_453 = arith.constant 0 : i32
    %dma_start3A_454 = arith.constant 0 : i32
    %dma_start3A_455 = tpu.memref_slice %arg9[%dma_start3A_451, %dma_start3A_452, %dma_start3A_454] : memref<2x2x1024xi32, #tpu.memory_space<vmem>> -> memref<1x1x1024xi32, #tpu.memory_space<vmem>>
    %dma_start3A_456 = tpu.memref_squeeze %dma_start3A_455 : memref<1x1x1024xi32, #tpu.memory_space<vmem>> -> memref<1024xi32, #tpu.memory_space<vmem>>
    %dma_start3A_457 = tpu.memref_slice %arg5[%multiple_of3A_450] : memref<320000xi32, #tpu.memory_space<hbm>> -> memref<1024xi32, #tpu.memory_space<hbm>>
    %dma_start3A_458 = tpu.memref_slice %arg17[%dma_start3A_453] : memref<2x!tpu.dma_semaphore, #tpu.memory_space<semaphore_mem>> -> memref<1x!tpu.dma_semaphore, #tpu.memory_space<semaphore_mem>>
    %dma_start3A_459 = tpu.memref_squeeze %dma_start3A_458 : memref<1x!tpu.dma_semaphore, #tpu.memory_space<semaphore_mem>> -> memref<!tpu.dma_semaphore, #tpu.memory_space<semaphore_mem>>
    %dma_start3A_460 = tpu.memref_slice %arg5[%multiple_of3A_450] : memref<320000xi32, #tpu.memory_space<hbm>> -> memref<1024xi32, #tpu.memory_space<hbm>>
    %dma_start3A_461 = arith.constant 0 : i32
    %dma_start3A_462 = tpu.memref_slice %arg9[%dma_start3A_451, %dma_start3A_452, %dma_start3A_461] : memref<2x2x1024xi32, #tpu.memory_space<vmem>> -> memref<1x1x1024xi32, #tpu.memory_space<vmem>>
    %dma_start3A_463 = tpu.memref_squeeze %dma_start3A_462 : memref<1x1x1024xi32, #tpu.memory_space<vmem>> -> memref<1024xi32, #tpu.memory_space<vmem>>
    tpu.enqueue_dma source(%dma_start3A_463 : memref<1024xi32, #tpu.memory_space<vmem>>) target(%dma_start3A_460 : memref<1024xi32, #tpu.memory_space<hbm>>) target_semaphore(%dma_start3A_459 : memref<!tpu.dma_semaphore, #tpu.memory_space<semaphore_mem>>)
    %dma_start3A_464 = arith.constant 0 : i32
    %dma_start3A_465 = arith.constant 1 : i32
    %dma_start3A_466 = arith.constant 0 : i32
    %dma_start3A_467 = arith.constant 0 : i32
    %dma_start3A_468 = tpu.memref_slice %arg9[%dma_start3A_464, %dma_start3A_465, %dma_start3A_467] : memref<2x2x1024xi32, #tpu.memory_space<vmem>> -> memref<1x1x1024xi32, #tpu.memory_space<vmem>>
    %dma_start3A_469 = tpu.memref_squeeze %dma_start3A_468 : memref<1x1x1024xi32, #tpu.memory_space<vmem>> -> memref<1024xi32, #tpu.memory_space<vmem>>
    %dma_start3A_470 = tpu.memref_slice %arg6[%multiple_of3A_450] : memref<320000xi32, #tpu.memory_space<hbm>> -> memref<1024xi32, #tpu.memory_space<hbm>>
    %dma_start3A_471 = tpu.memref_slice %arg17[%dma_start3A_466] : memref<2x!tpu.dma_semaphore, #tpu.memory_space<semaphore_mem>> -> memref<1x!tpu.dma_semaphore, #tpu.memory_space<semaphore_mem>>
    %dma_start3A_472 = tpu.memref_squeeze %dma_start3A_471 : memref<1x!tpu.dma_semaphore, #tpu.memory_space<semaphore_mem>> -> memref<!tpu.dma_semaphore, #tpu.memory_space<semaphore_mem>>
    %dma_start3A_473 = tpu.memref_slice %arg6[%multiple_of3A_450] : memref<320000xi32, #tpu.memory_space<hbm>> -> memref<1024xi32, #tpu.memory_space<hbm>>
    %dma_start3A_474 = arith.constant 0 : i32
    %dma_start3A_475 = tpu.memref_slice %arg9[%dma_start3A_464, %dma_start3A_465, %dma_start3A_474] : memref<2x2x1024xi32, #tpu.memory_space<vmem>> -> memref<1x1x1024xi32, #tpu.memory_space<vmem>>
    %dma_start3A_476 = tpu.memref_squeeze %dma_start3A_475 : memref<1x1x1024xi32, #tpu.memory_space<vmem>> -> memref<1024xi32, #tpu.memory_space<vmem>>
    tpu.enqueue_dma source(%dma_start3A_476 : memref<1024xi32, #tpu.memory_space<vmem>>) target(%dma_start3A_473 : memref<1024xi32, #tpu.memory_space<hbm>>) target_semaphore(%dma_start3A_472 : memref<!tpu.dma_semaphore, #tpu.memory_space<semaphore_mem>>)
    %dma_wait3A_477 = arith.constant 0 : i32
    %dma_wait3A_478 = arith.constant 0 : i32
    %dma_wait3A_479 = arith.constant 0 : i32
    %dma_wait3A_480 = arith.constant 0 : i32
    %dma_wait3A_481 = tpu.memref_slice %arg9[%dma_wait3A_477, %dma_wait3A_478, %dma_wait3A_480] : memref<2x2x1024xi32, #tpu.memory_space<vmem>> -> memref<1x1x1024xi32, #tpu.memory_space<vmem>>
    %dma_wait3A_482 = tpu.memref_squeeze %dma_wait3A_481 : memref<1x1x1024xi32, #tpu.memory_space<vmem>> -> memref<1024xi32, #tpu.memory_space<vmem>>
    %dma_wait3A_483 = tpu.memref_slice %arg5[%multiple_of3A_450] : memref<320000xi32, #tpu.memory_space<hbm>> -> memref<1024xi32, #tpu.memory_space<hbm>>
    %dma_wait3A_484 = tpu.memref_slice %arg17[%dma_wait3A_479] : memref<2x!tpu.dma_semaphore, #tpu.memory_space<semaphore_mem>> -> memref<1x!tpu.dma_semaphore, #tpu.memory_space<semaphore_mem>>
    %dma_wait3A_485 = tpu.memref_squeeze %dma_wait3A_484 : memref<1x!tpu.dma_semaphore, #tpu.memory_space<semaphore_mem>> -> memref<!tpu.dma_semaphore, #tpu.memory_space<semaphore_mem>>
    %dma_wait3A_486 = tpu.memref_slice %arg5[%multiple_of3A_450] : memref<320000xi32, #tpu.memory_space<hbm>> -> memref<1024xi32, #tpu.memory_space<hbm>>
    %dma_wait3A_487 = arith.constant 0 : i32
    %dma_wait3A_488 = tpu.memref_slice %arg9[%dma_wait3A_477, %dma_wait3A_478, %dma_wait3A_487] : memref<2x2x1024xi32, #tpu.memory_space<vmem>> -> memref<1x1x1024xi32, #tpu.memory_space<vmem>>
    %dma_wait3A_489 = tpu.memref_squeeze %dma_wait3A_488 : memref<1x1x1024xi32, #tpu.memory_space<vmem>> -> memref<1024xi32, #tpu.memory_space<vmem>>
    tpu.wait_dma2 semaphore(%dma_wait3A_485 : memref<!tpu.dma_semaphore, #tpu.memory_space<semaphore_mem>>) src(%dma_wait3A_489 : memref<1024xi32, #tpu.memory_space<vmem>>) dst(%dma_wait3A_486 : memref<1024xi32, #tpu.memory_space<hbm>>)
    %dma_wait3A_490 = arith.constant 0 : i32
    %dma_wait3A_491 = arith.constant 1 : i32
    %dma_wait3A_492 = arith.constant 0 : i32
    %dma_wait3A_493 = arith.constant 0 : i32
    %dma_wait3A_494 = tpu.memref_slice %arg9[%dma_wait3A_490, %dma_wait3A_491, %dma_wait3A_493] : memref<2x2x1024xi32, #tpu.memory_space<vmem>> -> memref<1x1x1024xi32, #tpu.memory_space<vmem>>
    %dma_wait3A_495 = tpu.memref_squeeze %dma_wait3A_494 : memref<1x1x1024xi32, #tpu.memory_space<vmem>> -> memref<1024xi32, #tpu.memory_space<vmem>>
    %dma_wait3A_496 = tpu.memref_slice %arg6[%multiple_of3A_450] : memref<320000xi32, #tpu.memory_space<hbm>> -> memref<1024xi32, #tpu.memory_space<hbm>>
    %dma_wait3A_497 = tpu.memref_slice %arg17[%dma_wait3A_492] : memref<2x!tpu.dma_semaphore, #tpu.memory_space<semaphore_mem>> -> memref<1x!tpu.dma_semaphore, #tpu.memory_space<semaphore_mem>>
    %dma_wait3A_498 = tpu.memref_squeeze %dma_wait3A_497 : memref<1x!tpu.dma_semaphore, #tpu.memory_space<semaphore_mem>> -> memref<!tpu.dma_semaphore, #tpu.memory_space<semaphore_mem>>
    %dma_wait3A_499 = tpu.memref_slice %arg6[%multiple_of3A_450] : memref<320000xi32, #tpu.memory_space<hbm>> -> memref<1024xi32, #tpu.memory_space<hbm>>
    %dma_wait3A_500 = arith.constant 0 : i32
    %dma_wait3A_501 = tpu.memref_slice %arg9[%dma_wait3A_490, %dma_wait3A_491, %dma_wait3A_500] : memref<2x2x1024xi32, #tpu.memory_space<vmem>> -> memref<1x1x1024xi32, #tpu.memory_space<vmem>>
    %dma_wait3A_502 = tpu.memref_squeeze %dma_wait3A_501 : memref<1x1x1024xi32, #tpu.memory_space<vmem>> -> memref<1024xi32, #tpu.memory_space<vmem>>
    tpu.wait_dma2 semaphore(%dma_wait3A_498 : memref<!tpu.dma_semaphore, #tpu.memory_space<semaphore_mem>>) src(%dma_wait3A_502 : memref<1024xi32, #tpu.memory_space<vmem>>) dst(%dma_wait3A_499 : memref<1024xi32, #tpu.memory_space<hbm>>)
    %add3A_503 = arith.constant 6144 : i32
    %add3A_504 = arith.addi %multiple_of3A, %add3A_503 : i32
    %multiple_of3A_505 = tpu.assume_multiple %add3A_504, 128 : i32
    %dma_start3A_506 = arith.constant 0 : i32
    %dma_start3A_507 = arith.constant 0 : i32
    %dma_start3A_508 = arith.constant 0 : i32
    %dma_start3A_509 = arith.constant 0 : i32
    %dma_start3A_510 = tpu.memref_slice %arg9[%dma_start3A_506, %dma_start3A_508, %dma_start3A_509] : memref<2x2x1024xi32, #tpu.memory_space<vmem>> -> memref<1x2x1024xi32, #tpu.memory_space<vmem>>
    %dma_start3A_511 = tpu.memref_squeeze %dma_start3A_510 : memref<1x2x1024xi32, #tpu.memory_space<vmem>> -> memref<2x1024xi32, #tpu.memory_space<vmem>>
    %dma_start3A_512 = arith.constant 0 : i32
    %dma_start3A_513 = tpu.memref_slice %arg3[%dma_start3A_512, %multiple_of3A_505] : memref<2x320000xi32, #tpu.memory_space<hbm>> -> memref<2x1024xi32, #tpu.memory_space<hbm>>
    %dma_start3A_514 = tpu.memref_slice %arg16[%dma_start3A_507] : memref<2x!tpu.dma_semaphore, #tpu.memory_space<semaphore_mem>> -> memref<1x!tpu.dma_semaphore, #tpu.memory_space<semaphore_mem>>
    %dma_start3A_515 = tpu.memref_squeeze %dma_start3A_514 : memref<1x!tpu.dma_semaphore, #tpu.memory_space<semaphore_mem>> -> memref<!tpu.dma_semaphore, #tpu.memory_space<semaphore_mem>>
    %dma_start3A_516 = arith.constant 0 : i32
    %dma_start3A_517 = arith.constant 0 : i32
    %dma_start3A_518 = tpu.memref_slice %arg9[%dma_start3A_506, %dma_start3A_516, %dma_start3A_517] : memref<2x2x1024xi32, #tpu.memory_space<vmem>> -> memref<1x2x1024xi32, #tpu.memory_space<vmem>>
    %dma_start3A_519 = tpu.memref_squeeze %dma_start3A_518 : memref<1x2x1024xi32, #tpu.memory_space<vmem>> -> memref<2x1024xi32, #tpu.memory_space<vmem>>
    %dma_start3A_520 = arith.constant 0 : i32
    %dma_start3A_521 = tpu.memref_slice %arg3[%dma_start3A_520, %multiple_of3A_505] : memref<2x320000xi32, #tpu.memory_space<hbm>> -> memref<2x1024xi32, #tpu.memory_space<hbm>>
    tpu.enqueue_dma source(%dma_start3A_521 : memref<2x1024xi32, #tpu.memory_space<hbm>>) target(%dma_start3A_519 : memref<2x1024xi32, #tpu.memory_space<vmem>>) target_semaphore(%dma_start3A_515 : memref<!tpu.dma_semaphore, #tpu.memory_space<semaphore_mem>>)
    %add3A_522 = arith.constant 5120 : i32
    %add3A_523 = arith.addi %multiple_of3A, %add3A_522 : i32
    %multiple_of3A_524 = tpu.assume_multiple %add3A_523, 128 : i32
    %dma_wait3A_525 = arith.constant 1 : i32
    %dma_wait3A_526 = arith.constant 1 : i32
    %dma_wait3A_527 = arith.constant 0 : i32
    %dma_wait3A_528 = arith.constant 0 : i32
    %dma_wait3A_529 = tpu.memref_slice %arg9[%dma_wait3A_525, %dma_wait3A_527, %dma_wait3A_528] : memref<2x2x1024xi32, #tpu.memory_space<vmem>> -> memref<1x2x1024xi32, #tpu.memory_space<vmem>>
    %dma_wait3A_530 = tpu.memref_squeeze %dma_wait3A_529 : memref<1x2x1024xi32, #tpu.memory_space<vmem>> -> memref<2x1024xi32, #tpu.memory_space<vmem>>
    %dma_wait3A_531 = arith.constant 0 : i32
    %dma_wait3A_532 = tpu.memref_slice %arg3[%dma_wait3A_531, %multiple_of3A_524] : memref<2x320000xi32, #tpu.memory_space<hbm>> -> memref<2x1024xi32, #tpu.memory_space<hbm>>
    %dma_wait3A_533 = tpu.memref_slice %arg16[%dma_wait3A_526] : memref<2x!tpu.dma_semaphore, #tpu.memory_space<semaphore_mem>> -> memref<1x!tpu.dma_semaphore, #tpu.memory_space<semaphore_mem>>
    %dma_wait3A_534 = tpu.memref_squeeze %dma_wait3A_533 : memref<1x!tpu.dma_semaphore, #tpu.memory_space<semaphore_mem>> -> memref<!tpu.dma_semaphore, #tpu.memory_space<semaphore_mem>>
    %dma_wait3A_535 = arith.constant 0 : i32
    %dma_wait3A_536 = arith.constant 0 : i32
    %dma_wait3A_537 = tpu.memref_slice %arg9[%dma_wait3A_525, %dma_wait3A_535, %dma_wait3A_536] : memref<2x2x1024xi32, #tpu.memory_space<vmem>> -> memref<1x2x1024xi32, #tpu.memory_space<vmem>>
    %dma_wait3A_538 = tpu.memref_squeeze %dma_wait3A_537 : memref<1x2x1024xi32, #tpu.memory_space<vmem>> -> memref<2x1024xi32, #tpu.memory_space<vmem>>
    %dma_wait3A_539 = arith.constant 0 : i32
    %dma_wait3A_540 = tpu.memref_slice %arg3[%dma_wait3A_539, %multiple_of3A_524] : memref<2x320000xi32, #tpu.memory_space<hbm>> -> memref<2x1024xi32, #tpu.memory_space<hbm>>
    tpu.wait_dma2 semaphore(%dma_wait3A_534 : memref<!tpu.dma_semaphore, #tpu.memory_space<semaphore_mem>>) src(%dma_wait3A_540 : memref<2x1024xi32, #tpu.memory_space<hbm>>) dst(%dma_wait3A_538 : memref<2x1024xi32, #tpu.memory_space<vmem>>)
    %add3A_541 = arith.constant 5120 : i32
    %add3A_542 = arith.addi %multiple_of3A, %add3A_541 : i32
    %multiple_of3A_543 = tpu.assume_multiple %add3A_542, 128 : i32
    %dma_start3A_544 = arith.constant 1 : i32
    %dma_start3A_545 = arith.constant 0 : i32
    %dma_start3A_546 = arith.constant 1 : i32
    %dma_start3A_547 = arith.constant 0 : i32
    %dma_start3A_548 = tpu.memref_slice %arg9[%dma_start3A_544, %dma_start3A_545, %dma_start3A_547] : memref<2x2x1024xi32, #tpu.memory_space<vmem>> -> memref<1x1x1024xi32, #tpu.memory_space<vmem>>
    %dma_start3A_549 = tpu.memref_squeeze %dma_start3A_548 : memref<1x1x1024xi32, #tpu.memory_space<vmem>> -> memref<1024xi32, #tpu.memory_space<vmem>>
    %dma_start3A_550 = tpu.memref_slice %arg5[%multiple_of3A_543] : memref<320000xi32, #tpu.memory_space<hbm>> -> memref<1024xi32, #tpu.memory_space<hbm>>
    %dma_start3A_551 = tpu.memref_slice %arg17[%dma_start3A_546] : memref<2x!tpu.dma_semaphore, #tpu.memory_space<semaphore_mem>> -> memref<1x!tpu.dma_semaphore, #tpu.memory_space<semaphore_mem>>
    %dma_start3A_552 = tpu.memref_squeeze %dma_start3A_551 : memref<1x!tpu.dma_semaphore, #tpu.memory_space<semaphore_mem>> -> memref<!tpu.dma_semaphore, #tpu.memory_space<semaphore_mem>>
    %dma_start3A_553 = tpu.memref_slice %arg5[%multiple_of3A_543] : memref<320000xi32, #tpu.memory_space<hbm>> -> memref<1024xi32, #tpu.memory_space<hbm>>
    %dma_start3A_554 = arith.constant 0 : i32
    %dma_start3A_555 = tpu.memref_slice %arg9[%dma_start3A_544, %dma_start3A_545, %dma_start3A_554] : memref<2x2x1024xi32, #tpu.memory_space<vmem>> -> memref<1x1x1024xi32, #tpu.memory_space<vmem>>
    %dma_start3A_556 = tpu.memref_squeeze %dma_start3A_555 : memref<1x1x1024xi32, #tpu.memory_space<vmem>> -> memref<1024xi32, #tpu.memory_space<vmem>>
    tpu.enqueue_dma source(%dma_start3A_556 : memref<1024xi32, #tpu.memory_space<vmem>>) target(%dma_start3A_553 : memref<1024xi32, #tpu.memory_space<hbm>>) target_semaphore(%dma_start3A_552 : memref<!tpu.dma_semaphore, #tpu.memory_space<semaphore_mem>>)
    %dma_start3A_557 = arith.constant 1 : i32
    %dma_start3A_558 = arith.constant 1 : i32
    %dma_start3A_559 = arith.constant 1 : i32
    %dma_start3A_560 = arith.constant 0 : i32
    %dma_start3A_561 = tpu.memref_slice %arg9[%dma_start3A_557, %dma_start3A_558, %dma_start3A_560] : memref<2x2x1024xi32, #tpu.memory_space<vmem>> -> memref<1x1x1024xi32, #tpu.memory_space<vmem>>
    %dma_start3A_562 = tpu.memref_squeeze %dma_start3A_561 : memref<1x1x1024xi32, #tpu.memory_space<vmem>> -> memref<1024xi32, #tpu.memory_space<vmem>>
    %dma_start3A_563 = tpu.memref_slice %arg6[%multiple_of3A_543] : memref<320000xi32, #tpu.memory_space<hbm>> -> memref<1024xi32, #tpu.memory_space<hbm>>
    %dma_start3A_564 = tpu.memref_slice %arg17[%dma_start3A_559] : memref<2x!tpu.dma_semaphore, #tpu.memory_space<semaphore_mem>> -> memref<1x!tpu.dma_semaphore, #tpu.memory_space<semaphore_mem>>
    %dma_start3A_565 = tpu.memref_squeeze %dma_start3A_564 : memref<1x!tpu.dma_semaphore, #tpu.memory_space<semaphore_mem>> -> memref<!tpu.dma_semaphore, #tpu.memory_space<semaphore_mem>>
    %dma_start3A_566 = tpu.memref_slice %arg6[%multiple_of3A_543] : memref<320000xi32, #tpu.memory_space<hbm>> -> memref<1024xi32, #tpu.memory_space<hbm>>
    %dma_start3A_567 = arith.constant 0 : i32
    %dma_start3A_568 = tpu.memref_slice %arg9[%dma_start3A_557, %dma_start3A_558, %dma_start3A_567] : memref<2x2x1024xi32, #tpu.memory_space<vmem>> -> memref<1x1x1024xi32, #tpu.memory_space<vmem>>
    %dma_start3A_569 = tpu.memref_squeeze %dma_start3A_568 : memref<1x1x1024xi32, #tpu.memory_space<vmem>> -> memref<1024xi32, #tpu.memory_space<vmem>>
    tpu.enqueue_dma source(%dma_start3A_569 : memref<1024xi32, #tpu.memory_space<vmem>>) target(%dma_start3A_566 : memref<1024xi32, #tpu.memory_space<hbm>>) target_semaphore(%dma_start3A_565 : memref<!tpu.dma_semaphore, #tpu.memory_space<semaphore_mem>>)
    %dma_wait3A_570 = arith.constant 1 : i32
    %dma_wait3A_571 = arith.constant 0 : i32
    %dma_wait3A_572 = arith.constant 1 : i32
    %dma_wait3A_573 = arith.constant 0 : i32
    %dma_wait3A_574 = tpu.memref_slice %arg9[%dma_wait3A_570, %dma_wait3A_571, %dma_wait3A_573] : memref<2x2x1024xi32, #tpu.memory_space<vmem>> -> memref<1x1x1024xi32, #tpu.memory_space<vmem>>
    %dma_wait3A_575 = tpu.memref_squeeze %dma_wait3A_574 : memref<1x1x1024xi32, #tpu.memory_space<vmem>> -> memref<1024xi32, #tpu.memory_space<vmem>>
    %dma_wait3A_576 = tpu.memref_slice %arg5[%multiple_of3A_543] : memref<320000xi32, #tpu.memory_space<hbm>> -> memref<1024xi32, #tpu.memory_space<hbm>>
    %dma_wait3A_577 = tpu.memref_slice %arg17[%dma_wait3A_572] : memref<2x!tpu.dma_semaphore, #tpu.memory_space<semaphore_mem>> -> memref<1x!tpu.dma_semaphore, #tpu.memory_space<semaphore_mem>>
    %dma_wait3A_578 = tpu.memref_squeeze %dma_wait3A_577 : memref<1x!tpu.dma_semaphore, #tpu.memory_space<semaphore_mem>> -> memref<!tpu.dma_semaphore, #tpu.memory_space<semaphore_mem>>
    %dma_wait3A_579 = tpu.memref_slice %arg5[%multiple_of3A_543] : memref<320000xi32, #tpu.memory_space<hbm>> -> memref<1024xi32, #tpu.memory_space<hbm>>
    %dma_wait3A_580 = arith.constant 0 : i32
    %dma_wait3A_581 = tpu.memref_slice %arg9[%dma_wait3A_570, %dma_wait3A_571, %dma_wait3A_580] : memref<2x2x1024xi32, #tpu.memory_space<vmem>> -> memref<1x1x1024xi32, #tpu.memory_space<vmem>>
    %dma_wait3A_582 = tpu.memref_squeeze %dma_wait3A_581 : memref<1x1x1024xi32, #tpu.memory_space<vmem>> -> memref<1024xi32, #tpu.memory_space<vmem>>
    tpu.wait_dma2 semaphore(%dma_wait3A_578 : memref<!tpu.dma_semaphore, #tpu.memory_space<semaphore_mem>>) src(%dma_wait3A_582 : memref<1024xi32, #tpu.memory_space<vmem>>) dst(%dma_wait3A_579 : memref<1024xi32, #tpu.memory_space<hbm>>)
    %dma_wait3A_583 = arith.constant 1 : i32
    %dma_wait3A_584 = arith.constant 1 : i32
    %dma_wait3A_585 = arith.constant 1 : i32
    %dma_wait3A_586 = arith.constant 0 : i32
    %dma_wait3A_587 = tpu.memref_slice %arg9[%dma_wait3A_583, %dma_wait3A_584, %dma_wait3A_586] : memref<2x2x1024xi32, #tpu.memory_space<vmem>> -> memref<1x1x1024xi32, #tpu.memory_space<vmem>>
    %dma_wait3A_588 = tpu.memref_squeeze %dma_wait3A_587 : memref<1x1x1024xi32, #tpu.memory_space<vmem>> -> memref<1024xi32, #tpu.memory_space<vmem>>
    %dma_wait3A_589 = tpu.memref_slice %arg6[%multiple_of3A_543] : memref<320000xi32, #tpu.memory_space<hbm>> -> memref<1024xi32, #tpu.memory_space<hbm>>
    %dma_wait3A_590 = tpu.memref_slice %arg17[%dma_wait3A_585] : memref<2x!tpu.dma_semaphore, #tpu.memory_space<semaphore_mem>> -> memref<1x!tpu.dma_semaphore, #tpu.memory_space<semaphore_mem>>
    %dma_wait3A_591 = tpu.memref_squeeze %dma_wait3A_590 : memref<1x!tpu.dma_semaphore, #tpu.memory_space<semaphore_mem>> -> memref<!tpu.dma_semaphore, #tpu.memory_space<semaphore_mem>>
    %dma_wait3A_592 = tpu.memref_slice %arg6[%multiple_of3A_543] : memref<320000xi32, #tpu.memory_space<hbm>> -> memref<1024xi32, #tpu.memory_space<hbm>>
    %dma_wait3A_593 = arith.constant 0 : i32
    %dma_wait3A_594 = tpu.memref_slice %arg9[%dma_wait3A_583, %dma_wait3A_584, %dma_wait3A_593] : memref<2x2x1024xi32, #tpu.memory_space<vmem>> -> memref<1x1x1024xi32, #tpu.memory_space<vmem>>
    %dma_wait3A_595 = tpu.memref_squeeze %dma_wait3A_594 : memref<1x1x1024xi32, #tpu.memory_space<vmem>> -> memref<1024xi32, #tpu.memory_space<vmem>>
    tpu.wait_dma2 semaphore(%dma_wait3A_591 : memref<!tpu.dma_semaphore, #tpu.memory_space<semaphore_mem>>) src(%dma_wait3A_595 : memref<1024xi32, #tpu.memory_space<vmem>>) dst(%dma_wait3A_592 : memref<1024xi32, #tpu.memory_space<hbm>>)
    %add3A_596 = arith.constant 7168 : i32
    %add3A_597 = arith.addi %multiple_of3A, %add3A_596 : i32
    %multiple_of3A_598 = tpu.assume_multiple %add3A_597, 128 : i32
    %dma_start3A_599 = arith.constant 1 : i32
    %dma_start3A_600 = arith.constant 1 : i32
    %dma_start3A_601 = arith.constant 0 : i32
    %dma_start3A_602 = arith.constant 0 : i32
    %dma_start3A_603 = tpu.memref_slice %arg9[%dma_start3A_599, %dma_start3A_601, %dma_start3A_602] : memref<2x2x1024xi32, #tpu.memory_space<vmem>> -> memref<1x2x1024xi32, #tpu.memory_space<vmem>>
    %dma_start3A_604 = tpu.memref_squeeze %dma_start3A_603 : memref<1x2x1024xi32, #tpu.memory_space<vmem>> -> memref<2x1024xi32, #tpu.memory_space<vmem>>
    %dma_start3A_605 = arith.constant 0 : i32
    %dma_start3A_606 = tpu.memref_slice %arg3[%dma_start3A_605, %multiple_of3A_598] : memref<2x320000xi32, #tpu.memory_space<hbm>> -> memref<2x1024xi32, #tpu.memory_space<hbm>>
    %dma_start3A_607 = tpu.memref_slice %arg16[%dma_start3A_600] : memref<2x!tpu.dma_semaphore, #tpu.memory_space<semaphore_mem>> -> memref<1x!tpu.dma_semaphore, #tpu.memory_space<semaphore_mem>>
    %dma_start3A_608 = tpu.memref_squeeze %dma_start3A_607 : memref<1x!tpu.dma_semaphore, #tpu.memory_space<semaphore_mem>> -> memref<!tpu.dma_semaphore, #tpu.memory_space<semaphore_mem>>
    %dma_start3A_609 = arith.constant 0 : i32
    %dma_start3A_610 = arith.constant 0 : i32
    %dma_start3A_611 = tpu.memref_slice %arg9[%dma_start3A_599, %dma_start3A_609, %dma_start3A_610] : memref<2x2x1024xi32, #tpu.memory_space<vmem>> -> memref<1x2x1024xi32, #tpu.memory_space<vmem>>
    %dma_start3A_612 = tpu.memref_squeeze %dma_start3A_611 : memref<1x2x1024xi32, #tpu.memory_space<vmem>> -> memref<2x1024xi32, #tpu.memory_space<vmem>>
    %dma_start3A_613 = arith.constant 0 : i32
    %dma_start3A_614 = tpu.memref_slice %arg3[%dma_start3A_613, %multiple_of3A_598] : memref<2x320000xi32, #tpu.memory_space<hbm>> -> memref<2x1024xi32, #tpu.memory_space<hbm>>
    tpu.enqueue_dma source(%dma_start3A_614 : memref<2x1024xi32, #tpu.memory_space<hbm>>) target(%dma_start3A_612 : memref<2x1024xi32, #tpu.memory_space<vmem>>) target_semaphore(%dma_start3A_608 : memref<!tpu.dma_semaphore, #tpu.memory_space<semaphore_mem>>)
    %add3A_615 = arith.constant 6144 : i32
    %add3A_616 = arith.addi %multiple_of3A, %add3A_615 : i32
    %multiple_of3A_617 = tpu.assume_multiple %add3A_616, 128 : i32
    %dma_wait3A_618 = arith.constant 0 : i32
    %dma_wait3A_619 = arith.constant 0 : i32
    %dma_wait3A_620 = arith.constant 0 : i32
    %dma_wait3A_621 = arith.constant 0 : i32
    %dma_wait3A_622 = tpu.memref_slice %arg9[%dma_wait3A_618, %dma_wait3A_620, %dma_wait3A_621] : memref<2x2x1024xi32, #tpu.memory_space<vmem>> -> memref<1x2x1024xi32, #tpu.memory_space<vmem>>
    %dma_wait3A_623 = tpu.memref_squeeze %dma_wait3A_622 : memref<1x2x1024xi32, #tpu.memory_space<vmem>> -> memref<2x1024xi32, #tpu.memory_space<vmem>>
    %dma_wait3A_624 = arith.constant 0 : i32
    %dma_wait3A_625 = tpu.memref_slice %arg3[%dma_wait3A_624, %multiple_of3A_617] : memref<2x320000xi32, #tpu.memory_space<hbm>> -> memref<2x1024xi32, #tpu.memory_space<hbm>>
    %dma_wait3A_626 = tpu.memref_slice %arg16[%dma_wait3A_619] : memref<2x!tpu.dma_semaphore, #tpu.memory_space<semaphore_mem>> -> memref<1x!tpu.dma_semaphore, #tpu.memory_space<semaphore_mem>>
    %dma_wait3A_627 = tpu.memref_squeeze %dma_wait3A_626 : memref<1x!tpu.dma_semaphore, #tpu.memory_space<semaphore_mem>> -> memref<!tpu.dma_semaphore, #tpu.memory_space<semaphore_mem>>
    %dma_wait3A_628 = arith.constant 0 : i32
    %dma_wait3A_629 = arith.constant 0 : i32
    %dma_wait3A_630 = tpu.memref_slice %arg9[%dma_wait3A_618, %dma_wait3A_628, %dma_wait3A_629] : memref<2x2x1024xi32, #tpu.memory_space<vmem>> -> memref<1x2x1024xi32, #tpu.memory_space<vmem>>
    %dma_wait3A_631 = tpu.memref_squeeze %dma_wait3A_630 : memref<1x2x1024xi32, #tpu.memory_space<vmem>> -> memref<2x1024xi32, #tpu.memory_space<vmem>>
    %dma_wait3A_632 = arith.constant 0 : i32
    %dma_wait3A_633 = tpu.memref_slice %arg3[%dma_wait3A_632, %multiple_of3A_617] : memref<2x320000xi32, #tpu.memory_space<hbm>> -> memref<2x1024xi32, #tpu.memory_space<hbm>>
    tpu.wait_dma2 semaphore(%dma_wait3A_627 : memref<!tpu.dma_semaphore, #tpu.memory_space<semaphore_mem>>) src(%dma_wait3A_633 : memref<2x1024xi32, #tpu.memory_space<hbm>>) dst(%dma_wait3A_631 : memref<2x1024xi32, #tpu.memory_space<vmem>>)
    %add3A_634 = arith.constant 6144 : i32
    %add3A_635 = arith.addi %multiple_of3A, %add3A_634 : i32
    %multiple_of3A_636 = tpu.assume_multiple %add3A_635, 128 : i32
    %dma_start3A_637 = arith.constant 0 : i32
    %dma_start3A_638 = arith.constant 0 : i32
    %dma_start3A_639 = arith.constant 0 : i32
    %dma_start3A_640 = arith.constant 0 : i32
    %dma_start3A_641 = tpu.memref_slice %arg9[%dma_start3A_637, %dma_start3A_638, %dma_start3A_640] : memref<2x2x1024xi32, #tpu.memory_space<vmem>> -> memref<1x1x1024xi32, #tpu.memory_space<vmem>>
    %dma_start3A_642 = tpu.memref_squeeze %dma_start3A_641 : memref<1x1x1024xi32, #tpu.memory_space<vmem>> -> memref<1024xi32, #tpu.memory_space<vmem>>
    %dma_start3A_643 = tpu.memref_slice %arg5[%multiple_of3A_636] : memref<320000xi32, #tpu.memory_space<hbm>> -> memref<1024xi32, #tpu.memory_space<hbm>>
    %dma_start3A_644 = tpu.memref_slice %arg17[%dma_start3A_639] : memref<2x!tpu.dma_semaphore, #tpu.memory_space<semaphore_mem>> -> memref<1x!tpu.dma_semaphore, #tpu.memory_space<semaphore_mem>>
    %dma_start3A_645 = tpu.memref_squeeze %dma_start3A_644 : memref<1x!tpu.dma_semaphore, #tpu.memory_space<semaphore_mem>> -> memref<!tpu.dma_semaphore, #tpu.memory_space<semaphore_mem>>
    %dma_start3A_646 = tpu.memref_slice %arg5[%multiple_of3A_636] : memref<320000xi32, #tpu.memory_space<hbm>> -> memref<1024xi32, #tpu.memory_space<hbm>>
    %dma_start3A_647 = arith.constant 0 : i32
    %dma_start3A_648 = tpu.memref_slice %arg9[%dma_start3A_637, %dma_start3A_638, %dma_start3A_647] : memref<2x2x1024xi32, #tpu.memory_space<vmem>> -> memref<1x1x1024xi32, #tpu.memory_space<vmem>>
    %dma_start3A_649 = tpu.memref_squeeze %dma_start3A_648 : memref<1x1x1024xi32, #tpu.memory_space<vmem>> -> memref<1024xi32, #tpu.memory_space<vmem>>
    tpu.enqueue_dma source(%dma_start3A_649 : memref<1024xi32, #tpu.memory_space<vmem>>) target(%dma_start3A_646 : memref<1024xi32, #tpu.memory_space<hbm>>) target_semaphore(%dma_start3A_645 : memref<!tpu.dma_semaphore, #tpu.memory_space<semaphore_mem>>)
    %dma_start3A_650 = arith.constant 0 : i32
    %dma_start3A_651 = arith.constant 1 : i32
    %dma_start3A_652 = arith.constant 0 : i32
    %dma_start3A_653 = arith.constant 0 : i32
    %dma_start3A_654 = tpu.memref_slice %arg9[%dma_start3A_650, %dma_start3A_651, %dma_start3A_653] : memref<2x2x1024xi32, #tpu.memory_space<vmem>> -> memref<1x1x1024xi32, #tpu.memory_space<vmem>>
    %dma_start3A_655 = tpu.memref_squeeze %dma_start3A_654 : memref<1x1x1024xi32, #tpu.memory_space<vmem>> -> memref<1024xi32, #tpu.memory_space<vmem>>
    %dma_start3A_656 = tpu.memref_slice %arg6[%multiple_of3A_636] : memref<320000xi32, #tpu.memory_space<hbm>> -> memref<1024xi32, #tpu.memory_space<hbm>>
    %dma_start3A_657 = tpu.memref_slice %arg17[%dma_start3A_652] : memref<2x!tpu.dma_semaphore, #tpu.memory_space<semaphore_mem>> -> memref<1x!tpu.dma_semaphore, #tpu.memory_space<semaphore_mem>>
    %dma_start3A_658 = tpu.memref_squeeze %dma_start3A_657 : memref<1x!tpu.dma_semaphore, #tpu.memory_space<semaphore_mem>> -> memref<!tpu.dma_semaphore, #tpu.memory_space<semaphore_mem>>
    %dma_start3A_659 = tpu.memref_slice %arg6[%multiple_of3A_636] : memref<320000xi32, #tpu.memory_space<hbm>> -> memref<1024xi32, #tpu.memory_space<hbm>>
    %dma_start3A_660 = arith.constant 0 : i32
    %dma_start3A_661 = tpu.memref_slice %arg9[%dma_start3A_650, %dma_start3A_651, %dma_start3A_660] : memref<2x2x1024xi32, #tpu.memory_space<vmem>> -> memref<1x1x1024xi32, #tpu.memory_space<vmem>>
    %dma_start3A_662 = tpu.memref_squeeze %dma_start3A_661 : memref<1x1x1024xi32, #tpu.memory_space<vmem>> -> memref<1024xi32, #tpu.memory_space<vmem>>
    tpu.enqueue_dma source(%dma_start3A_662 : memref<1024xi32, #tpu.memory_space<vmem>>) target(%dma_start3A_659 : memref<1024xi32, #tpu.memory_space<hbm>>) target_semaphore(%dma_start3A_658 : memref<!tpu.dma_semaphore, #tpu.memory_space<semaphore_mem>>)
    %dma_wait3A_663 = arith.constant 0 : i32
    %dma_wait3A_664 = arith.constant 0 : i32
    %dma_wait3A_665 = arith.constant 0 : i32
    %dma_wait3A_666 = arith.constant 0 : i32
    %dma_wait3A_667 = tpu.memref_slice %arg9[%dma_wait3A_663, %dma_wait3A_664, %dma_wait3A_666] : memref<2x2x1024xi32, #tpu.memory_space<vmem>> -> memref<1x1x1024xi32, #tpu.memory_space<vmem>>
    %dma_wait3A_668 = tpu.memref_squeeze %dma_wait3A_667 : memref<1x1x1024xi32, #tpu.memory_space<vmem>> -> memref<1024xi32, #tpu.memory_space<vmem>>
    %dma_wait3A_669 = tpu.memref_slice %arg5[%multiple_of3A_636] : memref<320000xi32, #tpu.memory_space<hbm>> -> memref<1024xi32, #tpu.memory_space<hbm>>
    %dma_wait3A_670 = tpu.memref_slice %arg17[%dma_wait3A_665] : memref<2x!tpu.dma_semaphore, #tpu.memory_space<semaphore_mem>> -> memref<1x!tpu.dma_semaphore, #tpu.memory_space<semaphore_mem>>
    %dma_wait3A_671 = tpu.memref_squeeze %dma_wait3A_670 : memref<1x!tpu.dma_semaphore, #tpu.memory_space<semaphore_mem>> -> memref<!tpu.dma_semaphore, #tpu.memory_space<semaphore_mem>>
    %dma_wait3A_672 = tpu.memref_slice %arg5[%multiple_of3A_636] : memref<320000xi32, #tpu.memory_space<hbm>> -> memref<1024xi32, #tpu.memory_space<hbm>>
    %dma_wait3A_673 = arith.constant 0 : i32
    %dma_wait3A_674 = tpu.memref_slice %arg9[%dma_wait3A_663, %dma_wait3A_664, %dma_wait3A_673] : memref<2x2x1024xi32, #tpu.memory_space<vmem>> -> memref<1x1x1024xi32, #tpu.memory_space<vmem>>
    %dma_wait3A_675 = tpu.memref_squeeze %dma_wait3A_674 : memref<1x1x1024xi32, #tpu.memory_space<vmem>> -> memref<1024xi32, #tpu.memory_space<vmem>>
    tpu.wait_dma2 semaphore(%dma_wait3A_671 : memref<!tpu.dma_semaphore, #tpu.memory_space<semaphore_mem>>) src(%dma_wait3A_675 : memref<1024xi32, #tpu.memory_space<vmem>>) dst(%dma_wait3A_672 : memref<1024xi32, #tpu.memory_space<hbm>>)
    %dma_wait3A_676 = arith.constant 0 : i32
    %dma_wait3A_677 = arith.constant 1 : i32
    %dma_wait3A_678 = arith.constant 0 : i32
    %dma_wait3A_679 = arith.constant 0 : i32
    %dma_wait3A_680 = tpu.memref_slice %arg9[%dma_wait3A_676, %dma_wait3A_677, %dma_wait3A_679] : memref<2x2x1024xi32, #tpu.memory_space<vmem>> -> memref<1x1x1024xi32, #tpu.memory_space<vmem>>
    %dma_wait3A_681 = tpu.memref_squeeze %dma_wait3A_680 : memref<1x1x1024xi32, #tpu.memory_space<vmem>> -> memref<1024xi32, #tpu.memory_space<vmem>>
    %dma_wait3A_682 = tpu.memref_slice %arg6[%multiple_of3A_636] : memref<320000xi32, #tpu.memory_space<hbm>> -> memref<1024xi32, #tpu.memory_space<hbm>>
    %dma_wait3A_683 = tpu.memref_slice %arg17[%dma_wait3A_678] : memref<2x!tpu.dma_semaphore, #tpu.memory_space<semaphore_mem>> -> memref<1x!tpu.dma_semaphore, #tpu.memory_space<semaphore_mem>>
    %dma_wait3A_684 = tpu.memref_squeeze %dma_wait3A_683 : memref<1x!tpu.dma_semaphore, #tpu.memory_space<semaphore_mem>> -> memref<!tpu.dma_semaphore, #tpu.memory_space<semaphore_mem>>
    %dma_wait3A_685 = tpu.memref_slice %arg6[%multiple_of3A_636] : memref<320000xi32, #tpu.memory_space<hbm>> -> memref<1024xi32, #tpu.memory_space<hbm>>
    %dma_wait3A_686 = arith.constant 0 : i32
    %dma_wait3A_687 = tpu.memref_slice %arg9[%dma_wait3A_676, %dma_wait3A_677, %dma_wait3A_686] : memref<2x2x1024xi32, #tpu.memory_space<vmem>> -> memref<1x1x1024xi32, #tpu.memory_space<vmem>>
    %dma_wait3A_688 = tpu.memref_squeeze %dma_wait3A_687 : memref<1x1x1024xi32, #tpu.memory_space<vmem>> -> memref<1024xi32, #tpu.memory_space<vmem>>
    tpu.wait_dma2 semaphore(%dma_wait3A_684 : memref<!tpu.dma_semaphore, #tpu.memory_space<semaphore_mem>>) src(%dma_wait3A_688 : memref<1024xi32, #tpu.memory_space<vmem>>) dst(%dma_wait3A_685 : memref<1024xi32, #tpu.memory_space<hbm>>)
    %add3A_689 = arith.constant 8192 : i32
    %add3A_690 = arith.addi %multiple_of3A, %add3A_689 : i32
    %multiple_of3A_691 = tpu.assume_multiple %add3A_690, 128 : i32
    %dma_start3A_692 = arith.constant 0 : i32
    %dma_start3A_693 = arith.constant 0 : i32
    %dma_start3A_694 = arith.constant 0 : i32
    %dma_start3A_695 = arith.constant 0 : i32
    %dma_start3A_696 = tpu.memref_slice %arg9[%dma_start3A_692, %dma_start3A_694, %dma_start3A_695] : memref<2x2x1024xi32, #tpu.memory_space<vmem>> -> memref<1x2x1024xi32, #tpu.memory_space<vmem>>
    %dma_start3A_697 = tpu.memref_squeeze %dma_start3A_696 : memref<1x2x1024xi32, #tpu.memory_space<vmem>> -> memref<2x1024xi32, #tpu.memory_space<vmem>>
    %dma_start3A_698 = arith.constant 0 : i32
    %dma_start3A_699 = tpu.memref_slice %arg3[%dma_start3A_698, %multiple_of3A_691] : memref<2x320000xi32, #tpu.memory_space<hbm>> -> memref<2x1024xi32, #tpu.memory_space<hbm>>
    %dma_start3A_700 = tpu.memref_slice %arg16[%dma_start3A_693] : memref<2x!tpu.dma_semaphore, #tpu.memory_space<semaphore_mem>> -> memref<1x!tpu.dma_semaphore, #tpu.memory_space<semaphore_mem>>
    %dma_start3A_701 = tpu.memref_squeeze %dma_start3A_700 : memref<1x!tpu.dma_semaphore, #tpu.memory_space<semaphore_mem>> -> memref<!tpu.dma_semaphore, #tpu.memory_space<semaphore_mem>>
    %dma_start3A_702 = arith.constant 0 : i32
    %dma_start3A_703 = arith.constant 0 : i32
    %dma_start3A_704 = tpu.memref_slice %arg9[%dma_start3A_692, %dma_start3A_702, %dma_start3A_703] : memref<2x2x1024xi32, #tpu.memory_space<vmem>> -> memref<1x2x1024xi32, #tpu.memory_space<vmem>>
    %dma_start3A_705 = tpu.memref_squeeze %dma_start3A_704 : memref<1x2x1024xi32, #tpu.memory_space<vmem>> -> memref<2x1024xi32, #tpu.memory_space<vmem>>
    %dma_start3A_706 = arith.constant 0 : i32
    %dma_start3A_707 = tpu.memref_slice %arg3[%dma_start3A_706, %multiple_of3A_691] : memref<2x320000xi32, #tpu.memory_space<hbm>> -> memref<2x1024xi32, #tpu.memory_space<hbm>>
    tpu.enqueue_dma source(%dma_start3A_707 : memref<2x1024xi32, #tpu.memory_space<hbm>>) target(%dma_start3A_705 : memref<2x1024xi32, #tpu.memory_space<vmem>>) target_semaphore(%dma_start3A_701 : memref<!tpu.dma_semaphore, #tpu.memory_space<semaphore_mem>>)
    %add3A_708 = arith.constant 7168 : i32
    %add3A_709 = arith.addi %multiple_of3A, %add3A_708 : i32
    %multiple_of3A_710 = tpu.assume_multiple %add3A_709, 128 : i32
    %dma_wait3A_711 = arith.constant 1 : i32
    %dma_wait3A_712 = arith.constant 1 : i32
    %dma_wait3A_713 = arith.constant 0 : i32
    %dma_wait3A_714 = arith.constant 0 : i32
    %dma_wait3A_715 = tpu.memref_slice %arg9[%dma_wait3A_711, %dma_wait3A_713, %dma_wait3A_714] : memref<2x2x1024xi32, #tpu.memory_space<vmem>> -> memref<1x2x1024xi32, #tpu.memory_space<vmem>>
    %dma_wait3A_716 = tpu.memref_squeeze %dma_wait3A_715 : memref<1x2x1024xi32, #tpu.memory_space<vmem>> -> memref<2x1024xi32, #tpu.memory_space<vmem>>
    %dma_wait3A_717 = arith.constant 0 : i32
    %dma_wait3A_718 = tpu.memref_slice %arg3[%dma_wait3A_717, %multiple_of3A_710] : memref<2x320000xi32, #tpu.memory_space<hbm>> -> memref<2x1024xi32, #tpu.memory_space<hbm>>
    %dma_wait3A_719 = tpu.memref_slice %arg16[%dma_wait3A_712] : memref<2x!tpu.dma_semaphore, #tpu.memory_space<semaphore_mem>> -> memref<1x!tpu.dma_semaphore, #tpu.memory_space<semaphore_mem>>
    %dma_wait3A_720 = tpu.memref_squeeze %dma_wait3A_719 : memref<1x!tpu.dma_semaphore, #tpu.memory_space<semaphore_mem>> -> memref<!tpu.dma_semaphore, #tpu.memory_space<semaphore_mem>>
    %dma_wait3A_721 = arith.constant 0 : i32
    %dma_wait3A_722 = arith.constant 0 : i32
    %dma_wait3A_723 = tpu.memref_slice %arg9[%dma_wait3A_711, %dma_wait3A_721, %dma_wait3A_722] : memref<2x2x1024xi32, #tpu.memory_space<vmem>> -> memref<1x2x1024xi32, #tpu.memory_space<vmem>>
    %dma_wait3A_724 = tpu.memref_squeeze %dma_wait3A_723 : memref<1x2x1024xi32, #tpu.memory_space<vmem>> -> memref<2x1024xi32, #tpu.memory_space<vmem>>
    %dma_wait3A_725 = arith.constant 0 : i32
    %dma_wait3A_726 = tpu.memref_slice %arg3[%dma_wait3A_725, %multiple_of3A_710] : memref<2x320000xi32, #tpu.memory_space<hbm>> -> memref<2x1024xi32, #tpu.memory_space<hbm>>
    tpu.wait_dma2 semaphore(%dma_wait3A_720 : memref<!tpu.dma_semaphore, #tpu.memory_space<semaphore_mem>>) src(%dma_wait3A_726 : memref<2x1024xi32, #tpu.memory_space<hbm>>) dst(%dma_wait3A_724 : memref<2x1024xi32, #tpu.memory_space<vmem>>)
    %add3A_727 = arith.constant 7168 : i32
    %add3A_728 = arith.addi %multiple_of3A, %add3A_727 : i32
    %multiple_of3A_729 = tpu.assume_multiple %add3A_728, 128 : i32
    %dma_start3A_730 = arith.constant 1 : i32
    %dma_start3A_731 = arith.constant 0 : i32
    %dma_start3A_732 = arith.constant 1 : i32
    %dma_start3A_733 = arith.constant 0 : i32
    %dma_start3A_734 = tpu.memref_slice %arg9[%dma_start3A_730, %dma_start3A_731, %dma_start3A_733] : memref<2x2x1024xi32, #tpu.memory_space<vmem>> -> memref<1x1x1024xi32, #tpu.memory_space<vmem>>
    %dma_start3A_735 = tpu.memref_squeeze %dma_start3A_734 : memref<1x1x1024xi32, #tpu.memory_space<vmem>> -> memref<1024xi32, #tpu.memory_space<vmem>>
    %dma_start3A_736 = tpu.memref_slice %arg5[%multiple_of3A_729] : memref<320000xi32, #tpu.memory_space<hbm>> -> memref<1024xi32, #tpu.memory_space<hbm>>
    %dma_start3A_737 = tpu.memref_slice %arg17[%dma_start3A_732] : memref<2x!tpu.dma_semaphore, #tpu.memory_space<semaphore_mem>> -> memref<1x!tpu.dma_semaphore, #tpu.memory_space<semaphore_mem>>
    %dma_start3A_738 = tpu.memref_squeeze %dma_start3A_737 : memref<1x!tpu.dma_semaphore, #tpu.memory_space<semaphore_mem>> -> memref<!tpu.dma_semaphore, #tpu.memory_space<semaphore_mem>>
    %dma_start3A_739 = tpu.memref_slice %arg5[%multiple_of3A_729] : memref<320000xi32, #tpu.memory_space<hbm>> -> memref<1024xi32, #tpu.memory_space<hbm>>
    %dma_start3A_740 = arith.constant 0 : i32
    %dma_start3A_741 = tpu.memref_slice %arg9[%dma_start3A_730, %dma_start3A_731, %dma_start3A_740] : memref<2x2x1024xi32, #tpu.memory_space<vmem>> -> memref<1x1x1024xi32, #tpu.memory_space<vmem>>
    %dma_start3A_742 = tpu.memref_squeeze %dma_start3A_741 : memref<1x1x1024xi32, #tpu.memory_space<vmem>> -> memref<1024xi32, #tpu.memory_space<vmem>>
    tpu.enqueue_dma source(%dma_start3A_742 : memref<1024xi32, #tpu.memory_space<vmem>>) target(%dma_start3A_739 : memref<1024xi32, #tpu.memory_space<hbm>>) target_semaphore(%dma_start3A_738 : memref<!tpu.dma_semaphore, #tpu.memory_space<semaphore_mem>>)
    %dma_start3A_743 = arith.constant 1 : i32
    %dma_start3A_744 = arith.constant 1 : i32
    %dma_start3A_745 = arith.constant 1 : i32
    %dma_start3A_746 = arith.constant 0 : i32
    %dma_start3A_747 = tpu.memref_slice %arg9[%dma_start3A_743, %dma_start3A_744, %dma_start3A_746] : memref<2x2x1024xi32, #tpu.memory_space<vmem>> -> memref<1x1x1024xi32, #tpu.memory_space<vmem>>
    %dma_start3A_748 = tpu.memref_squeeze %dma_start3A_747 : memref<1x1x1024xi32, #tpu.memory_space<vmem>> -> memref<1024xi32, #tpu.memory_space<vmem>>
    %dma_start3A_749 = tpu.memref_slice %arg6[%multiple_of3A_729] : memref<320000xi32, #tpu.memory_space<hbm>> -> memref<1024xi32, #tpu.memory_space<hbm>>
    %dma_start3A_750 = tpu.memref_slice %arg17[%dma_start3A_745] : memref<2x!tpu.dma_semaphore, #tpu.memory_space<semaphore_mem>> -> memref<1x!tpu.dma_semaphore, #tpu.memory_space<semaphore_mem>>
    %dma_start3A_751 = tpu.memref_squeeze %dma_start3A_750 : memref<1x!tpu.dma_semaphore, #tpu.memory_space<semaphore_mem>> -> memref<!tpu.dma_semaphore, #tpu.memory_space<semaphore_mem>>
    %dma_start3A_752 = tpu.memref_slice %arg6[%multiple_of3A_729] : memref<320000xi32, #tpu.memory_space<hbm>> -> memref<1024xi32, #tpu.memory_space<hbm>>
    %dma_start3A_753 = arith.constant 0 : i32
    %dma_start3A_754 = tpu.memref_slice %arg9[%dma_start3A_743, %dma_start3A_744, %dma_start3A_753] : memref<2x2x1024xi32, #tpu.memory_space<vmem>> -> memref<1x1x1024xi32, #tpu.memory_space<vmem>>
    %dma_start3A_755 = tpu.memref_squeeze %dma_start3A_754 : memref<1x1x1024xi32, #tpu.memory_space<vmem>> -> memref<1024xi32, #tpu.memory_space<vmem>>
    tpu.enqueue_dma source(%dma_start3A_755 : memref<1024xi32, #tpu.memory_space<vmem>>) target(%dma_start3A_752 : memref<1024xi32, #tpu.memory_space<hbm>>) target_semaphore(%dma_start3A_751 : memref<!tpu.dma_semaphore, #tpu.memory_space<semaphore_mem>>)
    %dma_wait3A_756 = arith.constant 1 : i32
    %dma_wait3A_757 = arith.constant 0 : i32
    %dma_wait3A_758 = arith.constant 1 : i32
    %dma_wait3A_759 = arith.constant 0 : i32
    %dma_wait3A_760 = tpu.memref_slice %arg9[%dma_wait3A_756, %dma_wait3A_757, %dma_wait3A_759] : memref<2x2x1024xi32, #tpu.memory_space<vmem>> -> memref<1x1x1024xi32, #tpu.memory_space<vmem>>
    %dma_wait3A_761 = tpu.memref_squeeze %dma_wait3A_760 : memref<1x1x1024xi32, #tpu.memory_space<vmem>> -> memref<1024xi32, #tpu.memory_space<vmem>>
    %dma_wait3A_762 = tpu.memref_slice %arg5[%multiple_of3A_729] : memref<320000xi32, #tpu.memory_space<hbm>> -> memref<1024xi32, #tpu.memory_space<hbm>>
    %dma_wait3A_763 = tpu.memref_slice %arg17[%dma_wait3A_758] : memref<2x!tpu.dma_semaphore, #tpu.memory_space<semaphore_mem>> -> memref<1x!tpu.dma_semaphore, #tpu.memory_space<semaphore_mem>>
    %dma_wait3A_764 = tpu.memref_squeeze %dma_wait3A_763 : memref<1x!tpu.dma_semaphore, #tpu.memory_space<semaphore_mem>> -> memref<!tpu.dma_semaphore, #tpu.memory_space<semaphore_mem>>
    %dma_wait3A_765 = tpu.memref_slice %arg5[%multiple_of3A_729] : memref<320000xi32, #tpu.memory_space<hbm>> -> memref<1024xi32, #tpu.memory_space<hbm>>
    %dma_wait3A_766 = arith.constant 0 : i32
    %dma_wait3A_767 = tpu.memref_slice %arg9[%dma_wait3A_756, %dma_wait3A_757, %dma_wait3A_766] : memref<2x2x1024xi32, #tpu.memory_space<vmem>> -> memref<1x1x1024xi32, #tpu.memory_space<vmem>>
    %dma_wait3A_768 = tpu.memref_squeeze %dma_wait3A_767 : memref<1x1x1024xi32, #tpu.memory_space<vmem>> -> memref<1024xi32, #tpu.memory_space<vmem>>
    tpu.wait_dma2 semaphore(%dma_wait3A_764 : memref<!tpu.dma_semaphore, #tpu.memory_space<semaphore_mem>>) src(%dma_wait3A_768 : memref<1024xi32, #tpu.memory_space<vmem>>) dst(%dma_wait3A_765 : memref<1024xi32, #tpu.memory_space<hbm>>)
    %dma_wait3A_769 = arith.constant 1 : i32
    %dma_wait3A_770 = arith.constant 1 : i32
    %dma_wait3A_771 = arith.constant 1 : i32
    %dma_wait3A_772 = arith.constant 0 : i32
    %dma_wait3A_773 = tpu.memref_slice %arg9[%dma_wait3A_769, %dma_wait3A_770, %dma_wait3A_772] : memref<2x2x1024xi32, #tpu.memory_space<vmem>> -> memref<1x1x1024xi32, #tpu.memory_space<vmem>>
    %dma_wait3A_774 = tpu.memref_squeeze %dma_wait3A_773 : memref<1x1x1024xi32, #tpu.memory_space<vmem>> -> memref<1024xi32, #tpu.memory_space<vmem>>
    %dma_wait3A_775 = tpu.memref_slice %arg6[%multiple_of3A_729] : memref<320000xi32, #tpu.memory_space<hbm>> -> memref<1024xi32, #tpu.memory_space<hbm>>
    %dma_wait3A_776 = tpu.memref_slice %arg17[%dma_wait3A_771] : memref<2x!tpu.dma_semaphore, #tpu.memory_space<semaphore_mem>> -> memref<1x!tpu.dma_semaphore, #tpu.memory_space<semaphore_mem>>
    %dma_wait3A_777 = tpu.memref_squeeze %dma_wait3A_776 : memref<1x!tpu.dma_semaphore, #tpu.memory_space<semaphore_mem>> -> memref<!tpu.dma_semaphore, #tpu.memory_space<semaphore_mem>>
    %dma_wait3A_778 = tpu.memref_slice %arg6[%multiple_of3A_729] : memref<320000xi32, #tpu.memory_space<hbm>> -> memref<1024xi32, #tpu.memory_space<hbm>>
    %dma_wait3A_779 = arith.constant 0 : i32
    %dma_wait3A_780 = tpu.memref_slice %arg9[%dma_wait3A_769, %dma_wait3A_770, %dma_wait3A_779] : memref<2x2x1024xi32, #tpu.memory_space<vmem>> -> memref<1x1x1024xi32, #tpu.memory_space<vmem>>
    %dma_wait3A_781 = tpu.memref_squeeze %dma_wait3A_780 : memref<1x1x1024xi32, #tpu.memory_space<vmem>> -> memref<1024xi32, #tpu.memory_space<vmem>>
    tpu.wait_dma2 semaphore(%dma_wait3A_777 : memref<!tpu.dma_semaphore, #tpu.memory_space<semaphore_mem>>) src(%dma_wait3A_781 : memref<1024xi32, #tpu.memory_space<vmem>>) dst(%dma_wait3A_778 : memref<1024xi32, #tpu.memory_space<hbm>>)
    %add3A_782 = arith.constant 9216 : i32
    %add3A_783 = arith.addi %multiple_of3A, %add3A_782 : i32
    %multiple_of3A_784 = tpu.assume_multiple %add3A_783, 128 : i32
    %dma_start3A_785 = arith.constant 1 : i32
    %dma_start3A_786 = arith.constant 1 : i32
    %dma_start3A_787 = arith.constant 0 : i32
    %dma_start3A_788 = arith.constant 0 : i32
    %dma_start3A_789 = tpu.memref_slice %arg9[%dma_start3A_785, %dma_start3A_787, %dma_start3A_788] : memref<2x2x1024xi32, #tpu.memory_space<vmem>> -> memref<1x2x896xi32, #tpu.memory_space<vmem>>
    %dma_start3A_790 = tpu.memref_squeeze %dma_start3A_789 : memref<1x2x896xi32, #tpu.memory_space<vmem>> -> memref<2x896xi32, #tpu.memory_space<vmem>>
    %dma_start3A_791 = arith.constant 0 : i32
    %dma_start3A_792 = tpu.memref_slice %arg3[%dma_start3A_791, %multiple_of3A_784] : memref<2x320000xi32, #tpu.memory_space<hbm>> -> memref<2x896xi32, #tpu.memory_space<hbm>>
    %dma_start3A_793 = tpu.memref_slice %arg16[%dma_start3A_786] : memref<2x!tpu.dma_semaphore, #tpu.memory_space<semaphore_mem>> -> memref<1x!tpu.dma_semaphore, #tpu.memory_space<semaphore_mem>>
    %dma_start3A_794 = tpu.memref_squeeze %dma_start3A_793 : memref<1x!tpu.dma_semaphore, #tpu.memory_space<semaphore_mem>> -> memref<!tpu.dma_semaphore, #tpu.memory_space<semaphore_mem>>
    %dma_start3A_795 = arith.constant 0 : i32
    %dma_start3A_796 = arith.constant 0 : i32
    %dma_start3A_797 = tpu.memref_slice %arg9[%dma_start3A_785, %dma_start3A_795, %dma_start3A_796] : memref<2x2x1024xi32, #tpu.memory_space<vmem>> -> memref<1x2x896xi32, #tpu.memory_space<vmem>>
    %dma_start3A_798 = tpu.memref_squeeze %dma_start3A_797 : memref<1x2x896xi32, #tpu.memory_space<vmem>> -> memref<2x896xi32, #tpu.memory_space<vmem>>
    %dma_start3A_799 = arith.constant 0 : i32
    %dma_start3A_800 = tpu.memref_slice %arg3[%dma_start3A_799, %multiple_of3A_784] : memref<2x320000xi32, #tpu.memory_space<hbm>> -> memref<2x896xi32, #tpu.memory_space<hbm>>
    tpu.enqueue_dma source(%dma_start3A_800 : memref<2x896xi32, #tpu.memory_space<hbm>>) target(%dma_start3A_798 : memref<2x896xi32, #tpu.memory_space<vmem>>) target_semaphore(%dma_start3A_794 : memref<!tpu.dma_semaphore, #tpu.memory_space<semaphore_mem>>)
    %add3A_801 = arith.constant 8192 : i32
    %add3A_802 = arith.addi %multiple_of3A, %add3A_801 : i32
    %multiple_of3A_803 = tpu.assume_multiple %add3A_802, 128 : i32
    %dma_wait3A_804 = arith.constant 0 : i32
    %dma_wait3A_805 = arith.constant 0 : i32
    %dma_wait3A_806 = arith.constant 0 : i32
    %dma_wait3A_807 = arith.constant 0 : i32
    %dma_wait3A_808 = tpu.memref_slice %arg9[%dma_wait3A_804, %dma_wait3A_806, %dma_wait3A_807] : memref<2x2x1024xi32, #tpu.memory_space<vmem>> -> memref<1x2x1024xi32, #tpu.memory_space<vmem>>
    %dma_wait3A_809 = tpu.memref_squeeze %dma_wait3A_808 : memref<1x2x1024xi32, #tpu.memory_space<vmem>> -> memref<2x1024xi32, #tpu.memory_space<vmem>>
    %dma_wait3A_810 = arith.constant 0 : i32
    %dma_wait3A_811 = tpu.memref_slice %arg3[%dma_wait3A_810, %multiple_of3A_803] : memref<2x320000xi32, #tpu.memory_space<hbm>> -> memref<2x1024xi32, #tpu.memory_space<hbm>>
    %dma_wait3A_812 = tpu.memref_slice %arg16[%dma_wait3A_805] : memref<2x!tpu.dma_semaphore, #tpu.memory_space<semaphore_mem>> -> memref<1x!tpu.dma_semaphore, #tpu.memory_space<semaphore_mem>>
    %dma_wait3A_813 = tpu.memref_squeeze %dma_wait3A_812 : memref<1x!tpu.dma_semaphore, #tpu.memory_space<semaphore_mem>> -> memref<!tpu.dma_semaphore, #tpu.memory_space<semaphore_mem>>
    %dma_wait3A_814 = arith.constant 0 : i32
    %dma_wait3A_815 = arith.constant 0 : i32
    %dma_wait3A_816 = tpu.memref_slice %arg9[%dma_wait3A_804, %dma_wait3A_814, %dma_wait3A_815] : memref<2x2x1024xi32, #tpu.memory_space<vmem>> -> memref<1x2x1024xi32, #tpu.memory_space<vmem>>
    %dma_wait3A_817 = tpu.memref_squeeze %dma_wait3A_816 : memref<1x2x1024xi32, #tpu.memory_space<vmem>> -> memref<2x1024xi32, #tpu.memory_space<vmem>>
    %dma_wait3A_818 = arith.constant 0 : i32
    %dma_wait3A_819 = tpu.memref_slice %arg3[%dma_wait3A_818, %multiple_of3A_803] : memref<2x320000xi32, #tpu.memory_space<hbm>> -> memref<2x1024xi32, #tpu.memory_space<hbm>>
    tpu.wait_dma2 semaphore(%dma_wait3A_813 : memref<!tpu.dma_semaphore, #tpu.memory_space<semaphore_mem>>) src(%dma_wait3A_819 : memref<2x1024xi32, #tpu.memory_space<hbm>>) dst(%dma_wait3A_817 : memref<2x1024xi32, #tpu.memory_space<vmem>>)
    %add3A_820 = arith.constant 8192 : i32
    %add3A_821 = arith.addi %multiple_of3A, %add3A_820 : i32
    %multiple_of3A_822 = tpu.assume_multiple %add3A_821, 128 : i32
    %dma_start3A_823 = arith.constant 0 : i32
    %dma_start3A_824 = arith.constant 0 : i32
    %dma_start3A_825 = arith.constant 0 : i32
    %dma_start3A_826 = arith.constant 0 : i32
    %dma_start3A_827 = tpu.memref_slice %arg9[%dma_start3A_823, %dma_start3A_824, %dma_start3A_826] : memref<2x2x1024xi32, #tpu.memory_space<vmem>> -> memref<1x1x1024xi32, #tpu.memory_space<vmem>>
    %dma_start3A_828 = tpu.memref_squeeze %dma_start3A_827 : memref<1x1x1024xi32, #tpu.memory_space<vmem>> -> memref<1024xi32, #tpu.memory_space<vmem>>
    %dma_start3A_829 = tpu.memref_slice %arg5[%multiple_of3A_822] : memref<320000xi32, #tpu.memory_space<hbm>> -> memref<1024xi32, #tpu.memory_space<hbm>>
    %dma_start3A_830 = tpu.memref_slice %arg17[%dma_start3A_825] : memref<2x!tpu.dma_semaphore, #tpu.memory_space<semaphore_mem>> -> memref<1x!tpu.dma_semaphore, #tpu.memory_space<semaphore_mem>>
    %dma_start3A_831 = tpu.memref_squeeze %dma_start3A_830 : memref<1x!tpu.dma_semaphore, #tpu.memory_space<semaphore_mem>> -> memref<!tpu.dma_semaphore, #tpu.memory_space<semaphore_mem>>
    %dma_start3A_832 = tpu.memref_slice %arg5[%multiple_of3A_822] : memref<320000xi32, #tpu.memory_space<hbm>> -> memref<1024xi32, #tpu.memory_space<hbm>>
    %dma_start3A_833 = arith.constant 0 : i32
    %dma_start3A_834 = tpu.memref_slice %arg9[%dma_start3A_823, %dma_start3A_824, %dma_start3A_833] : memref<2x2x1024xi32, #tpu.memory_space<vmem>> -> memref<1x1x1024xi32, #tpu.memory_space<vmem>>
    %dma_start3A_835 = tpu.memref_squeeze %dma_start3A_834 : memref<1x1x1024xi32, #tpu.memory_space<vmem>> -> memref<1024xi32, #tpu.memory_space<vmem>>
    tpu.enqueue_dma source(%dma_start3A_835 : memref<1024xi32, #tpu.memory_space<vmem>>) target(%dma_start3A_832 : memref<1024xi32, #tpu.memory_space<hbm>>) target_semaphore(%dma_start3A_831 : memref<!tpu.dma_semaphore, #tpu.memory_space<semaphore_mem>>)
    %dma_start3A_836 = arith.constant 0 : i32
    %dma_start3A_837 = arith.constant 1 : i32
    %dma_start3A_838 = arith.constant 0 : i32
    %dma_start3A_839 = arith.constant 0 : i32
    %dma_start3A_840 = tpu.memref_slice %arg9[%dma_start3A_836, %dma_start3A_837, %dma_start3A_839] : memref<2x2x1024xi32, #tpu.memory_space<vmem>> -> memref<1x1x1024xi32, #tpu.memory_space<vmem>>
    %dma_start3A_841 = tpu.memref_squeeze %dma_start3A_840 : memref<1x1x1024xi32, #tpu.memory_space<vmem>> -> memref<1024xi32, #tpu.memory_space<vmem>>
    %dma_start3A_842 = tpu.memref_slice %arg6[%multiple_of3A_822] : memref<320000xi32, #tpu.memory_space<hbm>> -> memref<1024xi32, #tpu.memory_space<hbm>>
    %dma_start3A_843 = tpu.memref_slice %arg17[%dma_start3A_838] : memref<2x!tpu.dma_semaphore, #tpu.memory_space<semaphore_mem>> -> memref<1x!tpu.dma_semaphore, #tpu.memory_space<semaphore_mem>>
    %dma_start3A_844 = tpu.memref_squeeze %dma_start3A_843 : memref<1x!tpu.dma_semaphore, #tpu.memory_space<semaphore_mem>> -> memref<!tpu.dma_semaphore, #tpu.memory_space<semaphore_mem>>
    %dma_start3A_845 = tpu.memref_slice %arg6[%multiple_of3A_822] : memref<320000xi32, #tpu.memory_space<hbm>> -> memref<1024xi32, #tpu.memory_space<hbm>>
    %dma_start3A_846 = arith.constant 0 : i32
    %dma_start3A_847 = tpu.memref_slice %arg9[%dma_start3A_836, %dma_start3A_837, %dma_start3A_846] : memref<2x2x1024xi32, #tpu.memory_space<vmem>> -> memref<1x1x1024xi32, #tpu.memory_space<vmem>>
    %dma_start3A_848 = tpu.memref_squeeze %dma_start3A_847 : memref<1x1x1024xi32, #tpu.memory_space<vmem>> -> memref<1024xi32, #tpu.memory_space<vmem>>
    tpu.enqueue_dma source(%dma_start3A_848 : memref<1024xi32, #tpu.memory_space<vmem>>) target(%dma_start3A_845 : memref<1024xi32, #tpu.memory_space<hbm>>) target_semaphore(%dma_start3A_844 : memref<!tpu.dma_semaphore, #tpu.memory_space<semaphore_mem>>)
    %add3A_849 = arith.constant 9216 : i32
    %add3A_850 = arith.addi %multiple_of3A, %add3A_849 : i32
    %multiple_of3A_851 = tpu.assume_multiple %add3A_850, 128 : i32
    %dma_wait3A_852 = arith.constant 1 : i32
    %dma_wait3A_853 = arith.constant 1 : i32
    %dma_wait3A_854 = arith.constant 0 : i32
    %dma_wait3A_855 = arith.constant 0 : i32
    %dma_wait3A_856 = tpu.memref_slice %arg9[%dma_wait3A_852, %dma_wait3A_854, %dma_wait3A_855] : memref<2x2x1024xi32, #tpu.memory_space<vmem>> -> memref<1x2x896xi32, #tpu.memory_space<vmem>>
    %dma_wait3A_857 = tpu.memref_squeeze %dma_wait3A_856 : memref<1x2x896xi32, #tpu.memory_space<vmem>> -> memref<2x896xi32, #tpu.memory_space<vmem>>
    %dma_wait3A_858 = arith.constant 0 : i32
    %dma_wait3A_859 = tpu.memref_slice %arg3[%dma_wait3A_858, %multiple_of3A_851] : memref<2x320000xi32, #tpu.memory_space<hbm>> -> memref<2x896xi32, #tpu.memory_space<hbm>>
    %dma_wait3A_860 = tpu.memref_slice %arg16[%dma_wait3A_853] : memref<2x!tpu.dma_semaphore, #tpu.memory_space<semaphore_mem>> -> memref<1x!tpu.dma_semaphore, #tpu.memory_space<semaphore_mem>>
    %dma_wait3A_861 = tpu.memref_squeeze %dma_wait3A_860 : memref<1x!tpu.dma_semaphore, #tpu.memory_space<semaphore_mem>> -> memref<!tpu.dma_semaphore, #tpu.memory_space<semaphore_mem>>
    %dma_wait3A_862 = arith.constant 0 : i32
    %dma_wait3A_863 = arith.constant 0 : i32
    %dma_wait3A_864 = tpu.memref_slice %arg9[%dma_wait3A_852, %dma_wait3A_862, %dma_wait3A_863] : memref<2x2x1024xi32, #tpu.memory_space<vmem>> -> memref<1x2x896xi32, #tpu.memory_space<vmem>>
    %dma_wait3A_865 = tpu.memref_squeeze %dma_wait3A_864 : memref<1x2x896xi32, #tpu.memory_space<vmem>> -> memref<2x896xi32, #tpu.memory_space<vmem>>
    %dma_wait3A_866 = arith.constant 0 : i32
    %dma_wait3A_867 = tpu.memref_slice %arg3[%dma_wait3A_866, %multiple_of3A_851] : memref<2x320000xi32, #tpu.memory_space<hbm>> -> memref<2x896xi32, #tpu.memory_space<hbm>>
    tpu.wait_dma2 semaphore(%dma_wait3A_861 : memref<!tpu.dma_semaphore, #tpu.memory_space<semaphore_mem>>) src(%dma_wait3A_867 : memref<2x896xi32, #tpu.memory_space<hbm>>) dst(%dma_wait3A_865 : memref<2x896xi32, #tpu.memory_space<vmem>>)
    %add3A_868 = arith.constant 9216 : i32
    %add3A_869 = arith.addi %multiple_of3A, %add3A_868 : i32
    %multiple_of3A_870 = tpu.assume_multiple %add3A_869, 128 : i32
    %dma_start3A_871 = arith.constant 1 : i32
    %dma_start3A_872 = arith.constant 0 : i32
    %dma_start3A_873 = arith.constant 1 : i32
    %dma_start3A_874 = arith.constant 0 : i32
    %dma_start3A_875 = tpu.memref_slice %arg9[%dma_start3A_871, %dma_start3A_872, %dma_start3A_874] : memref<2x2x1024xi32, #tpu.memory_space<vmem>> -> memref<1x1x896xi32, #tpu.memory_space<vmem>>
    %dma_start3A_876 = tpu.memref_squeeze %dma_start3A_875 : memref<1x1x896xi32, #tpu.memory_space<vmem>> -> memref<896xi32, #tpu.memory_space<vmem>>
    %dma_start3A_877 = tpu.memref_slice %arg5[%multiple_of3A_870] : memref<320000xi32, #tpu.memory_space<hbm>> -> memref<896xi32, #tpu.memory_space<hbm>>
    %dma_start3A_878 = tpu.memref_slice %arg17[%dma_start3A_873] : memref<2x!tpu.dma_semaphore, #tpu.memory_space<semaphore_mem>> -> memref<1x!tpu.dma_semaphore, #tpu.memory_space<semaphore_mem>>
    %dma_start3A_879 = tpu.memref_squeeze %dma_start3A_878 : memref<1x!tpu.dma_semaphore, #tpu.memory_space<semaphore_mem>> -> memref<!tpu.dma_semaphore, #tpu.memory_space<semaphore_mem>>
    %dma_start3A_880 = tpu.memref_slice %arg5[%multiple_of3A_870] : memref<320000xi32, #tpu.memory_space<hbm>> -> memref<896xi32, #tpu.memory_space<hbm>>
    %dma_start3A_881 = arith.constant 0 : i32
    %dma_start3A_882 = tpu.memref_slice %arg9[%dma_start3A_871, %dma_start3A_872, %dma_start3A_881] : memref<2x2x1024xi32, #tpu.memory_space<vmem>> -> memref<1x1x896xi32, #tpu.memory_space<vmem>>
    %dma_start3A_883 = tpu.memref_squeeze %dma_start3A_882 : memref<1x1x896xi32, #tpu.memory_space<vmem>> -> memref<896xi32, #tpu.memory_space<vmem>>
    tpu.enqueue_dma source(%dma_start3A_883 : memref<896xi32, #tpu.memory_space<vmem>>) target(%dma_start3A_880 : memref<896xi32, #tpu.memory_space<hbm>>) target_semaphore(%dma_start3A_879 : memref<!tpu.dma_semaphore, #tpu.memory_space<semaphore_mem>>)
    %dma_start3A_884 = arith.constant 1 : i32
    %dma_start3A_885 = arith.constant 1 : i32
    %dma_start3A_886 = arith.constant 1 : i32
    %dma_start3A_887 = arith.constant 0 : i32
    %dma_start3A_888 = tpu.memref_slice %arg9[%dma_start3A_884, %dma_start3A_885, %dma_start3A_887] : memref<2x2x1024xi32, #tpu.memory_space<vmem>> -> memref<1x1x896xi32, #tpu.memory_space<vmem>>
    %dma_start3A_889 = tpu.memref_squeeze %dma_start3A_888 : memref<1x1x896xi32, #tpu.memory_space<vmem>> -> memref<896xi32, #tpu.memory_space<vmem>>
    %dma_start3A_890 = tpu.memref_slice %arg6[%multiple_of3A_870] : memref<320000xi32, #tpu.memory_space<hbm>> -> memref<896xi32, #tpu.memory_space<hbm>>
    %dma_start3A_891 = tpu.memref_slice %arg17[%dma_start3A_886] : memref<2x!tpu.dma_semaphore, #tpu.memory_space<semaphore_mem>> -> memref<1x!tpu.dma_semaphore, #tpu.memory_space<semaphore_mem>>
    %dma_start3A_892 = tpu.memref_squeeze %dma_start3A_891 : memref<1x!tpu.dma_semaphore, #tpu.memory_space<semaphore_mem>> -> memref<!tpu.dma_semaphore, #tpu.memory_space<semaphore_mem>>
    %dma_start3A_893 = tpu.memref_slice %arg6[%multiple_of3A_870] : memref<320000xi32, #tpu.memory_space<hbm>> -> memref<896xi32, #tpu.memory_space<hbm>>
    %dma_start3A_894 = arith.constant 0 : i32
    %dma_start3A_895 = tpu.memref_slice %arg9[%dma_start3A_884, %dma_start3A_885, %dma_start3A_894] : memref<2x2x1024xi32, #tpu.memory_space<vmem>> -> memref<1x1x896xi32, #tpu.memory_space<vmem>>
    %dma_start3A_896 = tpu.memref_squeeze %dma_start3A_895 : memref<1x1x896xi32, #tpu.memory_space<vmem>> -> memref<896xi32, #tpu.memory_space<vmem>>
    tpu.enqueue_dma source(%dma_start3A_896 : memref<896xi32, #tpu.memory_space<vmem>>) target(%dma_start3A_893 : memref<896xi32, #tpu.memory_space<hbm>>) target_semaphore(%dma_start3A_892 : memref<!tpu.dma_semaphore, #tpu.memory_space<semaphore_mem>>)
    %scan3A = arith.constant 0 : i32
    %scan3A_897 = arith.constant 0 : i32
    %scan3A_898 = arith.constant 64 : i32
    %scan3A_899 = arith.addi %scan3A_897, %scan3A_898 : i32
    %scan3A_900 = arith.constant 1 : i32
    scf.for %scan3A_2319 = %scan3A_897 to %scan3A_899 step %scan3A_900  : i32 {
      %broadcast_in_dim3A = arith.constant 0.000000e+00 : f32
      %broadcast_in_dim3A_2320 = vector.broadcast %broadcast_in_dim3A : f32 to vector<16xf32>
      %jit3A_2321 = arith.constant 8 : i32
      %div3A_2322 = arith.divsi %scan3A_2319, %jit3A_2321 : i32
      %sign3A_2323 = arith.constant 0 : i32
      %sign3A_2324 = arith.cmpi sgt, %scan3A_2319, %sign3A_2323 : i32
      %sign3A_2325 = arith.extui %sign3A_2324 : i1 to i32
      %sign3A_2326 = arith.constant 0 : i32
      %sign3A_2327 = arith.cmpi slt, %scan3A_2319, %sign3A_2326 : i32
      %sign3A_2328 = arith.extui %sign3A_2327 : i1 to i32
      %sign3A_2329 = arith.subi %sign3A_2325, %sign3A_2328 : i32
      %sign3A_2330 = arith.constant 0 : i32
      %sign3A_2331 = arith.cmpi sgt, %jit3A_2321, %sign3A_2330 : i32
      %sign3A_2332 = arith.extui %sign3A_2331 : i1 to i32
      %sign3A_2333 = arith.constant 0 : i32
      %sign3A_2334 = arith.cmpi slt, %jit3A_2321, %sign3A_2333 : i32
      %sign3A_2335 = arith.extui %sign3A_2334 : i1 to i32
      %sign3A_2336 = arith.subi %sign3A_2332, %sign3A_2335 : i32
      %ne3A_2337 = arith.cmpi ne, %sign3A_2329, %sign3A_2336 : i32
      %rem3A_2338 = arith.remsi %scan3A_2319, %jit3A_2321 : i32
      %ne3A_2339 = arith.constant 0 : i32
      %ne3A_2340 = arith.cmpi ne, %rem3A_2338, %ne3A_2339 : i32
      %and3A_2341 = arith.andi %ne3A_2337, %ne3A_2340 : i1
      %sub3A_2342 = arith.constant 1 : i32
      %sub3A_2343 = arith.subi %div3A_2322, %sub3A_2342 : i32
      %select_n3A_2344 = arith.select %and3A_2341, %sub3A_2343, %div3A_2322 : i32
      %jit3A_2345 = arith.constant 8 : i32
      %eq3A = arith.constant 0 : i32
      %eq3A_2346 = arith.cmpi eq, %jit3A_2345, %eq3A : i32
      %jit3A_2347 = arith.constant 1 : i32
      %select_n3A_2348 = arith.select %eq3A_2346, %jit3A_2347, %jit3A_2345 : i32
      %rem3A_2349 = arith.remsi %scan3A_2319, %select_n3A_2348 : i32
      %ne3A_2350 = arith.constant 0 : i32
      %ne3A_2351 = arith.cmpi ne, %rem3A_2349, %ne3A_2350 : i32
      %lt3A = arith.constant 0 : i32
      %lt3A_2352 = arith.cmpi slt, %rem3A_2349, %lt3A : i32
      %lt3A_2353 = arith.constant 0 : i32
      %lt3A_2354 = arith.cmpi slt, %select_n3A_2348, %lt3A_2353 : i32
      %ne3A_2355 = arith.xori %lt3A_2352, %lt3A_2354 : i1
      %and3A_2356 = arith.andi %ne3A_2355, %ne3A_2351 : i1
      %add3A_2357 = arith.addi %rem3A_2349, %select_n3A_2348 : i32
      %select_n3A_2358 = arith.select %and3A_2356, %add3A_2357, %rem3A_2349 : i32
      %mul3A_2359 = arith.constant 16 : i32
      %mul3A_2360 = arith.muli %select_n3A_2358, %mul3A_2359 : i32
      %swap3A = arith.index_cast %select_n3A_2344 : i32 to index
      %swap3A_2361 = arith.index_cast %mul3A_2360 : i32 to index
      %swap3A_2362 = tpu.vector_load %arg11[%swap3A, %swap3A_2361] {strides = array<i32>} : memref<8x128xf32, #tpu.memory_space<vmem>>, vector<1x16xf32>,
      %swap3A_2363 = vector.shape_cast %swap3A_2362 : vector<1x16xf32> to vector<16xf32>
      %swap3A_2364 = vector.shape_cast %broadcast_in_dim3A_2320 : vector<16xf32> to vector<1x16xf32>
      tpu.vector_store %arg11[%swap3A, %swap3A_2361], %swap3A_2364 {strides = array<i32>} : memref<8x128xf32, #tpu.memory_space<vmem>>, vector<1x16xf32>,
    }
    %scan3A_901 = arith.constant 64 : i32
    %mul3A_902 = arith.constant 624 : i32
    %mul3A_903 = arith.muli %arg1, %mul3A_902 : i32
    %add3A_904 = arith.constant 0 : i32
    %add3A_905 = arith.addi %mul3A_903, %add3A_904 : i32
    %dma_start3A_906 = arith.constant 0 : i32
    %dma_start3A_907 = tpu.memref_slice %arg12[%add3A_905, %dma_start3A_906] : memref<10000x128xf32, #tpu.memory_space<vmem_shared>> -> memref<8x128xf32, #tpu.memory_space<vmem_shared>>
    %dma_start3A_908 = arith.constant 0 : i32
    %dma_start3A_909 = tpu.memref_slice %arg12[%add3A_905, %dma_start3A_908] : memref<10000x128xf32, #tpu.memory_space<vmem_shared>> -> memref<8x128xf32, #tpu.memory_space<vmem_shared>>
    tpu.enqueue_dma source(%arg11 : memref<8x128xf32, #tpu.memory_space<vmem>>) target(%dma_start3A_909 : memref<8x128xf32, #tpu.memory_space<vmem_shared>>) target_semaphore(%arg18 : memref<!tpu.dma_semaphore, #tpu.memory_space<semaphore_mem>>)
    %add3A_910 = arith.constant 8 : i32
    %add3A_911 = arith.addi %mul3A_903, %add3A_910 : i32
    %dma_start3A_912 = arith.constant 0 : i32
    %dma_start3A_913 = tpu.memref_slice %arg12[%add3A_911, %dma_start3A_912] : memref<10000x128xf32, #tpu.memory_space<vmem_shared>> -> memref<8x128xf32, #tpu.memory_space<vmem_shared>>
    %dma_start3A_914 = arith.constant 0 : i32
    %dma_start3A_915 = tpu.memref_slice %arg12[%add3A_911, %dma_start3A_914] : memref<10000x128xf32, #tpu.memory_space<vmem_shared>> -> memref<8x128xf32, #tpu.memory_space<vmem_shared>>
    tpu.enqueue_dma source(%arg11 : memref<8x128xf32, #tpu.memory_space<vmem>>) target(%dma_start3A_915 : memref<8x128xf32, #tpu.memory_space<vmem_shared>>) target_semaphore(%arg18 : memref<!tpu.dma_semaphore, #tpu.memory_space<semaphore_mem>>)
    %add3A_916 = arith.constant 16 : i32
    %add3A_917 = arith.addi %mul3A_903, %add3A_916 : i32
    %dma_start3A_918 = arith.constant 0 : i32
    %dma_start3A_919 = tpu.memref_slice %arg12[%add3A_917, %dma_start3A_918] : memref<10000x128xf32, #tpu.memory_space<vmem_shared>> -> memref<8x128xf32, #tpu.memory_space<vmem_shared>>
    %dma_start3A_920 = arith.constant 0 : i32
    %dma_start3A_921 = tpu.memref_slice %arg12[%add3A_917, %dma_start3A_920] : memref<10000x128xf32, #tpu.memory_space<vmem_shared>> -> memref<8x128xf32, #tpu.memory_space<vmem_shared>>
    tpu.enqueue_dma source(%arg11 : memref<8x128xf32, #tpu.memory_space<vmem>>) target(%dma_start3A_921 : memref<8x128xf32, #tpu.memory_space<vmem_shared>>) target_semaphore(%arg18 : memref<!tpu.dma_semaphore, #tpu.memory_space<semaphore_mem>>)
    %add3A_922 = arith.constant 24 : i32
    %add3A_923 = arith.addi %mul3A_903, %add3A_922 : i32
    %dma_start3A_924 = arith.constant 0 : i32
    %dma_start3A_925 = tpu.memref_slice %arg12[%add3A_923, %dma_start3A_924] : memref<10000x128xf32, #tpu.memory_space<vmem_shared>> -> memref<8x128xf32, #tpu.memory_space<vmem_shared>>
    %dma_start3A_926 = arith.constant 0 : i32
    %dma_start3A_927 = tpu.memref_slice %arg12[%add3A_923, %dma_start3A_926] : memref<10000x128xf32, #tpu.memory_space<vmem_shared>> -> memref<8x128xf32, #tpu.memory_space<vmem_shared>>
    tpu.enqueue_dma source(%arg11 : memref<8x128xf32, #tpu.memory_space<vmem>>) target(%dma_start3A_927 : memref<8x128xf32, #tpu.memory_space<vmem_shared>>) target_semaphore(%arg18 : memref<!tpu.dma_semaphore, #tpu.memory_space<semaphore_mem>>)
    %add3A_928 = arith.constant 32 : i32
    %add3A_929 = arith.addi %mul3A_903, %add3A_928 : i32
    %dma_start3A_930 = arith.constant 0 : i32
    %dma_start3A_931 = tpu.memref_slice %arg12[%add3A_929, %dma_start3A_930] : memref<10000x128xf32, #tpu.memory_space<vmem_shared>> -> memref<8x128xf32, #tpu.memory_space<vmem_shared>>
    %dma_start3A_932 = arith.constant 0 : i32
    %dma_start3A_933 = tpu.memref_slice %arg12[%add3A_929, %dma_start3A_932] : memref<10000x128xf32, #tpu.memory_space<vmem_shared>> -> memref<8x128xf32, #tpu.memory_space<vmem_shared>>
    tpu.enqueue_dma source(%arg11 : memref<8x128xf32, #tpu.memory_space<vmem>>) target(%dma_start3A_933 : memref<8x128xf32, #tpu.memory_space<vmem_shared>>) target_semaphore(%arg18 : memref<!tpu.dma_semaphore, #tpu.memory_space<semaphore_mem>>)
    %add3A_934 = arith.constant 40 : i32
    %add3A_935 = arith.addi %mul3A_903, %add3A_934 : i32
    %dma_start3A_936 = arith.constant 0 : i32
    %dma_start3A_937 = tpu.memref_slice %arg12[%add3A_935, %dma_start3A_936] : memref<10000x128xf32, #tpu.memory_space<vmem_shared>> -> memref<8x128xf32, #tpu.memory_space<vmem_shared>>
    %dma_start3A_938 = arith.constant 0 : i32
    %dma_start3A_939 = tpu.memref_slice %arg12[%add3A_935, %dma_start3A_938] : memref<10000x128xf32, #tpu.memory_space<vmem_shared>> -> memref<8x128xf32, #tpu.memory_space<vmem_shared>>
    tpu.enqueue_dma source(%arg11 : memref<8x128xf32, #tpu.memory_space<vmem>>) target(%dma_start3A_939 : memref<8x128xf32, #tpu.memory_space<vmem_shared>>) target_semaphore(%arg18 : memref<!tpu.dma_semaphore, #tpu.memory_space<semaphore_mem>>)
    %add3A_940 = arith.constant 48 : i32
    %add3A_941 = arith.addi %mul3A_903, %add3A_940 : i32
    %dma_start3A_942 = arith.constant 0 : i32
    %dma_start3A_943 = tpu.memref_slice %arg12[%add3A_941, %dma_start3A_942] : memref<10000x128xf32, #tpu.memory_space<vmem_shared>> -> memref<8x128xf32, #tpu.memory_space<vmem_shared>>
    %dma_start3A_944 = arith.constant 0 : i32
    %dma_start3A_945 = tpu.memref_slice %arg12[%add3A_941, %dma_start3A_944] : memref<10000x128xf32, #tpu.memory_space<vmem_shared>> -> memref<8x128xf32, #tpu.memory_space<vmem_shared>>
    tpu.enqueue_dma source(%arg11 : memref<8x128xf32, #tpu.memory_space<vmem>>) target(%dma_start3A_945 : memref<8x128xf32, #tpu.memory_space<vmem_shared>>) target_semaphore(%arg18 : memref<!tpu.dma_semaphore, #tpu.memory_space<semaphore_mem>>)
    %add3A_946 = arith.constant 56 : i32
    %add3A_947 = arith.addi %mul3A_903, %add3A_946 : i32
    %dma_start3A_948 = arith.constant 0 : i32
    %dma_start3A_949 = tpu.memref_slice %arg12[%add3A_947, %dma_start3A_948] : memref<10000x128xf32, #tpu.memory_space<vmem_shared>> -> memref<8x128xf32, #tpu.memory_space<vmem_shared>>
    %dma_start3A_950 = arith.constant 0 : i32
    %dma_start3A_951 = tpu.memref_slice %arg12[%add3A_947, %dma_start3A_950] : memref<10000x128xf32, #tpu.memory_space<vmem_shared>> -> memref<8x128xf32, #tpu.memory_space<vmem_shared>>
    tpu.enqueue_dma source(%arg11 : memref<8x128xf32, #tpu.memory_space<vmem>>) target(%dma_start3A_951 : memref<8x128xf32, #tpu.memory_space<vmem_shared>>) target_semaphore(%arg18 : memref<!tpu.dma_semaphore, #tpu.memory_space<semaphore_mem>>)
    %add3A_952 = arith.constant 64 : i32
    %add3A_953 = arith.addi %mul3A_903, %add3A_952 : i32
    %dma_start3A_954 = arith.constant 0 : i32
    %dma_start3A_955 = tpu.memref_slice %arg12[%add3A_953, %dma_start3A_954] : memref<10000x128xf32, #tpu.memory_space<vmem_shared>> -> memref<8x128xf32, #tpu.memory_space<vmem_shared>>
    %dma_start3A_956 = arith.constant 0 : i32
    %dma_start3A_957 = tpu.memref_slice %arg12[%add3A_953, %dma_start3A_956] : memref<10000x128xf32, #tpu.memory_space<vmem_shared>> -> memref<8x128xf32, #tpu.memory_space<vmem_shared>>
    tpu.enqueue_dma source(%arg11 : memref<8x128xf32, #tpu.memory_space<vmem>>) target(%dma_start3A_957 : memref<8x128xf32, #tpu.memory_space<vmem_shared>>) target_semaphore(%arg18 : memref<!tpu.dma_semaphore, #tpu.memory_space<semaphore_mem>>)
    %add3A_958 = arith.constant 72 : i32
    %add3A_959 = arith.addi %mul3A_903, %add3A_958 : i32
    %dma_start3A_960 = arith.constant 0 : i32
    %dma_start3A_961 = tpu.memref_slice %arg12[%add3A_959, %dma_start3A_960] : memref<10000x128xf32, #tpu.memory_space<vmem_shared>> -> memref<8x128xf32, #tpu.memory_space<vmem_shared>>
    %dma_start3A_962 = arith.constant 0 : i32
    %dma_start3A_963 = tpu.memref_slice %arg12[%add3A_959, %dma_start3A_962] : memref<10000x128xf32, #tpu.memory_space<vmem_shared>> -> memref<8x128xf32, #tpu.memory_space<vmem_shared>>
    tpu.enqueue_dma source(%arg11 : memref<8x128xf32, #tpu.memory_space<vmem>>) target(%dma_start3A_963 : memref<8x128xf32, #tpu.memory_space<vmem_shared>>) target_semaphore(%arg18 : memref<!tpu.dma_semaphore, #tpu.memory_space<semaphore_mem>>)
    %add3A_964 = arith.constant 80 : i32
    %add3A_965 = arith.addi %mul3A_903, %add3A_964 : i32
    %dma_start3A_966 = arith.constant 0 : i32
    %dma_start3A_967 = tpu.memref_slice %arg12[%add3A_965, %dma_start3A_966] : memref<10000x128xf32, #tpu.memory_space<vmem_shared>> -> memref<8x128xf32, #tpu.memory_space<vmem_shared>>
    %dma_start3A_968 = arith.constant 0 : i32
    %dma_start3A_969 = tpu.memref_slice %arg12[%add3A_965, %dma_start3A_968] : memref<10000x128xf32, #tpu.memory_space<vmem_shared>> -> memref<8x128xf32, #tpu.memory_space<vmem_shared>>
    tpu.enqueue_dma source(%arg11 : memref<8x128xf32, #tpu.memory_space<vmem>>) target(%dma_start3A_969 : memref<8x128xf32, #tpu.memory_space<vmem_shared>>) target_semaphore(%arg18 : memref<!tpu.dma_semaphore, #tpu.memory_space<semaphore_mem>>)
    %add3A_970 = arith.constant 88 : i32
    %add3A_971 = arith.addi %mul3A_903, %add3A_970 : i32
    %dma_start3A_972 = arith.constant 0 : i32
    %dma_start3A_973 = tpu.memref_slice %arg12[%add3A_971, %dma_start3A_972] : memref<10000x128xf32, #tpu.memory_space<vmem_shared>> -> memref<8x128xf32, #tpu.memory_space<vmem_shared>>
    %dma_start3A_974 = arith.constant 0 : i32
    %dma_start3A_975 = tpu.memref_slice %arg12[%add3A_971, %dma_start3A_974] : memref<10000x128xf32, #tpu.memory_space<vmem_shared>> -> memref<8x128xf32, #tpu.memory_space<vmem_shared>>
    tpu.enqueue_dma source(%arg11 : memref<8x128xf32, #tpu.memory_space<vmem>>) target(%dma_start3A_975 : memref<8x128xf32, #tpu.memory_space<vmem_shared>>) target_semaphore(%arg18 : memref<!tpu.dma_semaphore, #tpu.memory_space<semaphore_mem>>)
    %add3A_976 = arith.constant 96 : i32
    %add3A_977 = arith.addi %mul3A_903, %add3A_976 : i32
    %dma_start3A_978 = arith.constant 0 : i32
    %dma_start3A_979 = tpu.memref_slice %arg12[%add3A_977, %dma_start3A_978] : memref<10000x128xf32, #tpu.memory_space<vmem_shared>> -> memref<8x128xf32, #tpu.memory_space<vmem_shared>>
    %dma_start3A_980 = arith.constant 0 : i32
    %dma_start3A_981 = tpu.memref_slice %arg12[%add3A_977, %dma_start3A_980] : memref<10000x128xf32, #tpu.memory_space<vmem_shared>> -> memref<8x128xf32, #tpu.memory_space<vmem_shared>>
    tpu.enqueue_dma source(%arg11 : memref<8x128xf32, #tpu.memory_space<vmem>>) target(%dma_start3A_981 : memref<8x128xf32, #tpu.memory_space<vmem_shared>>) target_semaphore(%arg18 : memref<!tpu.dma_semaphore, #tpu.memory_space<semaphore_mem>>)
    %add3A_982 = arith.constant 104 : i32
    %add3A_983 = arith.addi %mul3A_903, %add3A_982 : i32
    %dma_start3A_984 = arith.constant 0 : i32
    %dma_start3A_985 = tpu.memref_slice %arg12[%add3A_983, %dma_start3A_984] : memref<10000x128xf32, #tpu.memory_space<vmem_shared>> -> memref<8x128xf32, #tpu.memory_space<vmem_shared>>
    %dma_start3A_986 = arith.constant 0 : i32
    %dma_start3A_987 = tpu.memref_slice %arg12[%add3A_983, %dma_start3A_986] : memref<10000x128xf32, #tpu.memory_space<vmem_shared>> -> memref<8x128xf32, #tpu.memory_space<vmem_shared>>
    tpu.enqueue_dma source(%arg11 : memref<8x128xf32, #tpu.memory_space<vmem>>) target(%dma_start3A_987 : memref<8x128xf32, #tpu.memory_space<vmem_shared>>) target_semaphore(%arg18 : memref<!tpu.dma_semaphore, #tpu.memory_space<semaphore_mem>>)
    %add3A_988 = arith.constant 112 : i32
    %add3A_989 = arith.addi %mul3A_903, %add3A_988 : i32
    %dma_start3A_990 = arith.constant 0 : i32
    %dma_start3A_991 = tpu.memref_slice %arg12[%add3A_989, %dma_start3A_990] : memref<10000x128xf32, #tpu.memory_space<vmem_shared>> -> memref<8x128xf32, #tpu.memory_space<vmem_shared>>
    %dma_start3A_992 = arith.constant 0 : i32
    %dma_start3A_993 = tpu.memref_slice %arg12[%add3A_989, %dma_start3A_992] : memref<10000x128xf32, #tpu.memory_space<vmem_shared>> -> memref<8x128xf32, #tpu.memory_space<vmem_shared>>
    tpu.enqueue_dma source(%arg11 : memref<8x128xf32, #tpu.memory_space<vmem>>) target(%dma_start3A_993 : memref<8x128xf32, #tpu.memory_space<vmem_shared>>) target_semaphore(%arg18 : memref<!tpu.dma_semaphore, #tpu.memory_space<semaphore_mem>>)
    %add3A_994 = arith.constant 120 : i32
    %add3A_995 = arith.addi %mul3A_903, %add3A_994 : i32
    %dma_start3A_996 = arith.constant 0 : i32
    %dma_start3A_997 = tpu.memref_slice %arg12[%add3A_995, %dma_start3A_996] : memref<10000x128xf32, #tpu.memory_space<vmem_shared>> -> memref<8x128xf32, #tpu.memory_space<vmem_shared>>
    %dma_start3A_998 = arith.constant 0 : i32
    %dma_start3A_999 = tpu.memref_slice %arg12[%add3A_995, %dma_start3A_998] : memref<10000x128xf32, #tpu.memory_space<vmem_shared>> -> memref<8x128xf32, #tpu.memory_space<vmem_shared>>
    tpu.enqueue_dma source(%arg11 : memref<8x128xf32, #tpu.memory_space<vmem>>) target(%dma_start3A_999 : memref<8x128xf32, #tpu.memory_space<vmem_shared>>) target_semaphore(%arg18 : memref<!tpu.dma_semaphore, #tpu.memory_space<semaphore_mem>>)
    %add3A_1000 = arith.constant 128 : i32
    %add3A_1001 = arith.addi %mul3A_903, %add3A_1000 : i32
    %dma_start3A_1002 = arith.constant 0 : i32
    %dma_start3A_1003 = tpu.memref_slice %arg12[%add3A_1001, %dma_start3A_1002] : memref<10000x128xf32, #tpu.memory_space<vmem_shared>> -> memref<8x128xf32, #tpu.memory_space<vmem_shared>>
    %dma_start3A_1004 = arith.constant 0 : i32
    %dma_start3A_1005 = tpu.memref_slice %arg12[%add3A_1001, %dma_start3A_1004] : memref<10000x128xf32, #tpu.memory_space<vmem_shared>> -> memref<8x128xf32, #tpu.memory_space<vmem_shared>>
    tpu.enqueue_dma source(%arg11 : memref<8x128xf32, #tpu.memory_space<vmem>>) target(%dma_start3A_1005 : memref<8x128xf32, #tpu.memory_space<vmem_shared>>) target_semaphore(%arg18 : memref<!tpu.dma_semaphore, #tpu.memory_space<semaphore_mem>>)
    %add3A_1006 = arith.constant 136 : i32
    %add3A_1007 = arith.addi %mul3A_903, %add3A_1006 : i32
    %dma_start3A_1008 = arith.constant 0 : i32
    %dma_start3A_1009 = tpu.memref_slice %arg12[%add3A_1007, %dma_start3A_1008] : memref<10000x128xf32, #tpu.memory_space<vmem_shared>> -> memref<8x128xf32, #tpu.memory_space<vmem_shared>>
    %dma_start3A_1010 = arith.constant 0 : i32
    %dma_start3A_1011 = tpu.memref_slice %arg12[%add3A_1007, %dma_start3A_1010] : memref<10000x128xf32, #tpu.memory_space<vmem_shared>> -> memref<8x128xf32, #tpu.memory_space<vmem_shared>>
    tpu.enqueue_dma source(%arg11 : memref<8x128xf32, #tpu.memory_space<vmem>>) target(%dma_start3A_1011 : memref<8x128xf32, #tpu.memory_space<vmem_shared>>) target_semaphore(%arg18 : memref<!tpu.dma_semaphore, #tpu.memory_space<semaphore_mem>>)
    %add3A_1012 = arith.constant 144 : i32
    %add3A_1013 = arith.addi %mul3A_903, %add3A_1012 : i32
    %dma_start3A_1014 = arith.constant 0 : i32
    %dma_start3A_1015 = tpu.memref_slice %arg12[%add3A_1013, %dma_start3A_1014] : memref<10000x128xf32, #tpu.memory_space<vmem_shared>> -> memref<8x128xf32, #tpu.memory_space<vmem_shared>>
    %dma_start3A_1016 = arith.constant 0 : i32
    %dma_start3A_1017 = tpu.memref_slice %arg12[%add3A_1013, %dma_start3A_1016] : memref<10000x128xf32, #tpu.memory_space<vmem_shared>> -> memref<8x128xf32, #tpu.memory_space<vmem_shared>>
    tpu.enqueue_dma source(%arg11 : memref<8x128xf32, #tpu.memory_space<vmem>>) target(%dma_start3A_1017 : memref<8x128xf32, #tpu.memory_space<vmem_shared>>) target_semaphore(%arg18 : memref<!tpu.dma_semaphore, #tpu.memory_space<semaphore_mem>>)
    %add3A_1018 = arith.constant 152 : i32
    %add3A_1019 = arith.addi %mul3A_903, %add3A_1018 : i32
    %dma_start3A_1020 = arith.constant 0 : i32
    %dma_start3A_1021 = tpu.memref_slice %arg12[%add3A_1019, %dma_start3A_1020] : memref<10000x128xf32, #tpu.memory_space<vmem_shared>> -> memref<8x128xf32, #tpu.memory_space<vmem_shared>>
    %dma_start3A_1022 = arith.constant 0 : i32
    %dma_start3A_1023 = tpu.memref_slice %arg12[%add3A_1019, %dma_start3A_1022] : memref<10000x128xf32, #tpu.memory_space<vmem_shared>> -> memref<8x128xf32, #tpu.memory_space<vmem_shared>>
    tpu.enqueue_dma source(%arg11 : memref<8x128xf32, #tpu.memory_space<vmem>>) target(%dma_start3A_1023 : memref<8x128xf32, #tpu.memory_space<vmem_shared>>) target_semaphore(%arg18 : memref<!tpu.dma_semaphore, #tpu.memory_space<semaphore_mem>>)
    %add3A_1024 = arith.constant 160 : i32
    %add3A_1025 = arith.addi %mul3A_903, %add3A_1024 : i32
    %dma_start3A_1026 = arith.constant 0 : i32
    %dma_start3A_1027 = tpu.memref_slice %arg12[%add3A_1025, %dma_start3A_1026] : memref<10000x128xf32, #tpu.memory_space<vmem_shared>> -> memref<8x128xf32, #tpu.memory_space<vmem_shared>>
    %dma_start3A_1028 = arith.constant 0 : i32
    %dma_start3A_1029 = tpu.memref_slice %arg12[%add3A_1025, %dma_start3A_1028] : memref<10000x128xf32, #tpu.memory_space<vmem_shared>> -> memref<8x128xf32, #tpu.memory_space<vmem_shared>>
    tpu.enqueue_dma source(%arg11 : memref<8x128xf32, #tpu.memory_space<vmem>>) target(%dma_start3A_1029 : memref<8x128xf32, #tpu.memory_space<vmem_shared>>) target_semaphore(%arg18 : memref<!tpu.dma_semaphore, #tpu.memory_space<semaphore_mem>>)
    %add3A_1030 = arith.constant 168 : i32
    %add3A_1031 = arith.addi %mul3A_903, %add3A_1030 : i32
    %dma_start3A_1032 = arith.constant 0 : i32
    %dma_start3A_1033 = tpu.memref_slice %arg12[%add3A_1031, %dma_start3A_1032] : memref<10000x128xf32, #tpu.memory_space<vmem_shared>> -> memref<8x128xf32, #tpu.memory_space<vmem_shared>>
    %dma_start3A_1034 = arith.constant 0 : i32
    %dma_start3A_1035 = tpu.memref_slice %arg12[%add3A_1031, %dma_start3A_1034] : memref<10000x128xf32, #tpu.memory_space<vmem_shared>> -> memref<8x128xf32, #tpu.memory_space<vmem_shared>>
    tpu.enqueue_dma source(%arg11 : memref<8x128xf32, #tpu.memory_space<vmem>>) target(%dma_start3A_1035 : memref<8x128xf32, #tpu.memory_space<vmem_shared>>) target_semaphore(%arg18 : memref<!tpu.dma_semaphore, #tpu.memory_space<semaphore_mem>>)
    %add3A_1036 = arith.constant 176 : i32
    %add3A_1037 = arith.addi %mul3A_903, %add3A_1036 : i32
    %dma_start3A_1038 = arith.constant 0 : i32
    %dma_start3A_1039 = tpu.memref_slice %arg12[%add3A_1037, %dma_start3A_1038] : memref<10000x128xf32, #tpu.memory_space<vmem_shared>> -> memref<8x128xf32, #tpu.memory_space<vmem_shared>>
    %dma_start3A_1040 = arith.constant 0 : i32
    %dma_start3A_1041 = tpu.memref_slice %arg12[%add3A_1037, %dma_start3A_1040] : memref<10000x128xf32, #tpu.memory_space<vmem_shared>> -> memref<8x128xf32, #tpu.memory_space<vmem_shared>>
    tpu.enqueue_dma source(%arg11 : memref<8x128xf32, #tpu.memory_space<vmem>>) target(%dma_start3A_1041 : memref<8x128xf32, #tpu.memory_space<vmem_shared>>) target_semaphore(%arg18 : memref<!tpu.dma_semaphore, #tpu.memory_space<semaphore_mem>>)
    %add3A_1042 = arith.constant 184 : i32
    %add3A_1043 = arith.addi %mul3A_903, %add3A_1042 : i32
    %dma_start3A_1044 = arith.constant 0 : i32
    %dma_start3A_1045 = tpu.memref_slice %arg12[%add3A_1043, %dma_start3A_1044] : memref<10000x128xf32, #tpu.memory_space<vmem_shared>> -> memref<8x128xf32, #tpu.memory_space<vmem_shared>>
    %dma_start3A_1046 = arith.constant 0 : i32
    %dma_start3A_1047 = tpu.memref_slice %arg12[%add3A_1043, %dma_start3A_1046] : memref<10000x128xf32, #tpu.memory_space<vmem_shared>> -> memref<8x128xf32, #tpu.memory_space<vmem_shared>>
    tpu.enqueue_dma source(%arg11 : memref<8x128xf32, #tpu.memory_space<vmem>>) target(%dma_start3A_1047 : memref<8x128xf32, #tpu.memory_space<vmem_shared>>) target_semaphore(%arg18 : memref<!tpu.dma_semaphore, #tpu.memory_space<semaphore_mem>>)
    %add3A_1048 = arith.constant 192 : i32
    %add3A_1049 = arith.addi %mul3A_903, %add3A_1048 : i32
    %dma_start3A_1050 = arith.constant 0 : i32
    %dma_start3A_1051 = tpu.memref_slice %arg12[%add3A_1049, %dma_start3A_1050] : memref<10000x128xf32, #tpu.memory_space<vmem_shared>> -> memref<8x128xf32, #tpu.memory_space<vmem_shared>>
    %dma_start3A_1052 = arith.constant 0 : i32
    %dma_start3A_1053 = tpu.memref_slice %arg12[%add3A_1049, %dma_start3A_1052] : memref<10000x128xf32, #tpu.memory_space<vmem_shared>> -> memref<8x128xf32, #tpu.memory_space<vmem_shared>>
    tpu.enqueue_dma source(%arg11 : memref<8x128xf32, #tpu.memory_space<vmem>>) target(%dma_start3A_1053 : memref<8x128xf32, #tpu.memory_space<vmem_shared>>) target_semaphore(%arg18 : memref<!tpu.dma_semaphore, #tpu.memory_space<semaphore_mem>>)
    %add3A_1054 = arith.constant 200 : i32
    %add3A_1055 = arith.addi %mul3A_903, %add3A_1054 : i32
    %dma_start3A_1056 = arith.constant 0 : i32
    %dma_start3A_1057 = tpu.memref_slice %arg12[%add3A_1055, %dma_start3A_1056] : memref<10000x128xf32, #tpu.memory_space<vmem_shared>> -> memref<8x128xf32, #tpu.memory_space<vmem_shared>>
    %dma_start3A_1058 = arith.constant 0 : i32
    %dma_start3A_1059 = tpu.memref_slice %arg12[%add3A_1055, %dma_start3A_1058] : memref<10000x128xf32, #tpu.memory_space<vmem_shared>> -> memref<8x128xf32, #tpu.memory_space<vmem_shared>>
    tpu.enqueue_dma source(%arg11 : memref<8x128xf32, #tpu.memory_space<vmem>>) target(%dma_start3A_1059 : memref<8x128xf32, #tpu.memory_space<vmem_shared>>) target_semaphore(%arg18 : memref<!tpu.dma_semaphore, #tpu.memory_space<semaphore_mem>>)
    %add3A_1060 = arith.constant 208 : i32
    %add3A_1061 = arith.addi %mul3A_903, %add3A_1060 : i32
    %dma_start3A_1062 = arith.constant 0 : i32
    %dma_start3A_1063 = tpu.memref_slice %arg12[%add3A_1061, %dma_start3A_1062] : memref<10000x128xf32, #tpu.memory_space<vmem_shared>> -> memref<8x128xf32, #tpu.memory_space<vmem_shared>>
    %dma_start3A_1064 = arith.constant 0 : i32
    %dma_start3A_1065 = tpu.memref_slice %arg12[%add3A_1061, %dma_start3A_1064] : memref<10000x128xf32, #tpu.memory_space<vmem_shared>> -> memref<8x128xf32, #tpu.memory_space<vmem_shared>>
    tpu.enqueue_dma source(%arg11 : memref<8x128xf32, #tpu.memory_space<vmem>>) target(%dma_start3A_1065 : memref<8x128xf32, #tpu.memory_space<vmem_shared>>) target_semaphore(%arg18 : memref<!tpu.dma_semaphore, #tpu.memory_space<semaphore_mem>>)
    %add3A_1066 = arith.constant 216 : i32
    %add3A_1067 = arith.addi %mul3A_903, %add3A_1066 : i32
    %dma_start3A_1068 = arith.constant 0 : i32
    %dma_start3A_1069 = tpu.memref_slice %arg12[%add3A_1067, %dma_start3A_1068] : memref<10000x128xf32, #tpu.memory_space<vmem_shared>> -> memref<8x128xf32, #tpu.memory_space<vmem_shared>>
    %dma_start3A_1070 = arith.constant 0 : i32
    %dma_start3A_1071 = tpu.memref_slice %arg12[%add3A_1067, %dma_start3A_1070] : memref<10000x128xf32, #tpu.memory_space<vmem_shared>> -> memref<8x128xf32, #tpu.memory_space<vmem_shared>>
    tpu.enqueue_dma source(%arg11 : memref<8x128xf32, #tpu.memory_space<vmem>>) target(%dma_start3A_1071 : memref<8x128xf32, #tpu.memory_space<vmem_shared>>) target_semaphore(%arg18 : memref<!tpu.dma_semaphore, #tpu.memory_space<semaphore_mem>>)
    %add3A_1072 = arith.constant 224 : i32
    %add3A_1073 = arith.addi %mul3A_903, %add3A_1072 : i32
    %dma_start3A_1074 = arith.constant 0 : i32
    %dma_start3A_1075 = tpu.memref_slice %arg12[%add3A_1073, %dma_start3A_1074] : memref<10000x128xf32, #tpu.memory_space<vmem_shared>> -> memref<8x128xf32, #tpu.memory_space<vmem_shared>>
    %dma_start3A_1076 = arith.constant 0 : i32
    %dma_start3A_1077 = tpu.memref_slice %arg12[%add3A_1073, %dma_start3A_1076] : memref<10000x128xf32, #tpu.memory_space<vmem_shared>> -> memref<8x128xf32, #tpu.memory_space<vmem_shared>>
    tpu.enqueue_dma source(%arg11 : memref<8x128xf32, #tpu.memory_space<vmem>>) target(%dma_start3A_1077 : memref<8x128xf32, #tpu.memory_space<vmem_shared>>) target_semaphore(%arg18 : memref<!tpu.dma_semaphore, #tpu.memory_space<semaphore_mem>>)
    %add3A_1078 = arith.constant 232 : i32
    %add3A_1079 = arith.addi %mul3A_903, %add3A_1078 : i32
    %dma_start3A_1080 = arith.constant 0 : i32
    %dma_start3A_1081 = tpu.memref_slice %arg12[%add3A_1079, %dma_start3A_1080] : memref<10000x128xf32, #tpu.memory_space<vmem_shared>> -> memref<8x128xf32, #tpu.memory_space<vmem_shared>>
    %dma_start3A_1082 = arith.constant 0 : i32
    %dma_start3A_1083 = tpu.memref_slice %arg12[%add3A_1079, %dma_start3A_1082] : memref<10000x128xf32, #tpu.memory_space<vmem_shared>> -> memref<8x128xf32, #tpu.memory_space<vmem_shared>>
    tpu.enqueue_dma source(%arg11 : memref<8x128xf32, #tpu.memory_space<vmem>>) target(%dma_start3A_1083 : memref<8x128xf32, #tpu.memory_space<vmem_shared>>) target_semaphore(%arg18 : memref<!tpu.dma_semaphore, #tpu.memory_space<semaphore_mem>>)
    %add3A_1084 = arith.constant 240 : i32
    %add3A_1085 = arith.addi %mul3A_903, %add3A_1084 : i32
    %dma_start3A_1086 = arith.constant 0 : i32
    %dma_start3A_1087 = tpu.memref_slice %arg12[%add3A_1085, %dma_start3A_1086] : memref<10000x128xf32, #tpu.memory_space<vmem_shared>> -> memref<8x128xf32, #tpu.memory_space<vmem_shared>>
    %dma_start3A_1088 = arith.constant 0 : i32
    %dma_start3A_1089 = tpu.memref_slice %arg12[%add3A_1085, %dma_start3A_1088] : memref<10000x128xf32, #tpu.memory_space<vmem_shared>> -> memref<8x128xf32, #tpu.memory_space<vmem_shared>>
    tpu.enqueue_dma source(%arg11 : memref<8x128xf32, #tpu.memory_space<vmem>>) target(%dma_start3A_1089 : memref<8x128xf32, #tpu.memory_space<vmem_shared>>) target_semaphore(%arg18 : memref<!tpu.dma_semaphore, #tpu.memory_space<semaphore_mem>>)
    %add3A_1090 = arith.constant 248 : i32
    %add3A_1091 = arith.addi %mul3A_903, %add3A_1090 : i32
    %dma_start3A_1092 = arith.constant 0 : i32
    %dma_start3A_1093 = tpu.memref_slice %arg12[%add3A_1091, %dma_start3A_1092] : memref<10000x128xf32, #tpu.memory_space<vmem_shared>> -> memref<8x128xf32, #tpu.memory_space<vmem_shared>>
    %dma_start3A_1094 = arith.constant 0 : i32
    %dma_start3A_1095 = tpu.memref_slice %arg12[%add3A_1091, %dma_start3A_1094] : memref<10000x128xf32, #tpu.memory_space<vmem_shared>> -> memref<8x128xf32, #tpu.memory_space<vmem_shared>>
    tpu.enqueue_dma source(%arg11 : memref<8x128xf32, #tpu.memory_space<vmem>>) target(%dma_start3A_1095 : memref<8x128xf32, #tpu.memory_space<vmem_shared>>) target_semaphore(%arg18 : memref<!tpu.dma_semaphore, #tpu.memory_space<semaphore_mem>>)
    %add3A_1096 = arith.constant 256 : i32
    %add3A_1097 = arith.addi %mul3A_903, %add3A_1096 : i32
    %dma_start3A_1098 = arith.constant 0 : i32
    %dma_start3A_1099 = tpu.memref_slice %arg12[%add3A_1097, %dma_start3A_1098] : memref<10000x128xf32, #tpu.memory_space<vmem_shared>> -> memref<8x128xf32, #tpu.memory_space<vmem_shared>>
    %dma_start3A_1100 = arith.constant 0 : i32
    %dma_start3A_1101 = tpu.memref_slice %arg12[%add3A_1097, %dma_start3A_1100] : memref<10000x128xf32, #tpu.memory_space<vmem_shared>> -> memref<8x128xf32, #tpu.memory_space<vmem_shared>>
    tpu.enqueue_dma source(%arg11 : memref<8x128xf32, #tpu.memory_space<vmem>>) target(%dma_start3A_1101 : memref<8x128xf32, #tpu.memory_space<vmem_shared>>) target_semaphore(%arg18 : memref<!tpu.dma_semaphore, #tpu.memory_space<semaphore_mem>>)
    %add3A_1102 = arith.constant 264 : i32
    %add3A_1103 = arith.addi %mul3A_903, %add3A_1102 : i32
    %dma_start3A_1104 = arith.constant 0 : i32
    %dma_start3A_1105 = tpu.memref_slice %arg12[%add3A_1103, %dma_start3A_1104] : memref<10000x128xf32, #tpu.memory_space<vmem_shared>> -> memref<8x128xf32, #tpu.memory_space<vmem_shared>>
    %dma_start3A_1106 = arith.constant 0 : i32
    %dma_start3A_1107 = tpu.memref_slice %arg12[%add3A_1103, %dma_start3A_1106] : memref<10000x128xf32, #tpu.memory_space<vmem_shared>> -> memref<8x128xf32, #tpu.memory_space<vmem_shared>>
    tpu.enqueue_dma source(%arg11 : memref<8x128xf32, #tpu.memory_space<vmem>>) target(%dma_start3A_1107 : memref<8x128xf32, #tpu.memory_space<vmem_shared>>) target_semaphore(%arg18 : memref<!tpu.dma_semaphore, #tpu.memory_space<semaphore_mem>>)
    %add3A_1108 = arith.constant 272 : i32
    %add3A_1109 = arith.addi %mul3A_903, %add3A_1108 : i32
    %dma_start3A_1110 = arith.constant 0 : i32
    %dma_start3A_1111 = tpu.memref_slice %arg12[%add3A_1109, %dma_start3A_1110] : memref<10000x128xf32, #tpu.memory_space<vmem_shared>> -> memref<8x128xf32, #tpu.memory_space<vmem_shared>>
    %dma_start3A_1112 = arith.constant 0 : i32
    %dma_start3A_1113 = tpu.memref_slice %arg12[%add3A_1109, %dma_start3A_1112] : memref<10000x128xf32, #tpu.memory_space<vmem_shared>> -> memref<8x128xf32, #tpu.memory_space<vmem_shared>>
    tpu.enqueue_dma source(%arg11 : memref<8x128xf32, #tpu.memory_space<vmem>>) target(%dma_start3A_1113 : memref<8x128xf32, #tpu.memory_space<vmem_shared>>) target_semaphore(%arg18 : memref<!tpu.dma_semaphore, #tpu.memory_space<semaphore_mem>>)
    %add3A_1114 = arith.constant 280 : i32
    %add3A_1115 = arith.addi %mul3A_903, %add3A_1114 : i32
    %dma_start3A_1116 = arith.constant 0 : i32
    %dma_start3A_1117 = tpu.memref_slice %arg12[%add3A_1115, %dma_start3A_1116] : memref<10000x128xf32, #tpu.memory_space<vmem_shared>> -> memref<8x128xf32, #tpu.memory_space<vmem_shared>>
    %dma_start3A_1118 = arith.constant 0 : i32
    %dma_start3A_1119 = tpu.memref_slice %arg12[%add3A_1115, %dma_start3A_1118] : memref<10000x128xf32, #tpu.memory_space<vmem_shared>> -> memref<8x128xf32, #tpu.memory_space<vmem_shared>>
    tpu.enqueue_dma source(%arg11 : memref<8x128xf32, #tpu.memory_space<vmem>>) target(%dma_start3A_1119 : memref<8x128xf32, #tpu.memory_space<vmem_shared>>) target_semaphore(%arg18 : memref<!tpu.dma_semaphore, #tpu.memory_space<semaphore_mem>>)
    %add3A_1120 = arith.constant 288 : i32
    %add3A_1121 = arith.addi %mul3A_903, %add3A_1120 : i32
    %dma_start3A_1122 = arith.constant 0 : i32
    %dma_start3A_1123 = tpu.memref_slice %arg12[%add3A_1121, %dma_start3A_1122] : memref<10000x128xf32, #tpu.memory_space<vmem_shared>> -> memref<8x128xf32, #tpu.memory_space<vmem_shared>>
    %dma_start3A_1124 = arith.constant 0 : i32
    %dma_start3A_1125 = tpu.memref_slice %arg12[%add3A_1121, %dma_start3A_1124] : memref<10000x128xf32, #tpu.memory_space<vmem_shared>> -> memref<8x128xf32, #tpu.memory_space<vmem_shared>>
    tpu.enqueue_dma source(%arg11 : memref<8x128xf32, #tpu.memory_space<vmem>>) target(%dma_start3A_1125 : memref<8x128xf32, #tpu.memory_space<vmem_shared>>) target_semaphore(%arg18 : memref<!tpu.dma_semaphore, #tpu.memory_space<semaphore_mem>>)
    %add3A_1126 = arith.constant 296 : i32
    %add3A_1127 = arith.addi %mul3A_903, %add3A_1126 : i32
    %dma_start3A_1128 = arith.constant 0 : i32
    %dma_start3A_1129 = tpu.memref_slice %arg12[%add3A_1127, %dma_start3A_1128] : memref<10000x128xf32, #tpu.memory_space<vmem_shared>> -> memref<8x128xf32, #tpu.memory_space<vmem_shared>>
    %dma_start3A_1130 = arith.constant 0 : i32
    %dma_start3A_1131 = tpu.memref_slice %arg12[%add3A_1127, %dma_start3A_1130] : memref<10000x128xf32, #tpu.memory_space<vmem_shared>> -> memref<8x128xf32, #tpu.memory_space<vmem_shared>>
    tpu.enqueue_dma source(%arg11 : memref<8x128xf32, #tpu.memory_space<vmem>>) target(%dma_start3A_1131 : memref<8x128xf32, #tpu.memory_space<vmem_shared>>) target_semaphore(%arg18 : memref<!tpu.dma_semaphore, #tpu.memory_space<semaphore_mem>>)
    %add3A_1132 = arith.constant 304 : i32
    %add3A_1133 = arith.addi %mul3A_903, %add3A_1132 : i32
    %dma_start3A_1134 = arith.constant 0 : i32
    %dma_start3A_1135 = tpu.memref_slice %arg12[%add3A_1133, %dma_start3A_1134] : memref<10000x128xf32, #tpu.memory_space<vmem_shared>> -> memref<8x128xf32, #tpu.memory_space<vmem_shared>>
    %dma_start3A_1136 = arith.constant 0 : i32
    %dma_start3A_1137 = tpu.memref_slice %arg12[%add3A_1133, %dma_start3A_1136] : memref<10000x128xf32, #tpu.memory_space<vmem_shared>> -> memref<8x128xf32, #tpu.memory_space<vmem_shared>>
    tpu.enqueue_dma source(%arg11 : memref<8x128xf32, #tpu.memory_space<vmem>>) target(%dma_start3A_1137 : memref<8x128xf32, #tpu.memory_space<vmem_shared>>) target_semaphore(%arg18 : memref<!tpu.dma_semaphore, #tpu.memory_space<semaphore_mem>>)
    %add3A_1138 = arith.constant 312 : i32
    %add3A_1139 = arith.addi %mul3A_903, %add3A_1138 : i32
    %dma_start3A_1140 = arith.constant 0 : i32
    %dma_start3A_1141 = tpu.memref_slice %arg12[%add3A_1139, %dma_start3A_1140] : memref<10000x128xf32, #tpu.memory_space<vmem_shared>> -> memref<8x128xf32, #tpu.memory_space<vmem_shared>>
    %dma_start3A_1142 = arith.constant 0 : i32
    %dma_start3A_1143 = tpu.memref_slice %arg12[%add3A_1139, %dma_start3A_1142] : memref<10000x128xf32, #tpu.memory_space<vmem_shared>> -> memref<8x128xf32, #tpu.memory_space<vmem_shared>>
    tpu.enqueue_dma source(%arg11 : memref<8x128xf32, #tpu.memory_space<vmem>>) target(%dma_start3A_1143 : memref<8x128xf32, #tpu.memory_space<vmem_shared>>) target_semaphore(%arg18 : memref<!tpu.dma_semaphore, #tpu.memory_space<semaphore_mem>>)
    %add3A_1144 = arith.constant 320 : i32
    %add3A_1145 = arith.addi %mul3A_903, %add3A_1144 : i32
    %dma_start3A_1146 = arith.constant 0 : i32
    %dma_start3A_1147 = tpu.memref_slice %arg12[%add3A_1145, %dma_start3A_1146] : memref<10000x128xf32, #tpu.memory_space<vmem_shared>> -> memref<8x128xf32, #tpu.memory_space<vmem_shared>>
    %dma_start3A_1148 = arith.constant 0 : i32
    %dma_start3A_1149 = tpu.memref_slice %arg12[%add3A_1145, %dma_start3A_1148] : memref<10000x128xf32, #tpu.memory_space<vmem_shared>> -> memref<8x128xf32, #tpu.memory_space<vmem_shared>>
    tpu.enqueue_dma source(%arg11 : memref<8x128xf32, #tpu.memory_space<vmem>>) target(%dma_start3A_1149 : memref<8x128xf32, #tpu.memory_space<vmem_shared>>) target_semaphore(%arg18 : memref<!tpu.dma_semaphore, #tpu.memory_space<semaphore_mem>>)
    %add3A_1150 = arith.constant 328 : i32
    %add3A_1151 = arith.addi %mul3A_903, %add3A_1150 : i32
    %dma_start3A_1152 = arith.constant 0 : i32
    %dma_start3A_1153 = tpu.memref_slice %arg12[%add3A_1151, %dma_start3A_1152] : memref<10000x128xf32, #tpu.memory_space<vmem_shared>> -> memref<8x128xf32, #tpu.memory_space<vmem_shared>>
    %dma_start3A_1154 = arith.constant 0 : i32
    %dma_start3A_1155 = tpu.memref_slice %arg12[%add3A_1151, %dma_start3A_1154] : memref<10000x128xf32, #tpu.memory_space<vmem_shared>> -> memref<8x128xf32, #tpu.memory_space<vmem_shared>>
    tpu.enqueue_dma source(%arg11 : memref<8x128xf32, #tpu.memory_space<vmem>>) target(%dma_start3A_1155 : memref<8x128xf32, #tpu.memory_space<vmem_shared>>) target_semaphore(%arg18 : memref<!tpu.dma_semaphore, #tpu.memory_space<semaphore_mem>>)
    %add3A_1156 = arith.constant 336 : i32
    %add3A_1157 = arith.addi %mul3A_903, %add3A_1156 : i32
    %dma_start3A_1158 = arith.constant 0 : i32
    %dma_start3A_1159 = tpu.memref_slice %arg12[%add3A_1157, %dma_start3A_1158] : memref<10000x128xf32, #tpu.memory_space<vmem_shared>> -> memref<8x128xf32, #tpu.memory_space<vmem_shared>>
    %dma_start3A_1160 = arith.constant 0 : i32
    %dma_start3A_1161 = tpu.memref_slice %arg12[%add3A_1157, %dma_start3A_1160] : memref<10000x128xf32, #tpu.memory_space<vmem_shared>> -> memref<8x128xf32, #tpu.memory_space<vmem_shared>>
    tpu.enqueue_dma source(%arg11 : memref<8x128xf32, #tpu.memory_space<vmem>>) target(%dma_start3A_1161 : memref<8x128xf32, #tpu.memory_space<vmem_shared>>) target_semaphore(%arg18 : memref<!tpu.dma_semaphore, #tpu.memory_space<semaphore_mem>>)
    %add3A_1162 = arith.constant 344 : i32
    %add3A_1163 = arith.addi %mul3A_903, %add3A_1162 : i32
    %dma_start3A_1164 = arith.constant 0 : i32
    %dma_start3A_1165 = tpu.memref_slice %arg12[%add3A_1163, %dma_start3A_1164] : memref<10000x128xf32, #tpu.memory_space<vmem_shared>> -> memref<8x128xf32, #tpu.memory_space<vmem_shared>>
    %dma_start3A_1166 = arith.constant 0 : i32
    %dma_start3A_1167 = tpu.memref_slice %arg12[%add3A_1163, %dma_start3A_1166] : memref<10000x128xf32, #tpu.memory_space<vmem_shared>> -> memref<8x128xf32, #tpu.memory_space<vmem_shared>>
    tpu.enqueue_dma source(%arg11 : memref<8x128xf32, #tpu.memory_space<vmem>>) target(%dma_start3A_1167 : memref<8x128xf32, #tpu.memory_space<vmem_shared>>) target_semaphore(%arg18 : memref<!tpu.dma_semaphore, #tpu.memory_space<semaphore_mem>>)
    %add3A_1168 = arith.constant 352 : i32
    %add3A_1169 = arith.addi %mul3A_903, %add3A_1168 : i32
    %dma_start3A_1170 = arith.constant 0 : i32
    %dma_start3A_1171 = tpu.memref_slice %arg12[%add3A_1169, %dma_start3A_1170] : memref<10000x128xf32, #tpu.memory_space<vmem_shared>> -> memref<8x128xf32, #tpu.memory_space<vmem_shared>>
    %dma_start3A_1172 = arith.constant 0 : i32
    %dma_start3A_1173 = tpu.memref_slice %arg12[%add3A_1169, %dma_start3A_1172] : memref<10000x128xf32, #tpu.memory_space<vmem_shared>> -> memref<8x128xf32, #tpu.memory_space<vmem_shared>>
    tpu.enqueue_dma source(%arg11 : memref<8x128xf32, #tpu.memory_space<vmem>>) target(%dma_start3A_1173 : memref<8x128xf32, #tpu.memory_space<vmem_shared>>) target_semaphore(%arg18 : memref<!tpu.dma_semaphore, #tpu.memory_space<semaphore_mem>>)
    %add3A_1174 = arith.constant 360 : i32
    %add3A_1175 = arith.addi %mul3A_903, %add3A_1174 : i32
    %dma_start3A_1176 = arith.constant 0 : i32
    %dma_start3A_1177 = tpu.memref_slice %arg12[%add3A_1175, %dma_start3A_1176] : memref<10000x128xf32, #tpu.memory_space<vmem_shared>> -> memref<8x128xf32, #tpu.memory_space<vmem_shared>>
    %dma_start3A_1178 = arith.constant 0 : i32
    %dma_start3A_1179 = tpu.memref_slice %arg12[%add3A_1175, %dma_start3A_1178] : memref<10000x128xf32, #tpu.memory_space<vmem_shared>> -> memref<8x128xf32, #tpu.memory_space<vmem_shared>>
    tpu.enqueue_dma source(%arg11 : memref<8x128xf32, #tpu.memory_space<vmem>>) target(%dma_start3A_1179 : memref<8x128xf32, #tpu.memory_space<vmem_shared>>) target_semaphore(%arg18 : memref<!tpu.dma_semaphore, #tpu.memory_space<semaphore_mem>>)
    %add3A_1180 = arith.constant 368 : i32
    %add3A_1181 = arith.addi %mul3A_903, %add3A_1180 : i32
    %dma_start3A_1182 = arith.constant 0 : i32
    %dma_start3A_1183 = tpu.memref_slice %arg12[%add3A_1181, %dma_start3A_1182] : memref<10000x128xf32, #tpu.memory_space<vmem_shared>> -> memref<8x128xf32, #tpu.memory_space<vmem_shared>>
    %dma_start3A_1184 = arith.constant 0 : i32
    %dma_start3A_1185 = tpu.memref_slice %arg12[%add3A_1181, %dma_start3A_1184] : memref<10000x128xf32, #tpu.memory_space<vmem_shared>> -> memref<8x128xf32, #tpu.memory_space<vmem_shared>>
    tpu.enqueue_dma source(%arg11 : memref<8x128xf32, #tpu.memory_space<vmem>>) target(%dma_start3A_1185 : memref<8x128xf32, #tpu.memory_space<vmem_shared>>) target_semaphore(%arg18 : memref<!tpu.dma_semaphore, #tpu.memory_space<semaphore_mem>>)
    %add3A_1186 = arith.constant 376 : i32
    %add3A_1187 = arith.addi %mul3A_903, %add3A_1186 : i32
    %dma_start3A_1188 = arith.constant 0 : i32
    %dma_start3A_1189 = tpu.memref_slice %arg12[%add3A_1187, %dma_start3A_1188] : memref<10000x128xf32, #tpu.memory_space<vmem_shared>> -> memref<8x128xf32, #tpu.memory_space<vmem_shared>>
    %dma_start3A_1190 = arith.constant 0 : i32
    %dma_start3A_1191 = tpu.memref_slice %arg12[%add3A_1187, %dma_start3A_1190] : memref<10000x128xf32, #tpu.memory_space<vmem_shared>> -> memref<8x128xf32, #tpu.memory_space<vmem_shared>>
    tpu.enqueue_dma source(%arg11 : memref<8x128xf32, #tpu.memory_space<vmem>>) target(%dma_start3A_1191 : memref<8x128xf32, #tpu.memory_space<vmem_shared>>) target_semaphore(%arg18 : memref<!tpu.dma_semaphore, #tpu.memory_space<semaphore_mem>>)
    %add3A_1192 = arith.constant 384 : i32
    %add3A_1193 = arith.addi %mul3A_903, %add3A_1192 : i32
    %dma_start3A_1194 = arith.constant 0 : i32
    %dma_start3A_1195 = tpu.memref_slice %arg12[%add3A_1193, %dma_start3A_1194] : memref<10000x128xf32, #tpu.memory_space<vmem_shared>> -> memref<8x128xf32, #tpu.memory_space<vmem_shared>>
    %dma_start3A_1196 = arith.constant 0 : i32
    %dma_start3A_1197 = tpu.memref_slice %arg12[%add3A_1193, %dma_start3A_1196] : memref<10000x128xf32, #tpu.memory_space<vmem_shared>> -> memref<8x128xf32, #tpu.memory_space<vmem_shared>>
    tpu.enqueue_dma source(%arg11 : memref<8x128xf32, #tpu.memory_space<vmem>>) target(%dma_start3A_1197 : memref<8x128xf32, #tpu.memory_space<vmem_shared>>) target_semaphore(%arg18 : memref<!tpu.dma_semaphore, #tpu.memory_space<semaphore_mem>>)
    %add3A_1198 = arith.constant 392 : i32
    %add3A_1199 = arith.addi %mul3A_903, %add3A_1198 : i32
    %dma_start3A_1200 = arith.constant 0 : i32
    %dma_start3A_1201 = tpu.memref_slice %arg12[%add3A_1199, %dma_start3A_1200] : memref<10000x128xf32, #tpu.memory_space<vmem_shared>> -> memref<8x128xf32, #tpu.memory_space<vmem_shared>>
    %dma_start3A_1202 = arith.constant 0 : i32
    %dma_start3A_1203 = tpu.memref_slice %arg12[%add3A_1199, %dma_start3A_1202] : memref<10000x128xf32, #tpu.memory_space<vmem_shared>> -> memref<8x128xf32, #tpu.memory_space<vmem_shared>>
    tpu.enqueue_dma source(%arg11 : memref<8x128xf32, #tpu.memory_space<vmem>>) target(%dma_start3A_1203 : memref<8x128xf32, #tpu.memory_space<vmem_shared>>) target_semaphore(%arg18 : memref<!tpu.dma_semaphore, #tpu.memory_space<semaphore_mem>>)
    %add3A_1204 = arith.constant 400 : i32
    %add3A_1205 = arith.addi %mul3A_903, %add3A_1204 : i32
    %dma_start3A_1206 = arith.constant 0 : i32
    %dma_start3A_1207 = tpu.memref_slice %arg12[%add3A_1205, %dma_start3A_1206] : memref<10000x128xf32, #tpu.memory_space<vmem_shared>> -> memref<8x128xf32, #tpu.memory_space<vmem_shared>>
    %dma_start3A_1208 = arith.constant 0 : i32
    %dma_start3A_1209 = tpu.memref_slice %arg12[%add3A_1205, %dma_start3A_1208] : memref<10000x128xf32, #tpu.memory_space<vmem_shared>> -> memref<8x128xf32, #tpu.memory_space<vmem_shared>>
    tpu.enqueue_dma source(%arg11 : memref<8x128xf32, #tpu.memory_space<vmem>>) target(%dma_start3A_1209 : memref<8x128xf32, #tpu.memory_space<vmem_shared>>) target_semaphore(%arg18 : memref<!tpu.dma_semaphore, #tpu.memory_space<semaphore_mem>>)
    %add3A_1210 = arith.constant 408 : i32
    %add3A_1211 = arith.addi %mul3A_903, %add3A_1210 : i32
    %dma_start3A_1212 = arith.constant 0 : i32
    %dma_start3A_1213 = tpu.memref_slice %arg12[%add3A_1211, %dma_start3A_1212] : memref<10000x128xf32, #tpu.memory_space<vmem_shared>> -> memref<8x128xf32, #tpu.memory_space<vmem_shared>>
    %dma_start3A_1214 = arith.constant 0 : i32
    %dma_start3A_1215 = tpu.memref_slice %arg12[%add3A_1211, %dma_start3A_1214] : memref<10000x128xf32, #tpu.memory_space<vmem_shared>> -> memref<8x128xf32, #tpu.memory_space<vmem_shared>>
    tpu.enqueue_dma source(%arg11 : memref<8x128xf32, #tpu.memory_space<vmem>>) target(%dma_start3A_1215 : memref<8x128xf32, #tpu.memory_space<vmem_shared>>) target_semaphore(%arg18 : memref<!tpu.dma_semaphore, #tpu.memory_space<semaphore_mem>>)
    %add3A_1216 = arith.constant 416 : i32
    %add3A_1217 = arith.addi %mul3A_903, %add3A_1216 : i32
    %dma_start3A_1218 = arith.constant 0 : i32
    %dma_start3A_1219 = tpu.memref_slice %arg12[%add3A_1217, %dma_start3A_1218] : memref<10000x128xf32, #tpu.memory_space<vmem_shared>> -> memref<8x128xf32, #tpu.memory_space<vmem_shared>>
    %dma_start3A_1220 = arith.constant 0 : i32
    %dma_start3A_1221 = tpu.memref_slice %arg12[%add3A_1217, %dma_start3A_1220] : memref<10000x128xf32, #tpu.memory_space<vmem_shared>> -> memref<8x128xf32, #tpu.memory_space<vmem_shared>>
    tpu.enqueue_dma source(%arg11 : memref<8x128xf32, #tpu.memory_space<vmem>>) target(%dma_start3A_1221 : memref<8x128xf32, #tpu.memory_space<vmem_shared>>) target_semaphore(%arg18 : memref<!tpu.dma_semaphore, #tpu.memory_space<semaphore_mem>>)
    %add3A_1222 = arith.constant 424 : i32
    %add3A_1223 = arith.addi %mul3A_903, %add3A_1222 : i32
    %dma_start3A_1224 = arith.constant 0 : i32
    %dma_start3A_1225 = tpu.memref_slice %arg12[%add3A_1223, %dma_start3A_1224] : memref<10000x128xf32, #tpu.memory_space<vmem_shared>> -> memref<8x128xf32, #tpu.memory_space<vmem_shared>>
    %dma_start3A_1226 = arith.constant 0 : i32
    %dma_start3A_1227 = tpu.memref_slice %arg12[%add3A_1223, %dma_start3A_1226] : memref<10000x128xf32, #tpu.memory_space<vmem_shared>> -> memref<8x128xf32, #tpu.memory_space<vmem_shared>>
    tpu.enqueue_dma source(%arg11 : memref<8x128xf32, #tpu.memory_space<vmem>>) target(%dma_start3A_1227 : memref<8x128xf32, #tpu.memory_space<vmem_shared>>) target_semaphore(%arg18 : memref<!tpu.dma_semaphore, #tpu.memory_space<semaphore_mem>>)
    %add3A_1228 = arith.constant 432 : i32
    %add3A_1229 = arith.addi %mul3A_903, %add3A_1228 : i32
    %dma_start3A_1230 = arith.constant 0 : i32
    %dma_start3A_1231 = tpu.memref_slice %arg12[%add3A_1229, %dma_start3A_1230] : memref<10000x128xf32, #tpu.memory_space<vmem_shared>> -> memref<8x128xf32, #tpu.memory_space<vmem_shared>>
    %dma_start3A_1232 = arith.constant 0 : i32
    %dma_start3A_1233 = tpu.memref_slice %arg12[%add3A_1229, %dma_start3A_1232] : memref<10000x128xf32, #tpu.memory_space<vmem_shared>> -> memref<8x128xf32, #tpu.memory_space<vmem_shared>>
    tpu.enqueue_dma source(%arg11 : memref<8x128xf32, #tpu.memory_space<vmem>>) target(%dma_start3A_1233 : memref<8x128xf32, #tpu.memory_space<vmem_shared>>) target_semaphore(%arg18 : memref<!tpu.dma_semaphore, #tpu.memory_space<semaphore_mem>>)
    %add3A_1234 = arith.constant 440 : i32
    %add3A_1235 = arith.addi %mul3A_903, %add3A_1234 : i32
    %dma_start3A_1236 = arith.constant 0 : i32
    %dma_start3A_1237 = tpu.memref_slice %arg12[%add3A_1235, %dma_start3A_1236] : memref<10000x128xf32, #tpu.memory_space<vmem_shared>> -> memref<8x128xf32, #tpu.memory_space<vmem_shared>>
    %dma_start3A_1238 = arith.constant 0 : i32
    %dma_start3A_1239 = tpu.memref_slice %arg12[%add3A_1235, %dma_start3A_1238] : memref<10000x128xf32, #tpu.memory_space<vmem_shared>> -> memref<8x128xf32, #tpu.memory_space<vmem_shared>>
    tpu.enqueue_dma source(%arg11 : memref<8x128xf32, #tpu.memory_space<vmem>>) target(%dma_start3A_1239 : memref<8x128xf32, #tpu.memory_space<vmem_shared>>) target_semaphore(%arg18 : memref<!tpu.dma_semaphore, #tpu.memory_space<semaphore_mem>>)
    %add3A_1240 = arith.constant 448 : i32
    %add3A_1241 = arith.addi %mul3A_903, %add3A_1240 : i32
    %dma_start3A_1242 = arith.constant 0 : i32
    %dma_start3A_1243 = tpu.memref_slice %arg12[%add3A_1241, %dma_start3A_1242] : memref<10000x128xf32, #tpu.memory_space<vmem_shared>> -> memref<8x128xf32, #tpu.memory_space<vmem_shared>>
    %dma_start3A_1244 = arith.constant 0 : i32
    %dma_start3A_1245 = tpu.memref_slice %arg12[%add3A_1241, %dma_start3A_1244] : memref<10000x128xf32, #tpu.memory_space<vmem_shared>> -> memref<8x128xf32, #tpu.memory_space<vmem_shared>>
    tpu.enqueue_dma source(%arg11 : memref<8x128xf32, #tpu.memory_space<vmem>>) target(%dma_start3A_1245 : memref<8x128xf32, #tpu.memory_space<vmem_shared>>) target_semaphore(%arg18 : memref<!tpu.dma_semaphore, #tpu.memory_space<semaphore_mem>>)
    %add3A_1246 = arith.constant 456 : i32
    %add3A_1247 = arith.addi %mul3A_903, %add3A_1246 : i32
    %dma_start3A_1248 = arith.constant 0 : i32
    %dma_start3A_1249 = tpu.memref_slice %arg12[%add3A_1247, %dma_start3A_1248] : memref<10000x128xf32, #tpu.memory_space<vmem_shared>> -> memref<8x128xf32, #tpu.memory_space<vmem_shared>>
    %dma_start3A_1250 = arith.constant 0 : i32
    %dma_start3A_1251 = tpu.memref_slice %arg12[%add3A_1247, %dma_start3A_1250] : memref<10000x128xf32, #tpu.memory_space<vmem_shared>> -> memref<8x128xf32, #tpu.memory_space<vmem_shared>>
    tpu.enqueue_dma source(%arg11 : memref<8x128xf32, #tpu.memory_space<vmem>>) target(%dma_start3A_1251 : memref<8x128xf32, #tpu.memory_space<vmem_shared>>) target_semaphore(%arg18 : memref<!tpu.dma_semaphore, #tpu.memory_space<semaphore_mem>>)
    %add3A_1252 = arith.constant 464 : i32
    %add3A_1253 = arith.addi %mul3A_903, %add3A_1252 : i32
    %dma_start3A_1254 = arith.constant 0 : i32
    %dma_start3A_1255 = tpu.memref_slice %arg12[%add3A_1253, %dma_start3A_1254] : memref<10000x128xf32, #tpu.memory_space<vmem_shared>> -> memref<8x128xf32, #tpu.memory_space<vmem_shared>>
    %dma_start3A_1256 = arith.constant 0 : i32
    %dma_start3A_1257 = tpu.memref_slice %arg12[%add3A_1253, %dma_start3A_1256] : memref<10000x128xf32, #tpu.memory_space<vmem_shared>> -> memref<8x128xf32, #tpu.memory_space<vmem_shared>>
    tpu.enqueue_dma source(%arg11 : memref<8x128xf32, #tpu.memory_space<vmem>>) target(%dma_start3A_1257 : memref<8x128xf32, #tpu.memory_space<vmem_shared>>) target_semaphore(%arg18 : memref<!tpu.dma_semaphore, #tpu.memory_space<semaphore_mem>>)
    %add3A_1258 = arith.constant 472 : i32
    %add3A_1259 = arith.addi %mul3A_903, %add3A_1258 : i32
    %dma_start3A_1260 = arith.constant 0 : i32
    %dma_start3A_1261 = tpu.memref_slice %arg12[%add3A_1259, %dma_start3A_1260] : memref<10000x128xf32, #tpu.memory_space<vmem_shared>> -> memref<8x128xf32, #tpu.memory_space<vmem_shared>>
    %dma_start3A_1262 = arith.constant 0 : i32
    %dma_start3A_1263 = tpu.memref_slice %arg12[%add3A_1259, %dma_start3A_1262] : memref<10000x128xf32, #tpu.memory_space<vmem_shared>> -> memref<8x128xf32, #tpu.memory_space<vmem_shared>>
    tpu.enqueue_dma source(%arg11 : memref<8x128xf32, #tpu.memory_space<vmem>>) target(%dma_start3A_1263 : memref<8x128xf32, #tpu.memory_space<vmem_shared>>) target_semaphore(%arg18 : memref<!tpu.dma_semaphore, #tpu.memory_space<semaphore_mem>>)
    %add3A_1264 = arith.constant 480 : i32
    %add3A_1265 = arith.addi %mul3A_903, %add3A_1264 : i32
    %dma_start3A_1266 = arith.constant 0 : i32
    %dma_start3A_1267 = tpu.memref_slice %arg12[%add3A_1265, %dma_start3A_1266] : memref<10000x128xf32, #tpu.memory_space<vmem_shared>> -> memref<8x128xf32, #tpu.memory_space<vmem_shared>>
    %dma_start3A_1268 = arith.constant 0 : i32
    %dma_start3A_1269 = tpu.memref_slice %arg12[%add3A_1265, %dma_start3A_1268] : memref<10000x128xf32, #tpu.memory_space<vmem_shared>> -> memref<8x128xf32, #tpu.memory_space<vmem_shared>>
    tpu.enqueue_dma source(%arg11 : memref<8x128xf32, #tpu.memory_space<vmem>>) target(%dma_start3A_1269 : memref<8x128xf32, #tpu.memory_space<vmem_shared>>) target_semaphore(%arg18 : memref<!tpu.dma_semaphore, #tpu.memory_space<semaphore_mem>>)
    %add3A_1270 = arith.constant 488 : i32
    %add3A_1271 = arith.addi %mul3A_903, %add3A_1270 : i32
    %dma_start3A_1272 = arith.constant 0 : i32
    %dma_start3A_1273 = tpu.memref_slice %arg12[%add3A_1271, %dma_start3A_1272] : memref<10000x128xf32, #tpu.memory_space<vmem_shared>> -> memref<8x128xf32, #tpu.memory_space<vmem_shared>>
    %dma_start3A_1274 = arith.constant 0 : i32
    %dma_start3A_1275 = tpu.memref_slice %arg12[%add3A_1271, %dma_start3A_1274] : memref<10000x128xf32, #tpu.memory_space<vmem_shared>> -> memref<8x128xf32, #tpu.memory_space<vmem_shared>>
    tpu.enqueue_dma source(%arg11 : memref<8x128xf32, #tpu.memory_space<vmem>>) target(%dma_start3A_1275 : memref<8x128xf32, #tpu.memory_space<vmem_shared>>) target_semaphore(%arg18 : memref<!tpu.dma_semaphore, #tpu.memory_space<semaphore_mem>>)
    %add3A_1276 = arith.constant 496 : i32
    %add3A_1277 = arith.addi %mul3A_903, %add3A_1276 : i32
    %dma_start3A_1278 = arith.constant 0 : i32
    %dma_start3A_1279 = tpu.memref_slice %arg12[%add3A_1277, %dma_start3A_1278] : memref<10000x128xf32, #tpu.memory_space<vmem_shared>> -> memref<8x128xf32, #tpu.memory_space<vmem_shared>>
    %dma_start3A_1280 = arith.constant 0 : i32
    %dma_start3A_1281 = tpu.memref_slice %arg12[%add3A_1277, %dma_start3A_1280] : memref<10000x128xf32, #tpu.memory_space<vmem_shared>> -> memref<8x128xf32, #tpu.memory_space<vmem_shared>>
    tpu.enqueue_dma source(%arg11 : memref<8x128xf32, #tpu.memory_space<vmem>>) target(%dma_start3A_1281 : memref<8x128xf32, #tpu.memory_space<vmem_shared>>) target_semaphore(%arg18 : memref<!tpu.dma_semaphore, #tpu.memory_space<semaphore_mem>>)
    %add3A_1282 = arith.constant 504 : i32
    %add3A_1283 = arith.addi %mul3A_903, %add3A_1282 : i32
    %dma_start3A_1284 = arith.constant 0 : i32
    %dma_start3A_1285 = tpu.memref_slice %arg12[%add3A_1283, %dma_start3A_1284] : memref<10000x128xf32, #tpu.memory_space<vmem_shared>> -> memref<8x128xf32, #tpu.memory_space<vmem_shared>>
    %dma_start3A_1286 = arith.constant 0 : i32
    %dma_start3A_1287 = tpu.memref_slice %arg12[%add3A_1283, %dma_start3A_1286] : memref<10000x128xf32, #tpu.memory_space<vmem_shared>> -> memref<8x128xf32, #tpu.memory_space<vmem_shared>>
    tpu.enqueue_dma source(%arg11 : memref<8x128xf32, #tpu.memory_space<vmem>>) target(%dma_start3A_1287 : memref<8x128xf32, #tpu.memory_space<vmem_shared>>) target_semaphore(%arg18 : memref<!tpu.dma_semaphore, #tpu.memory_space<semaphore_mem>>)
    %add3A_1288 = arith.constant 512 : i32
    %add3A_1289 = arith.addi %mul3A_903, %add3A_1288 : i32
    %dma_start3A_1290 = arith.constant 0 : i32
    %dma_start3A_1291 = tpu.memref_slice %arg12[%add3A_1289, %dma_start3A_1290] : memref<10000x128xf32, #tpu.memory_space<vmem_shared>> -> memref<8x128xf32, #tpu.memory_space<vmem_shared>>
    %dma_start3A_1292 = arith.constant 0 : i32
    %dma_start3A_1293 = tpu.memref_slice %arg12[%add3A_1289, %dma_start3A_1292] : memref<10000x128xf32, #tpu.memory_space<vmem_shared>> -> memref<8x128xf32, #tpu.memory_space<vmem_shared>>
    tpu.enqueue_dma source(%arg11 : memref<8x128xf32, #tpu.memory_space<vmem>>) target(%dma_start3A_1293 : memref<8x128xf32, #tpu.memory_space<vmem_shared>>) target_semaphore(%arg18 : memref<!tpu.dma_semaphore, #tpu.memory_space<semaphore_mem>>)
    %add3A_1294 = arith.constant 520 : i32
    %add3A_1295 = arith.addi %mul3A_903, %add3A_1294 : i32
    %dma_start3A_1296 = arith.constant 0 : i32
    %dma_start3A_1297 = tpu.memref_slice %arg12[%add3A_1295, %dma_start3A_1296] : memref<10000x128xf32, #tpu.memory_space<vmem_shared>> -> memref<8x128xf32, #tpu.memory_space<vmem_shared>>
    %dma_start3A_1298 = arith.constant 0 : i32
    %dma_start3A_1299 = tpu.memref_slice %arg12[%add3A_1295, %dma_start3A_1298] : memref<10000x128xf32, #tpu.memory_space<vmem_shared>> -> memref<8x128xf32, #tpu.memory_space<vmem_shared>>
    tpu.enqueue_dma source(%arg11 : memref<8x128xf32, #tpu.memory_space<vmem>>) target(%dma_start3A_1299 : memref<8x128xf32, #tpu.memory_space<vmem_shared>>) target_semaphore(%arg18 : memref<!tpu.dma_semaphore, #tpu.memory_space<semaphore_mem>>)
    %add3A_1300 = arith.constant 528 : i32
    %add3A_1301 = arith.addi %mul3A_903, %add3A_1300 : i32
    %dma_start3A_1302 = arith.constant 0 : i32
    %dma_start3A_1303 = tpu.memref_slice %arg12[%add3A_1301, %dma_start3A_1302] : memref<10000x128xf32, #tpu.memory_space<vmem_shared>> -> memref<8x128xf32, #tpu.memory_space<vmem_shared>>
    %dma_start3A_1304 = arith.constant 0 : i32
    %dma_start3A_1305 = tpu.memref_slice %arg12[%add3A_1301, %dma_start3A_1304] : memref<10000x128xf32, #tpu.memory_space<vmem_shared>> -> memref<8x128xf32, #tpu.memory_space<vmem_shared>>
    tpu.enqueue_dma source(%arg11 : memref<8x128xf32, #tpu.memory_space<vmem>>) target(%dma_start3A_1305 : memref<8x128xf32, #tpu.memory_space<vmem_shared>>) target_semaphore(%arg18 : memref<!tpu.dma_semaphore, #tpu.memory_space<semaphore_mem>>)
    %add3A_1306 = arith.constant 536 : i32
    %add3A_1307 = arith.addi %mul3A_903, %add3A_1306 : i32
    %dma_start3A_1308 = arith.constant 0 : i32
    %dma_start3A_1309 = tpu.memref_slice %arg12[%add3A_1307, %dma_start3A_1308] : memref<10000x128xf32, #tpu.memory_space<vmem_shared>> -> memref<8x128xf32, #tpu.memory_space<vmem_shared>>
    %dma_start3A_1310 = arith.constant 0 : i32
    %dma_start3A_1311 = tpu.memref_slice %arg12[%add3A_1307, %dma_start3A_1310] : memref<10000x128xf32, #tpu.memory_space<vmem_shared>> -> memref<8x128xf32, #tpu.memory_space<vmem_shared>>
    tpu.enqueue_dma source(%arg11 : memref<8x128xf32, #tpu.memory_space<vmem>>) target(%dma_start3A_1311 : memref<8x128xf32, #tpu.memory_space<vmem_shared>>) target_semaphore(%arg18 : memref<!tpu.dma_semaphore, #tpu.memory_space<semaphore_mem>>)
    %add3A_1312 = arith.constant 544 : i32
    %add3A_1313 = arith.addi %mul3A_903, %add3A_1312 : i32
    %dma_start3A_1314 = arith.constant 0 : i32
    %dma_start3A_1315 = tpu.memref_slice %arg12[%add3A_1313, %dma_start3A_1314] : memref<10000x128xf32, #tpu.memory_space<vmem_shared>> -> memref<8x128xf32, #tpu.memory_space<vmem_shared>>
    %dma_start3A_1316 = arith.constant 0 : i32
    %dma_start3A_1317 = tpu.memref_slice %arg12[%add3A_1313, %dma_start3A_1316] : memref<10000x128xf32, #tpu.memory_space<vmem_shared>> -> memref<8x128xf32, #tpu.memory_space<vmem_shared>>
    tpu.enqueue_dma source(%arg11 : memref<8x128xf32, #tpu.memory_space<vmem>>) target(%dma_start3A_1317 : memref<8x128xf32, #tpu.memory_space<vmem_shared>>) target_semaphore(%arg18 : memref<!tpu.dma_semaphore, #tpu.memory_space<semaphore_mem>>)
    %add3A_1318 = arith.constant 552 : i32
    %add3A_1319 = arith.addi %mul3A_903, %add3A_1318 : i32
    %dma_start3A_1320 = arith.constant 0 : i32
    %dma_start3A_1321 = tpu.memref_slice %arg12[%add3A_1319, %dma_start3A_1320] : memref<10000x128xf32, #tpu.memory_space<vmem_shared>> -> memref<8x128xf32, #tpu.memory_space<vmem_shared>>
    %dma_start3A_1322 = arith.constant 0 : i32
    %dma_start3A_1323 = tpu.memref_slice %arg12[%add3A_1319, %dma_start3A_1322] : memref<10000x128xf32, #tpu.memory_space<vmem_shared>> -> memref<8x128xf32, #tpu.memory_space<vmem_shared>>
    tpu.enqueue_dma source(%arg11 : memref<8x128xf32, #tpu.memory_space<vmem>>) target(%dma_start3A_1323 : memref<8x128xf32, #tpu.memory_space<vmem_shared>>) target_semaphore(%arg18 : memref<!tpu.dma_semaphore, #tpu.memory_space<semaphore_mem>>)
    %add3A_1324 = arith.constant 560 : i32
    %add3A_1325 = arith.addi %mul3A_903, %add3A_1324 : i32
    %dma_start3A_1326 = arith.constant 0 : i32
    %dma_start3A_1327 = tpu.memref_slice %arg12[%add3A_1325, %dma_start3A_1326] : memref<10000x128xf32, #tpu.memory_space<vmem_shared>> -> memref<8x128xf32, #tpu.memory_space<vmem_shared>>
    %dma_start3A_1328 = arith.constant 0 : i32
    %dma_start3A_1329 = tpu.memref_slice %arg12[%add3A_1325, %dma_start3A_1328] : memref<10000x128xf32, #tpu.memory_space<vmem_shared>> -> memref<8x128xf32, #tpu.memory_space<vmem_shared>>
    tpu.enqueue_dma source(%arg11 : memref<8x128xf32, #tpu.memory_space<vmem>>) target(%dma_start3A_1329 : memref<8x128xf32, #tpu.memory_space<vmem_shared>>) target_semaphore(%arg18 : memref<!tpu.dma_semaphore, #tpu.memory_space<semaphore_mem>>)
    %add3A_1330 = arith.constant 568 : i32
    %add3A_1331 = arith.addi %mul3A_903, %add3A_1330 : i32
    %dma_start3A_1332 = arith.constant 0 : i32
    %dma_start3A_1333 = tpu.memref_slice %arg12[%add3A_1331, %dma_start3A_1332] : memref<10000x128xf32, #tpu.memory_space<vmem_shared>> -> memref<8x128xf32, #tpu.memory_space<vmem_shared>>
    %dma_start3A_1334 = arith.constant 0 : i32
    %dma_start3A_1335 = tpu.memref_slice %arg12[%add3A_1331, %dma_start3A_1334] : memref<10000x128xf32, #tpu.memory_space<vmem_shared>> -> memref<8x128xf32, #tpu.memory_space<vmem_shared>>
    tpu.enqueue_dma source(%arg11 : memref<8x128xf32, #tpu.memory_space<vmem>>) target(%dma_start3A_1335 : memref<8x128xf32, #tpu.memory_space<vmem_shared>>) target_semaphore(%arg18 : memref<!tpu.dma_semaphore, #tpu.memory_space<semaphore_mem>>)
    %add3A_1336 = arith.constant 576 : i32
    %add3A_1337 = arith.addi %mul3A_903, %add3A_1336 : i32
    %dma_start3A_1338 = arith.constant 0 : i32
    %dma_start3A_1339 = tpu.memref_slice %arg12[%add3A_1337, %dma_start3A_1338] : memref<10000x128xf32, #tpu.memory_space<vmem_shared>> -> memref<8x128xf32, #tpu.memory_space<vmem_shared>>
    %dma_start3A_1340 = arith.constant 0 : i32
    %dma_start3A_1341 = tpu.memref_slice %arg12[%add3A_1337, %dma_start3A_1340] : memref<10000x128xf32, #tpu.memory_space<vmem_shared>> -> memref<8x128xf32, #tpu.memory_space<vmem_shared>>
    tpu.enqueue_dma source(%arg11 : memref<8x128xf32, #tpu.memory_space<vmem>>) target(%dma_start3A_1341 : memref<8x128xf32, #tpu.memory_space<vmem_shared>>) target_semaphore(%arg18 : memref<!tpu.dma_semaphore, #tpu.memory_space<semaphore_mem>>)
    %add3A_1342 = arith.constant 584 : i32
    %add3A_1343 = arith.addi %mul3A_903, %add3A_1342 : i32
    %dma_start3A_1344 = arith.constant 0 : i32
    %dma_start3A_1345 = tpu.memref_slice %arg12[%add3A_1343, %dma_start3A_1344] : memref<10000x128xf32, #tpu.memory_space<vmem_shared>> -> memref<8x128xf32, #tpu.memory_space<vmem_shared>>
    %dma_start3A_1346 = arith.constant 0 : i32
    %dma_start3A_1347 = tpu.memref_slice %arg12[%add3A_1343, %dma_start3A_1346] : memref<10000x128xf32, #tpu.memory_space<vmem_shared>> -> memref<8x128xf32, #tpu.memory_space<vmem_shared>>
    tpu.enqueue_dma source(%arg11 : memref<8x128xf32, #tpu.memory_space<vmem>>) target(%dma_start3A_1347 : memref<8x128xf32, #tpu.memory_space<vmem_shared>>) target_semaphore(%arg18 : memref<!tpu.dma_semaphore, #tpu.memory_space<semaphore_mem>>)
    %add3A_1348 = arith.constant 592 : i32
    %add3A_1349 = arith.addi %mul3A_903, %add3A_1348 : i32
    %dma_start3A_1350 = arith.constant 0 : i32
    %dma_start3A_1351 = tpu.memref_slice %arg12[%add3A_1349, %dma_start3A_1350] : memref<10000x128xf32, #tpu.memory_space<vmem_shared>> -> memref<8x128xf32, #tpu.memory_space<vmem_shared>>
    %dma_start3A_1352 = arith.constant 0 : i32
    %dma_start3A_1353 = tpu.memref_slice %arg12[%add3A_1349, %dma_start3A_1352] : memref<10000x128xf32, #tpu.memory_space<vmem_shared>> -> memref<8x128xf32, #tpu.memory_space<vmem_shared>>
    tpu.enqueue_dma source(%arg11 : memref<8x128xf32, #tpu.memory_space<vmem>>) target(%dma_start3A_1353 : memref<8x128xf32, #tpu.memory_space<vmem_shared>>) target_semaphore(%arg18 : memref<!tpu.dma_semaphore, #tpu.memory_space<semaphore_mem>>)
    %add3A_1354 = arith.constant 600 : i32
    %add3A_1355 = arith.addi %mul3A_903, %add3A_1354 : i32
    %dma_start3A_1356 = arith.constant 0 : i32
    %dma_start3A_1357 = tpu.memref_slice %arg12[%add3A_1355, %dma_start3A_1356] : memref<10000x128xf32, #tpu.memory_space<vmem_shared>> -> memref<8x128xf32, #tpu.memory_space<vmem_shared>>
    %dma_start3A_1358 = arith.constant 0 : i32
    %dma_start3A_1359 = tpu.memref_slice %arg12[%add3A_1355, %dma_start3A_1358] : memref<10000x128xf32, #tpu.memory_space<vmem_shared>> -> memref<8x128xf32, #tpu.memory_space<vmem_shared>>
    tpu.enqueue_dma source(%arg11 : memref<8x128xf32, #tpu.memory_space<vmem>>) target(%dma_start3A_1359 : memref<8x128xf32, #tpu.memory_space<vmem_shared>>) target_semaphore(%arg18 : memref<!tpu.dma_semaphore, #tpu.memory_space<semaphore_mem>>)
    %add3A_1360 = arith.constant 608 : i32
    %add3A_1361 = arith.addi %mul3A_903, %add3A_1360 : i32
    %dma_start3A_1362 = arith.constant 0 : i32
    %dma_start3A_1363 = tpu.memref_slice %arg12[%add3A_1361, %dma_start3A_1362] : memref<10000x128xf32, #tpu.memory_space<vmem_shared>> -> memref<8x128xf32, #tpu.memory_space<vmem_shared>>
    %dma_start3A_1364 = arith.constant 0 : i32
    %dma_start3A_1365 = tpu.memref_slice %arg12[%add3A_1361, %dma_start3A_1364] : memref<10000x128xf32, #tpu.memory_space<vmem_shared>> -> memref<8x128xf32, #tpu.memory_space<vmem_shared>>
    tpu.enqueue_dma source(%arg11 : memref<8x128xf32, #tpu.memory_space<vmem>>) target(%dma_start3A_1365 : memref<8x128xf32, #tpu.memory_space<vmem_shared>>) target_semaphore(%arg18 : memref<!tpu.dma_semaphore, #tpu.memory_space<semaphore_mem>>)
    %add3A_1366 = arith.constant 616 : i32
    %add3A_1367 = arith.addi %mul3A_903, %add3A_1366 : i32
    %dma_start3A_1368 = arith.constant 0 : i32
    %dma_start3A_1369 = tpu.memref_slice %arg12[%add3A_1367, %dma_start3A_1368] : memref<10000x128xf32, #tpu.memory_space<vmem_shared>> -> memref<8x128xf32, #tpu.memory_space<vmem_shared>>
    %dma_start3A_1370 = arith.constant 0 : i32
    %dma_start3A_1371 = tpu.memref_slice %arg12[%add3A_1367, %dma_start3A_1370] : memref<10000x128xf32, #tpu.memory_space<vmem_shared>> -> memref<8x128xf32, #tpu.memory_space<vmem_shared>>
    tpu.enqueue_dma source(%arg11 : memref<8x128xf32, #tpu.memory_space<vmem>>) target(%dma_start3A_1371 : memref<8x128xf32, #tpu.memory_space<vmem_shared>>) target_semaphore(%arg18 : memref<!tpu.dma_semaphore, #tpu.memory_space<semaphore_mem>>)
    %add3A_1372 = arith.constant 624 : i32
    %add3A_1373 = arith.addi %mul3A_903, %add3A_1372 : i32
    %dma_start3A_1374 = arith.constant 0 : i32
    %dma_start3A_1375 = tpu.memref_slice %arg12[%add3A_1373, %dma_start3A_1374] : memref<10000x128xf32, #tpu.memory_space<vmem_shared>> -> memref<8x128xf32, #tpu.memory_space<vmem_shared>>
    %dma_start3A_1376 = arith.constant 0 : i32
    %dma_start3A_1377 = tpu.memref_slice %arg12[%add3A_1373, %dma_start3A_1376] : memref<10000x128xf32, #tpu.memory_space<vmem_shared>> -> memref<8x128xf32, #tpu.memory_space<vmem_shared>>
    tpu.enqueue_dma source(%arg11 : memref<8x128xf32, #tpu.memory_space<vmem>>) target(%dma_start3A_1377 : memref<8x128xf32, #tpu.memory_space<vmem_shared>>) target_semaphore(%arg18 : memref<!tpu.dma_semaphore, #tpu.memory_space<semaphore_mem>>)
    %add3A_1378 = arith.constant 632 : i32
    %add3A_1379 = arith.addi %mul3A_903, %add3A_1378 : i32
    %dma_start3A_1380 = arith.constant 0 : i32
    %dma_start3A_1381 = tpu.memref_slice %arg12[%add3A_1379, %dma_start3A_1380] : memref<10000x128xf32, #tpu.memory_space<vmem_shared>> -> memref<8x128xf32, #tpu.memory_space<vmem_shared>>
    %dma_start3A_1382 = arith.constant 0 : i32
    %dma_start3A_1383 = tpu.memref_slice %arg12[%add3A_1379, %dma_start3A_1382] : memref<10000x128xf32, #tpu.memory_space<vmem_shared>> -> memref<8x128xf32, #tpu.memory_space<vmem_shared>>
    tpu.enqueue_dma source(%arg11 : memref<8x128xf32, #tpu.memory_space<vmem>>) target(%dma_start3A_1383 : memref<8x128xf32, #tpu.memory_space<vmem_shared>>) target_semaphore(%arg18 : memref<!tpu.dma_semaphore, #tpu.memory_space<semaphore_mem>>)
    %add3A_1384 = arith.constant 0 : i32
    %add3A_1385 = arith.addi %mul3A_903, %add3A_1384 : i32
    %dma_wait3A_1386 = arith.constant 0 : i32
    %dma_wait3A_1387 = tpu.memref_slice %arg12[%add3A_1385, %dma_wait3A_1386] : memref<10000x128xf32, #tpu.memory_space<vmem_shared>> -> memref<8x128xf32, #tpu.memory_space<vmem_shared>>
    %dma_wait3A_1388 = arith.constant 0 : i32
    %dma_wait3A_1389 = tpu.memref_slice %arg12[%add3A_1385, %dma_wait3A_1388] : memref<10000x128xf32, #tpu.memory_space<vmem_shared>> -> memref<8x128xf32, #tpu.memory_space<vmem_shared>>
    tpu.wait_dma2 semaphore(%arg18 : memref<!tpu.dma_semaphore, #tpu.memory_space<semaphore_mem>>) src(%arg11 : memref<8x128xf32, #tpu.memory_space<vmem>>) dst(%dma_wait3A_1389 : memref<8x128xf32, #tpu.memory_space<vmem_shared>>)
    %add3A_1390 = arith.constant 8 : i32
    %add3A_1391 = arith.addi %mul3A_903, %add3A_1390 : i32
    %dma_wait3A_1392 = arith.constant 0 : i32
    %dma_wait3A_1393 = tpu.memref_slice %arg12[%add3A_1391, %dma_wait3A_1392] : memref<10000x128xf32, #tpu.memory_space<vmem_shared>> -> memref<8x128xf32, #tpu.memory_space<vmem_shared>>
    %dma_wait3A_1394 = arith.constant 0 : i32
    %dma_wait3A_1395 = tpu.memref_slice %arg12[%add3A_1391, %dma_wait3A_1394] : memref<10000x128xf32, #tpu.memory_space<vmem_shared>> -> memref<8x128xf32, #tpu.memory_space<vmem_shared>>
    tpu.wait_dma2 semaphore(%arg18 : memref<!tpu.dma_semaphore, #tpu.memory_space<semaphore_mem>>) src(%arg11 : memref<8x128xf32, #tpu.memory_space<vmem>>) dst(%dma_wait3A_1395 : memref<8x128xf32, #tpu.memory_space<vmem_shared>>)
    %add3A_1396 = arith.constant 16 : i32
    %add3A_1397 = arith.addi %mul3A_903, %add3A_1396 : i32
    %dma_wait3A_1398 = arith.constant 0 : i32
    %dma_wait3A_1399 = tpu.memref_slice %arg12[%add3A_1397, %dma_wait3A_1398] : memref<10000x128xf32, #tpu.memory_space<vmem_shared>> -> memref<8x128xf32, #tpu.memory_space<vmem_shared>>
    %dma_wait3A_1400 = arith.constant 0 : i32
    %dma_wait3A_1401 = tpu.memref_slice %arg12[%add3A_1397, %dma_wait3A_1400] : memref<10000x128xf32, #tpu.memory_space<vmem_shared>> -> memref<8x128xf32, #tpu.memory_space<vmem_shared>>
    tpu.wait_dma2 semaphore(%arg18 : memref<!tpu.dma_semaphore, #tpu.memory_space<semaphore_mem>>) src(%arg11 : memref<8x128xf32, #tpu.memory_space<vmem>>) dst(%dma_wait3A_1401 : memref<8x128xf32, #tpu.memory_space<vmem_shared>>)
    %add3A_1402 = arith.constant 24 : i32
    %add3A_1403 = arith.addi %mul3A_903, %add3A_1402 : i32
    %dma_wait3A_1404 = arith.constant 0 : i32
    %dma_wait3A_1405 = tpu.memref_slice %arg12[%add3A_1403, %dma_wait3A_1404] : memref<10000x128xf32, #tpu.memory_space<vmem_shared>> -> memref<8x128xf32, #tpu.memory_space<vmem_shared>>
    %dma_wait3A_1406 = arith.constant 0 : i32
    %dma_wait3A_1407 = tpu.memref_slice %arg12[%add3A_1403, %dma_wait3A_1406] : memref<10000x128xf32, #tpu.memory_space<vmem_shared>> -> memref<8x128xf32, #tpu.memory_space<vmem_shared>>
    tpu.wait_dma2 semaphore(%arg18 : memref<!tpu.dma_semaphore, #tpu.memory_space<semaphore_mem>>) src(%arg11 : memref<8x128xf32, #tpu.memory_space<vmem>>) dst(%dma_wait3A_1407 : memref<8x128xf32, #tpu.memory_space<vmem_shared>>)
    %add3A_1408 = arith.constant 32 : i32
    %add3A_1409 = arith.addi %mul3A_903, %add3A_1408 : i32
    %dma_wait3A_1410 = arith.constant 0 : i32
    %dma_wait3A_1411 = tpu.memref_slice %arg12[%add3A_1409, %dma_wait3A_1410] : memref<10000x128xf32, #tpu.memory_space<vmem_shared>> -> memref<8x128xf32, #tpu.memory_space<vmem_shared>>
    %dma_wait3A_1412 = arith.constant 0 : i32
    %dma_wait3A_1413 = tpu.memref_slice %arg12[%add3A_1409, %dma_wait3A_1412] : memref<10000x128xf32, #tpu.memory_space<vmem_shared>> -> memref<8x128xf32, #tpu.memory_space<vmem_shared>>
    tpu.wait_dma2 semaphore(%arg18 : memref<!tpu.dma_semaphore, #tpu.memory_space<semaphore_mem>>) src(%arg11 : memref<8x128xf32, #tpu.memory_space<vmem>>) dst(%dma_wait3A_1413 : memref<8x128xf32, #tpu.memory_space<vmem_shared>>)
    %add3A_1414 = arith.constant 40 : i32
    %add3A_1415 = arith.addi %mul3A_903, %add3A_1414 : i32
    %dma_wait3A_1416 = arith.constant 0 : i32
    %dma_wait3A_1417 = tpu.memref_slice %arg12[%add3A_1415, %dma_wait3A_1416] : memref<10000x128xf32, #tpu.memory_space<vmem_shared>> -> memref<8x128xf32, #tpu.memory_space<vmem_shared>>
    %dma_wait3A_1418 = arith.constant 0 : i32
    %dma_wait3A_1419 = tpu.memref_slice %arg12[%add3A_1415, %dma_wait3A_1418] : memref<10000x128xf32, #tpu.memory_space<vmem_shared>> -> memref<8x128xf32, #tpu.memory_space<vmem_shared>>
    tpu.wait_dma2 semaphore(%arg18 : memref<!tpu.dma_semaphore, #tpu.memory_space<semaphore_mem>>) src(%arg11 : memref<8x128xf32, #tpu.memory_space<vmem>>) dst(%dma_wait3A_1419 : memref<8x128xf32, #tpu.memory_space<vmem_shared>>)
    %add3A_1420 = arith.constant 48 : i32
    %add3A_1421 = arith.addi %mul3A_903, %add3A_1420 : i32
    %dma_wait3A_1422 = arith.constant 0 : i32
    %dma_wait3A_1423 = tpu.memref_slice %arg12[%add3A_1421, %dma_wait3A_1422] : memref<10000x128xf32, #tpu.memory_space<vmem_shared>> -> memref<8x128xf32, #tpu.memory_space<vmem_shared>>
    %dma_wait3A_1424 = arith.constant 0 : i32
    %dma_wait3A_1425 = tpu.memref_slice %arg12[%add3A_1421, %dma_wait3A_1424] : memref<10000x128xf32, #tpu.memory_space<vmem_shared>> -> memref<8x128xf32, #tpu.memory_space<vmem_shared>>
    tpu.wait_dma2 semaphore(%arg18 : memref<!tpu.dma_semaphore, #tpu.memory_space<semaphore_mem>>) src(%arg11 : memref<8x128xf32, #tpu.memory_space<vmem>>) dst(%dma_wait3A_1425 : memref<8x128xf32, #tpu.memory_space<vmem_shared>>)
    %add3A_1426 = arith.constant 56 : i32
    %add3A_1427 = arith.addi %mul3A_903, %add3A_1426 : i32
    %dma_wait3A_1428 = arith.constant 0 : i32
    %dma_wait3A_1429 = tpu.memref_slice %arg12[%add3A_1427, %dma_wait3A_1428] : memref<10000x128xf32, #tpu.memory_space<vmem_shared>> -> memref<8x128xf32, #tpu.memory_space<vmem_shared>>
    %dma_wait3A_1430 = arith.constant 0 : i32
    %dma_wait3A_1431 = tpu.memref_slice %arg12[%add3A_1427, %dma_wait3A_1430] : memref<10000x128xf32, #tpu.memory_space<vmem_shared>> -> memref<8x128xf32, #tpu.memory_space<vmem_shared>>
    tpu.wait_dma2 semaphore(%arg18 : memref<!tpu.dma_semaphore, #tpu.memory_space<semaphore_mem>>) src(%arg11 : memref<8x128xf32, #tpu.memory_space<vmem>>) dst(%dma_wait3A_1431 : memref<8x128xf32, #tpu.memory_space<vmem_shared>>)
    %add3A_1432 = arith.constant 64 : i32
    %add3A_1433 = arith.addi %mul3A_903, %add3A_1432 : i32
    %dma_wait3A_1434 = arith.constant 0 : i32
    %dma_wait3A_1435 = tpu.memref_slice %arg12[%add3A_1433, %dma_wait3A_1434] : memref<10000x128xf32, #tpu.memory_space<vmem_shared>> -> memref<8x128xf32, #tpu.memory_space<vmem_shared>>
    %dma_wait3A_1436 = arith.constant 0 : i32
    %dma_wait3A_1437 = tpu.memref_slice %arg12[%add3A_1433, %dma_wait3A_1436] : memref<10000x128xf32, #tpu.memory_space<vmem_shared>> -> memref<8x128xf32, #tpu.memory_space<vmem_shared>>
    tpu.wait_dma2 semaphore(%arg18 : memref<!tpu.dma_semaphore, #tpu.memory_space<semaphore_mem>>) src(%arg11 : memref<8x128xf32, #tpu.memory_space<vmem>>) dst(%dma_wait3A_1437 : memref<8x128xf32, #tpu.memory_space<vmem_shared>>)
    %add3A_1438 = arith.constant 72 : i32
    %add3A_1439 = arith.addi %mul3A_903, %add3A_1438 : i32
    %dma_wait3A_1440 = arith.constant 0 : i32
    %dma_wait3A_1441 = tpu.memref_slice %arg12[%add3A_1439, %dma_wait3A_1440] : memref<10000x128xf32, #tpu.memory_space<vmem_shared>> -> memref<8x128xf32, #tpu.memory_space<vmem_shared>>
    %dma_wait3A_1442 = arith.constant 0 : i32
    %dma_wait3A_1443 = tpu.memref_slice %arg12[%add3A_1439, %dma_wait3A_1442] : memref<10000x128xf32, #tpu.memory_space<vmem_shared>> -> memref<8x128xf32, #tpu.memory_space<vmem_shared>>
    tpu.wait_dma2 semaphore(%arg18 : memref<!tpu.dma_semaphore, #tpu.memory_space<semaphore_mem>>) src(%arg11 : memref<8x128xf32, #tpu.memory_space<vmem>>) dst(%dma_wait3A_1443 : memref<8x128xf32, #tpu.memory_space<vmem_shared>>)
    %add3A_1444 = arith.constant 80 : i32
    %add3A_1445 = arith.addi %mul3A_903, %add3A_1444 : i32
    %dma_wait3A_1446 = arith.constant 0 : i32
    %dma_wait3A_1447 = tpu.memref_slice %arg12[%add3A_1445, %dma_wait3A_1446] : memref<10000x128xf32, #tpu.memory_space<vmem_shared>> -> memref<8x128xf32, #tpu.memory_space<vmem_shared>>
    %dma_wait3A_1448 = arith.constant 0 : i32
    %dma_wait3A_1449 = tpu.memref_slice %arg12[%add3A_1445, %dma_wait3A_1448] : memref<10000x128xf32, #tpu.memory_space<vmem_shared>> -> memref<8x128xf32, #tpu.memory_space<vmem_shared>>
    tpu.wait_dma2 semaphore(%arg18 : memref<!tpu.dma_semaphore, #tpu.memory_space<semaphore_mem>>) src(%arg11 : memref<8x128xf32, #tpu.memory_space<vmem>>) dst(%dma_wait3A_1449 : memref<8x128xf32, #tpu.memory_space<vmem_shared>>)
    %add3A_1450 = arith.constant 88 : i32
    %add3A_1451 = arith.addi %mul3A_903, %add3A_1450 : i32
    %dma_wait3A_1452 = arith.constant 0 : i32
    %dma_wait3A_1453 = tpu.memref_slice %arg12[%add3A_1451, %dma_wait3A_1452] : memref<10000x128xf32, #tpu.memory_space<vmem_shared>> -> memref<8x128xf32, #tpu.memory_space<vmem_shared>>
    %dma_wait3A_1454 = arith.constant 0 : i32
    %dma_wait3A_1455 = tpu.memref_slice %arg12[%add3A_1451, %dma_wait3A_1454] : memref<10000x128xf32, #tpu.memory_space<vmem_shared>> -> memref<8x128xf32, #tpu.memory_space<vmem_shared>>
    tpu.wait_dma2 semaphore(%arg18 : memref<!tpu.dma_semaphore, #tpu.memory_space<semaphore_mem>>) src(%arg11 : memref<8x128xf32, #tpu.memory_space<vmem>>) dst(%dma_wait3A_1455 : memref<8x128xf32, #tpu.memory_space<vmem_shared>>)
    %add3A_1456 = arith.constant 96 : i32
    %add3A_1457 = arith.addi %mul3A_903, %add3A_1456 : i32
    %dma_wait3A_1458 = arith.constant 0 : i32
    %dma_wait3A_1459 = tpu.memref_slice %arg12[%add3A_1457, %dma_wait3A_1458] : memref<10000x128xf32, #tpu.memory_space<vmem_shared>> -> memref<8x128xf32, #tpu.memory_space<vmem_shared>>
    %dma_wait3A_1460 = arith.constant 0 : i32
    %dma_wait3A_1461 = tpu.memref_slice %arg12[%add3A_1457, %dma_wait3A_1460] : memref<10000x128xf32, #tpu.memory_space<vmem_shared>> -> memref<8x128xf32, #tpu.memory_space<vmem_shared>>
    tpu.wait_dma2 semaphore(%arg18 : memref<!tpu.dma_semaphore, #tpu.memory_space<semaphore_mem>>) src(%arg11 : memref<8x128xf32, #tpu.memory_space<vmem>>) dst(%dma_wait3A_1461 : memref<8x128xf32, #tpu.memory_space<vmem_shared>>)
    %add3A_1462 = arith.constant 104 : i32
    %add3A_1463 = arith.addi %mul3A_903, %add3A_1462 : i32
    %dma_wait3A_1464 = arith.constant 0 : i32
    %dma_wait3A_1465 = tpu.memref_slice %arg12[%add3A_1463, %dma_wait3A_1464] : memref<10000x128xf32, #tpu.memory_space<vmem_shared>> -> memref<8x128xf32, #tpu.memory_space<vmem_shared>>
    %dma_wait3A_1466 = arith.constant 0 : i32
    %dma_wait3A_1467 = tpu.memref_slice %arg12[%add3A_1463, %dma_wait3A_1466] : memref<10000x128xf32, #tpu.memory_space<vmem_shared>> -> memref<8x128xf32, #tpu.memory_space<vmem_shared>>
    tpu.wait_dma2 semaphore(%arg18 : memref<!tpu.dma_semaphore, #tpu.memory_space<semaphore_mem>>) src(%arg11 : memref<8x128xf32, #tpu.memory_space<vmem>>) dst(%dma_wait3A_1467 : memref<8x128xf32, #tpu.memory_space<vmem_shared>>)
    %add3A_1468 = arith.constant 112 : i32
    %add3A_1469 = arith.addi %mul3A_903, %add3A_1468 : i32
    %dma_wait3A_1470 = arith.constant 0 : i32
    %dma_wait3A_1471 = tpu.memref_slice %arg12[%add3A_1469, %dma_wait3A_1470] : memref<10000x128xf32, #tpu.memory_space<vmem_shared>> -> memref<8x128xf32, #tpu.memory_space<vmem_shared>>
    %dma_wait3A_1472 = arith.constant 0 : i32
    %dma_wait3A_1473 = tpu.memref_slice %arg12[%add3A_1469, %dma_wait3A_1472] : memref<10000x128xf32, #tpu.memory_space<vmem_shared>> -> memref<8x128xf32, #tpu.memory_space<vmem_shared>>
    tpu.wait_dma2 semaphore(%arg18 : memref<!tpu.dma_semaphore, #tpu.memory_space<semaphore_mem>>) src(%arg11 : memref<8x128xf32, #tpu.memory_space<vmem>>) dst(%dma_wait3A_1473 : memref<8x128xf32, #tpu.memory_space<vmem_shared>>)
    %add3A_1474 = arith.constant 120 : i32
    %add3A_1475 = arith.addi %mul3A_903, %add3A_1474 : i32
    %dma_wait3A_1476 = arith.constant 0 : i32
    %dma_wait3A_1477 = tpu.memref_slice %arg12[%add3A_1475, %dma_wait3A_1476] : memref<10000x128xf32, #tpu.memory_space<vmem_shared>> -> memref<8x128xf32, #tpu.memory_space<vmem_shared>>
    %dma_wait3A_1478 = arith.constant 0 : i32
    %dma_wait3A_1479 = tpu.memref_slice %arg12[%add3A_1475, %dma_wait3A_1478] : memref<10000x128xf32, #tpu.memory_space<vmem_shared>> -> memref<8x128xf32, #tpu.memory_space<vmem_shared>>
    tpu.wait_dma2 semaphore(%arg18 : memref<!tpu.dma_semaphore, #tpu.memory_space<semaphore_mem>>) src(%arg11 : memref<8x128xf32, #tpu.memory_space<vmem>>) dst(%dma_wait3A_1479 : memref<8x128xf32, #tpu.memory_space<vmem_shared>>)
    %add3A_1480 = arith.constant 128 : i32
    %add3A_1481 = arith.addi %mul3A_903, %add3A_1480 : i32
    %dma_wait3A_1482 = arith.constant 0 : i32
    %dma_wait3A_1483 = tpu.memref_slice %arg12[%add3A_1481, %dma_wait3A_1482] : memref<10000x128xf32, #tpu.memory_space<vmem_shared>> -> memref<8x128xf32, #tpu.memory_space<vmem_shared>>
    %dma_wait3A_1484 = arith.constant 0 : i32
    %dma_wait3A_1485 = tpu.memref_slice %arg12[%add3A_1481, %dma_wait3A_1484] : memref<10000x128xf32, #tpu.memory_space<vmem_shared>> -> memref<8x128xf32, #tpu.memory_space<vmem_shared>>
    tpu.wait_dma2 semaphore(%arg18 : memref<!tpu.dma_semaphore, #tpu.memory_space<semaphore_mem>>) src(%arg11 : memref<8x128xf32, #tpu.memory_space<vmem>>) dst(%dma_wait3A_1485 : memref<8x128xf32, #tpu.memory_space<vmem_shared>>)
    %add3A_1486 = arith.constant 136 : i32
    %add3A_1487 = arith.addi %mul3A_903, %add3A_1486 : i32
    %dma_wait3A_1488 = arith.constant 0 : i32
    %dma_wait3A_1489 = tpu.memref_slice %arg12[%add3A_1487, %dma_wait3A_1488] : memref<10000x128xf32, #tpu.memory_space<vmem_shared>> -> memref<8x128xf32, #tpu.memory_space<vmem_shared>>
    %dma_wait3A_1490 = arith.constant 0 : i32
    %dma_wait3A_1491 = tpu.memref_slice %arg12[%add3A_1487, %dma_wait3A_1490] : memref<10000x128xf32, #tpu.memory_space<vmem_shared>> -> memref<8x128xf32, #tpu.memory_space<vmem_shared>>
    tpu.wait_dma2 semaphore(%arg18 : memref<!tpu.dma_semaphore, #tpu.memory_space<semaphore_mem>>) src(%arg11 : memref<8x128xf32, #tpu.memory_space<vmem>>) dst(%dma_wait3A_1491 : memref<8x128xf32, #tpu.memory_space<vmem_shared>>)
    %add3A_1492 = arith.constant 144 : i32
    %add3A_1493 = arith.addi %mul3A_903, %add3A_1492 : i32
    %dma_wait3A_1494 = arith.constant 0 : i32
    %dma_wait3A_1495 = tpu.memref_slice %arg12[%add3A_1493, %dma_wait3A_1494] : memref<10000x128xf32, #tpu.memory_space<vmem_shared>> -> memref<8x128xf32, #tpu.memory_space<vmem_shared>>
    %dma_wait3A_1496 = arith.constant 0 : i32
    %dma_wait3A_1497 = tpu.memref_slice %arg12[%add3A_1493, %dma_wait3A_1496] : memref<10000x128xf32, #tpu.memory_space<vmem_shared>> -> memref<8x128xf32, #tpu.memory_space<vmem_shared>>
    tpu.wait_dma2 semaphore(%arg18 : memref<!tpu.dma_semaphore, #tpu.memory_space<semaphore_mem>>) src(%arg11 : memref<8x128xf32, #tpu.memory_space<vmem>>) dst(%dma_wait3A_1497 : memref<8x128xf32, #tpu.memory_space<vmem_shared>>)
    %add3A_1498 = arith.constant 152 : i32
    %add3A_1499 = arith.addi %mul3A_903, %add3A_1498 : i32
    %dma_wait3A_1500 = arith.constant 0 : i32
    %dma_wait3A_1501 = tpu.memref_slice %arg12[%add3A_1499, %dma_wait3A_1500] : memref<10000x128xf32, #tpu.memory_space<vmem_shared>> -> memref<8x128xf32, #tpu.memory_space<vmem_shared>>
    %dma_wait3A_1502 = arith.constant 0 : i32
    %dma_wait3A_1503 = tpu.memref_slice %arg12[%add3A_1499, %dma_wait3A_1502] : memref<10000x128xf32, #tpu.memory_space<vmem_shared>> -> memref<8x128xf32, #tpu.memory_space<vmem_shared>>
    tpu.wait_dma2 semaphore(%arg18 : memref<!tpu.dma_semaphore, #tpu.memory_space<semaphore_mem>>) src(%arg11 : memref<8x128xf32, #tpu.memory_space<vmem>>) dst(%dma_wait3A_1503 : memref<8x128xf32, #tpu.memory_space<vmem_shared>>)
    %add3A_1504 = arith.constant 160 : i32
    %add3A_1505 = arith.addi %mul3A_903, %add3A_1504 : i32
    %dma_wait3A_1506 = arith.constant 0 : i32
    %dma_wait3A_1507 = tpu.memref_slice %arg12[%add3A_1505, %dma_wait3A_1506] : memref<10000x128xf32, #tpu.memory_space<vmem_shared>> -> memref<8x128xf32, #tpu.memory_space<vmem_shared>>
    %dma_wait3A_1508 = arith.constant 0 : i32
    %dma_wait3A_1509 = tpu.memref_slice %arg12[%add3A_1505, %dma_wait3A_1508] : memref<10000x128xf32, #tpu.memory_space<vmem_shared>> -> memref<8x128xf32, #tpu.memory_space<vmem_shared>>
    tpu.wait_dma2 semaphore(%arg18 : memref<!tpu.dma_semaphore, #tpu.memory_space<semaphore_mem>>) src(%arg11 : memref<8x128xf32, #tpu.memory_space<vmem>>) dst(%dma_wait3A_1509 : memref<8x128xf32, #tpu.memory_space<vmem_shared>>)
    %add3A_1510 = arith.constant 168 : i32
    %add3A_1511 = arith.addi %mul3A_903, %add3A_1510 : i32
    %dma_wait3A_1512 = arith.constant 0 : i32
    %dma_wait3A_1513 = tpu.memref_slice %arg12[%add3A_1511, %dma_wait3A_1512] : memref<10000x128xf32, #tpu.memory_space<vmem_shared>> -> memref<8x128xf32, #tpu.memory_space<vmem_shared>>
    %dma_wait3A_1514 = arith.constant 0 : i32
    %dma_wait3A_1515 = tpu.memref_slice %arg12[%add3A_1511, %dma_wait3A_1514] : memref<10000x128xf32, #tpu.memory_space<vmem_shared>> -> memref<8x128xf32, #tpu.memory_space<vmem_shared>>
    tpu.wait_dma2 semaphore(%arg18 : memref<!tpu.dma_semaphore, #tpu.memory_space<semaphore_mem>>) src(%arg11 : memref<8x128xf32, #tpu.memory_space<vmem>>) dst(%dma_wait3A_1515 : memref<8x128xf32, #tpu.memory_space<vmem_shared>>)
    %add3A_1516 = arith.constant 176 : i32
    %add3A_1517 = arith.addi %mul3A_903, %add3A_1516 : i32
    %dma_wait3A_1518 = arith.constant 0 : i32
    %dma_wait3A_1519 = tpu.memref_slice %arg12[%add3A_1517, %dma_wait3A_1518] : memref<10000x128xf32, #tpu.memory_space<vmem_shared>> -> memref<8x128xf32, #tpu.memory_space<vmem_shared>>
    %dma_wait3A_1520 = arith.constant 0 : i32
    %dma_wait3A_1521 = tpu.memref_slice %arg12[%add3A_1517, %dma_wait3A_1520] : memref<10000x128xf32, #tpu.memory_space<vmem_shared>> -> memref<8x128xf32, #tpu.memory_space<vmem_shared>>
    tpu.wait_dma2 semaphore(%arg18 : memref<!tpu.dma_semaphore, #tpu.memory_space<semaphore_mem>>) src(%arg11 : memref<8x128xf32, #tpu.memory_space<vmem>>) dst(%dma_wait3A_1521 : memref<8x128xf32, #tpu.memory_space<vmem_shared>>)
    %add3A_1522 = arith.constant 184 : i32
    %add3A_1523 = arith.addi %mul3A_903, %add3A_1522 : i32
    %dma_wait3A_1524 = arith.constant 0 : i32
    %dma_wait3A_1525 = tpu.memref_slice %arg12[%add3A_1523, %dma_wait3A_1524] : memref<10000x128xf32, #tpu.memory_space<vmem_shared>> -> memref<8x128xf32, #tpu.memory_space<vmem_shared>>
    %dma_wait3A_1526 = arith.constant 0 : i32
    %dma_wait3A_1527 = tpu.memref_slice %arg12[%add3A_1523, %dma_wait3A_1526] : memref<10000x128xf32, #tpu.memory_space<vmem_shared>> -> memref<8x128xf32, #tpu.memory_space<vmem_shared>>
    tpu.wait_dma2 semaphore(%arg18 : memref<!tpu.dma_semaphore, #tpu.memory_space<semaphore_mem>>) src(%arg11 : memref<8x128xf32, #tpu.memory_space<vmem>>) dst(%dma_wait3A_1527 : memref<8x128xf32, #tpu.memory_space<vmem_shared>>)
    %add3A_1528 = arith.constant 192 : i32
    %add3A_1529 = arith.addi %mul3A_903, %add3A_1528 : i32
    %dma_wait3A_1530 = arith.constant 0 : i32
    %dma_wait3A_1531 = tpu.memref_slice %arg12[%add3A_1529, %dma_wait3A_1530] : memref<10000x128xf32, #tpu.memory_space<vmem_shared>> -> memref<8x128xf32, #tpu.memory_space<vmem_shared>>
    %dma_wait3A_1532 = arith.constant 0 : i32
    %dma_wait3A_1533 = tpu.memref_slice %arg12[%add3A_1529, %dma_wait3A_1532] : memref<10000x128xf32, #tpu.memory_space<vmem_shared>> -> memref<8x128xf32, #tpu.memory_space<vmem_shared>>
    tpu.wait_dma2 semaphore(%arg18 : memref<!tpu.dma_semaphore, #tpu.memory_space<semaphore_mem>>) src(%arg11 : memref<8x128xf32, #tpu.memory_space<vmem>>) dst(%dma_wait3A_1533 : memref<8x128xf32, #tpu.memory_space<vmem_shared>>)
    %add3A_1534 = arith.constant 200 : i32
    %add3A_1535 = arith.addi %mul3A_903, %add3A_1534 : i32
    %dma_wait3A_1536 = arith.constant 0 : i32
    %dma_wait3A_1537 = tpu.memref_slice %arg12[%add3A_1535, %dma_wait3A_1536] : memref<10000x128xf32, #tpu.memory_space<vmem_shared>> -> memref<8x128xf32, #tpu.memory_space<vmem_shared>>
    %dma_wait3A_1538 = arith.constant 0 : i32
    %dma_wait3A_1539 = tpu.memref_slice %arg12[%add3A_1535, %dma_wait3A_1538] : memref<10000x128xf32, #tpu.memory_space<vmem_shared>> -> memref<8x128xf32, #tpu.memory_space<vmem_shared>>
    tpu.wait_dma2 semaphore(%arg18 : memref<!tpu.dma_semaphore, #tpu.memory_space<semaphore_mem>>) src(%arg11 : memref<8x128xf32, #tpu.memory_space<vmem>>) dst(%dma_wait3A_1539 : memref<8x128xf32, #tpu.memory_space<vmem_shared>>)
    %add3A_1540 = arith.constant 208 : i32
    %add3A_1541 = arith.addi %mul3A_903, %add3A_1540 : i32
    %dma_wait3A_1542 = arith.constant 0 : i32
    %dma_wait3A_1543 = tpu.memref_slice %arg12[%add3A_1541, %dma_wait3A_1542] : memref<10000x128xf32, #tpu.memory_space<vmem_shared>> -> memref<8x128xf32, #tpu.memory_space<vmem_shared>>
    %dma_wait3A_1544 = arith.constant 0 : i32
    %dma_wait3A_1545 = tpu.memref_slice %arg12[%add3A_1541, %dma_wait3A_1544] : memref<10000x128xf32, #tpu.memory_space<vmem_shared>> -> memref<8x128xf32, #tpu.memory_space<vmem_shared>>
    tpu.wait_dma2 semaphore(%arg18 : memref<!tpu.dma_semaphore, #tpu.memory_space<semaphore_mem>>) src(%arg11 : memref<8x128xf32, #tpu.memory_space<vmem>>) dst(%dma_wait3A_1545 : memref<8x128xf32, #tpu.memory_space<vmem_shared>>)
    %add3A_1546 = arith.constant 216 : i32
    %add3A_1547 = arith.addi %mul3A_903, %add3A_1546 : i32
    %dma_wait3A_1548 = arith.constant 0 : i32
    %dma_wait3A_1549 = tpu.memref_slice %arg12[%add3A_1547, %dma_wait3A_1548] : memref<10000x128xf32, #tpu.memory_space<vmem_shared>> -> memref<8x128xf32, #tpu.memory_space<vmem_shared>>
    %dma_wait3A_1550 = arith.constant 0 : i32
    %dma_wait3A_1551 = tpu.memref_slice %arg12[%add3A_1547, %dma_wait3A_1550] : memref<10000x128xf32, #tpu.memory_space<vmem_shared>> -> memref<8x128xf32, #tpu.memory_space<vmem_shared>>
    tpu.wait_dma2 semaphore(%arg18 : memref<!tpu.dma_semaphore, #tpu.memory_space<semaphore_mem>>) src(%arg11 : memref<8x128xf32, #tpu.memory_space<vmem>>) dst(%dma_wait3A_1551 : memref<8x128xf32, #tpu.memory_space<vmem_shared>>)
    %add3A_1552 = arith.constant 224 : i32
    %add3A_1553 = arith.addi %mul3A_903, %add3A_1552 : i32
    %dma_wait3A_1554 = arith.constant 0 : i32
    %dma_wait3A_1555 = tpu.memref_slice %arg12[%add3A_1553, %dma_wait3A_1554] : memref<10000x128xf32, #tpu.memory_space<vmem_shared>> -> memref<8x128xf32, #tpu.memory_space<vmem_shared>>
    %dma_wait3A_1556 = arith.constant 0 : i32
    %dma_wait3A_1557 = tpu.memref_slice %arg12[%add3A_1553, %dma_wait3A_1556] : memref<10000x128xf32, #tpu.memory_space<vmem_shared>> -> memref<8x128xf32, #tpu.memory_space<vmem_shared>>
    tpu.wait_dma2 semaphore(%arg18 : memref<!tpu.dma_semaphore, #tpu.memory_space<semaphore_mem>>) src(%arg11 : memref<8x128xf32, #tpu.memory_space<vmem>>) dst(%dma_wait3A_1557 : memref<8x128xf32, #tpu.memory_space<vmem_shared>>)
    %add3A_1558 = arith.constant 232 : i32
    %add3A_1559 = arith.addi %mul3A_903, %add3A_1558 : i32
    %dma_wait3A_1560 = arith.constant 0 : i32
    %dma_wait3A_1561 = tpu.memref_slice %arg12[%add3A_1559, %dma_wait3A_1560] : memref<10000x128xf32, #tpu.memory_space<vmem_shared>> -> memref<8x128xf32, #tpu.memory_space<vmem_shared>>
    %dma_wait3A_1562 = arith.constant 0 : i32
    %dma_wait3A_1563 = tpu.memref_slice %arg12[%add3A_1559, %dma_wait3A_1562] : memref<10000x128xf32, #tpu.memory_space<vmem_shared>> -> memref<8x128xf32, #tpu.memory_space<vmem_shared>>
    tpu.wait_dma2 semaphore(%arg18 : memref<!tpu.dma_semaphore, #tpu.memory_space<semaphore_mem>>) src(%arg11 : memref<8x128xf32, #tpu.memory_space<vmem>>) dst(%dma_wait3A_1563 : memref<8x128xf32, #tpu.memory_space<vmem_shared>>)
    %add3A_1564 = arith.constant 240 : i32
    %add3A_1565 = arith.addi %mul3A_903, %add3A_1564 : i32
    %dma_wait3A_1566 = arith.constant 0 : i32
    %dma_wait3A_1567 = tpu.memref_slice %arg12[%add3A_1565, %dma_wait3A_1566] : memref<10000x128xf32, #tpu.memory_space<vmem_shared>> -> memref<8x128xf32, #tpu.memory_space<vmem_shared>>
    %dma_wait3A_1568 = arith.constant 0 : i32
    %dma_wait3A_1569 = tpu.memref_slice %arg12[%add3A_1565, %dma_wait3A_1568] : memref<10000x128xf32, #tpu.memory_space<vmem_shared>> -> memref<8x128xf32, #tpu.memory_space<vmem_shared>>
    tpu.wait_dma2 semaphore(%arg18 : memref<!tpu.dma_semaphore, #tpu.memory_space<semaphore_mem>>) src(%arg11 : memref<8x128xf32, #tpu.memory_space<vmem>>) dst(%dma_wait3A_1569 : memref<8x128xf32, #tpu.memory_space<vmem_shared>>)
    %add3A_1570 = arith.constant 248 : i32
    %add3A_1571 = arith.addi %mul3A_903, %add3A_1570 : i32
    %dma_wait3A_1572 = arith.constant 0 : i32
    %dma_wait3A_1573 = tpu.memref_slice %arg12[%add3A_1571, %dma_wait3A_1572] : memref<10000x128xf32, #tpu.memory_space<vmem_shared>> -> memref<8x128xf32, #tpu.memory_space<vmem_shared>>
    %dma_wait3A_1574 = arith.constant 0 : i32
    %dma_wait3A_1575 = tpu.memref_slice %arg12[%add3A_1571, %dma_wait3A_1574] : memref<10000x128xf32, #tpu.memory_space<vmem_shared>> -> memref<8x128xf32, #tpu.memory_space<vmem_shared>>
    tpu.wait_dma2 semaphore(%arg18 : memref<!tpu.dma_semaphore, #tpu.memory_space<semaphore_mem>>) src(%arg11 : memref<8x128xf32, #tpu.memory_space<vmem>>) dst(%dma_wait3A_1575 : memref<8x128xf32, #tpu.memory_space<vmem_shared>>)
    %add3A_1576 = arith.constant 256 : i32
    %add3A_1577 = arith.addi %mul3A_903, %add3A_1576 : i32
    %dma_wait3A_1578 = arith.constant 0 : i32
    %dma_wait3A_1579 = tpu.memref_slice %arg12[%add3A_1577, %dma_wait3A_1578] : memref<10000x128xf32, #tpu.memory_space<vmem_shared>> -> memref<8x128xf32, #tpu.memory_space<vmem_shared>>
    %dma_wait3A_1580 = arith.constant 0 : i32
    %dma_wait3A_1581 = tpu.memref_slice %arg12[%add3A_1577, %dma_wait3A_1580] : memref<10000x128xf32, #tpu.memory_space<vmem_shared>> -> memref<8x128xf32, #tpu.memory_space<vmem_shared>>
    tpu.wait_dma2 semaphore(%arg18 : memref<!tpu.dma_semaphore, #tpu.memory_space<semaphore_mem>>) src(%arg11 : memref<8x128xf32, #tpu.memory_space<vmem>>) dst(%dma_wait3A_1581 : memref<8x128xf32, #tpu.memory_space<vmem_shared>>)
    %add3A_1582 = arith.constant 264 : i32
    %add3A_1583 = arith.addi %mul3A_903, %add3A_1582 : i32
    %dma_wait3A_1584 = arith.constant 0 : i32
    %dma_wait3A_1585 = tpu.memref_slice %arg12[%add3A_1583, %dma_wait3A_1584] : memref<10000x128xf32, #tpu.memory_space<vmem_shared>> -> memref<8x128xf32, #tpu.memory_space<vmem_shared>>
    %dma_wait3A_1586 = arith.constant 0 : i32
    %dma_wait3A_1587 = tpu.memref_slice %arg12[%add3A_1583, %dma_wait3A_1586] : memref<10000x128xf32, #tpu.memory_space<vmem_shared>> -> memref<8x128xf32, #tpu.memory_space<vmem_shared>>
    tpu.wait_dma2 semaphore(%arg18 : memref<!tpu.dma_semaphore, #tpu.memory_space<semaphore_mem>>) src(%arg11 : memref<8x128xf32, #tpu.memory_space<vmem>>) dst(%dma_wait3A_1587 : memref<8x128xf32, #tpu.memory_space<vmem_shared>>)
    %add3A_1588 = arith.constant 272 : i32
    %add3A_1589 = arith.addi %mul3A_903, %add3A_1588 : i32
    %dma_wait3A_1590 = arith.constant 0 : i32
    %dma_wait3A_1591 = tpu.memref_slice %arg12[%add3A_1589, %dma_wait3A_1590] : memref<10000x128xf32, #tpu.memory_space<vmem_shared>> -> memref<8x128xf32, #tpu.memory_space<vmem_shared>>
    %dma_wait3A_1592 = arith.constant 0 : i32
    %dma_wait3A_1593 = tpu.memref_slice %arg12[%add3A_1589, %dma_wait3A_1592] : memref<10000x128xf32, #tpu.memory_space<vmem_shared>> -> memref<8x128xf32, #tpu.memory_space<vmem_shared>>
    tpu.wait_dma2 semaphore(%arg18 : memref<!tpu.dma_semaphore, #tpu.memory_space<semaphore_mem>>) src(%arg11 : memref<8x128xf32, #tpu.memory_space<vmem>>) dst(%dma_wait3A_1593 : memref<8x128xf32, #tpu.memory_space<vmem_shared>>)
    %add3A_1594 = arith.constant 280 : i32
    %add3A_1595 = arith.addi %mul3A_903, %add3A_1594 : i32
    %dma_wait3A_1596 = arith.constant 0 : i32
    %dma_wait3A_1597 = tpu.memref_slice %arg12[%add3A_1595, %dma_wait3A_1596] : memref<10000x128xf32, #tpu.memory_space<vmem_shared>> -> memref<8x128xf32, #tpu.memory_space<vmem_shared>>
    %dma_wait3A_1598 = arith.constant 0 : i32
    %dma_wait3A_1599 = tpu.memref_slice %arg12[%add3A_1595, %dma_wait3A_1598] : memref<10000x128xf32, #tpu.memory_space<vmem_shared>> -> memref<8x128xf32, #tpu.memory_space<vmem_shared>>
    tpu.wait_dma2 semaphore(%arg18 : memref<!tpu.dma_semaphore, #tpu.memory_space<semaphore_mem>>) src(%arg11 : memref<8x128xf32, #tpu.memory_space<vmem>>) dst(%dma_wait3A_1599 : memref<8x128xf32, #tpu.memory_space<vmem_shared>>)
    %add3A_1600 = arith.constant 288 : i32
    %add3A_1601 = arith.addi %mul3A_903, %add3A_1600 : i32
    %dma_wait3A_1602 = arith.constant 0 : i32
    %dma_wait3A_1603 = tpu.memref_slice %arg12[%add3A_1601, %dma_wait3A_1602] : memref<10000x128xf32, #tpu.memory_space<vmem_shared>> -> memref<8x128xf32, #tpu.memory_space<vmem_shared>>
    %dma_wait3A_1604 = arith.constant 0 : i32
    %dma_wait3A_1605 = tpu.memref_slice %arg12[%add3A_1601, %dma_wait3A_1604] : memref<10000x128xf32, #tpu.memory_space<vmem_shared>> -> memref<8x128xf32, #tpu.memory_space<vmem_shared>>
    tpu.wait_dma2 semaphore(%arg18 : memref<!tpu.dma_semaphore, #tpu.memory_space<semaphore_mem>>) src(%arg11 : memref<8x128xf32, #tpu.memory_space<vmem>>) dst(%dma_wait3A_1605 : memref<8x128xf32, #tpu.memory_space<vmem_shared>>)
    %add3A_1606 = arith.constant 296 : i32
    %add3A_1607 = arith.addi %mul3A_903, %add3A_1606 : i32
    %dma_wait3A_1608 = arith.constant 0 : i32
    %dma_wait3A_1609 = tpu.memref_slice %arg12[%add3A_1607, %dma_wait3A_1608] : memref<10000x128xf32, #tpu.memory_space<vmem_shared>> -> memref<8x128xf32, #tpu.memory_space<vmem_shared>>
    %dma_wait3A_1610 = arith.constant 0 : i32
    %dma_wait3A_1611 = tpu.memref_slice %arg12[%add3A_1607, %dma_wait3A_1610] : memref<10000x128xf32, #tpu.memory_space<vmem_shared>> -> memref<8x128xf32, #tpu.memory_space<vmem_shared>>
    tpu.wait_dma2 semaphore(%arg18 : memref<!tpu.dma_semaphore, #tpu.memory_space<semaphore_mem>>) src(%arg11 : memref<8x128xf32, #tpu.memory_space<vmem>>) dst(%dma_wait3A_1611 : memref<8x128xf32, #tpu.memory_space<vmem_shared>>)
    %add3A_1612 = arith.constant 304 : i32
    %add3A_1613 = arith.addi %mul3A_903, %add3A_1612 : i32
    %dma_wait3A_1614 = arith.constant 0 : i32
    %dma_wait3A_1615 = tpu.memref_slice %arg12[%add3A_1613, %dma_wait3A_1614] : memref<10000x128xf32, #tpu.memory_space<vmem_shared>> -> memref<8x128xf32, #tpu.memory_space<vmem_shared>>
    %dma_wait3A_1616 = arith.constant 0 : i32
    %dma_wait3A_1617 = tpu.memref_slice %arg12[%add3A_1613, %dma_wait3A_1616] : memref<10000x128xf32, #tpu.memory_space<vmem_shared>> -> memref<8x128xf32, #tpu.memory_space<vmem_shared>>
    tpu.wait_dma2 semaphore(%arg18 : memref<!tpu.dma_semaphore, #tpu.memory_space<semaphore_mem>>) src(%arg11 : memref<8x128xf32, #tpu.memory_space<vmem>>) dst(%dma_wait3A_1617 : memref<8x128xf32, #tpu.memory_space<vmem_shared>>)
    %add3A_1618 = arith.constant 312 : i32
    %add3A_1619 = arith.addi %mul3A_903, %add3A_1618 : i32
    %dma_wait3A_1620 = arith.constant 0 : i32
    %dma_wait3A_1621 = tpu.memref_slice %arg12[%add3A_1619, %dma_wait3A_1620] : memref<10000x128xf32, #tpu.memory_space<vmem_shared>> -> memref<8x128xf32, #tpu.memory_space<vmem_shared>>
    %dma_wait3A_1622 = arith.constant 0 : i32
    %dma_wait3A_1623 = tpu.memref_slice %arg12[%add3A_1619, %dma_wait3A_1622] : memref<10000x128xf32, #tpu.memory_space<vmem_shared>> -> memref<8x128xf32, #tpu.memory_space<vmem_shared>>
    tpu.wait_dma2 semaphore(%arg18 : memref<!tpu.dma_semaphore, #tpu.memory_space<semaphore_mem>>) src(%arg11 : memref<8x128xf32, #tpu.memory_space<vmem>>) dst(%dma_wait3A_1623 : memref<8x128xf32, #tpu.memory_space<vmem_shared>>)
    %add3A_1624 = arith.constant 320 : i32
    %add3A_1625 = arith.addi %mul3A_903, %add3A_1624 : i32
    %dma_wait3A_1626 = arith.constant 0 : i32
    %dma_wait3A_1627 = tpu.memref_slice %arg12[%add3A_1625, %dma_wait3A_1626] : memref<10000x128xf32, #tpu.memory_space<vmem_shared>> -> memref<8x128xf32, #tpu.memory_space<vmem_shared>>
    %dma_wait3A_1628 = arith.constant 0 : i32
    %dma_wait3A_1629 = tpu.memref_slice %arg12[%add3A_1625, %dma_wait3A_1628] : memref<10000x128xf32, #tpu.memory_space<vmem_shared>> -> memref<8x128xf32, #tpu.memory_space<vmem_shared>>
    tpu.wait_dma2 semaphore(%arg18 : memref<!tpu.dma_semaphore, #tpu.memory_space<semaphore_mem>>) src(%arg11 : memref<8x128xf32, #tpu.memory_space<vmem>>) dst(%dma_wait3A_1629 : memref<8x128xf32, #tpu.memory_space<vmem_shared>>)
    %add3A_1630 = arith.constant 328 : i32
    %add3A_1631 = arith.addi %mul3A_903, %add3A_1630 : i32
    %dma_wait3A_1632 = arith.constant 0 : i32
    %dma_wait3A_1633 = tpu.memref_slice %arg12[%add3A_1631, %dma_wait3A_1632] : memref<10000x128xf32, #tpu.memory_space<vmem_shared>> -> memref<8x128xf32, #tpu.memory_space<vmem_shared>>
    %dma_wait3A_1634 = arith.constant 0 : i32
    %dma_wait3A_1635 = tpu.memref_slice %arg12[%add3A_1631, %dma_wait3A_1634] : memref<10000x128xf32, #tpu.memory_space<vmem_shared>> -> memref<8x128xf32, #tpu.memory_space<vmem_shared>>
    tpu.wait_dma2 semaphore(%arg18 : memref<!tpu.dma_semaphore, #tpu.memory_space<semaphore_mem>>) src(%arg11 : memref<8x128xf32, #tpu.memory_space<vmem>>) dst(%dma_wait3A_1635 : memref<8x128xf32, #tpu.memory_space<vmem_shared>>)
    %add3A_1636 = arith.constant 336 : i32
    %add3A_1637 = arith.addi %mul3A_903, %add3A_1636 : i32
    %dma_wait3A_1638 = arith.constant 0 : i32
    %dma_wait3A_1639 = tpu.memref_slice %arg12[%add3A_1637, %dma_wait3A_1638] : memref<10000x128xf32, #tpu.memory_space<vmem_shared>> -> memref<8x128xf32, #tpu.memory_space<vmem_shared>>
    %dma_wait3A_1640 = arith.constant 0 : i32
    %dma_wait3A_1641 = tpu.memref_slice %arg12[%add3A_1637, %dma_wait3A_1640] : memref<10000x128xf32, #tpu.memory_space<vmem_shared>> -> memref<8x128xf32, #tpu.memory_space<vmem_shared>>
    tpu.wait_dma2 semaphore(%arg18 : memref<!tpu.dma_semaphore, #tpu.memory_space<semaphore_mem>>) src(%arg11 : memref<8x128xf32, #tpu.memory_space<vmem>>) dst(%dma_wait3A_1641 : memref<8x128xf32, #tpu.memory_space<vmem_shared>>)
    %add3A_1642 = arith.constant 344 : i32
    %add3A_1643 = arith.addi %mul3A_903, %add3A_1642 : i32
    %dma_wait3A_1644 = arith.constant 0 : i32
    %dma_wait3A_1645 = tpu.memref_slice %arg12[%add3A_1643, %dma_wait3A_1644] : memref<10000x128xf32, #tpu.memory_space<vmem_shared>> -> memref<8x128xf32, #tpu.memory_space<vmem_shared>>
    %dma_wait3A_1646 = arith.constant 0 : i32
    %dma_wait3A_1647 = tpu.memref_slice %arg12[%add3A_1643, %dma_wait3A_1646] : memref<10000x128xf32, #tpu.memory_space<vmem_shared>> -> memref<8x128xf32, #tpu.memory_space<vmem_shared>>
    tpu.wait_dma2 semaphore(%arg18 : memref<!tpu.dma_semaphore, #tpu.memory_space<semaphore_mem>>) src(%arg11 : memref<8x128xf32, #tpu.memory_space<vmem>>) dst(%dma_wait3A_1647 : memref<8x128xf32, #tpu.memory_space<vmem_shared>>)
    %add3A_1648 = arith.constant 352 : i32
    %add3A_1649 = arith.addi %mul3A_903, %add3A_1648 : i32
    %dma_wait3A_1650 = arith.constant 0 : i32
    %dma_wait3A_1651 = tpu.memref_slice %arg12[%add3A_1649, %dma_wait3A_1650] : memref<10000x128xf32, #tpu.memory_space<vmem_shared>> -> memref<8x128xf32, #tpu.memory_space<vmem_shared>>
    %dma_wait3A_1652 = arith.constant 0 : i32
    %dma_wait3A_1653 = tpu.memref_slice %arg12[%add3A_1649, %dma_wait3A_1652] : memref<10000x128xf32, #tpu.memory_space<vmem_shared>> -> memref<8x128xf32, #tpu.memory_space<vmem_shared>>
    tpu.wait_dma2 semaphore(%arg18 : memref<!tpu.dma_semaphore, #tpu.memory_space<semaphore_mem>>) src(%arg11 : memref<8x128xf32, #tpu.memory_space<vmem>>) dst(%dma_wait3A_1653 : memref<8x128xf32, #tpu.memory_space<vmem_shared>>)
    %add3A_1654 = arith.constant 360 : i32
    %add3A_1655 = arith.addi %mul3A_903, %add3A_1654 : i32
    %dma_wait3A_1656 = arith.constant 0 : i32
    %dma_wait3A_1657 = tpu.memref_slice %arg12[%add3A_1655, %dma_wait3A_1656] : memref<10000x128xf32, #tpu.memory_space<vmem_shared>> -> memref<8x128xf32, #tpu.memory_space<vmem_shared>>
    %dma_wait3A_1658 = arith.constant 0 : i32
    %dma_wait3A_1659 = tpu.memref_slice %arg12[%add3A_1655, %dma_wait3A_1658] : memref<10000x128xf32, #tpu.memory_space<vmem_shared>> -> memref<8x128xf32, #tpu.memory_space<vmem_shared>>
    tpu.wait_dma2 semaphore(%arg18 : memref<!tpu.dma_semaphore, #tpu.memory_space<semaphore_mem>>) src(%arg11 : memref<8x128xf32, #tpu.memory_space<vmem>>) dst(%dma_wait3A_1659 : memref<8x128xf32, #tpu.memory_space<vmem_shared>>)
    %add3A_1660 = arith.constant 368 : i32
    %add3A_1661 = arith.addi %mul3A_903, %add3A_1660 : i32
    %dma_wait3A_1662 = arith.constant 0 : i32
    %dma_wait3A_1663 = tpu.memref_slice %arg12[%add3A_1661, %dma_wait3A_1662] : memref<10000x128xf32, #tpu.memory_space<vmem_shared>> -> memref<8x128xf32, #tpu.memory_space<vmem_shared>>
    %dma_wait3A_1664 = arith.constant 0 : i32
    %dma_wait3A_1665 = tpu.memref_slice %arg12[%add3A_1661, %dma_wait3A_1664] : memref<10000x128xf32, #tpu.memory_space<vmem_shared>> -> memref<8x128xf32, #tpu.memory_space<vmem_shared>>
    tpu.wait_dma2 semaphore(%arg18 : memref<!tpu.dma_semaphore, #tpu.memory_space<semaphore_mem>>) src(%arg11 : memref<8x128xf32, #tpu.memory_space<vmem>>) dst(%dma_wait3A_1665 : memref<8x128xf32, #tpu.memory_space<vmem_shared>>)
    %add3A_1666 = arith.constant 376 : i32
    %add3A_1667 = arith.addi %mul3A_903, %add3A_1666 : i32
    %dma_wait3A_1668 = arith.constant 0 : i32
    %dma_wait3A_1669 = tpu.memref_slice %arg12[%add3A_1667, %dma_wait3A_1668] : memref<10000x128xf32, #tpu.memory_space<vmem_shared>> -> memref<8x128xf32, #tpu.memory_space<vmem_shared>>
    %dma_wait3A_1670 = arith.constant 0 : i32
    %dma_wait3A_1671 = tpu.memref_slice %arg12[%add3A_1667, %dma_wait3A_1670] : memref<10000x128xf32, #tpu.memory_space<vmem_shared>> -> memref<8x128xf32, #tpu.memory_space<vmem_shared>>
    tpu.wait_dma2 semaphore(%arg18 : memref<!tpu.dma_semaphore, #tpu.memory_space<semaphore_mem>>) src(%arg11 : memref<8x128xf32, #tpu.memory_space<vmem>>) dst(%dma_wait3A_1671 : memref<8x128xf32, #tpu.memory_space<vmem_shared>>)
    %add3A_1672 = arith.constant 384 : i32
    %add3A_1673 = arith.addi %mul3A_903, %add3A_1672 : i32
    %dma_wait3A_1674 = arith.constant 0 : i32
    %dma_wait3A_1675 = tpu.memref_slice %arg12[%add3A_1673, %dma_wait3A_1674] : memref<10000x128xf32, #tpu.memory_space<vmem_shared>> -> memref<8x128xf32, #tpu.memory_space<vmem_shared>>
    %dma_wait3A_1676 = arith.constant 0 : i32
    %dma_wait3A_1677 = tpu.memref_slice %arg12[%add3A_1673, %dma_wait3A_1676] : memref<10000x128xf32, #tpu.memory_space<vmem_shared>> -> memref<8x128xf32, #tpu.memory_space<vmem_shared>>
    tpu.wait_dma2 semaphore(%arg18 : memref<!tpu.dma_semaphore, #tpu.memory_space<semaphore_mem>>) src(%arg11 : memref<8x128xf32, #tpu.memory_space<vmem>>) dst(%dma_wait3A_1677 : memref<8x128xf32, #tpu.memory_space<vmem_shared>>)
    %add3A_1678 = arith.constant 392 : i32
    %add3A_1679 = arith.addi %mul3A_903, %add3A_1678 : i32
    %dma_wait3A_1680 = arith.constant 0 : i32
    %dma_wait3A_1681 = tpu.memref_slice %arg12[%add3A_1679, %dma_wait3A_1680] : memref<10000x128xf32, #tpu.memory_space<vmem_shared>> -> memref<8x128xf32, #tpu.memory_space<vmem_shared>>
    %dma_wait3A_1682 = arith.constant 0 : i32
    %dma_wait3A_1683 = tpu.memref_slice %arg12[%add3A_1679, %dma_wait3A_1682] : memref<10000x128xf32, #tpu.memory_space<vmem_shared>> -> memref<8x128xf32, #tpu.memory_space<vmem_shared>>
    tpu.wait_dma2 semaphore(%arg18 : memref<!tpu.dma_semaphore, #tpu.memory_space<semaphore_mem>>) src(%arg11 : memref<8x128xf32, #tpu.memory_space<vmem>>) dst(%dma_wait3A_1683 : memref<8x128xf32, #tpu.memory_space<vmem_shared>>)
    %add3A_1684 = arith.constant 400 : i32
    %add3A_1685 = arith.addi %mul3A_903, %add3A_1684 : i32
    %dma_wait3A_1686 = arith.constant 0 : i32
    %dma_wait3A_1687 = tpu.memref_slice %arg12[%add3A_1685, %dma_wait3A_1686] : memref<10000x128xf32, #tpu.memory_space<vmem_shared>> -> memref<8x128xf32, #tpu.memory_space<vmem_shared>>
    %dma_wait3A_1688 = arith.constant 0 : i32
    %dma_wait3A_1689 = tpu.memref_slice %arg12[%add3A_1685, %dma_wait3A_1688] : memref<10000x128xf32, #tpu.memory_space<vmem_shared>> -> memref<8x128xf32, #tpu.memory_space<vmem_shared>>
    tpu.wait_dma2 semaphore(%arg18 : memref<!tpu.dma_semaphore, #tpu.memory_space<semaphore_mem>>) src(%arg11 : memref<8x128xf32, #tpu.memory_space<vmem>>) dst(%dma_wait3A_1689 : memref<8x128xf32, #tpu.memory_space<vmem_shared>>)
    %add3A_1690 = arith.constant 408 : i32
    %add3A_1691 = arith.addi %mul3A_903, %add3A_1690 : i32
    %dma_wait3A_1692 = arith.constant 0 : i32
    %dma_wait3A_1693 = tpu.memref_slice %arg12[%add3A_1691, %dma_wait3A_1692] : memref<10000x128xf32, #tpu.memory_space<vmem_shared>> -> memref<8x128xf32, #tpu.memory_space<vmem_shared>>
    %dma_wait3A_1694 = arith.constant 0 : i32
    %dma_wait3A_1695 = tpu.memref_slice %arg12[%add3A_1691, %dma_wait3A_1694] : memref<10000x128xf32, #tpu.memory_space<vmem_shared>> -> memref<8x128xf32, #tpu.memory_space<vmem_shared>>
    tpu.wait_dma2 semaphore(%arg18 : memref<!tpu.dma_semaphore, #tpu.memory_space<semaphore_mem>>) src(%arg11 : memref<8x128xf32, #tpu.memory_space<vmem>>) dst(%dma_wait3A_1695 : memref<8x128xf32, #tpu.memory_space<vmem_shared>>)
    %add3A_1696 = arith.constant 416 : i32
    %add3A_1697 = arith.addi %mul3A_903, %add3A_1696 : i32
    %dma_wait3A_1698 = arith.constant 0 : i32
    %dma_wait3A_1699 = tpu.memref_slice %arg12[%add3A_1697, %dma_wait3A_1698] : memref<10000x128xf32, #tpu.memory_space<vmem_shared>> -> memref<8x128xf32, #tpu.memory_space<vmem_shared>>
    %dma_wait3A_1700 = arith.constant 0 : i32
    %dma_wait3A_1701 = tpu.memref_slice %arg12[%add3A_1697, %dma_wait3A_1700] : memref<10000x128xf32, #tpu.memory_space<vmem_shared>> -> memref<8x128xf32, #tpu.memory_space<vmem_shared>>
    tpu.wait_dma2 semaphore(%arg18 : memref<!tpu.dma_semaphore, #tpu.memory_space<semaphore_mem>>) src(%arg11 : memref<8x128xf32, #tpu.memory_space<vmem>>) dst(%dma_wait3A_1701 : memref<8x128xf32, #tpu.memory_space<vmem_shared>>)
    %add3A_1702 = arith.constant 424 : i32
    %add3A_1703 = arith.addi %mul3A_903, %add3A_1702 : i32
    %dma_wait3A_1704 = arith.constant 0 : i32
    %dma_wait3A_1705 = tpu.memref_slice %arg12[%add3A_1703, %dma_wait3A_1704] : memref<10000x128xf32, #tpu.memory_space<vmem_shared>> -> memref<8x128xf32, #tpu.memory_space<vmem_shared>>
    %dma_wait3A_1706 = arith.constant 0 : i32
    %dma_wait3A_1707 = tpu.memref_slice %arg12[%add3A_1703, %dma_wait3A_1706] : memref<10000x128xf32, #tpu.memory_space<vmem_shared>> -> memref<8x128xf32, #tpu.memory_space<vmem_shared>>
    tpu.wait_dma2 semaphore(%arg18 : memref<!tpu.dma_semaphore, #tpu.memory_space<semaphore_mem>>) src(%arg11 : memref<8x128xf32, #tpu.memory_space<vmem>>) dst(%dma_wait3A_1707 : memref<8x128xf32, #tpu.memory_space<vmem_shared>>)
    %add3A_1708 = arith.constant 432 : i32
    %add3A_1709 = arith.addi %mul3A_903, %add3A_1708 : i32
    %dma_wait3A_1710 = arith.constant 0 : i32
    %dma_wait3A_1711 = tpu.memref_slice %arg12[%add3A_1709, %dma_wait3A_1710] : memref<10000x128xf32, #tpu.memory_space<vmem_shared>> -> memref<8x128xf32, #tpu.memory_space<vmem_shared>>
    %dma_wait3A_1712 = arith.constant 0 : i32
    %dma_wait3A_1713 = tpu.memref_slice %arg12[%add3A_1709, %dma_wait3A_1712] : memref<10000x128xf32, #tpu.memory_space<vmem_shared>> -> memref<8x128xf32, #tpu.memory_space<vmem_shared>>
    tpu.wait_dma2 semaphore(%arg18 : memref<!tpu.dma_semaphore, #tpu.memory_space<semaphore_mem>>) src(%arg11 : memref<8x128xf32, #tpu.memory_space<vmem>>) dst(%dma_wait3A_1713 : memref<8x128xf32, #tpu.memory_space<vmem_shared>>)
    %add3A_1714 = arith.constant 440 : i32
    %add3A_1715 = arith.addi %mul3A_903, %add3A_1714 : i32
    %dma_wait3A_1716 = arith.constant 0 : i32
    %dma_wait3A_1717 = tpu.memref_slice %arg12[%add3A_1715, %dma_wait3A_1716] : memref<10000x128xf32, #tpu.memory_space<vmem_shared>> -> memref<8x128xf32, #tpu.memory_space<vmem_shared>>
    %dma_wait3A_1718 = arith.constant 0 : i32
    %dma_wait3A_1719 = tpu.memref_slice %arg12[%add3A_1715, %dma_wait3A_1718] : memref<10000x128xf32, #tpu.memory_space<vmem_shared>> -> memref<8x128xf32, #tpu.memory_space<vmem_shared>>
    tpu.wait_dma2 semaphore(%arg18 : memref<!tpu.dma_semaphore, #tpu.memory_space<semaphore_mem>>) src(%arg11 : memref<8x128xf32, #tpu.memory_space<vmem>>) dst(%dma_wait3A_1719 : memref<8x128xf32, #tpu.memory_space<vmem_shared>>)
    %add3A_1720 = arith.constant 448 : i32
    %add3A_1721 = arith.addi %mul3A_903, %add3A_1720 : i32
    %dma_wait3A_1722 = arith.constant 0 : i32
    %dma_wait3A_1723 = tpu.memref_slice %arg12[%add3A_1721, %dma_wait3A_1722] : memref<10000x128xf32, #tpu.memory_space<vmem_shared>> -> memref<8x128xf32, #tpu.memory_space<vmem_shared>>
    %dma_wait3A_1724 = arith.constant 0 : i32
    %dma_wait3A_1725 = tpu.memref_slice %arg12[%add3A_1721, %dma_wait3A_1724] : memref<10000x128xf32, #tpu.memory_space<vmem_shared>> -> memref<8x128xf32, #tpu.memory_space<vmem_shared>>
    tpu.wait_dma2 semaphore(%arg18 : memref<!tpu.dma_semaphore, #tpu.memory_space<semaphore_mem>>) src(%arg11 : memref<8x128xf32, #tpu.memory_space<vmem>>) dst(%dma_wait3A_1725 : memref<8x128xf32, #tpu.memory_space<vmem_shared>>)
    %add3A_1726 = arith.constant 456 : i32
    %add3A_1727 = arith.addi %mul3A_903, %add3A_1726 : i32
    %dma_wait3A_1728 = arith.constant 0 : i32
    %dma_wait3A_1729 = tpu.memref_slice %arg12[%add3A_1727, %dma_wait3A_1728] : memref<10000x128xf32, #tpu.memory_space<vmem_shared>> -> memref<8x128xf32, #tpu.memory_space<vmem_shared>>
    %dma_wait3A_1730 = arith.constant 0 : i32
    %dma_wait3A_1731 = tpu.memref_slice %arg12[%add3A_1727, %dma_wait3A_1730] : memref<10000x128xf32, #tpu.memory_space<vmem_shared>> -> memref<8x128xf32, #tpu.memory_space<vmem_shared>>
    tpu.wait_dma2 semaphore(%arg18 : memref<!tpu.dma_semaphore, #tpu.memory_space<semaphore_mem>>) src(%arg11 : memref<8x128xf32, #tpu.memory_space<vmem>>) dst(%dma_wait3A_1731 : memref<8x128xf32, #tpu.memory_space<vmem_shared>>)
    %add3A_1732 = arith.constant 464 : i32
    %add3A_1733 = arith.addi %mul3A_903, %add3A_1732 : i32
    %dma_wait3A_1734 = arith.constant 0 : i32
    %dma_wait3A_1735 = tpu.memref_slice %arg12[%add3A_1733, %dma_wait3A_1734] : memref<10000x128xf32, #tpu.memory_space<vmem_shared>> -> memref<8x128xf32, #tpu.memory_space<vmem_shared>>
    %dma_wait3A_1736 = arith.constant 0 : i32
    %dma_wait3A_1737 = tpu.memref_slice %arg12[%add3A_1733, %dma_wait3A_1736] : memref<10000x128xf32, #tpu.memory_space<vmem_shared>> -> memref<8x128xf32, #tpu.memory_space<vmem_shared>>
    tpu.wait_dma2 semaphore(%arg18 : memref<!tpu.dma_semaphore, #tpu.memory_space<semaphore_mem>>) src(%arg11 : memref<8x128xf32, #tpu.memory_space<vmem>>) dst(%dma_wait3A_1737 : memref<8x128xf32, #tpu.memory_space<vmem_shared>>)
    %add3A_1738 = arith.constant 472 : i32
    %add3A_1739 = arith.addi %mul3A_903, %add3A_1738 : i32
    %dma_wait3A_1740 = arith.constant 0 : i32
    %dma_wait3A_1741 = tpu.memref_slice %arg12[%add3A_1739, %dma_wait3A_1740] : memref<10000x128xf32, #tpu.memory_space<vmem_shared>> -> memref<8x128xf32, #tpu.memory_space<vmem_shared>>
    %dma_wait3A_1742 = arith.constant 0 : i32
    %dma_wait3A_1743 = tpu.memref_slice %arg12[%add3A_1739, %dma_wait3A_1742] : memref<10000x128xf32, #tpu.memory_space<vmem_shared>> -> memref<8x128xf32, #tpu.memory_space<vmem_shared>>
    tpu.wait_dma2 semaphore(%arg18 : memref<!tpu.dma_semaphore, #tpu.memory_space<semaphore_mem>>) src(%arg11 : memref<8x128xf32, #tpu.memory_space<vmem>>) dst(%dma_wait3A_1743 : memref<8x128xf32, #tpu.memory_space<vmem_shared>>)
    %add3A_1744 = arith.constant 480 : i32
    %add3A_1745 = arith.addi %mul3A_903, %add3A_1744 : i32
    %dma_wait3A_1746 = arith.constant 0 : i32
    %dma_wait3A_1747 = tpu.memref_slice %arg12[%add3A_1745, %dma_wait3A_1746] : memref<10000x128xf32, #tpu.memory_space<vmem_shared>> -> memref<8x128xf32, #tpu.memory_space<vmem_shared>>
    %dma_wait3A_1748 = arith.constant 0 : i32
    %dma_wait3A_1749 = tpu.memref_slice %arg12[%add3A_1745, %dma_wait3A_1748] : memref<10000x128xf32, #tpu.memory_space<vmem_shared>> -> memref<8x128xf32, #tpu.memory_space<vmem_shared>>
    tpu.wait_dma2 semaphore(%arg18 : memref<!tpu.dma_semaphore, #tpu.memory_space<semaphore_mem>>) src(%arg11 : memref<8x128xf32, #tpu.memory_space<vmem>>) dst(%dma_wait3A_1749 : memref<8x128xf32, #tpu.memory_space<vmem_shared>>)
    %add3A_1750 = arith.constant 488 : i32
    %add3A_1751 = arith.addi %mul3A_903, %add3A_1750 : i32
    %dma_wait3A_1752 = arith.constant 0 : i32
    %dma_wait3A_1753 = tpu.memref_slice %arg12[%add3A_1751, %dma_wait3A_1752] : memref<10000x128xf32, #tpu.memory_space<vmem_shared>> -> memref<8x128xf32, #tpu.memory_space<vmem_shared>>
    %dma_wait3A_1754 = arith.constant 0 : i32
    %dma_wait3A_1755 = tpu.memref_slice %arg12[%add3A_1751, %dma_wait3A_1754] : memref<10000x128xf32, #tpu.memory_space<vmem_shared>> -> memref<8x128xf32, #tpu.memory_space<vmem_shared>>
    tpu.wait_dma2 semaphore(%arg18 : memref<!tpu.dma_semaphore, #tpu.memory_space<semaphore_mem>>) src(%arg11 : memref<8x128xf32, #tpu.memory_space<vmem>>) dst(%dma_wait3A_1755 : memref<8x128xf32, #tpu.memory_space<vmem_shared>>)
    %add3A_1756 = arith.constant 496 : i32
    %add3A_1757 = arith.addi %mul3A_903, %add3A_1756 : i32
    %dma_wait3A_1758 = arith.constant 0 : i32
    %dma_wait3A_1759 = tpu.memref_slice %arg12[%add3A_1757, %dma_wait3A_1758] : memref<10000x128xf32, #tpu.memory_space<vmem_shared>> -> memref<8x128xf32, #tpu.memory_space<vmem_shared>>
    %dma_wait3A_1760 = arith.constant 0 : i32
    %dma_wait3A_1761 = tpu.memref_slice %arg12[%add3A_1757, %dma_wait3A_1760] : memref<10000x128xf32, #tpu.memory_space<vmem_shared>> -> memref<8x128xf32, #tpu.memory_space<vmem_shared>>
    tpu.wait_dma2 semaphore(%arg18 : memref<!tpu.dma_semaphore, #tpu.memory_space<semaphore_mem>>) src(%arg11 : memref<8x128xf32, #tpu.memory_space<vmem>>) dst(%dma_wait3A_1761 : memref<8x128xf32, #tpu.memory_space<vmem_shared>>)
    %add3A_1762 = arith.constant 504 : i32
    %add3A_1763 = arith.addi %mul3A_903, %add3A_1762 : i32
    %dma_wait3A_1764 = arith.constant 0 : i32
    %dma_wait3A_1765 = tpu.memref_slice %arg12[%add3A_1763, %dma_wait3A_1764] : memref<10000x128xf32, #tpu.memory_space<vmem_shared>> -> memref<8x128xf32, #tpu.memory_space<vmem_shared>>
    %dma_wait3A_1766 = arith.constant 0 : i32
    %dma_wait3A_1767 = tpu.memref_slice %arg12[%add3A_1763, %dma_wait3A_1766] : memref<10000x128xf32, #tpu.memory_space<vmem_shared>> -> memref<8x128xf32, #tpu.memory_space<vmem_shared>>
    tpu.wait_dma2 semaphore(%arg18 : memref<!tpu.dma_semaphore, #tpu.memory_space<semaphore_mem>>) src(%arg11 : memref<8x128xf32, #tpu.memory_space<vmem>>) dst(%dma_wait3A_1767 : memref<8x128xf32, #tpu.memory_space<vmem_shared>>)
    %add3A_1768 = arith.constant 512 : i32
    %add3A_1769 = arith.addi %mul3A_903, %add3A_1768 : i32
    %dma_wait3A_1770 = arith.constant 0 : i32
    %dma_wait3A_1771 = tpu.memref_slice %arg12[%add3A_1769, %dma_wait3A_1770] : memref<10000x128xf32, #tpu.memory_space<vmem_shared>> -> memref<8x128xf32, #tpu.memory_space<vmem_shared>>
    %dma_wait3A_1772 = arith.constant 0 : i32
    %dma_wait3A_1773 = tpu.memref_slice %arg12[%add3A_1769, %dma_wait3A_1772] : memref<10000x128xf32, #tpu.memory_space<vmem_shared>> -> memref<8x128xf32, #tpu.memory_space<vmem_shared>>
    tpu.wait_dma2 semaphore(%arg18 : memref<!tpu.dma_semaphore, #tpu.memory_space<semaphore_mem>>) src(%arg11 : memref<8x128xf32, #tpu.memory_space<vmem>>) dst(%dma_wait3A_1773 : memref<8x128xf32, #tpu.memory_space<vmem_shared>>)
    %add3A_1774 = arith.constant 520 : i32
    %add3A_1775 = arith.addi %mul3A_903, %add3A_1774 : i32
    %dma_wait3A_1776 = arith.constant 0 : i32
    %dma_wait3A_1777 = tpu.memref_slice %arg12[%add3A_1775, %dma_wait3A_1776] : memref<10000x128xf32, #tpu.memory_space<vmem_shared>> -> memref<8x128xf32, #tpu.memory_space<vmem_shared>>
    %dma_wait3A_1778 = arith.constant 0 : i32
    %dma_wait3A_1779 = tpu.memref_slice %arg12[%add3A_1775, %dma_wait3A_1778] : memref<10000x128xf32, #tpu.memory_space<vmem_shared>> -> memref<8x128xf32, #tpu.memory_space<vmem_shared>>
    tpu.wait_dma2 semaphore(%arg18 : memref<!tpu.dma_semaphore, #tpu.memory_space<semaphore_mem>>) src(%arg11 : memref<8x128xf32, #tpu.memory_space<vmem>>) dst(%dma_wait3A_1779 : memref<8x128xf32, #tpu.memory_space<vmem_shared>>)
    %add3A_1780 = arith.constant 528 : i32
    %add3A_1781 = arith.addi %mul3A_903, %add3A_1780 : i32
    %dma_wait3A_1782 = arith.constant 0 : i32
    %dma_wait3A_1783 = tpu.memref_slice %arg12[%add3A_1781, %dma_wait3A_1782] : memref<10000x128xf32, #tpu.memory_space<vmem_shared>> -> memref<8x128xf32, #tpu.memory_space<vmem_shared>>
    %dma_wait3A_1784 = arith.constant 0 : i32
    %dma_wait3A_1785 = tpu.memref_slice %arg12[%add3A_1781, %dma_wait3A_1784] : memref<10000x128xf32, #tpu.memory_space<vmem_shared>> -> memref<8x128xf32, #tpu.memory_space<vmem_shared>>
    tpu.wait_dma2 semaphore(%arg18 : memref<!tpu.dma_semaphore, #tpu.memory_space<semaphore_mem>>) src(%arg11 : memref<8x128xf32, #tpu.memory_space<vmem>>) dst(%dma_wait3A_1785 : memref<8x128xf32, #tpu.memory_space<vmem_shared>>)
    %add3A_1786 = arith.constant 536 : i32
    %add3A_1787 = arith.addi %mul3A_903, %add3A_1786 : i32
    %dma_wait3A_1788 = arith.constant 0 : i32
    %dma_wait3A_1789 = tpu.memref_slice %arg12[%add3A_1787, %dma_wait3A_1788] : memref<10000x128xf32, #tpu.memory_space<vmem_shared>> -> memref<8x128xf32, #tpu.memory_space<vmem_shared>>
    %dma_wait3A_1790 = arith.constant 0 : i32
    %dma_wait3A_1791 = tpu.memref_slice %arg12[%add3A_1787, %dma_wait3A_1790] : memref<10000x128xf32, #tpu.memory_space<vmem_shared>> -> memref<8x128xf32, #tpu.memory_space<vmem_shared>>
    tpu.wait_dma2 semaphore(%arg18 : memref<!tpu.dma_semaphore, #tpu.memory_space<semaphore_mem>>) src(%arg11 : memref<8x128xf32, #tpu.memory_space<vmem>>) dst(%dma_wait3A_1791 : memref<8x128xf32, #tpu.memory_space<vmem_shared>>)
    %add3A_1792 = arith.constant 544 : i32
    %add3A_1793 = arith.addi %mul3A_903, %add3A_1792 : i32
    %dma_wait3A_1794 = arith.constant 0 : i32
    %dma_wait3A_1795 = tpu.memref_slice %arg12[%add3A_1793, %dma_wait3A_1794] : memref<10000x128xf32, #tpu.memory_space<vmem_shared>> -> memref<8x128xf32, #tpu.memory_space<vmem_shared>>
    %dma_wait3A_1796 = arith.constant 0 : i32
    %dma_wait3A_1797 = tpu.memref_slice %arg12[%add3A_1793, %dma_wait3A_1796] : memref<10000x128xf32, #tpu.memory_space<vmem_shared>> -> memref<8x128xf32, #tpu.memory_space<vmem_shared>>
    tpu.wait_dma2 semaphore(%arg18 : memref<!tpu.dma_semaphore, #tpu.memory_space<semaphore_mem>>) src(%arg11 : memref<8x128xf32, #tpu.memory_space<vmem>>) dst(%dma_wait3A_1797 : memref<8x128xf32, #tpu.memory_space<vmem_shared>>)
    %add3A_1798 = arith.constant 552 : i32
    %add3A_1799 = arith.addi %mul3A_903, %add3A_1798 : i32
    %dma_wait3A_1800 = arith.constant 0 : i32
    %dma_wait3A_1801 = tpu.memref_slice %arg12[%add3A_1799, %dma_wait3A_1800] : memref<10000x128xf32, #tpu.memory_space<vmem_shared>> -> memref<8x128xf32, #tpu.memory_space<vmem_shared>>
    %dma_wait3A_1802 = arith.constant 0 : i32
    %dma_wait3A_1803 = tpu.memref_slice %arg12[%add3A_1799, %dma_wait3A_1802] : memref<10000x128xf32, #tpu.memory_space<vmem_shared>> -> memref<8x128xf32, #tpu.memory_space<vmem_shared>>
    tpu.wait_dma2 semaphore(%arg18 : memref<!tpu.dma_semaphore, #tpu.memory_space<semaphore_mem>>) src(%arg11 : memref<8x128xf32, #tpu.memory_space<vmem>>) dst(%dma_wait3A_1803 : memref<8x128xf32, #tpu.memory_space<vmem_shared>>)
    %add3A_1804 = arith.constant 560 : i32
    %add3A_1805 = arith.addi %mul3A_903, %add3A_1804 : i32
    %dma_wait3A_1806 = arith.constant 0 : i32
    %dma_wait3A_1807 = tpu.memref_slice %arg12[%add3A_1805, %dma_wait3A_1806] : memref<10000x128xf32, #tpu.memory_space<vmem_shared>> -> memref<8x128xf32, #tpu.memory_space<vmem_shared>>
    %dma_wait3A_1808 = arith.constant 0 : i32
    %dma_wait3A_1809 = tpu.memref_slice %arg12[%add3A_1805, %dma_wait3A_1808] : memref<10000x128xf32, #tpu.memory_space<vmem_shared>> -> memref<8x128xf32, #tpu.memory_space<vmem_shared>>
    tpu.wait_dma2 semaphore(%arg18 : memref<!tpu.dma_semaphore, #tpu.memory_space<semaphore_mem>>) src(%arg11 : memref<8x128xf32, #tpu.memory_space<vmem>>) dst(%dma_wait3A_1809 : memref<8x128xf32, #tpu.memory_space<vmem_shared>>)
    %add3A_1810 = arith.constant 568 : i32
    %add3A_1811 = arith.addi %mul3A_903, %add3A_1810 : i32
    %dma_wait3A_1812 = arith.constant 0 : i32
    %dma_wait3A_1813 = tpu.memref_slice %arg12[%add3A_1811, %dma_wait3A_1812] : memref<10000x128xf32, #tpu.memory_space<vmem_shared>> -> memref<8x128xf32, #tpu.memory_space<vmem_shared>>
    %dma_wait3A_1814 = arith.constant 0 : i32
    %dma_wait3A_1815 = tpu.memref_slice %arg12[%add3A_1811, %dma_wait3A_1814] : memref<10000x128xf32, #tpu.memory_space<vmem_shared>> -> memref<8x128xf32, #tpu.memory_space<vmem_shared>>
    tpu.wait_dma2 semaphore(%arg18 : memref<!tpu.dma_semaphore, #tpu.memory_space<semaphore_mem>>) src(%arg11 : memref<8x128xf32, #tpu.memory_space<vmem>>) dst(%dma_wait3A_1815 : memref<8x128xf32, #tpu.memory_space<vmem_shared>>)
    %add3A_1816 = arith.constant 576 : i32
    %add3A_1817 = arith.addi %mul3A_903, %add3A_1816 : i32
    %dma_wait3A_1818 = arith.constant 0 : i32
    %dma_wait3A_1819 = tpu.memref_slice %arg12[%add3A_1817, %dma_wait3A_1818] : memref<10000x128xf32, #tpu.memory_space<vmem_shared>> -> memref<8x128xf32, #tpu.memory_space<vmem_shared>>
    %dma_wait3A_1820 = arith.constant 0 : i32
    %dma_wait3A_1821 = tpu.memref_slice %arg12[%add3A_1817, %dma_wait3A_1820] : memref<10000x128xf32, #tpu.memory_space<vmem_shared>> -> memref<8x128xf32, #tpu.memory_space<vmem_shared>>
    tpu.wait_dma2 semaphore(%arg18 : memref<!tpu.dma_semaphore, #tpu.memory_space<semaphore_mem>>) src(%arg11 : memref<8x128xf32, #tpu.memory_space<vmem>>) dst(%dma_wait3A_1821 : memref<8x128xf32, #tpu.memory_space<vmem_shared>>)
    %add3A_1822 = arith.constant 584 : i32
    %add3A_1823 = arith.addi %mul3A_903, %add3A_1822 : i32
    %dma_wait3A_1824 = arith.constant 0 : i32
    %dma_wait3A_1825 = tpu.memref_slice %arg12[%add3A_1823, %dma_wait3A_1824] : memref<10000x128xf32, #tpu.memory_space<vmem_shared>> -> memref<8x128xf32, #tpu.memory_space<vmem_shared>>
    %dma_wait3A_1826 = arith.constant 0 : i32
    %dma_wait3A_1827 = tpu.memref_slice %arg12[%add3A_1823, %dma_wait3A_1826] : memref<10000x128xf32, #tpu.memory_space<vmem_shared>> -> memref<8x128xf32, #tpu.memory_space<vmem_shared>>
    tpu.wait_dma2 semaphore(%arg18 : memref<!tpu.dma_semaphore, #tpu.memory_space<semaphore_mem>>) src(%arg11 : memref<8x128xf32, #tpu.memory_space<vmem>>) dst(%dma_wait3A_1827 : memref<8x128xf32, #tpu.memory_space<vmem_shared>>)
    %add3A_1828 = arith.constant 592 : i32
    %add3A_1829 = arith.addi %mul3A_903, %add3A_1828 : i32
    %dma_wait3A_1830 = arith.constant 0 : i32
    %dma_wait3A_1831 = tpu.memref_slice %arg12[%add3A_1829, %dma_wait3A_1830] : memref<10000x128xf32, #tpu.memory_space<vmem_shared>> -> memref<8x128xf32, #tpu.memory_space<vmem_shared>>
    %dma_wait3A_1832 = arith.constant 0 : i32
    %dma_wait3A_1833 = tpu.memref_slice %arg12[%add3A_1829, %dma_wait3A_1832] : memref<10000x128xf32, #tpu.memory_space<vmem_shared>> -> memref<8x128xf32, #tpu.memory_space<vmem_shared>>
    tpu.wait_dma2 semaphore(%arg18 : memref<!tpu.dma_semaphore, #tpu.memory_space<semaphore_mem>>) src(%arg11 : memref<8x128xf32, #tpu.memory_space<vmem>>) dst(%dma_wait3A_1833 : memref<8x128xf32, #tpu.memory_space<vmem_shared>>)
    %add3A_1834 = arith.constant 600 : i32
    %add3A_1835 = arith.addi %mul3A_903, %add3A_1834 : i32
    %dma_wait3A_1836 = arith.constant 0 : i32
    %dma_wait3A_1837 = tpu.memref_slice %arg12[%add3A_1835, %dma_wait3A_1836] : memref<10000x128xf32, #tpu.memory_space<vmem_shared>> -> memref<8x128xf32, #tpu.memory_space<vmem_shared>>
    %dma_wait3A_1838 = arith.constant 0 : i32
    %dma_wait3A_1839 = tpu.memref_slice %arg12[%add3A_1835, %dma_wait3A_1838] : memref<10000x128xf32, #tpu.memory_space<vmem_shared>> -> memref<8x128xf32, #tpu.memory_space<vmem_shared>>
    tpu.wait_dma2 semaphore(%arg18 : memref<!tpu.dma_semaphore, #tpu.memory_space<semaphore_mem>>) src(%arg11 : memref<8x128xf32, #tpu.memory_space<vmem>>) dst(%dma_wait3A_1839 : memref<8x128xf32, #tpu.memory_space<vmem_shared>>)
    %add3A_1840 = arith.constant 608 : i32
    %add3A_1841 = arith.addi %mul3A_903, %add3A_1840 : i32
    %dma_wait3A_1842 = arith.constant 0 : i32
    %dma_wait3A_1843 = tpu.memref_slice %arg12[%add3A_1841, %dma_wait3A_1842] : memref<10000x128xf32, #tpu.memory_space<vmem_shared>> -> memref<8x128xf32, #tpu.memory_space<vmem_shared>>
    %dma_wait3A_1844 = arith.constant 0 : i32
    %dma_wait3A_1845 = tpu.memref_slice %arg12[%add3A_1841, %dma_wait3A_1844] : memref<10000x128xf32, #tpu.memory_space<vmem_shared>> -> memref<8x128xf32, #tpu.memory_space<vmem_shared>>
    tpu.wait_dma2 semaphore(%arg18 : memref<!tpu.dma_semaphore, #tpu.memory_space<semaphore_mem>>) src(%arg11 : memref<8x128xf32, #tpu.memory_space<vmem>>) dst(%dma_wait3A_1845 : memref<8x128xf32, #tpu.memory_space<vmem_shared>>)
    %add3A_1846 = arith.constant 616 : i32
    %add3A_1847 = arith.addi %mul3A_903, %add3A_1846 : i32
    %dma_wait3A_1848 = arith.constant 0 : i32
    %dma_wait3A_1849 = tpu.memref_slice %arg12[%add3A_1847, %dma_wait3A_1848] : memref<10000x128xf32, #tpu.memory_space<vmem_shared>> -> memref<8x128xf32, #tpu.memory_space<vmem_shared>>
    %dma_wait3A_1850 = arith.constant 0 : i32
    %dma_wait3A_1851 = tpu.memref_slice %arg12[%add3A_1847, %dma_wait3A_1850] : memref<10000x128xf32, #tpu.memory_space<vmem_shared>> -> memref<8x128xf32, #tpu.memory_space<vmem_shared>>
    tpu.wait_dma2 semaphore(%arg18 : memref<!tpu.dma_semaphore, #tpu.memory_space<semaphore_mem>>) src(%arg11 : memref<8x128xf32, #tpu.memory_space<vmem>>) dst(%dma_wait3A_1851 : memref<8x128xf32, #tpu.memory_space<vmem_shared>>)
    %add3A_1852 = arith.constant 624 : i32
    %add3A_1853 = arith.addi %mul3A_903, %add3A_1852 : i32
    %dma_wait3A_1854 = arith.constant 0 : i32
    %dma_wait3A_1855 = tpu.memref_slice %arg12[%add3A_1853, %dma_wait3A_1854] : memref<10000x128xf32, #tpu.memory_space<vmem_shared>> -> memref<8x128xf32, #tpu.memory_space<vmem_shared>>
    %dma_wait3A_1856 = arith.constant 0 : i32
    %dma_wait3A_1857 = tpu.memref_slice %arg12[%add3A_1853, %dma_wait3A_1856] : memref<10000x128xf32, #tpu.memory_space<vmem_shared>> -> memref<8x128xf32, #tpu.memory_space<vmem_shared>>
    tpu.wait_dma2 semaphore(%arg18 : memref<!tpu.dma_semaphore, #tpu.memory_space<semaphore_mem>>) src(%arg11 : memref<8x128xf32, #tpu.memory_space<vmem>>) dst(%dma_wait3A_1857 : memref<8x128xf32, #tpu.memory_space<vmem_shared>>)
    %add3A_1858 = arith.constant 632 : i32
    %add3A_1859 = arith.addi %mul3A_903, %add3A_1858 : i32
    %dma_wait3A_1860 = arith.constant 0 : i32
    %dma_wait3A_1861 = tpu.memref_slice %arg12[%add3A_1859, %dma_wait3A_1860] : memref<10000x128xf32, #tpu.memory_space<vmem_shared>> -> memref<8x128xf32, #tpu.memory_space<vmem_shared>>
    %dma_wait3A_1862 = arith.constant 0 : i32
    %dma_wait3A_1863 = tpu.memref_slice %arg12[%add3A_1859, %dma_wait3A_1862] : memref<10000x128xf32, #tpu.memory_space<vmem_shared>> -> memref<8x128xf32, #tpu.memory_space<vmem_shared>>
    tpu.wait_dma2 semaphore(%arg18 : memref<!tpu.dma_semaphore, #tpu.memory_space<semaphore_mem>>) src(%arg11 : memref<8x128xf32, #tpu.memory_space<vmem>>) dst(%dma_wait3A_1863 : memref<8x128xf32, #tpu.memory_space<vmem_shared>>)
    %add3A_1864 = arith.constant 8192 : i32
    %add3A_1865 = arith.addi %multiple_of3A, %add3A_1864 : i32
    %multiple_of3A_1866 = tpu.assume_multiple %add3A_1865, 128 : i32
    %dma_wait3A_1867 = arith.constant 0 : i32
    %dma_wait3A_1868 = arith.constant 0 : i32
    %dma_wait3A_1869 = arith.constant 0 : i32
    %dma_wait3A_1870 = arith.constant 0 : i32
    %dma_wait3A_1871 = tpu.memref_slice %arg9[%dma_wait3A_1867, %dma_wait3A_1868, %dma_wait3A_1870] : memref<2x2x1024xi32, #tpu.memory_space<vmem>> -> memref<1x1x1024xi32, #tpu.memory_space<vmem>>
    %dma_wait3A_1872 = tpu.memref_squeeze %dma_wait3A_1871 : memref<1x1x1024xi32, #tpu.memory_space<vmem>> -> memref<1024xi32, #tpu.memory_space<vmem>>
    %dma_wait3A_1873 = tpu.memref_slice %arg5[%multiple_of3A_1866] : memref<320000xi32, #tpu.memory_space<hbm>> -> memref<1024xi32, #tpu.memory_space<hbm>>
    %dma_wait3A_1874 = tpu.memref_slice %arg17[%dma_wait3A_1869] : memref<2x!tpu.dma_semaphore, #tpu.memory_space<semaphore_mem>> -> memref<1x!tpu.dma_semaphore, #tpu.memory_space<semaphore_mem>>
    %dma_wait3A_1875 = tpu.memref_squeeze %dma_wait3A_1874 : memref<1x!tpu.dma_semaphore, #tpu.memory_space<semaphore_mem>> -> memref<!tpu.dma_semaphore, #tpu.memory_space<semaphore_mem>>
    %dma_wait3A_1876 = tpu.memref_slice %arg5[%multiple_of3A_1866] : memref<320000xi32, #tpu.memory_space<hbm>> -> memref<1024xi32, #tpu.memory_space<hbm>>
    %dma_wait3A_1877 = arith.constant 0 : i32
    %dma_wait3A_1878 = tpu.memref_slice %arg9[%dma_wait3A_1867, %dma_wait3A_1868, %dma_wait3A_1877] : memref<2x2x1024xi32, #tpu.memory_space<vmem>> -> memref<1x1x1024xi32, #tpu.memory_space<vmem>>
    %dma_wait3A_1879 = tpu.memref_squeeze %dma_wait3A_1878 : memref<1x1x1024xi32, #tpu.memory_space<vmem>> -> memref<1024xi32, #tpu.memory_space<vmem>>
    tpu.wait_dma2 semaphore(%dma_wait3A_1875 : memref<!tpu.dma_semaphore, #tpu.memory_space<semaphore_mem>>) src(%dma_wait3A_1879 : memref<1024xi32, #tpu.memory_space<vmem>>) dst(%dma_wait3A_1876 : memref<1024xi32, #tpu.memory_space<hbm>>)
    %dma_wait3A_1880 = arith.constant 0 : i32
    %dma_wait3A_1881 = arith.constant 1 : i32
    %dma_wait3A_1882 = arith.constant 0 : i32
    %dma_wait3A_1883 = arith.constant 0 : i32
    %dma_wait3A_1884 = tpu.memref_slice %arg9[%dma_wait3A_1880, %dma_wait3A_1881, %dma_wait3A_1883] : memref<2x2x1024xi32, #tpu.memory_space<vmem>> -> memref<1x1x1024xi32, #tpu.memory_space<vmem>>
    %dma_wait3A_1885 = tpu.memref_squeeze %dma_wait3A_1884 : memref<1x1x1024xi32, #tpu.memory_space<vmem>> -> memref<1024xi32, #tpu.memory_space<vmem>>
    %dma_wait3A_1886 = tpu.memref_slice %arg6[%multiple_of3A_1866] : memref<320000xi32, #tpu.memory_space<hbm>> -> memref<1024xi32, #tpu.memory_space<hbm>>
    %dma_wait3A_1887 = tpu.memref_slice %arg17[%dma_wait3A_1882] : memref<2x!tpu.dma_semaphore, #tpu.memory_space<semaphore_mem>> -> memref<1x!tpu.dma_semaphore, #tpu.memory_space<semaphore_mem>>
    %dma_wait3A_1888 = tpu.memref_squeeze %dma_wait3A_1887 : memref<1x!tpu.dma_semaphore, #tpu.memory_space<semaphore_mem>> -> memref<!tpu.dma_semaphore, #tpu.memory_space<semaphore_mem>>
    %dma_wait3A_1889 = tpu.memref_slice %arg6[%multiple_of3A_1866] : memref<320000xi32, #tpu.memory_space<hbm>> -> memref<1024xi32, #tpu.memory_space<hbm>>
    %dma_wait3A_1890 = arith.constant 0 : i32
    %dma_wait3A_1891 = tpu.memref_slice %arg9[%dma_wait3A_1880, %dma_wait3A_1881, %dma_wait3A_1890] : memref<2x2x1024xi32, #tpu.memory_space<vmem>> -> memref<1x1x1024xi32, #tpu.memory_space<vmem>>
    %dma_wait3A_1892 = tpu.memref_squeeze %dma_wait3A_1891 : memref<1x1x1024xi32, #tpu.memory_space<vmem>> -> memref<1024xi32, #tpu.memory_space<vmem>>
    tpu.wait_dma2 semaphore(%dma_wait3A_1888 : memref<!tpu.dma_semaphore, #tpu.memory_space<semaphore_mem>>) src(%dma_wait3A_1892 : memref<1024xi32, #tpu.memory_space<vmem>>) dst(%dma_wait3A_1889 : memref<1024xi32, #tpu.memory_space<hbm>>)
    %add3A_1893 = arith.constant 9216 : i32
    %add3A_1894 = arith.addi %multiple_of3A, %add3A_1893 : i32
    %multiple_of3A_1895 = tpu.assume_multiple %add3A_1894, 128 : i32
    %dma_wait3A_1896 = arith.constant 1 : i32
    %dma_wait3A_1897 = arith.constant 0 : i32
    %dma_wait3A_1898 = arith.constant 1 : i32
    %dma_wait3A_1899 = arith.constant 0 : i32
    %dma_wait3A_1900 = tpu.memref_slice %arg9[%dma_wait3A_1896, %dma_wait3A_1897, %dma_wait3A_1899] : memref<2x2x1024xi32, #tpu.memory_space<vmem>> -> memref<1x1x896xi32, #tpu.memory_space<vmem>>
    %dma_wait3A_1901 = tpu.memref_squeeze %dma_wait3A_1900 : memref<1x1x896xi32, #tpu.memory_space<vmem>> -> memref<896xi32, #tpu.memory_space<vmem>>
    %dma_wait3A_1902 = tpu.memref_slice %arg5[%multiple_of3A_1895] : memref<320000xi32, #tpu.memory_space<hbm>> -> memref<896xi32, #tpu.memory_space<hbm>>
    %dma_wait3A_1903 = tpu.memref_slice %arg17[%dma_wait3A_1898] : memref<2x!tpu.dma_semaphore, #tpu.memory_space<semaphore_mem>> -> memref<1x!tpu.dma_semaphore, #tpu.memory_space<semaphore_mem>>
    %dma_wait3A_1904 = tpu.memref_squeeze %dma_wait3A_1903 : memref<1x!tpu.dma_semaphore, #tpu.memory_space<semaphore_mem>> -> memref<!tpu.dma_semaphore, #tpu.memory_space<semaphore_mem>>
    %dma_wait3A_1905 = tpu.memref_slice %arg5[%multiple_of3A_1895] : memref<320000xi32, #tpu.memory_space<hbm>> -> memref<896xi32, #tpu.memory_space<hbm>>
    %dma_wait3A_1906 = arith.constant 0 : i32
    %dma_wait3A_1907 = tpu.memref_slice %arg9[%dma_wait3A_1896, %dma_wait3A_1897, %dma_wait3A_1906] : memref<2x2x1024xi32, #tpu.memory_space<vmem>> -> memref<1x1x896xi32, #tpu.memory_space<vmem>>
    %dma_wait3A_1908 = tpu.memref_squeeze %dma_wait3A_1907 : memref<1x1x896xi32, #tpu.memory_space<vmem>> -> memref<896xi32, #tpu.memory_space<vmem>>
    tpu.wait_dma2 semaphore(%dma_wait3A_1904 : memref<!tpu.dma_semaphore, #tpu.memory_space<semaphore_mem>>) src(%dma_wait3A_1908 : memref<896xi32, #tpu.memory_space<vmem>>) dst(%dma_wait3A_1905 : memref<896xi32, #tpu.memory_space<hbm>>)
    %dma_wait3A_1909 = arith.constant 1 : i32
    %dma_wait3A_1910 = arith.constant 1 : i32
    %dma_wait3A_1911 = arith.constant 1 : i32
    %dma_wait3A_1912 = arith.constant 0 : i32
    %dma_wait3A_1913 = tpu.memref_slice %arg9[%dma_wait3A_1909, %dma_wait3A_1910, %dma_wait3A_1912] : memref<2x2x1024xi32, #tpu.memory_space<vmem>> -> memref<1x1x896xi32, #tpu.memory_space<vmem>>
    %dma_wait3A_1914 = tpu.memref_squeeze %dma_wait3A_1913 : memref<1x1x896xi32, #tpu.memory_space<vmem>> -> memref<896xi32, #tpu.memory_space<vmem>>
    %dma_wait3A_1915 = tpu.memref_slice %arg6[%multiple_of3A_1895] : memref<320000xi32, #tpu.memory_space<hbm>> -> memref<896xi32, #tpu.memory_space<hbm>>
    %dma_wait3A_1916 = tpu.memref_slice %arg17[%dma_wait3A_1911] : memref<2x!tpu.dma_semaphore, #tpu.memory_space<semaphore_mem>> -> memref<1x!tpu.dma_semaphore, #tpu.memory_space<semaphore_mem>>
    %dma_wait3A_1917 = tpu.memref_squeeze %dma_wait3A_1916 : memref<1x!tpu.dma_semaphore, #tpu.memory_space<semaphore_mem>> -> memref<!tpu.dma_semaphore, #tpu.memory_space<semaphore_mem>>
    %dma_wait3A_1918 = tpu.memref_slice %arg6[%multiple_of3A_1895] : memref<320000xi32, #tpu.memory_space<hbm>> -> memref<896xi32, #tpu.memory_space<hbm>>
    %dma_wait3A_1919 = arith.constant 0 : i32
    %dma_wait3A_1920 = tpu.memref_slice %arg9[%dma_wait3A_1909, %dma_wait3A_1910, %dma_wait3A_1919] : memref<2x2x1024xi32, #tpu.memory_space<vmem>> -> memref<1x1x896xi32, #tpu.memory_space<vmem>>
    %dma_wait3A_1921 = tpu.memref_squeeze %dma_wait3A_1920 : memref<1x1x896xi32, #tpu.memory_space<vmem>> -> memref<896xi32, #tpu.memory_space<vmem>>
    tpu.wait_dma2 semaphore(%dma_wait3A_1917 : memref<!tpu.dma_semaphore, #tpu.memory_space<semaphore_mem>>) src(%dma_wait3A_1921 : memref<896xi32, #tpu.memory_space<vmem>>) dst(%dma_wait3A_1918 : memref<896xi32, #tpu.memory_space<hbm>>)
    %add3A_1922 = arith.constant 0 : i32
    %add3A_1923 = arith.addi %mul3A_2, %add3A_1922 : i32
    %add3A_1924 = arith.constant 0 : i32
    %add3A_1925 = arith.addi %add3A_1923, %add3A_1924 : i32
    %multiple_of3A_1926 = tpu.assume_multiple %add3A_1925, 16 : i32
    %dma_start3A_1927 = arith.constant 0 : i32
    %dma_start3A_1928 = arith.constant 0 : i32
    %dma_start3A_1929 = arith.constant 0 : i32
    %dma_start3A_1930 = arith.constant 0 : i32
    %dma_start3A_1931 = tpu.memref_slice %arg7[%dma_start3A_1927, %dma_start3A_1928, %dma_start3A_1930] : memref<2x5x80xi32, #tpu.memory_space<vmem>> -> memref<1x1x80xi32, #tpu.memory_space<vmem>>
    %dma_start3A_1932 = tpu.memref_squeeze %dma_start3A_1931 : memref<1x1x80xi32, #tpu.memory_space<vmem>> -> memref<80xi32, #tpu.memory_space<vmem>>
    %dma_start3A_1933 = tpu.memref_slice %arg5[%multiple_of3A_1926] : memref<320000xi32, #tpu.memory_space<hbm>> -> memref<80xi32, #tpu.memory_space<hbm>>
    %dma_start3A_1934 = tpu.memref_slice %arg15[%dma_start3A_1929] : memref<2x!tpu.dma_semaphore, #tpu.memory_space<semaphore_mem>> -> memref<1x!tpu.dma_semaphore, #tpu.memory_space<semaphore_mem>>
    %dma_start3A_1935 = tpu.memref_squeeze %dma_start3A_1934 : memref<1x!tpu.dma_semaphore, #tpu.memory_space<semaphore_mem>> -> memref<!tpu.dma_semaphore, #tpu.memory_space<semaphore_mem>>
    %dma_start3A_1936 = arith.constant 0 : i32
    %dma_start3A_1937 = tpu.memref_slice %arg7[%dma_start3A_1927, %dma_start3A_1928, %dma_start3A_1936] : memref<2x5x80xi32, #tpu.memory_space<vmem>> -> memref<1x1x80xi32, #tpu.memory_space<vmem>>
    %dma_start3A_1938 = tpu.memref_squeeze %dma_start3A_1937 : memref<1x1x80xi32, #tpu.memory_space<vmem>> -> memref<80xi32, #tpu.memory_space<vmem>>
    %dma_start3A_1939 = tpu.memref_slice %arg5[%multiple_of3A_1926] : memref<320000xi32, #tpu.memory_space<hbm>> -> memref<80xi32, #tpu.memory_space<hbm>>
    tpu.enqueue_dma source(%dma_start3A_1939 : memref<80xi32, #tpu.memory_space<hbm>>) target(%dma_start3A_1938 : memref<80xi32, #tpu.memory_space<vmem>>) target_semaphore(%dma_start3A_1935 : memref<!tpu.dma_semaphore, #tpu.memory_space<semaphore_mem>>)
    %dma_start3A_1940 = arith.constant 0 : i32
    %dma_start3A_1941 = arith.constant 0 : i32
    %dma_start3A_1942 = arith.constant 0 : i32
    %dma_start3A_1943 = arith.constant 0 : i32
    %dma_start3A_1944 = tpu.memref_slice %arg8[%dma_start3A_1940, %dma_start3A_1941, %dma_start3A_1943] : memref<2x5x80xi32, #tpu.memory_space<vmem>> -> memref<1x1x80xi32, #tpu.memory_space<vmem>>
    %dma_start3A_1945 = tpu.memref_squeeze %dma_start3A_1944 : memref<1x1x80xi32, #tpu.memory_space<vmem>> -> memref<80xi32, #tpu.memory_space<vmem>>
    %dma_start3A_1946 = tpu.memref_slice %arg6[%multiple_of3A_1926] : memref<320000xi32, #tpu.memory_space<hbm>> -> memref<80xi32, #tpu.memory_space<hbm>>
    %dma_start3A_1947 = tpu.memref_slice %arg15[%dma_start3A_1942] : memref<2x!tpu.dma_semaphore, #tpu.memory_space<semaphore_mem>> -> memref<1x!tpu.dma_semaphore, #tpu.memory_space<semaphore_mem>>
    %dma_start3A_1948 = tpu.memref_squeeze %dma_start3A_1947 : memref<1x!tpu.dma_semaphore, #tpu.memory_space<semaphore_mem>> -> memref<!tpu.dma_semaphore, #tpu.memory_space<semaphore_mem>>
    %dma_start3A_1949 = arith.constant 0 : i32
    %dma_start3A_1950 = tpu.memref_slice %arg8[%dma_start3A_1940, %dma_start3A_1941, %dma_start3A_1949] : memref<2x5x80xi32, #tpu.memory_space<vmem>> -> memref<1x1x80xi32, #tpu.memory_space<vmem>>
    %dma_start3A_1951 = tpu.memref_squeeze %dma_start3A_1950 : memref<1x1x80xi32, #tpu.memory_space<vmem>> -> memref<80xi32, #tpu.memory_space<vmem>>
    %dma_start3A_1952 = tpu.memref_slice %arg6[%multiple_of3A_1926] : memref<320000xi32, #tpu.memory_space<hbm>> -> memref<80xi32, #tpu.memory_space<hbm>>
    tpu.enqueue_dma source(%dma_start3A_1952 : memref<80xi32, #tpu.memory_space<hbm>>) target(%dma_start3A_1951 : memref<80xi32, #tpu.memory_space<vmem>>) target_semaphore(%dma_start3A_1948 : memref<!tpu.dma_semaphore, #tpu.memory_space<semaphore_mem>>)
    %add3A_1953 = arith.constant 0 : i32
    %add3A_1954 = arith.addi %mul3A_2, %add3A_1953 : i32
    %add3A_1955 = arith.constant 80 : i32
    %add3A_1956 = arith.addi %add3A_1954, %add3A_1955 : i32
    %multiple_of3A_1957 = tpu.assume_multiple %add3A_1956, 16 : i32
    %dma_start3A_1958 = arith.constant 0 : i32
    %dma_start3A_1959 = arith.constant 1 : i32
    %dma_start3A_1960 = arith.constant 0 : i32
    %dma_start3A_1961 = arith.constant 0 : i32
    %dma_start3A_1962 = tpu.memref_slice %arg7[%dma_start3A_1958, %dma_start3A_1959, %dma_start3A_1961] : memref<2x5x80xi32, #tpu.memory_space<vmem>> -> memref<1x1x80xi32, #tpu.memory_space<vmem>>
    %dma_start3A_1963 = tpu.memref_squeeze %dma_start3A_1962 : memref<1x1x80xi32, #tpu.memory_space<vmem>> -> memref<80xi32, #tpu.memory_space<vmem>>
    %dma_start3A_1964 = tpu.memref_slice %arg5[%multiple_of3A_1957] : memref<320000xi32, #tpu.memory_space<hbm>> -> memref<80xi32, #tpu.memory_space<hbm>>
    %dma_start3A_1965 = tpu.memref_slice %arg15[%dma_start3A_1960] : memref<2x!tpu.dma_semaphore, #tpu.memory_space<semaphore_mem>> -> memref<1x!tpu.dma_semaphore, #tpu.memory_space<semaphore_mem>>
    %dma_start3A_1966 = tpu.memref_squeeze %dma_start3A_1965 : memref<1x!tpu.dma_semaphore, #tpu.memory_space<semaphore_mem>> -> memref<!tpu.dma_semaphore, #tpu.memory_space<semaphore_mem>>
    %dma_start3A_1967 = arith.constant 0 : i32
    %dma_start3A_1968 = tpu.memref_slice %arg7[%dma_start3A_1958, %dma_start3A_1959, %dma_start3A_1967] : memref<2x5x80xi32, #tpu.memory_space<vmem>> -> memref<1x1x80xi32, #tpu.memory_space<vmem>>
    %dma_start3A_1969 = tpu.memref_squeeze %dma_start3A_1968 : memref<1x1x80xi32, #tpu.memory_space<vmem>> -> memref<80xi32, #tpu.memory_space<vmem>>
    %dma_start3A_1970 = tpu.memref_slice %arg5[%multiple_of3A_1957] : memref<320000xi32, #tpu.memory_space<hbm>> -> memref<80xi32, #tpu.memory_space<hbm>>
    tpu.enqueue_dma source(%dma_start3A_1970 : memref<80xi32, #tpu.memory_space<hbm>>) target(%dma_start3A_1969 : memref<80xi32, #tpu.memory_space<vmem>>) target_semaphore(%dma_start3A_1966 : memref<!tpu.dma_semaphore, #tpu.memory_space<semaphore_mem>>)
    %dma_start3A_1971 = arith.constant 0 : i32
    %dma_start3A_1972 = arith.constant 1 : i32
    %dma_start3A_1973 = arith.constant 0 : i32
    %dma_start3A_1974 = arith.constant 0 : i32
    %dma_start3A_1975 = tpu.memref_slice %arg8[%dma_start3A_1971, %dma_start3A_1972, %dma_start3A_1974] : memref<2x5x80xi32, #tpu.memory_space<vmem>> -> memref<1x1x80xi32, #tpu.memory_space<vmem>>
    %dma_start3A_1976 = tpu.memref_squeeze %dma_start3A_1975 : memref<1x1x80xi32, #tpu.memory_space<vmem>> -> memref<80xi32, #tpu.memory_space<vmem>>
    %dma_start3A_1977 = tpu.memref_slice %arg6[%multiple_of3A_1957] : memref<320000xi32, #tpu.memory_space<hbm>> -> memref<80xi32, #tpu.memory_space<hbm>>
    %dma_start3A_1978 = tpu.memref_slice %arg15[%dma_start3A_1973] : memref<2x!tpu.dma_semaphore, #tpu.memory_space<semaphore_mem>> -> memref<1x!tpu.dma_semaphore, #tpu.memory_space<semaphore_mem>>
    %dma_start3A_1979 = tpu.memref_squeeze %dma_start3A_1978 : memref<1x!tpu.dma_semaphore, #tpu.memory_space<semaphore_mem>> -> memref<!tpu.dma_semaphore, #tpu.memory_space<semaphore_mem>>
    %dma_start3A_1980 = arith.constant 0 : i32
    %dma_start3A_1981 = tpu.memref_slice %arg8[%dma_start3A_1971, %dma_start3A_1972, %dma_start3A_1980] : memref<2x5x80xi32, #tpu.memory_space<vmem>> -> memref<1x1x80xi32, #tpu.memory_space<vmem>>
    %dma_start3A_1982 = tpu.memref_squeeze %dma_start3A_1981 : memref<1x1x80xi32, #tpu.memory_space<vmem>> -> memref<80xi32, #tpu.memory_space<vmem>>
    %dma_start3A_1983 = tpu.memref_slice %arg6[%multiple_of3A_1957] : memref<320000xi32, #tpu.memory_space<hbm>> -> memref<80xi32, #tpu.memory_space<hbm>>
    tpu.enqueue_dma source(%dma_start3A_1983 : memref<80xi32, #tpu.memory_space<hbm>>) target(%dma_start3A_1982 : memref<80xi32, #tpu.memory_space<vmem>>) target_semaphore(%dma_start3A_1979 : memref<!tpu.dma_semaphore, #tpu.memory_space<semaphore_mem>>)
    %add3A_1984 = arith.constant 0 : i32
    %add3A_1985 = arith.addi %mul3A_2, %add3A_1984 : i32
    %add3A_1986 = arith.constant 160 : i32
    %add3A_1987 = arith.addi %add3A_1985, %add3A_1986 : i32
    %multiple_of3A_1988 = tpu.assume_multiple %add3A_1987, 16 : i32
    %dma_start3A_1989 = arith.constant 0 : i32
    %dma_start3A_1990 = arith.constant 2 : i32
    %dma_start3A_1991 = arith.constant 0 : i32
    %dma_start3A_1992 = arith.constant 0 : i32
    %dma_start3A_1993 = tpu.memref_slice %arg7[%dma_start3A_1989, %dma_start3A_1990, %dma_start3A_1992] : memref<2x5x80xi32, #tpu.memory_space<vmem>> -> memref<1x1x80xi32, #tpu.memory_space<vmem>>
    %dma_start3A_1994 = tpu.memref_squeeze %dma_start3A_1993 : memref<1x1x80xi32, #tpu.memory_space<vmem>> -> memref<80xi32, #tpu.memory_space<vmem>>
    %dma_start3A_1995 = tpu.memref_slice %arg5[%multiple_of3A_1988] : memref<320000xi32, #tpu.memory_space<hbm>> -> memref<80xi32, #tpu.memory_space<hbm>>
    %dma_start3A_1996 = tpu.memref_slice %arg15[%dma_start3A_1991] : memref<2x!tpu.dma_semaphore, #tpu.memory_space<semaphore_mem>> -> memref<1x!tpu.dma_semaphore, #tpu.memory_space<semaphore_mem>>
    %dma_start3A_1997 = tpu.memref_squeeze %dma_start3A_1996 : memref<1x!tpu.dma_semaphore, #tpu.memory_space<semaphore_mem>> -> memref<!tpu.dma_semaphore, #tpu.memory_space<semaphore_mem>>
    %dma_start3A_1998 = arith.constant 0 : i32
    %dma_start3A_1999 = tpu.memref_slice %arg7[%dma_start3A_1989, %dma_start3A_1990, %dma_start3A_1998] : memref<2x5x80xi32, #tpu.memory_space<vmem>> -> memref<1x1x80xi32, #tpu.memory_space<vmem>>
    %dma_start3A_2000 = tpu.memref_squeeze %dma_start3A_1999 : memref<1x1x80xi32, #tpu.memory_space<vmem>> -> memref<80xi32, #tpu.memory_space<vmem>>
    %dma_start3A_2001 = tpu.memref_slice %arg5[%multiple_of3A_1988] : memref<320000xi32, #tpu.memory_space<hbm>> -> memref<80xi32, #tpu.memory_space<hbm>>
    tpu.enqueue_dma source(%dma_start3A_2001 : memref<80xi32, #tpu.memory_space<hbm>>) target(%dma_start3A_2000 : memref<80xi32, #tpu.memory_space<vmem>>) target_semaphore(%dma_start3A_1997 : memref<!tpu.dma_semaphore, #tpu.memory_space<semaphore_mem>>)
    %dma_start3A_2002 = arith.constant 0 : i32
    %dma_start3A_2003 = arith.constant 2 : i32
    %dma_start3A_2004 = arith.constant 0 : i32
    %dma_start3A_2005 = arith.constant 0 : i32
    %dma_start3A_2006 = tpu.memref_slice %arg8[%dma_start3A_2002, %dma_start3A_2003, %dma_start3A_2005] : memref<2x5x80xi32, #tpu.memory_space<vmem>> -> memref<1x1x80xi32, #tpu.memory_space<vmem>>
    %dma_start3A_2007 = tpu.memref_squeeze %dma_start3A_2006 : memref<1x1x80xi32, #tpu.memory_space<vmem>> -> memref<80xi32, #tpu.memory_space<vmem>>
    %dma_start3A_2008 = tpu.memref_slice %arg6[%multiple_of3A_1988] : memref<320000xi32, #tpu.memory_space<hbm>> -> memref<80xi32, #tpu.memory_space<hbm>>
    %dma_start3A_2009 = tpu.memref_slice %arg15[%dma_start3A_2004] : memref<2x!tpu.dma_semaphore, #tpu.memory_space<semaphore_mem>> -> memref<1x!tpu.dma_semaphore, #tpu.memory_space<semaphore_mem>>
    %dma_start3A_2010 = tpu.memref_squeeze %dma_start3A_2009 : memref<1x!tpu.dma_semaphore, #tpu.memory_space<semaphore_mem>> -> memref<!tpu.dma_semaphore, #tpu.memory_space<semaphore_mem>>
    %dma_start3A_2011 = arith.constant 0 : i32
    %dma_start3A_2012 = tpu.memref_slice %arg8[%dma_start3A_2002, %dma_start3A_2003, %dma_start3A_2011] : memref<2x5x80xi32, #tpu.memory_space<vmem>> -> memref<1x1x80xi32, #tpu.memory_space<vmem>>
    %dma_start3A_2013 = tpu.memref_squeeze %dma_start3A_2012 : memref<1x1x80xi32, #tpu.memory_space<vmem>> -> memref<80xi32, #tpu.memory_space<vmem>>
    %dma_start3A_2014 = tpu.memref_slice %arg6[%multiple_of3A_1988] : memref<320000xi32, #tpu.memory_space<hbm>> -> memref<80xi32, #tpu.memory_space<hbm>>
    tpu.enqueue_dma source(%dma_start3A_2014 : memref<80xi32, #tpu.memory_space<hbm>>) target(%dma_start3A_2013 : memref<80xi32, #tpu.memory_space<vmem>>) target_semaphore(%dma_start3A_2010 : memref<!tpu.dma_semaphore, #tpu.memory_space<semaphore_mem>>)
    %add3A_2015 = arith.constant 0 : i32
    %add3A_2016 = arith.addi %mul3A_2, %add3A_2015 : i32
    %add3A_2017 = arith.constant 240 : i32
    %add3A_2018 = arith.addi %add3A_2016, %add3A_2017 : i32
    %multiple_of3A_2019 = tpu.assume_multiple %add3A_2018, 16 : i32
    %dma_start3A_2020 = arith.constant 0 : i32
    %dma_start3A_2021 = arith.constant 3 : i32
    %dma_start3A_2022 = arith.constant 0 : i32
    %dma_start3A_2023 = arith.constant 0 : i32
    %dma_start3A_2024 = tpu.memref_slice %arg7[%dma_start3A_2020, %dma_start3A_2021, %dma_start3A_2023] : memref<2x5x80xi32, #tpu.memory_space<vmem>> -> memref<1x1x80xi32, #tpu.memory_space<vmem>>
    %dma_start3A_2025 = tpu.memref_squeeze %dma_start3A_2024 : memref<1x1x80xi32, #tpu.memory_space<vmem>> -> memref<80xi32, #tpu.memory_space<vmem>>
    %dma_start3A_2026 = tpu.memref_slice %arg5[%multiple_of3A_2019] : memref<320000xi32, #tpu.memory_space<hbm>> -> memref<80xi32, #tpu.memory_space<hbm>>
    %dma_start3A_2027 = tpu.memref_slice %arg15[%dma_start3A_2022] : memref<2x!tpu.dma_semaphore, #tpu.memory_space<semaphore_mem>> -> memref<1x!tpu.dma_semaphore, #tpu.memory_space<semaphore_mem>>
    %dma_start3A_2028 = tpu.memref_squeeze %dma_start3A_2027 : memref<1x!tpu.dma_semaphore, #tpu.memory_space<semaphore_mem>> -> memref<!tpu.dma_semaphore, #tpu.memory_space<semaphore_mem>>
    %dma_start3A_2029 = arith.constant 0 : i32
    %dma_start3A_2030 = tpu.memref_slice %arg7[%dma_start3A_2020, %dma_start3A_2021, %dma_start3A_2029] : memref<2x5x80xi32, #tpu.memory_space<vmem>> -> memref<1x1x80xi32, #tpu.memory_space<vmem>>
    %dma_start3A_2031 = tpu.memref_squeeze %dma_start3A_2030 : memref<1x1x80xi32, #tpu.memory_space<vmem>> -> memref<80xi32, #tpu.memory_space<vmem>>
    %dma_start3A_2032 = tpu.memref_slice %arg5[%multiple_of3A_2019] : memref<320000xi32, #tpu.memory_space<hbm>> -> memref<80xi32, #tpu.memory_space<hbm>>
    tpu.enqueue_dma source(%dma_start3A_2032 : memref<80xi32, #tpu.memory_space<hbm>>) target(%dma_start3A_2031 : memref<80xi32, #tpu.memory_space<vmem>>) target_semaphore(%dma_start3A_2028 : memref<!tpu.dma_semaphore, #tpu.memory_space<semaphore_mem>>)
    %dma_start3A_2033 = arith.constant 0 : i32
    %dma_start3A_2034 = arith.constant 3 : i32
    %dma_start3A_2035 = arith.constant 0 : i32
    %dma_start3A_2036 = arith.constant 0 : i32
    %dma_start3A_2037 = tpu.memref_slice %arg8[%dma_start3A_2033, %dma_start3A_2034, %dma_start3A_2036] : memref<2x5x80xi32, #tpu.memory_space<vmem>> -> memref<1x1x80xi32, #tpu.memory_space<vmem>>
    %dma_start3A_2038 = tpu.memref_squeeze %dma_start3A_2037 : memref<1x1x80xi32, #tpu.memory_space<vmem>> -> memref<80xi32, #tpu.memory_space<vmem>>
    %dma_start3A_2039 = tpu.memref_slice %arg6[%multiple_of3A_2019] : memref<320000xi32, #tpu.memory_space<hbm>> -> memref<80xi32, #tpu.memory_space<hbm>>
    %dma_start3A_2040 = tpu.memref_slice %arg15[%dma_start3A_2035] : memref<2x!tpu.dma_semaphore, #tpu.memory_space<semaphore_mem>> -> memref<1x!tpu.dma_semaphore, #tpu.memory_space<semaphore_mem>>
    %dma_start3A_2041 = tpu.memref_squeeze %dma_start3A_2040 : memref<1x!tpu.dma_semaphore, #tpu.memory_space<semaphore_mem>> -> memref<!tpu.dma_semaphore, #tpu.memory_space<semaphore_mem>>
    %dma_start3A_2042 = arith.constant 0 : i32
    %dma_start3A_2043 = tpu.memref_slice %arg8[%dma_start3A_2033, %dma_start3A_2034, %dma_start3A_2042] : memref<2x5x80xi32, #tpu.memory_space<vmem>> -> memref<1x1x80xi32, #tpu.memory_space<vmem>>
    %dma_start3A_2044 = tpu.memref_squeeze %dma_start3A_2043 : memref<1x1x80xi32, #tpu.memory_space<vmem>> -> memref<80xi32, #tpu.memory_space<vmem>>
    %dma_start3A_2045 = tpu.memref_slice %arg6[%multiple_of3A_2019] : memref<320000xi32, #tpu.memory_space<hbm>> -> memref<80xi32, #tpu.memory_space<hbm>>
    tpu.enqueue_dma source(%dma_start3A_2045 : memref<80xi32, #tpu.memory_space<hbm>>) target(%dma_start3A_2044 : memref<80xi32, #tpu.memory_space<vmem>>) target_semaphore(%dma_start3A_2041 : memref<!tpu.dma_semaphore, #tpu.memory_space<semaphore_mem>>)
    %add3A_2046 = arith.constant 0 : i32
    %add3A_2047 = arith.addi %mul3A_2, %add3A_2046 : i32
    %add3A_2048 = arith.constant 320 : i32
    %add3A_2049 = arith.addi %add3A_2047, %add3A_2048 : i32
    %multiple_of3A_2050 = tpu.assume_multiple %add3A_2049, 16 : i32
    %dma_start3A_2051 = arith.constant 0 : i32
    %dma_start3A_2052 = arith.constant 4 : i32
    %dma_start3A_2053 = arith.constant 0 : i32
    %dma_start3A_2054 = arith.constant 0 : i32
    %dma_start3A_2055 = tpu.memref_slice %arg7[%dma_start3A_2051, %dma_start3A_2052, %dma_start3A_2054] : memref<2x5x80xi32, #tpu.memory_space<vmem>> -> memref<1x1x80xi32, #tpu.memory_space<vmem>>
    %dma_start3A_2056 = tpu.memref_squeeze %dma_start3A_2055 : memref<1x1x80xi32, #tpu.memory_space<vmem>> -> memref<80xi32, #tpu.memory_space<vmem>>
    %dma_start3A_2057 = tpu.memref_slice %arg5[%multiple_of3A_2050] : memref<320000xi32, #tpu.memory_space<hbm>> -> memref<80xi32, #tpu.memory_space<hbm>>
    %dma_start3A_2058 = tpu.memref_slice %arg15[%dma_start3A_2053] : memref<2x!tpu.dma_semaphore, #tpu.memory_space<semaphore_mem>> -> memref<1x!tpu.dma_semaphore, #tpu.memory_space<semaphore_mem>>
    %dma_start3A_2059 = tpu.memref_squeeze %dma_start3A_2058 : memref<1x!tpu.dma_semaphore, #tpu.memory_space<semaphore_mem>> -> memref<!tpu.dma_semaphore, #tpu.memory_space<semaphore_mem>>
    %dma_start3A_2060 = arith.constant 0 : i32
    %dma_start3A_2061 = tpu.memref_slice %arg7[%dma_start3A_2051, %dma_start3A_2052, %dma_start3A_2060] : memref<2x5x80xi32, #tpu.memory_space<vmem>> -> memref<1x1x80xi32, #tpu.memory_space<vmem>>
    %dma_start3A_2062 = tpu.memref_squeeze %dma_start3A_2061 : memref<1x1x80xi32, #tpu.memory_space<vmem>> -> memref<80xi32, #tpu.memory_space<vmem>>
    %dma_start3A_2063 = tpu.memref_slice %arg5[%multiple_of3A_2050] : memref<320000xi32, #tpu.memory_space<hbm>> -> memref<80xi32, #tpu.memory_space<hbm>>
    tpu.enqueue_dma source(%dma_start3A_2063 : memref<80xi32, #tpu.memory_space<hbm>>) target(%dma_start3A_2062 : memref<80xi32, #tpu.memory_space<vmem>>) target_semaphore(%dma_start3A_2059 : memref<!tpu.dma_semaphore, #tpu.memory_space<semaphore_mem>>)
    %dma_start3A_2064 = arith.constant 0 : i32
    %dma_start3A_2065 = arith.constant 4 : i32
    %dma_start3A_2066 = arith.constant 0 : i32
    %dma_start3A_2067 = arith.constant 0 : i32
    %dma_start3A_2068 = tpu.memref_slice %arg8[%dma_start3A_2064, %dma_start3A_2065, %dma_start3A_2067] : memref<2x5x80xi32, #tpu.memory_space<vmem>> -> memref<1x1x80xi32, #tpu.memory_space<vmem>>
    %dma_start3A_2069 = tpu.memref_squeeze %dma_start3A_2068 : memref<1x1x80xi32, #tpu.memory_space<vmem>> -> memref<80xi32, #tpu.memory_space<vmem>>
    %dma_start3A_2070 = tpu.memref_slice %arg6[%multiple_of3A_2050] : memref<320000xi32, #tpu.memory_space<hbm>> -> memref<80xi32, #tpu.memory_space<hbm>>
    %dma_start3A_2071 = tpu.memref_slice %arg15[%dma_start3A_2066] : memref<2x!tpu.dma_semaphore, #tpu.memory_space<semaphore_mem>> -> memref<1x!tpu.dma_semaphore, #tpu.memory_space<semaphore_mem>>
    %dma_start3A_2072 = tpu.memref_squeeze %dma_start3A_2071 : memref<1x!tpu.dma_semaphore, #tpu.memory_space<semaphore_mem>> -> memref<!tpu.dma_semaphore, #tpu.memory_space<semaphore_mem>>
    %dma_start3A_2073 = arith.constant 0 : i32
    %dma_start3A_2074 = tpu.memref_slice %arg8[%dma_start3A_2064, %dma_start3A_2065, %dma_start3A_2073] : memref<2x5x80xi32, #tpu.memory_space<vmem>> -> memref<1x1x80xi32, #tpu.memory_space<vmem>>
    %dma_start3A_2075 = tpu.memref_squeeze %dma_start3A_2074 : memref<1x1x80xi32, #tpu.memory_space<vmem>> -> memref<80xi32, #tpu.memory_space<vmem>>
    %dma_start3A_2076 = tpu.memref_slice %arg6[%multiple_of3A_2050] : memref<320000xi32, #tpu.memory_space<hbm>> -> memref<80xi32, #tpu.memory_space<hbm>>
    tpu.enqueue_dma source(%dma_start3A_2076 : memref<80xi32, #tpu.memory_space<hbm>>) target(%dma_start3A_2075 : memref<80xi32, #tpu.memory_space<vmem>>) target_semaphore(%dma_start3A_2072 : memref<!tpu.dma_semaphore, #tpu.memory_space<semaphore_mem>>)
    %add3A_2077 = arith.constant 0 : i32
    %add3A_2078 = arith.addi %mul3A_2, %add3A_2077 : i32
    %add3A_2079 = arith.constant 0 : i32
    %add3A_2080 = arith.addi %add3A_2078, %add3A_2079 : i32
    %multiple_of3A_2081 = tpu.assume_multiple %add3A_2080, 16 : i32
    %dma_wait3A_2082 = arith.constant 0 : i32
    %dma_wait3A_2083 = arith.constant 0 : i32
    %dma_wait3A_2084 = arith.constant 0 : i32
    %dma_wait3A_2085 = arith.constant 0 : i32
    %dma_wait3A_2086 = tpu.memref_slice %arg7[%dma_wait3A_2082, %dma_wait3A_2083, %dma_wait3A_2085] : memref<2x5x80xi32, #tpu.memory_space<vmem>> -> memref<1x1x80xi32, #tpu.memory_space<vmem>>
    %dma_wait3A_2087 = tpu.memref_squeeze %dma_wait3A_2086 : memref<1x1x80xi32, #tpu.memory_space<vmem>> -> memref<80xi32, #tpu.memory_space<vmem>>
    %dma_wait3A_2088 = tpu.memref_slice %arg5[%multiple_of3A_2081] : memref<320000xi32, #tpu.memory_space<hbm>> -> memref<80xi32, #tpu.memory_space<hbm>>
    %dma_wait3A_2089 = tpu.memref_slice %arg15[%dma_wait3A_2084] : memref<2x!tpu.dma_semaphore, #tpu.memory_space<semaphore_mem>> -> memref<1x!tpu.dma_semaphore, #tpu.memory_space<semaphore_mem>>
    %dma_wait3A_2090 = tpu.memref_squeeze %dma_wait3A_2089 : memref<1x!tpu.dma_semaphore, #tpu.memory_space<semaphore_mem>> -> memref<!tpu.dma_semaphore, #tpu.memory_space<semaphore_mem>>
    %dma_wait3A_2091 = arith.constant 0 : i32
    %dma_wait3A_2092 = tpu.memref_slice %arg7[%dma_wait3A_2082, %dma_wait3A_2083, %dma_wait3A_2091] : memref<2x5x80xi32, #tpu.memory_space<vmem>> -> memref<1x1x80xi32, #tpu.memory_space<vmem>>
    %dma_wait3A_2093 = tpu.memref_squeeze %dma_wait3A_2092 : memref<1x1x80xi32, #tpu.memory_space<vmem>> -> memref<80xi32, #tpu.memory_space<vmem>>
    %dma_wait3A_2094 = tpu.memref_slice %arg5[%multiple_of3A_2081] : memref<320000xi32, #tpu.memory_space<hbm>> -> memref<80xi32, #tpu.memory_space<hbm>>
    tpu.wait_dma2 semaphore(%dma_wait3A_2090 : memref<!tpu.dma_semaphore, #tpu.memory_space<semaphore_mem>>) src(%dma_wait3A_2094 : memref<80xi32, #tpu.memory_space<hbm>>) dst(%dma_wait3A_2093 : memref<80xi32, #tpu.memory_space<vmem>>)
    %dma_wait3A_2095 = arith.constant 0 : i32
    %dma_wait3A_2096 = arith.constant 0 : i32
    %dma_wait3A_2097 = arith.constant 0 : i32
    %dma_wait3A_2098 = arith.constant 0 : i32
    %dma_wait3A_2099 = tpu.memref_slice %arg8[%dma_wait3A_2095, %dma_wait3A_2096, %dma_wait3A_2098] : memref<2x5x80xi32, #tpu.memory_space<vmem>> -> memref<1x1x80xi32, #tpu.memory_space<vmem>>
    %dma_wait3A_2100 = tpu.memref_squeeze %dma_wait3A_2099 : memref<1x1x80xi32, #tpu.memory_space<vmem>> -> memref<80xi32, #tpu.memory_space<vmem>>
    %dma_wait3A_2101 = tpu.memref_slice %arg6[%multiple_of3A_2081] : memref<320000xi32, #tpu.memory_space<hbm>> -> memref<80xi32, #tpu.memory_space<hbm>>
    %dma_wait3A_2102 = tpu.memref_slice %arg15[%dma_wait3A_2097] : memref<2x!tpu.dma_semaphore, #tpu.memory_space<semaphore_mem>> -> memref<1x!tpu.dma_semaphore, #tpu.memory_space<semaphore_mem>>
    %dma_wait3A_2103 = tpu.memref_squeeze %dma_wait3A_2102 : memref<1x!tpu.dma_semaphore, #tpu.memory_space<semaphore_mem>> -> memref<!tpu.dma_semaphore, #tpu.memory_space<semaphore_mem>>
    %dma_wait3A_2104 = arith.constant 0 : i32
    %dma_wait3A_2105 = tpu.memref_slice %arg8[%dma_wait3A_2095, %dma_wait3A_2096, %dma_wait3A_2104] : memref<2x5x80xi32, #tpu.memory_space<vmem>> -> memref<1x1x80xi32, #tpu.memory_space<vmem>>
    %dma_wait3A_2106 = tpu.memref_squeeze %dma_wait3A_2105 : memref<1x1x80xi32, #tpu.memory_space<vmem>> -> memref<80xi32, #tpu.memory_space<vmem>>
    %dma_wait3A_2107 = tpu.memref_slice %arg6[%multiple_of3A_2081] : memref<320000xi32, #tpu.memory_space<hbm>> -> memref<80xi32, #tpu.memory_space<hbm>>
    tpu.wait_dma2 semaphore(%dma_wait3A_2103 : memref<!tpu.dma_semaphore, #tpu.memory_space<semaphore_mem>>) src(%dma_wait3A_2107 : memref<80xi32, #tpu.memory_space<hbm>>) dst(%dma_wait3A_2106 : memref<80xi32, #tpu.memory_space<vmem>>)
    %add3A_2108 = arith.constant 0 : i32
    %add3A_2109 = arith.addi %mul3A_2, %add3A_2108 : i32
    %add3A_2110 = arith.constant 80 : i32
    %add3A_2111 = arith.addi %add3A_2109, %add3A_2110 : i32
    %multiple_of3A_2112 = tpu.assume_multiple %add3A_2111, 16 : i32
    %dma_wait3A_2113 = arith.constant 0 : i32
    %dma_wait3A_2114 = arith.constant 1 : i32
    %dma_wait3A_2115 = arith.constant 0 : i32
    %dma_wait3A_2116 = arith.constant 0 : i32
    %dma_wait3A_2117 = tpu.memref_slice %arg7[%dma_wait3A_2113, %dma_wait3A_2114, %dma_wait3A_2116] : memref<2x5x80xi32, #tpu.memory_space<vmem>> -> memref<1x1x80xi32, #tpu.memory_space<vmem>>
    %dma_wait3A_2118 = tpu.memref_squeeze %dma_wait3A_2117 : memref<1x1x80xi32, #tpu.memory_space<vmem>> -> memref<80xi32, #tpu.memory_space<vmem>>
    %dma_wait3A_2119 = tpu.memref_slice %arg5[%multiple_of3A_2112] : memref<320000xi32, #tpu.memory_space<hbm>> -> memref<80xi32, #tpu.memory_space<hbm>>
    %dma_wait3A_2120 = tpu.memref_slice %arg15[%dma_wait3A_2115] : memref<2x!tpu.dma_semaphore, #tpu.memory_space<semaphore_mem>> -> memref<1x!tpu.dma_semaphore, #tpu.memory_space<semaphore_mem>>
    %dma_wait3A_2121 = tpu.memref_squeeze %dma_wait3A_2120 : memref<1x!tpu.dma_semaphore, #tpu.memory_space<semaphore_mem>> -> memref<!tpu.dma_semaphore, #tpu.memory_space<semaphore_mem>>
    %dma_wait3A_2122 = arith.constant 0 : i32
    %dma_wait3A_2123 = tpu.memref_slice %arg7[%dma_wait3A_2113, %dma_wait3A_2114, %dma_wait3A_2122] : memref<2x5x80xi32, #tpu.memory_space<vmem>> -> memref<1x1x80xi32, #tpu.memory_space<vmem>>
    %dma_wait3A_2124 = tpu.memref_squeeze %dma_wait3A_2123 : memref<1x1x80xi32, #tpu.memory_space<vmem>> -> memref<80xi32, #tpu.memory_space<vmem>>
    %dma_wait3A_2125 = tpu.memref_slice %arg5[%multiple_of3A_2112] : memref<320000xi32, #tpu.memory_space<hbm>> -> memref<80xi32, #tpu.memory_space<hbm>>
    tpu.wait_dma2 semaphore(%dma_wait3A_2121 : memref<!tpu.dma_semaphore, #tpu.memory_space<semaphore_mem>>) src(%dma_wait3A_2125 : memref<80xi32, #tpu.memory_space<hbm>>) dst(%dma_wait3A_2124 : memref<80xi32, #tpu.memory_space<vmem>>)
    %dma_wait3A_2126 = arith.constant 0 : i32
    %dma_wait3A_2127 = arith.constant 1 : i32
    %dma_wait3A_2128 = arith.constant 0 : i32
    %dma_wait3A_2129 = arith.constant 0 : i32
    %dma_wait3A_2130 = tpu.memref_slice %arg8[%dma_wait3A_2126, %dma_wait3A_2127, %dma_wait3A_2129] : memref<2x5x80xi32, #tpu.memory_space<vmem>> -> memref<1x1x80xi32, #tpu.memory_space<vmem>>
    %dma_wait3A_2131 = tpu.memref_squeeze %dma_wait3A_2130 : memref<1x1x80xi32, #tpu.memory_space<vmem>> -> memref<80xi32, #tpu.memory_space<vmem>>
    %dma_wait3A_2132 = tpu.memref_slice %arg6[%multiple_of3A_2112] : memref<320000xi32, #tpu.memory_space<hbm>> -> memref<80xi32, #tpu.memory_space<hbm>>
    %dma_wait3A_2133 = tpu.memref_slice %arg15[%dma_wait3A_2128] : memref<2x!tpu.dma_semaphore, #tpu.memory_space<semaphore_mem>> -> memref<1x!tpu.dma_semaphore, #tpu.memory_space<semaphore_mem>>
    %dma_wait3A_2134 = tpu.memref_squeeze %dma_wait3A_2133 : memref<1x!tpu.dma_semaphore, #tpu.memory_space<semaphore_mem>> -> memref<!tpu.dma_semaphore, #tpu.memory_space<semaphore_mem>>
    %dma_wait3A_2135 = arith.constant 0 : i32
    %dma_wait3A_2136 = tpu.memref_slice %arg8[%dma_wait3A_2126, %dma_wait3A_2127, %dma_wait3A_2135] : memref<2x5x80xi32, #tpu.memory_space<vmem>> -> memref<1x1x80xi32, #tpu.memory_space<vmem>>
    %dma_wait3A_2137 = tpu.memref_squeeze %dma_wait3A_2136 : memref<1x1x80xi32, #tpu.memory_space<vmem>> -> memref<80xi32, #tpu.memory_space<vmem>>
    %dma_wait3A_2138 = tpu.memref_slice %arg6[%multiple_of3A_2112] : memref<320000xi32, #tpu.memory_space<hbm>> -> memref<80xi32, #tpu.memory_space<hbm>>
    tpu.wait_dma2 semaphore(%dma_wait3A_2134 : memref<!tpu.dma_semaphore, #tpu.memory_space<semaphore_mem>>) src(%dma_wait3A_2138 : memref<80xi32, #tpu.memory_space<hbm>>) dst(%dma_wait3A_2137 : memref<80xi32, #tpu.memory_space<vmem>>)
    %add3A_2139 = arith.constant 0 : i32
    %add3A_2140 = arith.addi %mul3A_2, %add3A_2139 : i32
    %add3A_2141 = arith.constant 160 : i32
    %add3A_2142 = arith.addi %add3A_2140, %add3A_2141 : i32
    %multiple_of3A_2143 = tpu.assume_multiple %add3A_2142, 16 : i32
    %dma_wait3A_2144 = arith.constant 0 : i32
    %dma_wait3A_2145 = arith.constant 2 : i32
    %dma_wait3A_2146 = arith.constant 0 : i32
    %dma_wait3A_2147 = arith.constant 0 : i32
    %dma_wait3A_2148 = tpu.memref_slice %arg7[%dma_wait3A_2144, %dma_wait3A_2145, %dma_wait3A_2147] : memref<2x5x80xi32, #tpu.memory_space<vmem>> -> memref<1x1x80xi32, #tpu.memory_space<vmem>>
    %dma_wait3A_2149 = tpu.memref_squeeze %dma_wait3A_2148 : memref<1x1x80xi32, #tpu.memory_space<vmem>> -> memref<80xi32, #tpu.memory_space<vmem>>
    %dma_wait3A_2150 = tpu.memref_slice %arg5[%multiple_of3A_2143] : memref<320000xi32, #tpu.memory_space<hbm>> -> memref<80xi32, #tpu.memory_space<hbm>>
    %dma_wait3A_2151 = tpu.memref_slice %arg15[%dma_wait3A_2146] : memref<2x!tpu.dma_semaphore, #tpu.memory_space<semaphore_mem>> -> memref<1x!tpu.dma_semaphore, #tpu.memory_space<semaphore_mem>>
    %dma_wait3A_2152 = tpu.memref_squeeze %dma_wait3A_2151 : memref<1x!tpu.dma_semaphore, #tpu.memory_space<semaphore_mem>> -> memref<!tpu.dma_semaphore, #tpu.memory_space<semaphore_mem>>
    %dma_wait3A_2153 = arith.constant 0 : i32
    %dma_wait3A_2154 = tpu.memref_slice %arg7[%dma_wait3A_2144, %dma_wait3A_2145, %dma_wait3A_2153] : memref<2x5x80xi32, #tpu.memory_space<vmem>> -> memref<1x1x80xi32, #tpu.memory_space<vmem>>
    %dma_wait3A_2155 = tpu.memref_squeeze %dma_wait3A_2154 : memref<1x1x80xi32, #tpu.memory_space<vmem>> -> memref<80xi32, #tpu.memory_space<vmem>>
    %dma_wait3A_2156 = tpu.memref_slice %arg5[%multiple_of3A_2143] : memref<320000xi32, #tpu.memory_space<hbm>> -> memref<80xi32, #tpu.memory_space<hbm>>
    tpu.wait_dma2 semaphore(%dma_wait3A_2152 : memref<!tpu.dma_semaphore, #tpu.memory_space<semaphore_mem>>) src(%dma_wait3A_2156 : memref<80xi32, #tpu.memory_space<hbm>>) dst(%dma_wait3A_2155 : memref<80xi32, #tpu.memory_space<vmem>>)
    %dma_wait3A_2157 = arith.constant 0 : i32
    %dma_wait3A_2158 = arith.constant 2 : i32
    %dma_wait3A_2159 = arith.constant 0 : i32
    %dma_wait3A_2160 = arith.constant 0 : i32
    %dma_wait3A_2161 = tpu.memref_slice %arg8[%dma_wait3A_2157, %dma_wait3A_2158, %dma_wait3A_2160] : memref<2x5x80xi32, #tpu.memory_space<vmem>> -> memref<1x1x80xi32, #tpu.memory_space<vmem>>
    %dma_wait3A_2162 = tpu.memref_squeeze %dma_wait3A_2161 : memref<1x1x80xi32, #tpu.memory_space<vmem>> -> memref<80xi32, #tpu.memory_space<vmem>>
    %dma_wait3A_2163 = tpu.memref_slice %arg6[%multiple_of3A_2143] : memref<320000xi32, #tpu.memory_space<hbm>> -> memref<80xi32, #tpu.memory_space<hbm>>
    %dma_wait3A_2164 = tpu.memref_slice %arg15[%dma_wait3A_2159] : memref<2x!tpu.dma_semaphore, #tpu.memory_space<semaphore_mem>> -> memref<1x!tpu.dma_semaphore, #tpu.memory_space<semaphore_mem>>
    %dma_wait3A_2165 = tpu.memref_squeeze %dma_wait3A_2164 : memref<1x!tpu.dma_semaphore, #tpu.memory_space<semaphore_mem>> -> memref<!tpu.dma_semaphore, #tpu.memory_space<semaphore_mem>>
    %dma_wait3A_2166 = arith.constant 0 : i32
    %dma_wait3A_2167 = tpu.memref_slice %arg8[%dma_wait3A_2157, %dma_wait3A_2158, %dma_wait3A_2166] : memref<2x5x80xi32, #tpu.memory_space<vmem>> -> memref<1x1x80xi32, #tpu.memory_space<vmem>>
    %dma_wait3A_2168 = tpu.memref_squeeze %dma_wait3A_2167 : memref<1x1x80xi32, #tpu.memory_space<vmem>> -> memref<80xi32, #tpu.memory_space<vmem>>
    %dma_wait3A_2169 = tpu.memref_slice %arg6[%multiple_of3A_2143] : memref<320000xi32, #tpu.memory_space<hbm>> -> memref<80xi32, #tpu.memory_space<hbm>>
    tpu.wait_dma2 semaphore(%dma_wait3A_2165 : memref<!tpu.dma_semaphore, #tpu.memory_space<semaphore_mem>>) src(%dma_wait3A_2169 : memref<80xi32, #tpu.memory_space<hbm>>) dst(%dma_wait3A_2168 : memref<80xi32, #tpu.memory_space<vmem>>)
    %add3A_2170 = arith.constant 0 : i32
    %add3A_2171 = arith.addi %mul3A_2, %add3A_2170 : i32
    %add3A_2172 = arith.constant 240 : i32
    %add3A_2173 = arith.addi %add3A_2171, %add3A_2172 : i32
    %multiple_of3A_2174 = tpu.assume_multiple %add3A_2173, 16 : i32
    %dma_wait3A_2175 = arith.constant 0 : i32
    %dma_wait3A_2176 = arith.constant 3 : i32
    %dma_wait3A_2177 = arith.constant 0 : i32
    %dma_wait3A_2178 = arith.constant 0 : i32
    %dma_wait3A_2179 = tpu.memref_slice %arg7[%dma_wait3A_2175, %dma_wait3A_2176, %dma_wait3A_2178] : memref<2x5x80xi32, #tpu.memory_space<vmem>> -> memref<1x1x80xi32, #tpu.memory_space<vmem>>
    %dma_wait3A_2180 = tpu.memref_squeeze %dma_wait3A_2179 : memref<1x1x80xi32, #tpu.memory_space<vmem>> -> memref<80xi32, #tpu.memory_space<vmem>>
    %dma_wait3A_2181 = tpu.memref_slice %arg5[%multiple_of3A_2174] : memref<320000xi32, #tpu.memory_space<hbm>> -> memref<80xi32, #tpu.memory_space<hbm>>
    %dma_wait3A_2182 = tpu.memref_slice %arg15[%dma_wait3A_2177] : memref<2x!tpu.dma_semaphore, #tpu.memory_space<semaphore_mem>> -> memref<1x!tpu.dma_semaphore, #tpu.memory_space<semaphore_mem>>
    %dma_wait3A_2183 = tpu.memref_squeeze %dma_wait3A_2182 : memref<1x!tpu.dma_semaphore, #tpu.memory_space<semaphore_mem>> -> memref<!tpu.dma_semaphore, #tpu.memory_space<semaphore_mem>>
    %dma_wait3A_2184 = arith.constant 0 : i32
    %dma_wait3A_2185 = tpu.memref_slice %arg7[%dma_wait3A_2175, %dma_wait3A_2176, %dma_wait3A_2184] : memref<2x5x80xi32, #tpu.memory_space<vmem>> -> memref<1x1x80xi32, #tpu.memory_space<vmem>>
    %dma_wait3A_2186 = tpu.memref_squeeze %dma_wait3A_2185 : memref<1x1x80xi32, #tpu.memory_space<vmem>> -> memref<80xi32, #tpu.memory_space<vmem>>
    %dma_wait3A_2187 = tpu.memref_slice %arg5[%multiple_of3A_2174] : memref<320000xi32, #tpu.memory_space<hbm>> -> memref<80xi32, #tpu.memory_space<hbm>>
    tpu.wait_dma2 semaphore(%dma_wait3A_2183 : memref<!tpu.dma_semaphore, #tpu.memory_space<semaphore_mem>>) src(%dma_wait3A_2187 : memref<80xi32, #tpu.memory_space<hbm>>) dst(%dma_wait3A_2186 : memref<80xi32, #tpu.memory_space<vmem>>)
    %dma_wait3A_2188 = arith.constant 0 : i32
    %dma_wait3A_2189 = arith.constant 3 : i32
    %dma_wait3A_2190 = arith.constant 0 : i32
    %dma_wait3A_2191 = arith.constant 0 : i32
    %dma_wait3A_2192 = tpu.memref_slice %arg8[%dma_wait3A_2188, %dma_wait3A_2189, %dma_wait3A_2191] : memref<2x5x80xi32, #tpu.memory_space<vmem>> -> memref<1x1x80xi32, #tpu.memory_space<vmem>>
    %dma_wait3A_2193 = tpu.memref_squeeze %dma_wait3A_2192 : memref<1x1x80xi32, #tpu.memory_space<vmem>> -> memref<80xi32, #tpu.memory_space<vmem>>
    %dma_wait3A_2194 = tpu.memref_slice %arg6[%multiple_of3A_2174] : memref<320000xi32, #tpu.memory_space<hbm>> -> memref<80xi32, #tpu.memory_space<hbm>>
    %dma_wait3A_2195 = tpu.memref_slice %arg15[%dma_wait3A_2190] : memref<2x!tpu.dma_semaphore, #tpu.memory_space<semaphore_mem>> -> memref<1x!tpu.dma_semaphore, #tpu.memory_space<semaphore_mem>>
    %dma_wait3A_2196 = tpu.memref_squeeze %dma_wait3A_2195 : memref<1x!tpu.dma_semaphore, #tpu.memory_space<semaphore_mem>> -> memref<!tpu.dma_semaphore, #tpu.memory_space<semaphore_mem>>
    %dma_wait3A_2197 = arith.constant 0 : i32
    %dma_wait3A_2198 = tpu.memref_slice %arg8[%dma_wait3A_2188, %dma_wait3A_2189, %dma_wait3A_2197] : memref<2x5x80xi32, #tpu.memory_space<vmem>> -> memref<1x1x80xi32, #tpu.memory_space<vmem>>
    %dma_wait3A_2199 = tpu.memref_squeeze %dma_wait3A_2198 : memref<1x1x80xi32, #tpu.memory_space<vmem>> -> memref<80xi32, #tpu.memory_space<vmem>>
    %dma_wait3A_2200 = tpu.memref_slice %arg6[%multiple_of3A_2174] : memref<320000xi32, #tpu.memory_space<hbm>> -> memref<80xi32, #tpu.memory_space<hbm>>
    tpu.wait_dma2 semaphore(%dma_wait3A_2196 : memref<!tpu.dma_semaphore, #tpu.memory_space<semaphore_mem>>) src(%dma_wait3A_2200 : memref<80xi32, #tpu.memory_space<hbm>>) dst(%dma_wait3A_2199 : memref<80xi32, #tpu.memory_space<vmem>>)
    %add3A_2201 = arith.constant 0 : i32
    %add3A_2202 = arith.addi %mul3A_2, %add3A_2201 : i32
    %add3A_2203 = arith.constant 320 : i32
    %add3A_2204 = arith.addi %add3A_2202, %add3A_2203 : i32
    %multiple_of3A_2205 = tpu.assume_multiple %add3A_2204, 16 : i32
    %dma_wait3A_2206 = arith.constant 0 : i32
    %dma_wait3A_2207 = arith.constant 4 : i32
    %dma_wait3A_2208 = arith.constant 0 : i32
    %dma_wait3A_2209 = arith.constant 0 : i32
    %dma_wait3A_2210 = tpu.memref_slice %arg7[%dma_wait3A_2206, %dma_wait3A_2207, %dma_wait3A_2209] : memref<2x5x80xi32, #tpu.memory_space<vmem>> -> memref<1x1x80xi32, #tpu.memory_space<vmem>>
    %dma_wait3A_2211 = tpu.memref_squeeze %dma_wait3A_2210 : memref<1x1x80xi32, #tpu.memory_space<vmem>> -> memref<80xi32, #tpu.memory_space<vmem>>
    %dma_wait3A_2212 = tpu.memref_slice %arg5[%multiple_of3A_2205] : memref<320000xi32, #tpu.memory_space<hbm>> -> memref<80xi32, #tpu.memory_space<hbm>>
    %dma_wait3A_2213 = tpu.memref_slice %arg15[%dma_wait3A_2208] : memref<2x!tpu.dma_semaphore, #tpu.memory_space<semaphore_mem>> -> memref<1x!tpu.dma_semaphore, #tpu.memory_space<semaphore_mem>>
    %dma_wait3A_2214 = tpu.memref_squeeze %dma_wait3A_2213 : memref<1x!tpu.dma_semaphore, #tpu.memory_space<semaphore_mem>> -> memref<!tpu.dma_semaphore, #tpu.memory_space<semaphore_mem>>
    %dma_wait3A_2215 = arith.constant 0 : i32
    %dma_wait3A_2216 = tpu.memref_slice %arg7[%dma_wait3A_2206, %dma_wait3A_2207, %dma_wait3A_2215] : memref<2x5x80xi32, #tpu.memory_space<vmem>> -> memref<1x1x80xi32, #tpu.memory_space<vmem>>
    %dma_wait3A_2217 = tpu.memref_squeeze %dma_wait3A_2216 : memref<1x1x80xi32, #tpu.memory_space<vmem>> -> memref<80xi32, #tpu.memory_space<vmem>>
    %dma_wait3A_2218 = tpu.memref_slice %arg5[%multiple_of3A_2205] : memref<320000xi32, #tpu.memory_space<hbm>> -> memref<80xi32, #tpu.memory_space<hbm>>
    tpu.wait_dma2 semaphore(%dma_wait3A_2214 : memref<!tpu.dma_semaphore, #tpu.memory_space<semaphore_mem>>) src(%dma_wait3A_2218 : memref<80xi32, #tpu.memory_space<hbm>>) dst(%dma_wait3A_2217 : memref<80xi32, #tpu.memory_space<vmem>>)
    %dma_wait3A_2219 = arith.constant 0 : i32
    %dma_wait3A_2220 = arith.constant 4 : i32
    %dma_wait3A_2221 = arith.constant 0 : i32
    %dma_wait3A_2222 = arith.constant 0 : i32
    %dma_wait3A_2223 = tpu.memref_slice %arg8[%dma_wait3A_2219, %dma_wait3A_2220, %dma_wait3A_2222] : memref<2x5x80xi32, #tpu.memory_space<vmem>> -> memref<1x1x80xi32, #tpu.memory_space<vmem>>
    %dma_wait3A_2224 = tpu.memref_squeeze %dma_wait3A_2223 : memref<1x1x80xi32, #tpu.memory_space<vmem>> -> memref<80xi32, #tpu.memory_space<vmem>>
    %dma_wait3A_2225 = tpu.memref_slice %arg6[%multiple_of3A_2205] : memref<320000xi32, #tpu.memory_space<hbm>> -> memref<80xi32, #tpu.memory_space<hbm>>
    %dma_wait3A_2226 = tpu.memref_slice %arg15[%dma_wait3A_2221] : memref<2x!tpu.dma_semaphore, #tpu.memory_space<semaphore_mem>> -> memref<1x!tpu.dma_semaphore, #tpu.memory_space<semaphore_mem>>
    %dma_wait3A_2227 = tpu.memref_squeeze %dma_wait3A_2226 : memref<1x!tpu.dma_semaphore, #tpu.memory_space<semaphore_mem>> -> memref<!tpu.dma_semaphore, #tpu.memory_space<semaphore_mem>>
    %dma_wait3A_2228 = arith.constant 0 : i32
    %dma_wait3A_2229 = tpu.memref_slice %arg8[%dma_wait3A_2219, %dma_wait3A_2220, %dma_wait3A_2228] : memref<2x5x80xi32, #tpu.memory_space<vmem>> -> memref<1x1x80xi32, #tpu.memory_space<vmem>>
    %dma_wait3A_2230 = tpu.memref_squeeze %dma_wait3A_2229 : memref<1x1x80xi32, #tpu.memory_space<vmem>> -> memref<80xi32, #tpu.memory_space<vmem>>
    %dma_wait3A_2231 = tpu.memref_slice %arg6[%multiple_of3A_2205] : memref<320000xi32, #tpu.memory_space<hbm>> -> memref<80xi32, #tpu.memory_space<hbm>>
    tpu.wait_dma2 semaphore(%dma_wait3A_2227 : memref<!tpu.dma_semaphore, #tpu.memory_space<semaphore_mem>>) src(%dma_wait3A_2231 : memref<80xi32, #tpu.memory_space<hbm>>) dst(%dma_wait3A_2230 : memref<80xi32, #tpu.memory_space<vmem>>)
    %barrier3A = arith.constant 0 : index
    tpu.barrier barrier_id(%barrier3A)
    %dma_start3A_2232 = arith.constant 0 : i32
    %dma_start3A_2233 = arith.constant 0 : i32
    %dma_start3A_2234 = arith.constant 0 : i32
    %dma_start3A_2235 = arith.constant 0 : i32
    %dma_start3A_2236 = arith.constant 0 : i32
    %dma_start3A_2237 = arith.constant 0 : i32
    %dma_start3A_2238 = tpu.memref_slice %arg10[%dma_start3A_2234, %dma_start3A_2236, %dma_start3A_2237] : memref<3x80x128xf32, #tpu.memory_space<vmem>> -> memref<1x80x128xf32, #tpu.memory_space<vmem>>
    %dma_start3A_2239 = tpu.memref_squeeze %dma_start3A_2238 : memref<1x80x128xf32, #tpu.memory_space<vmem>> -> memref<80x128xf32, #tpu.memory_space<vmem>>
    %dma_start3A_2240 = arith.constant 0 : i32
    %dma_start3A_2241 = tpu.memref_slice %arg7[%dma_start3A_2232, %dma_start3A_2233, %dma_start3A_2240] : memref<2x5x80xi32, #tpu.memory_space<vmem>> -> memref<1x1x80xi32, #tpu.memory_space<vmem>>
    %dma_start3A_2242 = tpu.memref_squeeze %dma_start3A_2241 : memref<1x1x80xi32, #tpu.memory_space<vmem>> -> memref<80xi32, #tpu.memory_space<vmem>>
    %dma_start3A_2243 = arith.constant 0 : i32
    %dma_start3A_2244 = arith.constant 0 : i32
    %dma_start3A_2245 = tpu.memref_slice %arg2[%dma_start3A_2243, %dma_start3A_2244] : memref<10000x128xf32, #tpu.memory_space<hbm>> -> memref<10000x128xf32, #tpu.memory_space<hbm>>
    %dma_start3A_2246 = tpu.memref_slice %arg13[%dma_start3A_2235] : memref<3x!tpu.dma_semaphore, #tpu.memory_space<semaphore_mem>> -> memref<1x!tpu.dma_semaphore, #tpu.memory_space<semaphore_mem>>
    %dma_start3A_2247 = tpu.memref_squeeze %dma_start3A_2246 : memref<1x!tpu.dma_semaphore, #tpu.memory_space<semaphore_mem>> -> memref<!tpu.dma_semaphore, #tpu.memory_space<semaphore_mem>>
    tpu.enqueue_indirect_dma source(%dma_start3A_2245 : memref<10000x128xf32, #tpu.memory_space<hbm>>) target(%dma_start3A_2239 : memref<80x128xf32, #tpu.memory_space<vmem>>) offsets(%dma_start3A_2242 : memref<80xi32, #tpu.memory_space<vmem>>) semaphore(%dma_start3A_2247 : memref<!tpu.dma_semaphore, #tpu.memory_space<semaphore_mem>>)
    %dma_start3A_2248 = arith.constant 0 : i32
    %dma_start3A_2249 = arith.constant 1 : i32
    %dma_start3A_2250 = arith.constant 1 : i32
    %dma_start3A_2251 = arith.constant 1 : i32
    %dma_start3A_2252 = arith.constant 0 : i32
    %dma_start3A_2253 = arith.constant 0 : i32
    %dma_start3A_2254 = tpu.memref_slice %arg10[%dma_start3A_2250, %dma_start3A_2252, %dma_start3A_2253] : memref<3x80x128xf32, #tpu.memory_space<vmem>> -> memref<1x80x128xf32, #tpu.memory_space<vmem>>
    %dma_start3A_2255 = tpu.memref_squeeze %dma_start3A_2254 : memref<1x80x128xf32, #tpu.memory_space<vmem>> -> memref<80x128xf32, #tpu.memory_space<vmem>>
    %dma_start3A_2256 = arith.constant 0 : i32
    %dma_start3A_2257 = tpu.memref_slice %arg7[%dma_start3A_2248, %dma_start3A_2249, %dma_start3A_2256] : memref<2x5x80xi32, #tpu.memory_space<vmem>> -> memref<1x1x80xi32, #tpu.memory_space<vmem>>
    %dma_start3A_2258 = tpu.memref_squeeze %dma_start3A_2257 : memref<1x1x80xi32, #tpu.memory_space<vmem>> -> memref<80xi32, #tpu.memory_space<vmem>>
    %dma_start3A_2259 = arith.constant 0 : i32
    %dma_start3A_2260 = arith.constant 0 : i32
    %dma_start3A_2261 = tpu.memref_slice %arg2[%dma_start3A_2259, %dma_start3A_2260] : memref<10000x128xf32, #tpu.memory_space<hbm>> -> memref<10000x128xf32, #tpu.memory_space<hbm>>
    %dma_start3A_2262 = tpu.memref_slice %arg13[%dma_start3A_2251] : memref<3x!tpu.dma_semaphore, #tpu.memory_space<semaphore_mem>> -> memref<1x!tpu.dma_semaphore, #tpu.memory_space<semaphore_mem>>
    %dma_start3A_2263 = tpu.memref_squeeze %dma_start3A_2262 : memref<1x!tpu.dma_semaphore, #tpu.memory_space<semaphore_mem>> -> memref<!tpu.dma_semaphore, #tpu.memory_space<semaphore_mem>>
    tpu.enqueue_indirect_dma source(%dma_start3A_2261 : memref<10000x128xf32, #tpu.memory_space<hbm>>) target(%dma_start3A_2255 : memref<80x128xf32, #tpu.memory_space<vmem>>) offsets(%dma_start3A_2258 : memref<80xi32, #tpu.memory_space<vmem>>) semaphore(%dma_start3A_2263 : memref<!tpu.dma_semaphore, #tpu.memory_space<semaphore_mem>>)
    %scan3A_2264 = arith.constant 0 : i32
    %scan3A_2265 = arith.constant 0 : i32
    %scan3A_2266 = arith.constant 125 : i32
    %scan3A_2267 = arith.addi %scan3A_2265, %scan3A_2266 : i32
    %scan3A_2268 = arith.constant 1 : i32
    scf.for %scan3A_2319 = %scan3A_2265 to %scan3A_2267 step %scan3A_2268  : i32 {
      %jit3A_2320 = arith.constant 5 : i32
      %div3A_2321 = arith.divsi %scan3A_2319, %jit3A_2320 : i32
      %sign3A_2322 = arith.constant 0 : i32
      %sign3A_2323 = arith.cmpi sgt, %scan3A_2319, %sign3A_2322 : i32
      %sign3A_2324 = arith.extui %sign3A_2323 : i1 to i32
      %sign3A_2325 = arith.constant 0 : i32
      %sign3A_2326 = arith.cmpi slt, %scan3A_2319, %sign3A_2325 : i32
      %sign3A_2327 = arith.extui %sign3A_2326 : i1 to i32
      %sign3A_2328 = arith.subi %sign3A_2324, %sign3A_2327 : i32
      %sign3A_2329 = arith.constant 0 : i32
      %sign3A_2330 = arith.cmpi sgt, %jit3A_2320, %sign3A_2329 : i32
      %sign3A_2331 = arith.extui %sign3A_2330 : i1 to i32
      %sign3A_2332 = arith.constant 0 : i32
      %sign3A_2333 = arith.cmpi slt, %jit3A_2320, %sign3A_2332 : i32
      %sign3A_2334 = arith.extui %sign3A_2333 : i1 to i32
      %sign3A_2335 = arith.subi %sign3A_2331, %sign3A_2334 : i32
      %ne3A_2336 = arith.cmpi ne, %sign3A_2328, %sign3A_2335 : i32
      %rem3A_2337 = arith.remsi %scan3A_2319, %jit3A_2320 : i32
      %ne3A_2338 = arith.constant 0 : i32
      %ne3A_2339 = arith.cmpi ne, %rem3A_2337, %ne3A_2338 : i32
      %and3A_2340 = arith.andi %ne3A_2336, %ne3A_2339 : i1
      %sub3A_2341 = arith.constant 1 : i32
      %sub3A_2342 = arith.subi %div3A_2321, %sub3A_2341 : i32
      %select_n3A_2343 = arith.select %and3A_2340, %sub3A_2342, %div3A_2321 : i32
      %jit3A_2344 = arith.constant 5 : i32
      %eq3A = arith.constant 0 : i32
      %eq3A_2345 = arith.cmpi eq, %jit3A_2344, %eq3A : i32
      %jit3A_2346 = arith.constant 1 : i32
      %select_n3A_2347 = arith.select %eq3A_2345, %jit3A_2346, %jit3A_2344 : i32
      %rem3A_2348 = arith.remsi %scan3A_2319, %select_n3A_2347 : i32
      %ne3A_2349 = arith.constant 0 : i32
      %ne3A_2350 = arith.cmpi ne, %rem3A_2348, %ne3A_2349 : i32
      %lt3A = arith.constant 0 : i32
      %lt3A_2351 = arith.cmpi slt, %rem3A_2348, %lt3A : i32
      %lt3A_2352 = arith.constant 0 : i32
      %lt3A_2353 = arith.cmpi slt, %select_n3A_2347, %lt3A_2352 : i32
      %ne3A_2354 = arith.xori %lt3A_2351, %lt3A_2353 : i1
      %and3A_2355 = arith.andi %ne3A_2354, %ne3A_2350 : i1
      %add3A_2356 = arith.addi %rem3A_2348, %select_n3A_2347 : i32
      %select_n3A_2357 = arith.select %and3A_2355, %add3A_2356, %rem3A_2348 : i32
      %jit3A_2358 = arith.constant 2 : i32
      %eq3A_2359 = arith.constant 0 : i32
      %eq3A_2360 = arith.cmpi eq, %jit3A_2358, %eq3A_2359 : i32
      %jit3A_2361 = arith.constant 1 : i32
      %select_n3A_2362 = arith.select %eq3A_2360, %jit3A_2361, %jit3A_2358 : i32
      %rem3A_2363 = arith.remsi %select_n3A_2343, %select_n3A_2362 : i32
      %ne3A_2364 = arith.constant 0 : i32
      %ne3A_2365 = arith.cmpi ne, %rem3A_2363, %ne3A_2364 : i32
      %lt3A_2366 = arith.constant 0 : i32
      %lt3A_2367 = arith.cmpi slt, %rem3A_2363, %lt3A_2366 : i32
      %lt3A_2368 = arith.constant 0 : i32
      %lt3A_2369 = arith.cmpi slt, %select_n3A_2362, %lt3A_2368 : i32
      %ne3A_2370 = arith.xori %lt3A_2367, %lt3A_2369 : i1
      %and3A_2371 = arith.andi %ne3A_2370, %ne3A_2365 : i1
      %add3A_2372 = arith.addi %rem3A_2363, %select_n3A_2362 : i32
      %select_n3A_2373 = arith.select %and3A_2371, %add3A_2372, %rem3A_2363 : i32
      %jit3A_2374 = arith.constant 3 : i32
      %eq3A_2375 = arith.constant 0 : i32
      %eq3A_2376 = arith.cmpi eq, %jit3A_2374, %eq3A_2375 : i32
      %jit3A_2377 = arith.constant 1 : i32
      %select_n3A_2378 = arith.select %eq3A_2376, %jit3A_2377, %jit3A_2374 : i32
      %rem3A_2379 = arith.remsi %scan3A_2319, %select_n3A_2378 : i32
      %ne3A_2380 = arith.constant 0 : i32
      %ne3A_2381 = arith.cmpi ne, %rem3A_2379, %ne3A_2380 : i32
      %lt3A_2382 = arith.constant 0 : i32
      %lt3A_2383 = arith.cmpi slt, %rem3A_2379, %lt3A_2382 : i32
      %lt3A_2384 = arith.constant 0 : i32
      %lt3A_2385 = arith.cmpi slt, %select_n3A_2378, %lt3A_2384 : i32
      %ne3A_2386 = arith.xori %lt3A_2383, %lt3A_2385 : i1
      %and3A_2387 = arith.andi %ne3A_2386, %ne3A_2381 : i1
      %add3A_2388 = arith.addi %rem3A_2379, %select_n3A_2378 : i32
      %select_n3A_2389 = arith.select %and3A_2387, %add3A_2388, %rem3A_2379 : i32
      %add3A_2390 = arith.constant 3 : i32
      %add3A_2391 = arith.addi %scan3A_2319, %add3A_2390 : i32
      %sub3A_2392 = arith.constant 1 : i32
      %sub3A_2393 = arith.subi %add3A_2391, %sub3A_2392 : i32
      %eq3A_2394 = arith.constant 0 : i32
      %eq3A_2395 = arith.cmpi eq, %select_n3A_2357, %eq3A_2394 : i32
      %lt3A_2396 = arith.constant 24 : i32
      %lt3A_2397 = arith.cmpi slt, %select_n3A_2343, %lt3A_2396 : i32
      %and3A_2398 = arith.andi %eq3A_2395, %lt3A_2397 : i1
      %convert_element_type3A = arith.extui %and3A_2398 : i1 to i32
      %cond3A = arith.constant 0 : i32
      %cond3A_2399 = arith.cmpi ne, %convert_element_type3A, %cond3A : i32
      scf.if %cond3A_2399 {
        %add3A_2437 = arith.constant 1 : i32
        %add3A_2438 = arith.addi %select_n3A_2343, %add3A_2437 : i32
        %add3A_2439 = arith.constant 1 : i32
        %add3A_2440 = arith.addi %select_n3A_2343, %add3A_2439 : i32
        %jit3A_2441 = arith.constant 2 : i32
        %eq3A_2442 = arith.constant 0 : i32
        %eq3A_2443 = arith.cmpi eq, %jit3A_2441, %eq3A_2442 : i32
        %jit3A_2444 = arith.constant 1 : i32
        %select_n3A_2445 = arith.select %eq3A_2443, %jit3A_2444, %jit3A_2441 : i32
        %rem3A_2446 = arith.remsi %add3A_2440, %select_n3A_2445 : i32
        %ne3A_2447 = arith.constant 0 : i32
        %ne3A_2448 = arith.cmpi ne, %rem3A_2446, %ne3A_2447 : i32
        %lt3A_2449 = arith.constant 0 : i32
        %lt3A_2450 = arith.cmpi slt, %rem3A_2446, %lt3A_2449 : i32
        %lt3A_2451 = arith.constant 0 : i32
        %lt3A_2452 = arith.cmpi slt, %select_n3A_2445, %lt3A_2451 : i32
        %ne3A_2453 = arith.xori %lt3A_2450, %lt3A_2452 : i1
        %and3A_2454 = arith.andi %ne3A_2453, %ne3A_2448 : i1
        %add3A_2455 = arith.addi %rem3A_2446, %select_n3A_2445 : i32
        %select_n3A_2456 = arith.select %and3A_2454, %add3A_2455, %rem3A_2446 : i32
        %mul3A_2457 = arith.constant 400 : i32
        %mul3A_2458 = arith.muli %add3A_2438, %mul3A_2457 : i32
        %add3A_2459 = arith.addi %mul3A_2, %mul3A_2458 : i32
        %add3A_2460 = arith.constant 0 : i32
        %add3A_2461 = arith.addi %add3A_2459, %add3A_2460 : i32
        %multiple_of3A_2462 = tpu.assume_multiple %add3A_2461, 16 : i32
        %jit3A_2463 = arith.constant 2 : i32
        %eq3A_2464 = arith.constant 0 : i32
        %eq3A_2465 = arith.cmpi eq, %jit3A_2463, %eq3A_2464 : i32
        %jit3A_2466 = arith.constant 1 : i32
        %select_n3A_2467 = arith.select %eq3A_2465, %jit3A_2466, %jit3A_2463 : i32
        %rem3A_2468 = arith.remsi %add3A_2438, %select_n3A_2467 : i32
        %ne3A_2469 = arith.constant 0 : i32
        %ne3A_2470 = arith.cmpi ne, %rem3A_2468, %ne3A_2469 : i32
        %lt3A_2471 = arith.constant 0 : i32
        %lt3A_2472 = arith.cmpi slt, %rem3A_2468, %lt3A_2471 : i32
        %lt3A_2473 = arith.constant 0 : i32
        %lt3A_2474 = arith.cmpi slt, %select_n3A_2467, %lt3A_2473 : i32
        %ne3A_2475 = arith.xori %lt3A_2472, %lt3A_2474 : i1
        %and3A_2476 = arith.andi %ne3A_2475, %ne3A_2470 : i1
        %add3A_2477 = arith.addi %rem3A_2468, %select_n3A_2467 : i32
        %select_n3A_2478 = arith.select %and3A_2476, %add3A_2477, %rem3A_2468 : i32
        %dma_start3A_2479 = arith.constant 0 : i32
        %dma_start3A_2480 = arith.constant 0 : i32
        %dma_start3A_2481 = tpu.memref_slice %arg7[%select_n3A_2478, %dma_start3A_2479, %dma_start3A_2480] : memref<2x5x80xi32, #tpu.memory_space<vmem>> -> memref<1x1x80xi32, #tpu.memory_space<vmem>>
        %dma_start3A_2482 = tpu.memref_squeeze %dma_start3A_2481 : memref<1x1x80xi32, #tpu.memory_space<vmem>> -> memref<80xi32, #tpu.memory_space<vmem>>
        %dma_start3A_2483 = tpu.memref_slice %arg5[%multiple_of3A_2462] : memref<320000xi32, #tpu.memory_space<hbm>> -> memref<80xi32, #tpu.memory_space<hbm>>
        %dma_start3A_2484 = tpu.memref_slice %arg15[%select_n3A_2456] : memref<2x!tpu.dma_semaphore, #tpu.memory_space<semaphore_mem>> -> memref<1x!tpu.dma_semaphore, #tpu.memory_space<semaphore_mem>>
        %dma_start3A_2485 = tpu.memref_squeeze %dma_start3A_2484 : memref<1x!tpu.dma_semaphore, #tpu.memory_space<semaphore_mem>> -> memref<!tpu.dma_semaphore, #tpu.memory_space<semaphore_mem>>
        %dma_start3A_2486 = arith.constant 0 : i32
        %dma_start3A_2487 = tpu.memref_slice %arg7[%select_n3A_2478, %dma_start3A_2479, %dma_start3A_2486] : memref<2x5x80xi32, #tpu.memory_space<vmem>> -> memref<1x1x80xi32, #tpu.memory_space<vmem>>
        %dma_start3A_2488 = tpu.memref_squeeze %dma_start3A_2487 : memref<1x1x80xi32, #tpu.memory_space<vmem>> -> memref<80xi32, #tpu.memory_space<vmem>>
        %dma_start3A_2489 = tpu.memref_slice %arg5[%multiple_of3A_2462] : memref<320000xi32, #tpu.memory_space<hbm>> -> memref<80xi32, #tpu.memory_space<hbm>>
        tpu.enqueue_dma source(%dma_start3A_2489 : memref<80xi32, #tpu.memory_space<hbm>>) target(%dma_start3A_2488 : memref<80xi32, #tpu.memory_space<vmem>>) target_semaphore(%dma_start3A_2485 : memref<!tpu.dma_semaphore, #tpu.memory_space<semaphore_mem>>)
        %jit3A_2490 = arith.constant 2 : i32
        %eq3A_2491 = arith.constant 0 : i32
        %eq3A_2492 = arith.cmpi eq, %jit3A_2490, %eq3A_2491 : i32
        %jit3A_2493 = arith.constant 1 : i32
        %select_n3A_2494 = arith.select %eq3A_2492, %jit3A_2493, %jit3A_2490 : i32
        %rem3A_2495 = arith.remsi %add3A_2438, %select_n3A_2494 : i32
        %ne3A_2496 = arith.constant 0 : i32
        %ne3A_2497 = arith.cmpi ne, %rem3A_2495, %ne3A_2496 : i32
        %lt3A_2498 = arith.constant 0 : i32
        %lt3A_2499 = arith.cmpi slt, %rem3A_2495, %lt3A_2498 : i32
        %lt3A_2500 = arith.constant 0 : i32
        %lt3A_2501 = arith.cmpi slt, %select_n3A_2494, %lt3A_2500 : i32
        %ne3A_2502 = arith.xori %lt3A_2499, %lt3A_2501 : i1
        %and3A_2503 = arith.andi %ne3A_2502, %ne3A_2497 : i1
        %add3A_2504 = arith.addi %rem3A_2495, %select_n3A_2494 : i32
        %select_n3A_2505 = arith.select %and3A_2503, %add3A_2504, %rem3A_2495 : i32
        %dma_start3A_2506 = arith.constant 0 : i32
        %dma_start3A_2507 = arith.constant 0 : i32
        %dma_start3A_2508 = tpu.memref_slice %arg8[%select_n3A_2505, %dma_start3A_2506, %dma_start3A_2507] : memref<2x5x80xi32, #tpu.memory_space<vmem>> -> memref<1x1x80xi32, #tpu.memory_space<vmem>>
        %dma_start3A_2509 = tpu.memref_squeeze %dma_start3A_2508 : memref<1x1x80xi32, #tpu.memory_space<vmem>> -> memref<80xi32, #tpu.memory_space<vmem>>
        %dma_start3A_2510 = tpu.memref_slice %arg6[%multiple_of3A_2462] : memref<320000xi32, #tpu.memory_space<hbm>> -> memref<80xi32, #tpu.memory_space<hbm>>
        %dma_start3A_2511 = tpu.memref_slice %arg15[%select_n3A_2456] : memref<2x!tpu.dma_semaphore, #tpu.memory_space<semaphore_mem>> -> memref<1x!tpu.dma_semaphore, #tpu.memory_space<semaphore_mem>>
        %dma_start3A_2512 = tpu.memref_squeeze %dma_start3A_2511 : memref<1x!tpu.dma_semaphore, #tpu.memory_space<semaphore_mem>> -> memref<!tpu.dma_semaphore, #tpu.memory_space<semaphore_mem>>
        %dma_start3A_2513 = arith.constant 0 : i32
        %dma_start3A_2514 = tpu.memref_slice %arg8[%select_n3A_2505, %dma_start3A_2506, %dma_start3A_2513] : memref<2x5x80xi32, #tpu.memory_space<vmem>> -> memref<1x1x80xi32, #tpu.memory_space<vmem>>
        %dma_start3A_2515 = tpu.memref_squeeze %dma_start3A_2514 : memref<1x1x80xi32, #tpu.memory_space<vmem>> -> memref<80xi32, #tpu.memory_space<vmem>>
        %dma_start3A_2516 = tpu.memref_slice %arg6[%multiple_of3A_2462] : memref<320000xi32, #tpu.memory_space<hbm>> -> memref<80xi32, #tpu.memory_space<hbm>>
        tpu.enqueue_dma source(%dma_start3A_2516 : memref<80xi32, #tpu.memory_space<hbm>>) target(%dma_start3A_2515 : memref<80xi32, #tpu.memory_space<vmem>>) target_semaphore(%dma_start3A_2512 : memref<!tpu.dma_semaphore, #tpu.memory_space<semaphore_mem>>)
        %mul3A_2517 = arith.constant 400 : i32
        %mul3A_2518 = arith.muli %add3A_2438, %mul3A_2517 : i32
        %add3A_2519 = arith.addi %mul3A_2, %mul3A_2518 : i32
        %add3A_2520 = arith.constant 80 : i32
        %add3A_2521 = arith.addi %add3A_2519, %add3A_2520 : i32
        %multiple_of3A_2522 = tpu.assume_multiple %add3A_2521, 16 : i32
        %jit3A_2523 = arith.constant 2 : i32
        %eq3A_2524 = arith.constant 0 : i32
        %eq3A_2525 = arith.cmpi eq, %jit3A_2523, %eq3A_2524 : i32
        %jit3A_2526 = arith.constant 1 : i32
        %select_n3A_2527 = arith.select %eq3A_2525, %jit3A_2526, %jit3A_2523 : i32
        %rem3A_2528 = arith.remsi %add3A_2438, %select_n3A_2527 : i32
        %ne3A_2529 = arith.constant 0 : i32
        %ne3A_2530 = arith.cmpi ne, %rem3A_2528, %ne3A_2529 : i32
        %lt3A_2531 = arith.constant 0 : i32
        %lt3A_2532 = arith.cmpi slt, %rem3A_2528, %lt3A_2531 : i32
        %lt3A_2533 = arith.constant 0 : i32
        %lt3A_2534 = arith.cmpi slt, %select_n3A_2527, %lt3A_2533 : i32
        %ne3A_2535 = arith.xori %lt3A_2532, %lt3A_2534 : i1
        %and3A_2536 = arith.andi %ne3A_2535, %ne3A_2530 : i1
        %add3A_2537 = arith.addi %rem3A_2528, %select_n3A_2527 : i32
        %select_n3A_2538 = arith.select %and3A_2536, %add3A_2537, %rem3A_2528 : i32
        %dma_start3A_2539 = arith.constant 1 : i32
        %dma_start3A_2540 = arith.constant 0 : i32
        %dma_start3A_2541 = tpu.memref_slice %arg7[%select_n3A_2538, %dma_start3A_2539, %dma_start3A_2540] : memref<2x5x80xi32, #tpu.memory_space<vmem>> -> memref<1x1x80xi32, #tpu.memory_space<vmem>>
        %dma_start3A_2542 = tpu.memref_squeeze %dma_start3A_2541 : memref<1x1x80xi32, #tpu.memory_space<vmem>> -> memref<80xi32, #tpu.memory_space<vmem>>
        %dma_start3A_2543 = tpu.memref_slice %arg5[%multiple_of3A_2522] : memref<320000xi32, #tpu.memory_space<hbm>> -> memref<80xi32, #tpu.memory_space<hbm>>
        %dma_start3A_2544 = tpu.memref_slice %arg15[%select_n3A_2456] : memref<2x!tpu.dma_semaphore, #tpu.memory_space<semaphore_mem>> -> memref<1x!tpu.dma_semaphore, #tpu.memory_space<semaphore_mem>>
        %dma_start3A_2545 = tpu.memref_squeeze %dma_start3A_2544 : memref<1x!tpu.dma_semaphore, #tpu.memory_space<semaphore_mem>> -> memref<!tpu.dma_semaphore, #tpu.memory_space<semaphore_mem>>
        %dma_start3A_2546 = arith.constant 0 : i32
        %dma_start3A_2547 = tpu.memref_slice %arg7[%select_n3A_2538, %dma_start3A_2539, %dma_start3A_2546] : memref<2x5x80xi32, #tpu.memory_space<vmem>> -> memref<1x1x80xi32, #tpu.memory_space<vmem>>
        %dma_start3A_2548 = tpu.memref_squeeze %dma_start3A_2547 : memref<1x1x80xi32, #tpu.memory_space<vmem>> -> memref<80xi32, #tpu.memory_space<vmem>>
        %dma_start3A_2549 = tpu.memref_slice %arg5[%multiple_of3A_2522] : memref<320000xi32, #tpu.memory_space<hbm>> -> memref<80xi32, #tpu.memory_space<hbm>>
        tpu.enqueue_dma source(%dma_start3A_2549 : memref<80xi32, #tpu.memory_space<hbm>>) target(%dma_start3A_2548 : memref<80xi32, #tpu.memory_space<vmem>>) target_semaphore(%dma_start3A_2545 : memref<!tpu.dma_semaphore, #tpu.memory_space<semaphore_mem>>)
        %jit3A_2550 = arith.constant 2 : i32
        %eq3A_2551 = arith.constant 0 : i32
        %eq3A_2552 = arith.cmpi eq, %jit3A_2550, %eq3A_2551 : i32
        %jit3A_2553 = arith.constant 1 : i32
        %select_n3A_2554 = arith.select %eq3A_2552, %jit3A_2553, %jit3A_2550 : i32
        %rem3A_2555 = arith.remsi %add3A_2438, %select_n3A_2554 : i32
        %ne3A_2556 = arith.constant 0 : i32
        %ne3A_2557 = arith.cmpi ne, %rem3A_2555, %ne3A_2556 : i32
        %lt3A_2558 = arith.constant 0 : i32
        %lt3A_2559 = arith.cmpi slt, %rem3A_2555, %lt3A_2558 : i32
        %lt3A_2560 = arith.constant 0 : i32
        %lt3A_2561 = arith.cmpi slt, %select_n3A_2554, %lt3A_2560 : i32
        %ne3A_2562 = arith.xori %lt3A_2559, %lt3A_2561 : i1
        %and3A_2563 = arith.andi %ne3A_2562, %ne3A_2557 : i1
        %add3A_2564 = arith.addi %rem3A_2555, %select_n3A_2554 : i32
        %select_n3A_2565 = arith.select %and3A_2563, %add3A_2564, %rem3A_2555 : i32
        %dma_start3A_2566 = arith.constant 1 : i32
        %dma_start3A_2567 = arith.constant 0 : i32
        %dma_start3A_2568 = tpu.memref_slice %arg8[%select_n3A_2565, %dma_start3A_2566, %dma_start3A_2567] : memref<2x5x80xi32, #tpu.memory_space<vmem>> -> memref<1x1x80xi32, #tpu.memory_space<vmem>>
        %dma_start3A_2569 = tpu.memref_squeeze %dma_start3A_2568 : memref<1x1x80xi32, #tpu.memory_space<vmem>> -> memref<80xi32, #tpu.memory_space<vmem>>
        %dma_start3A_2570 = tpu.memref_slice %arg6[%multiple_of3A_2522] : memref<320000xi32, #tpu.memory_space<hbm>> -> memref<80xi32, #tpu.memory_space<hbm>>
        %dma_start3A_2571 = tpu.memref_slice %arg15[%select_n3A_2456] : memref<2x!tpu.dma_semaphore, #tpu.memory_space<semaphore_mem>> -> memref<1x!tpu.dma_semaphore, #tpu.memory_space<semaphore_mem>>
        %dma_start3A_2572 = tpu.memref_squeeze %dma_start3A_2571 : memref<1x!tpu.dma_semaphore, #tpu.memory_space<semaphore_mem>> -> memref<!tpu.dma_semaphore, #tpu.memory_space<semaphore_mem>>
        %dma_start3A_2573 = arith.constant 0 : i32
        %dma_start3A_2574 = tpu.memref_slice %arg8[%select_n3A_2565, %dma_start3A_2566, %dma_start3A_2573] : memref<2x5x80xi32, #tpu.memory_space<vmem>> -> memref<1x1x80xi32, #tpu.memory_space<vmem>>
        %dma_start3A_2575 = tpu.memref_squeeze %dma_start3A_2574 : memref<1x1x80xi32, #tpu.memory_space<vmem>> -> memref<80xi32, #tpu.memory_space<vmem>>
        %dma_start3A_2576 = tpu.memref_slice %arg6[%multiple_of3A_2522] : memref<320000xi32, #tpu.memory_space<hbm>> -> memref<80xi32, #tpu.memory_space<hbm>>
        tpu.enqueue_dma source(%dma_start3A_2576 : memref<80xi32, #tpu.memory_space<hbm>>) target(%dma_start3A_2575 : memref<80xi32, #tpu.memory_space<vmem>>) target_semaphore(%dma_start3A_2572 : memref<!tpu.dma_semaphore, #tpu.memory_space<semaphore_mem>>)
        %mul3A_2577 = arith.constant 400 : i32
        %mul3A_2578 = arith.muli %add3A_2438, %mul3A_2577 : i32
        %add3A_2579 = arith.addi %mul3A_2, %mul3A_2578 : i32
        %add3A_2580 = arith.constant 160 : i32
        %add3A_2581 = arith.addi %add3A_2579, %add3A_2580 : i32
        %multiple_of3A_2582 = tpu.assume_multiple %add3A_2581, 16 : i32
        %jit3A_2583 = arith.constant 2 : i32
        %eq3A_2584 = arith.constant 0 : i32
        %eq3A_2585 = arith.cmpi eq, %jit3A_2583, %eq3A_2584 : i32
        %jit3A_2586 = arith.constant 1 : i32
        %select_n3A_2587 = arith.select %eq3A_2585, %jit3A_2586, %jit3A_2583 : i32
        %rem3A_2588 = arith.remsi %add3A_2438, %select_n3A_2587 : i32
        %ne3A_2589 = arith.constant 0 : i32
        %ne3A_2590 = arith.cmpi ne, %rem3A_2588, %ne3A_2589 : i32
        %lt3A_2591 = arith.constant 0 : i32
        %lt3A_2592 = arith.cmpi slt, %rem3A_2588, %lt3A_2591 : i32
        %lt3A_2593 = arith.constant 0 : i32
        %lt3A_2594 = arith.cmpi slt, %select_n3A_2587, %lt3A_2593 : i32
        %ne3A_2595 = arith.xori %lt3A_2592, %lt3A_2594 : i1
        %and3A_2596 = arith.andi %ne3A_2595, %ne3A_2590 : i1
        %add3A_2597 = arith.addi %rem3A_2588, %select_n3A_2587 : i32
        %select_n3A_2598 = arith.select %and3A_2596, %add3A_2597, %rem3A_2588 : i32
        %dma_start3A_2599 = arith.constant 2 : i32
        %dma_start3A_2600 = arith.constant 0 : i32
        %dma_start3A_2601 = tpu.memref_slice %arg7[%select_n3A_2598, %dma_start3A_2599, %dma_start3A_2600] : memref<2x5x80xi32, #tpu.memory_space<vmem>> -> memref<1x1x80xi32, #tpu.memory_space<vmem>>
        %dma_start3A_2602 = tpu.memref_squeeze %dma_start3A_2601 : memref<1x1x80xi32, #tpu.memory_space<vmem>> -> memref<80xi32, #tpu.memory_space<vmem>>
        %dma_start3A_2603 = tpu.memref_slice %arg5[%multiple_of3A_2582] : memref<320000xi32, #tpu.memory_space<hbm>> -> memref<80xi32, #tpu.memory_space<hbm>>
        %dma_start3A_2604 = tpu.memref_slice %arg15[%select_n3A_2456] : memref<2x!tpu.dma_semaphore, #tpu.memory_space<semaphore_mem>> -> memref<1x!tpu.dma_semaphore, #tpu.memory_space<semaphore_mem>>
        %dma_start3A_2605 = tpu.memref_squeeze %dma_start3A_2604 : memref<1x!tpu.dma_semaphore, #tpu.memory_space<semaphore_mem>> -> memref<!tpu.dma_semaphore, #tpu.memory_space<semaphore_mem>>
        %dma_start3A_2606 = arith.constant 0 : i32
        %dma_start3A_2607 = tpu.memref_slice %arg7[%select_n3A_2598, %dma_start3A_2599, %dma_start3A_2606] : memref<2x5x80xi32, #tpu.memory_space<vmem>> -> memref<1x1x80xi32, #tpu.memory_space<vmem>>
        %dma_start3A_2608 = tpu.memref_squeeze %dma_start3A_2607 : memref<1x1x80xi32, #tpu.memory_space<vmem>> -> memref<80xi32, #tpu.memory_space<vmem>>
        %dma_start3A_2609 = tpu.memref_slice %arg5[%multiple_of3A_2582] : memref<320000xi32, #tpu.memory_space<hbm>> -> memref<80xi32, #tpu.memory_space<hbm>>
        tpu.enqueue_dma source(%dma_start3A_2609 : memref<80xi32, #tpu.memory_space<hbm>>) target(%dma_start3A_2608 : memref<80xi32, #tpu.memory_space<vmem>>) target_semaphore(%dma_start3A_2605 : memref<!tpu.dma_semaphore, #tpu.memory_space<semaphore_mem>>)
        %jit3A_2610 = arith.constant 2 : i32
        %eq3A_2611 = arith.constant 0 : i32
        %eq3A_2612 = arith.cmpi eq, %jit3A_2610, %eq3A_2611 : i32
        %jit3A_2613 = arith.constant 1 : i32
        %select_n3A_2614 = arith.select %eq3A_2612, %jit3A_2613, %jit3A_2610 : i32
        %rem3A_2615 = arith.remsi %add3A_2438, %select_n3A_2614 : i32
        %ne3A_2616 = arith.constant 0 : i32
        %ne3A_2617 = arith.cmpi ne, %rem3A_2615, %ne3A_2616 : i32
        %lt3A_2618 = arith.constant 0 : i32
        %lt3A_2619 = arith.cmpi slt, %rem3A_2615, %lt3A_2618 : i32
        %lt3A_2620 = arith.constant 0 : i32
        %lt3A_2621 = arith.cmpi slt, %select_n3A_2614, %lt3A_2620 : i32
        %ne3A_2622 = arith.xori %lt3A_2619, %lt3A_2621 : i1
        %and3A_2623 = arith.andi %ne3A_2622, %ne3A_2617 : i1
        %add3A_2624 = arith.addi %rem3A_2615, %select_n3A_2614 : i32
        %select_n3A_2625 = arith.select %and3A_2623, %add3A_2624, %rem3A_2615 : i32
        %dma_start3A_2626 = arith.constant 2 : i32
        %dma_start3A_2627 = arith.constant 0 : i32
        %dma_start3A_2628 = tpu.memref_slice %arg8[%select_n3A_2625, %dma_start3A_2626, %dma_start3A_2627] : memref<2x5x80xi32, #tpu.memory_space<vmem>> -> memref<1x1x80xi32, #tpu.memory_space<vmem>>
        %dma_start3A_2629 = tpu.memref_squeeze %dma_start3A_2628 : memref<1x1x80xi32, #tpu.memory_space<vmem>> -> memref<80xi32, #tpu.memory_space<vmem>>
        %dma_start3A_2630 = tpu.memref_slice %arg6[%multiple_of3A_2582] : memref<320000xi32, #tpu.memory_space<hbm>> -> memref<80xi32, #tpu.memory_space<hbm>>
        %dma_start3A_2631 = tpu.memref_slice %arg15[%select_n3A_2456] : memref<2x!tpu.dma_semaphore, #tpu.memory_space<semaphore_mem>> -> memref<1x!tpu.dma_semaphore, #tpu.memory_space<semaphore_mem>>
        %dma_start3A_2632 = tpu.memref_squeeze %dma_start3A_2631 : memref<1x!tpu.dma_semaphore, #tpu.memory_space<semaphore_mem>> -> memref<!tpu.dma_semaphore, #tpu.memory_space<semaphore_mem>>
        %dma_start3A_2633 = arith.constant 0 : i32
        %dma_start3A_2634 = tpu.memref_slice %arg8[%select_n3A_2625, %dma_start3A_2626, %dma_start3A_2633] : memref<2x5x80xi32, #tpu.memory_space<vmem>> -> memref<1x1x80xi32, #tpu.memory_space<vmem>>
        %dma_start3A_2635 = tpu.memref_squeeze %dma_start3A_2634 : memref<1x1x80xi32, #tpu.memory_space<vmem>> -> memref<80xi32, #tpu.memory_space<vmem>>
        %dma_start3A_2636 = tpu.memref_slice %arg6[%multiple_of3A_2582] : memref<320000xi32, #tpu.memory_space<hbm>> -> memref<80xi32, #tpu.memory_space<hbm>>
        tpu.enqueue_dma source(%dma_start3A_2636 : memref<80xi32, #tpu.memory_space<hbm>>) target(%dma_start3A_2635 : memref<80xi32, #tpu.memory_space<vmem>>) target_semaphore(%dma_start3A_2632 : memref<!tpu.dma_semaphore, #tpu.memory_space<semaphore_mem>>)
        %mul3A_2637 = arith.constant 400 : i32
        %mul3A_2638 = arith.muli %add3A_2438, %mul3A_2637 : i32
        %add3A_2639 = arith.addi %mul3A_2, %mul3A_2638 : i32
        %add3A_2640 = arith.constant 240 : i32
        %add3A_2641 = arith.addi %add3A_2639, %add3A_2640 : i32
        %multiple_of3A_2642 = tpu.assume_multiple %add3A_2641, 16 : i32
        %jit3A_2643 = arith.constant 2 : i32
        %eq3A_2644 = arith.constant 0 : i32
        %eq3A_2645 = arith.cmpi eq, %jit3A_2643, %eq3A_2644 : i32
        %jit3A_2646 = arith.constant 1 : i32
        %select_n3A_2647 = arith.select %eq3A_2645, %jit3A_2646, %jit3A_2643 : i32
        %rem3A_2648 = arith.remsi %add3A_2438, %select_n3A_2647 : i32
        %ne3A_2649 = arith.constant 0 : i32
        %ne3A_2650 = arith.cmpi ne, %rem3A_2648, %ne3A_2649 : i32
        %lt3A_2651 = arith.constant 0 : i32
        %lt3A_2652 = arith.cmpi slt, %rem3A_2648, %lt3A_2651 : i32
        %lt3A_2653 = arith.constant 0 : i32
        %lt3A_2654 = arith.cmpi slt, %select_n3A_2647, %lt3A_2653 : i32
        %ne3A_2655 = arith.xori %lt3A_2652, %lt3A_2654 : i1
        %and3A_2656 = arith.andi %ne3A_2655, %ne3A_2650 : i1
        %add3A_2657 = arith.addi %rem3A_2648, %select_n3A_2647 : i32
        %select_n3A_2658 = arith.select %and3A_2656, %add3A_2657, %rem3A_2648 : i32
        %dma_start3A_2659 = arith.constant 3 : i32
        %dma_start3A_2660 = arith.constant 0 : i32
        %dma_start3A_2661 = tpu.memref_slice %arg7[%select_n3A_2658, %dma_start3A_2659, %dma_start3A_2660] : memref<2x5x80xi32, #tpu.memory_space<vmem>> -> memref<1x1x80xi32, #tpu.memory_space<vmem>>
        %dma_start3A_2662 = tpu.memref_squeeze %dma_start3A_2661 : memref<1x1x80xi32, #tpu.memory_space<vmem>> -> memref<80xi32, #tpu.memory_space<vmem>>
        %dma_start3A_2663 = tpu.memref_slice %arg5[%multiple_of3A_2642] : memref<320000xi32, #tpu.memory_space<hbm>> -> memref<80xi32, #tpu.memory_space<hbm>>
        %dma_start3A_2664 = tpu.memref_slice %arg15[%select_n3A_2456] : memref<2x!tpu.dma_semaphore, #tpu.memory_space<semaphore_mem>> -> memref<1x!tpu.dma_semaphore, #tpu.memory_space<semaphore_mem>>
        %dma_start3A_2665 = tpu.memref_squeeze %dma_start3A_2664 : memref<1x!tpu.dma_semaphore, #tpu.memory_space<semaphore_mem>> -> memref<!tpu.dma_semaphore, #tpu.memory_space<semaphore_mem>>
        %dma_start3A_2666 = arith.constant 0 : i32
        %dma_start3A_2667 = tpu.memref_slice %arg7[%select_n3A_2658, %dma_start3A_2659, %dma_start3A_2666] : memref<2x5x80xi32, #tpu.memory_space<vmem>> -> memref<1x1x80xi32, #tpu.memory_space<vmem>>
        %dma_start3A_2668 = tpu.memref_squeeze %dma_start3A_2667 : memref<1x1x80xi32, #tpu.memory_space<vmem>> -> memref<80xi32, #tpu.memory_space<vmem>>
        %dma_start3A_2669 = tpu.memref_slice %arg5[%multiple_of3A_2642] : memref<320000xi32, #tpu.memory_space<hbm>> -> memref<80xi32, #tpu.memory_space<hbm>>
        tpu.enqueue_dma source(%dma_start3A_2669 : memref<80xi32, #tpu.memory_space<hbm>>) target(%dma_start3A_2668 : memref<80xi32, #tpu.memory_space<vmem>>) target_semaphore(%dma_start3A_2665 : memref<!tpu.dma_semaphore, #tpu.memory_space<semaphore_mem>>)
        %jit3A_2670 = arith.constant 2 : i32
        %eq3A_2671 = arith.constant 0 : i32
        %eq3A_2672 = arith.cmpi eq, %jit3A_2670, %eq3A_2671 : i32
        %jit3A_2673 = arith.constant 1 : i32
        %select_n3A_2674 = arith.select %eq3A_2672, %jit3A_2673, %jit3A_2670 : i32
        %rem3A_2675 = arith.remsi %add3A_2438, %select_n3A_2674 : i32
        %ne3A_2676 = arith.constant 0 : i32
        %ne3A_2677 = arith.cmpi ne, %rem3A_2675, %ne3A_2676 : i32
        %lt3A_2678 = arith.constant 0 : i32
        %lt3A_2679 = arith.cmpi slt, %rem3A_2675, %lt3A_2678 : i32
        %lt3A_2680 = arith.constant 0 : i32
        %lt3A_2681 = arith.cmpi slt, %select_n3A_2674, %lt3A_2680 : i32
        %ne3A_2682 = arith.xori %lt3A_2679, %lt3A_2681 : i1
        %and3A_2683 = arith.andi %ne3A_2682, %ne3A_2677 : i1
        %add3A_2684 = arith.addi %rem3A_2675, %select_n3A_2674 : i32
        %select_n3A_2685 = arith.select %and3A_2683, %add3A_2684, %rem3A_2675 : i32
        %dma_start3A_2686 = arith.constant 3 : i32
        %dma_start3A_2687 = arith.constant 0 : i32
        %dma_start3A_2688 = tpu.memref_slice %arg8[%select_n3A_2685, %dma_start3A_2686, %dma_start3A_2687] : memref<2x5x80xi32, #tpu.memory_space<vmem>> -> memref<1x1x80xi32, #tpu.memory_space<vmem>>
        %dma_start3A_2689 = tpu.memref_squeeze %dma_start3A_2688 : memref<1x1x80xi32, #tpu.memory_space<vmem>> -> memref<80xi32, #tpu.memory_space<vmem>>
        %dma_start3A_2690 = tpu.memref_slice %arg6[%multiple_of3A_2642] : memref<320000xi32, #tpu.memory_space<hbm>> -> memref<80xi32, #tpu.memory_space<hbm>>
        %dma_start3A_2691 = tpu.memref_slice %arg15[%select_n3A_2456] : memref<2x!tpu.dma_semaphore, #tpu.memory_space<semaphore_mem>> -> memref<1x!tpu.dma_semaphore, #tpu.memory_space<semaphore_mem>>
        %dma_start3A_2692 = tpu.memref_squeeze %dma_start3A_2691 : memref<1x!tpu.dma_semaphore, #tpu.memory_space<semaphore_mem>> -> memref<!tpu.dma_semaphore, #tpu.memory_space<semaphore_mem>>
        %dma_start3A_2693 = arith.constant 0 : i32
        %dma_start3A_2694 = tpu.memref_slice %arg8[%select_n3A_2685, %dma_start3A_2686, %dma_start3A_2693] : memref<2x5x80xi32, #tpu.memory_space<vmem>> -> memref<1x1x80xi32, #tpu.memory_space<vmem>>
        %dma_start3A_2695 = tpu.memref_squeeze %dma_start3A_2694 : memref<1x1x80xi32, #tpu.memory_space<vmem>> -> memref<80xi32, #tpu.memory_space<vmem>>
        %dma_start3A_2696 = tpu.memref_slice %arg6[%multiple_of3A_2642] : memref<320000xi32, #tpu.memory_space<hbm>> -> memref<80xi32, #tpu.memory_space<hbm>>
        tpu.enqueue_dma source(%dma_start3A_2696 : memref<80xi32, #tpu.memory_space<hbm>>) target(%dma_start3A_2695 : memref<80xi32, #tpu.memory_space<vmem>>) target_semaphore(%dma_start3A_2692 : memref<!tpu.dma_semaphore, #tpu.memory_space<semaphore_mem>>)
        %mul3A_2697 = arith.constant 400 : i32
        %mul3A_2698 = arith.muli %add3A_2438, %mul3A_2697 : i32
        %add3A_2699 = arith.addi %mul3A_2, %mul3A_2698 : i32
        %add3A_2700 = arith.constant 320 : i32
        %add3A_2701 = arith.addi %add3A_2699, %add3A_2700 : i32
        %multiple_of3A_2702 = tpu.assume_multiple %add3A_2701, 16 : i32
        %jit3A_2703 = arith.constant 2 : i32
        %eq3A_2704 = arith.constant 0 : i32
        %eq3A_2705 = arith.cmpi eq, %jit3A_2703, %eq3A_2704 : i32
        %jit3A_2706 = arith.constant 1 : i32
        %select_n3A_2707 = arith.select %eq3A_2705, %jit3A_2706, %jit3A_2703 : i32
        %rem3A_2708 = arith.remsi %add3A_2438, %select_n3A_2707 : i32
        %ne3A_2709 = arith.constant 0 : i32
        %ne3A_2710 = arith.cmpi ne, %rem3A_2708, %ne3A_2709 : i32
        %lt3A_2711 = arith.constant 0 : i32
        %lt3A_2712 = arith.cmpi slt, %rem3A_2708, %lt3A_2711 : i32
        %lt3A_2713 = arith.constant 0 : i32
        %lt3A_2714 = arith.cmpi slt, %select_n3A_2707, %lt3A_2713 : i32
        %ne3A_2715 = arith.xori %lt3A_2712, %lt3A_2714 : i1
        %and3A_2716 = arith.andi %ne3A_2715, %ne3A_2710 : i1
        %add3A_2717 = arith.addi %rem3A_2708, %select_n3A_2707 : i32
        %select_n3A_2718 = arith.select %and3A_2716, %add3A_2717, %rem3A_2708 : i32
        %dma_start3A_2719 = arith.constant 4 : i32
        %dma_start3A_2720 = arith.constant 0 : i32
        %dma_start3A_2721 = tpu.memref_slice %arg7[%select_n3A_2718, %dma_start3A_2719, %dma_start3A_2720] : memref<2x5x80xi32, #tpu.memory_space<vmem>> -> memref<1x1x80xi32, #tpu.memory_space<vmem>>
        %dma_start3A_2722 = tpu.memref_squeeze %dma_start3A_2721 : memref<1x1x80xi32, #tpu.memory_space<vmem>> -> memref<80xi32, #tpu.memory_space<vmem>>
        %dma_start3A_2723 = tpu.memref_slice %arg5[%multiple_of3A_2702] : memref<320000xi32, #tpu.memory_space<hbm>> -> memref<80xi32, #tpu.memory_space<hbm>>
        %dma_start3A_2724 = tpu.memref_slice %arg15[%select_n3A_2456] : memref<2x!tpu.dma_semaphore, #tpu.memory_space<semaphore_mem>> -> memref<1x!tpu.dma_semaphore, #tpu.memory_space<semaphore_mem>>
        %dma_start3A_2725 = tpu.memref_squeeze %dma_start3A_2724 : memref<1x!tpu.dma_semaphore, #tpu.memory_space<semaphore_mem>> -> memref<!tpu.dma_semaphore, #tpu.memory_space<semaphore_mem>>
        %dma_start3A_2726 = arith.constant 0 : i32
        %dma_start3A_2727 = tpu.memref_slice %arg7[%select_n3A_2718, %dma_start3A_2719, %dma_start3A_2726] : memref<2x5x80xi32, #tpu.memory_space<vmem>> -> memref<1x1x80xi32, #tpu.memory_space<vmem>>
        %dma_start3A_2728 = tpu.memref_squeeze %dma_start3A_2727 : memref<1x1x80xi32, #tpu.memory_space<vmem>> -> memref<80xi32, #tpu.memory_space<vmem>>
        %dma_start3A_2729 = tpu.memref_slice %arg5[%multiple_of3A_2702] : memref<320000xi32, #tpu.memory_space<hbm>> -> memref<80xi32, #tpu.memory_space<hbm>>
        tpu.enqueue_dma source(%dma_start3A_2729 : memref<80xi32, #tpu.memory_space<hbm>>) target(%dma_start3A_2728 : memref<80xi32, #tpu.memory_space<vmem>>) target_semaphore(%dma_start3A_2725 : memref<!tpu.dma_semaphore, #tpu.memory_space<semaphore_mem>>)
        %jit3A_2730 = arith.constant 2 : i32
        %eq3A_2731 = arith.constant 0 : i32
        %eq3A_2732 = arith.cmpi eq, %jit3A_2730, %eq3A_2731 : i32
        %jit3A_2733 = arith.constant 1 : i32
        %select_n3A_2734 = arith.select %eq3A_2732, %jit3A_2733, %jit3A_2730 : i32
        %rem3A_2735 = arith.remsi %add3A_2438, %select_n3A_2734 : i32
        %ne3A_2736 = arith.constant 0 : i32
        %ne3A_2737 = arith.cmpi ne, %rem3A_2735, %ne3A_2736 : i32
        %lt3A_2738 = arith.constant 0 : i32
        %lt3A_2739 = arith.cmpi slt, %rem3A_2735, %lt3A_2738 : i32
        %lt3A_2740 = arith.constant 0 : i32
        %lt3A_2741 = arith.cmpi slt, %select_n3A_2734, %lt3A_2740 : i32
        %ne3A_2742 = arith.xori %lt3A_2739, %lt3A_2741 : i1
        %and3A_2743 = arith.andi %ne3A_2742, %ne3A_2737 : i1
        %add3A_2744 = arith.addi %rem3A_2735, %select_n3A_2734 : i32
        %select_n3A_2745 = arith.select %and3A_2743, %add3A_2744, %rem3A_2735 : i32
        %dma_start3A_2746 = arith.constant 4 : i32
        %dma_start3A_2747 = arith.constant 0 : i32
        %dma_start3A_2748 = tpu.memref_slice %arg8[%select_n3A_2745, %dma_start3A_2746, %dma_start3A_2747] : memref<2x5x80xi32, #tpu.memory_space<vmem>> -> memref<1x1x80xi32, #tpu.memory_space<vmem>>
        %dma_start3A_2749 = tpu.memref_squeeze %dma_start3A_2748 : memref<1x1x80xi32, #tpu.memory_space<vmem>> -> memref<80xi32, #tpu.memory_space<vmem>>
        %dma_start3A_2750 = tpu.memref_slice %arg6[%multiple_of3A_2702] : memref<320000xi32, #tpu.memory_space<hbm>> -> memref<80xi32, #tpu.memory_space<hbm>>
        %dma_start3A_2751 = tpu.memref_slice %arg15[%select_n3A_2456] : memref<2x!tpu.dma_semaphore, #tpu.memory_space<semaphore_mem>> -> memref<1x!tpu.dma_semaphore, #tpu.memory_space<semaphore_mem>>
        %dma_start3A_2752 = tpu.memref_squeeze %dma_start3A_2751 : memref<1x!tpu.dma_semaphore, #tpu.memory_space<semaphore_mem>> -> memref<!tpu.dma_semaphore, #tpu.memory_space<semaphore_mem>>
        %dma_start3A_2753 = arith.constant 0 : i32
        %dma_start3A_2754 = tpu.memref_slice %arg8[%select_n3A_2745, %dma_start3A_2746, %dma_start3A_2753] : memref<2x5x80xi32, #tpu.memory_space<vmem>> -> memref<1x1x80xi32, #tpu.memory_space<vmem>>
        %dma_start3A_2755 = tpu.memref_squeeze %dma_start3A_2754 : memref<1x1x80xi32, #tpu.memory_space<vmem>> -> memref<80xi32, #tpu.memory_space<vmem>>
        %dma_start3A_2756 = tpu.memref_slice %arg6[%multiple_of3A_2702] : memref<320000xi32, #tpu.memory_space<hbm>> -> memref<80xi32, #tpu.memory_space<hbm>>
        tpu.enqueue_dma source(%dma_start3A_2756 : memref<80xi32, #tpu.memory_space<hbm>>) target(%dma_start3A_2755 : memref<80xi32, #tpu.memory_space<vmem>>) target_semaphore(%dma_start3A_2752 : memref<!tpu.dma_semaphore, #tpu.memory_space<semaphore_mem>>)
      } else {
      }
      %eq3A_2400 = arith.constant 3 : i32
      %eq3A_2401 = arith.cmpi eq, %select_n3A_2357, %eq3A_2400 : i32
      %lt3A_2402 = arith.constant 24 : i32
      %lt3A_2403 = arith.cmpi slt, %select_n3A_2343, %lt3A_2402 : i32
      %and3A_2404 = arith.andi %eq3A_2401, %lt3A_2403 : i1
      %convert_element_type3A_2405 = arith.extui %and3A_2404 : i1 to i32
      %cond3A_2406 = arith.constant 0 : i32
      %cond3A_2407 = arith.cmpi ne, %convert_element_type3A_2405, %cond3A_2406 : i32
      scf.if %cond3A_2407 {
        %add3A_2437 = arith.constant 1 : i32
        %add3A_2438 = arith.addi %select_n3A_2343, %add3A_2437 : i32
        %add3A_2439 = arith.constant 1 : i32
        %add3A_2440 = arith.addi %select_n3A_2343, %add3A_2439 : i32
        %jit3A_2441 = arith.constant 2 : i32
        %eq3A_2442 = arith.constant 0 : i32
        %eq3A_2443 = arith.cmpi eq, %jit3A_2441, %eq3A_2442 : i32
        %jit3A_2444 = arith.constant 1 : i32
        %select_n3A_2445 = arith.select %eq3A_2443, %jit3A_2444, %jit3A_2441 : i32
        %rem3A_2446 = arith.remsi %add3A_2440, %select_n3A_2445 : i32
        %ne3A_2447 = arith.constant 0 : i32
        %ne3A_2448 = arith.cmpi ne, %rem3A_2446, %ne3A_2447 : i32
        %lt3A_2449 = arith.constant 0 : i32
        %lt3A_2450 = arith.cmpi slt, %rem3A_2446, %lt3A_2449 : i32
        %lt3A_2451 = arith.constant 0 : i32
        %lt3A_2452 = arith.cmpi slt, %select_n3A_2445, %lt3A_2451 : i32
        %ne3A_2453 = arith.xori %lt3A_2450, %lt3A_2452 : i1
        %and3A_2454 = arith.andi %ne3A_2453, %ne3A_2448 : i1
        %add3A_2455 = arith.addi %rem3A_2446, %select_n3A_2445 : i32
        %select_n3A_2456 = arith.select %and3A_2454, %add3A_2455, %rem3A_2446 : i32
        %mul3A_2457 = arith.constant 400 : i32
        %mul3A_2458 = arith.muli %add3A_2438, %mul3A_2457 : i32
        %add3A_2459 = arith.addi %mul3A_2, %mul3A_2458 : i32
        %add3A_2460 = arith.constant 0 : i32
        %add3A_2461 = arith.addi %add3A_2459, %add3A_2460 : i32
        %multiple_of3A_2462 = tpu.assume_multiple %add3A_2461, 16 : i32
        %jit3A_2463 = arith.constant 2 : i32
        %eq3A_2464 = arith.constant 0 : i32
        %eq3A_2465 = arith.cmpi eq, %jit3A_2463, %eq3A_2464 : i32
        %jit3A_2466 = arith.constant 1 : i32
        %select_n3A_2467 = arith.select %eq3A_2465, %jit3A_2466, %jit3A_2463 : i32
        %rem3A_2468 = arith.remsi %add3A_2438, %select_n3A_2467 : i32
        %ne3A_2469 = arith.constant 0 : i32
        %ne3A_2470 = arith.cmpi ne, %rem3A_2468, %ne3A_2469 : i32
        %lt3A_2471 = arith.constant 0 : i32
        %lt3A_2472 = arith.cmpi slt, %rem3A_2468, %lt3A_2471 : i32
        %lt3A_2473 = arith.constant 0 : i32
        %lt3A_2474 = arith.cmpi slt, %select_n3A_2467, %lt3A_2473 : i32
        %ne3A_2475 = arith.xori %lt3A_2472, %lt3A_2474 : i1
        %and3A_2476 = arith.andi %ne3A_2475, %ne3A_2470 : i1
        %add3A_2477 = arith.addi %rem3A_2468, %select_n3A_2467 : i32
        %select_n3A_2478 = arith.select %and3A_2476, %add3A_2477, %rem3A_2468 : i32
        %dma_wait3A_2479 = arith.constant 0 : i32
        %dma_wait3A_2480 = arith.constant 0 : i32
        %dma_wait3A_2481 = tpu.memref_slice %arg7[%select_n3A_2478, %dma_wait3A_2479, %dma_wait3A_2480] : memref<2x5x80xi32, #tpu.memory_space<vmem>> -> memref<1x1x80xi32, #tpu.memory_space<vmem>>
        %dma_wait3A_2482 = tpu.memref_squeeze %dma_wait3A_2481 : memref<1x1x80xi32, #tpu.memory_space<vmem>> -> memref<80xi32, #tpu.memory_space<vmem>>
        %dma_wait3A_2483 = tpu.memref_slice %arg5[%multiple_of3A_2462] : memref<320000xi32, #tpu.memory_space<hbm>> -> memref<80xi32, #tpu.memory_space<hbm>>
        %dma_wait3A_2484 = tpu.memref_slice %arg15[%select_n3A_2456] : memref<2x!tpu.dma_semaphore, #tpu.memory_space<semaphore_mem>> -> memref<1x!tpu.dma_semaphore, #tpu.memory_space<semaphore_mem>>
        %dma_wait3A_2485 = tpu.memref_squeeze %dma_wait3A_2484 : memref<1x!tpu.dma_semaphore, #tpu.memory_space<semaphore_mem>> -> memref<!tpu.dma_semaphore, #tpu.memory_space<semaphore_mem>>
        %dma_wait3A_2486 = arith.constant 0 : i32
        %dma_wait3A_2487 = tpu.memref_slice %arg7[%select_n3A_2478, %dma_wait3A_2479, %dma_wait3A_2486] : memref<2x5x80xi32, #tpu.memory_space<vmem>> -> memref<1x1x80xi32, #tpu.memory_space<vmem>>
        %dma_wait3A_2488 = tpu.memref_squeeze %dma_wait3A_2487 : memref<1x1x80xi32, #tpu.memory_space<vmem>> -> memref<80xi32, #tpu.memory_space<vmem>>
        %dma_wait3A_2489 = tpu.memref_slice %arg5[%multiple_of3A_2462] : memref<320000xi32, #tpu.memory_space<hbm>> -> memref<80xi32, #tpu.memory_space<hbm>>
        tpu.wait_dma2 semaphore(%dma_wait3A_2485 : memref<!tpu.dma_semaphore, #tpu.memory_space<semaphore_mem>>) src(%dma_wait3A_2489 : memref<80xi32, #tpu.memory_space<hbm>>) dst(%dma_wait3A_2488 : memref<80xi32, #tpu.memory_space<vmem>>)
        %jit3A_2490 = arith.constant 2 : i32
        %eq3A_2491 = arith.constant 0 : i32
        %eq3A_2492 = arith.cmpi eq, %jit3A_2490, %eq3A_2491 : i32
        %jit3A_2493 = arith.constant 1 : i32
        %select_n3A_2494 = arith.select %eq3A_2492, %jit3A_2493, %jit3A_2490 : i32
        %rem3A_2495 = arith.remsi %add3A_2438, %select_n3A_2494 : i32
        %ne3A_2496 = arith.constant 0 : i32
        %ne3A_2497 = arith.cmpi ne, %rem3A_2495, %ne3A_2496 : i32
        %lt3A_2498 = arith.constant 0 : i32
        %lt3A_2499 = arith.cmpi slt, %rem3A_2495, %lt3A_2498 : i32
        %lt3A_2500 = arith.constant 0 : i32
        %lt3A_2501 = arith.cmpi slt, %select_n3A_2494, %lt3A_2500 : i32
        %ne3A_2502 = arith.xori %lt3A_2499, %lt3A_2501 : i1
        %and3A_2503 = arith.andi %ne3A_2502, %ne3A_2497 : i1
        %add3A_2504 = arith.addi %rem3A_2495, %select_n3A_2494 : i32
        %select_n3A_2505 = arith.select %and3A_2503, %add3A_2504, %rem3A_2495 : i32
        %dma_wait3A_2506 = arith.constant 0 : i32
        %dma_wait3A_2507 = arith.constant 0 : i32
        %dma_wait3A_2508 = tpu.memref_slice %arg8[%select_n3A_2505, %dma_wait3A_2506, %dma_wait3A_2507] : memref<2x5x80xi32, #tpu.memory_space<vmem>> -> memref<1x1x80xi32, #tpu.memory_space<vmem>>
        %dma_wait3A_2509 = tpu.memref_squeeze %dma_wait3A_2508 : memref<1x1x80xi32, #tpu.memory_space<vmem>> -> memref<80xi32, #tpu.memory_space<vmem>>
        %dma_wait3A_2510 = tpu.memref_slice %arg6[%multiple_of3A_2462] : memref<320000xi32, #tpu.memory_space<hbm>> -> memref<80xi32, #tpu.memory_space<hbm>>
        %dma_wait3A_2511 = tpu.memref_slice %arg15[%select_n3A_2456] : memref<2x!tpu.dma_semaphore, #tpu.memory_space<semaphore_mem>> -> memref<1x!tpu.dma_semaphore, #tpu.memory_space<semaphore_mem>>
        %dma_wait3A_2512 = tpu.memref_squeeze %dma_wait3A_2511 : memref<1x!tpu.dma_semaphore, #tpu.memory_space<semaphore_mem>> -> memref<!tpu.dma_semaphore, #tpu.memory_space<semaphore_mem>>
        %dma_wait3A_2513 = arith.constant 0 : i32
        %dma_wait3A_2514 = tpu.memref_slice %arg8[%select_n3A_2505, %dma_wait3A_2506, %dma_wait3A_2513] : memref<2x5x80xi32, #tpu.memory_space<vmem>> -> memref<1x1x80xi32, #tpu.memory_space<vmem>>
        %dma_wait3A_2515 = tpu.memref_squeeze %dma_wait3A_2514 : memref<1x1x80xi32, #tpu.memory_space<vmem>> -> memref<80xi32, #tpu.memory_space<vmem>>
        %dma_wait3A_2516 = tpu.memref_slice %arg6[%multiple_of3A_2462] : memref<320000xi32, #tpu.memory_space<hbm>> -> memref<80xi32, #tpu.memory_space<hbm>>
        tpu.wait_dma2 semaphore(%dma_wait3A_2512 : memref<!tpu.dma_semaphore, #tpu.memory_space<semaphore_mem>>) src(%dma_wait3A_2516 : memref<80xi32, #tpu.memory_space<hbm>>) dst(%dma_wait3A_2515 : memref<80xi32, #tpu.memory_space<vmem>>)
        %mul3A_2517 = arith.constant 400 : i32
        %mul3A_2518 = arith.muli %add3A_2438, %mul3A_2517 : i32
        %add3A_2519 = arith.addi %mul3A_2, %mul3A_2518 : i32
        %add3A_2520 = arith.constant 80 : i32
        %add3A_2521 = arith.addi %add3A_2519, %add3A_2520 : i32
        %multiple_of3A_2522 = tpu.assume_multiple %add3A_2521, 16 : i32
        %jit3A_2523 = arith.constant 2 : i32
        %eq3A_2524 = arith.constant 0 : i32
        %eq3A_2525 = arith.cmpi eq, %jit3A_2523, %eq3A_2524 : i32
        %jit3A_2526 = arith.constant 1 : i32
        %select_n3A_2527 = arith.select %eq3A_2525, %jit3A_2526, %jit3A_2523 : i32
        %rem3A_2528 = arith.remsi %add3A_2438, %select_n3A_2527 : i32
        %ne3A_2529 = arith.constant 0 : i32
        %ne3A_2530 = arith.cmpi ne, %rem3A_2528, %ne3A_2529 : i32
        %lt3A_2531 = arith.constant 0 : i32
        %lt3A_2532 = arith.cmpi slt, %rem3A_2528, %lt3A_2531 : i32
        %lt3A_2533 = arith.constant 0 : i32
        %lt3A_2534 = arith.cmpi slt, %select_n3A_2527, %lt3A_2533 : i32
        %ne3A_2535 = arith.xori %lt3A_2532, %lt3A_2534 : i1
        %and3A_2536 = arith.andi %ne3A_2535, %ne3A_2530 : i1
        %add3A_2537 = arith.addi %rem3A_2528, %select_n3A_2527 : i32
        %select_n3A_2538 = arith.select %and3A_2536, %add3A_2537, %rem3A_2528 : i32
        %dma_wait3A_2539 = arith.constant 1 : i32
        %dma_wait3A_2540 = arith.constant 0 : i32
        %dma_wait3A_2541 = tpu.memref_slice %arg7[%select_n3A_2538, %dma_wait3A_2539, %dma_wait3A_2540] : memref<2x5x80xi32, #tpu.memory_space<vmem>> -> memref<1x1x80xi32, #tpu.memory_space<vmem>>
        %dma_wait3A_2542 = tpu.memref_squeeze %dma_wait3A_2541 : memref<1x1x80xi32, #tpu.memory_space<vmem>> -> memref<80xi32, #tpu.memory_space<vmem>>
        %dma_wait3A_2543 = tpu.memref_slice %arg5[%multiple_of3A_2522] : memref<320000xi32, #tpu.memory_space<hbm>> -> memref<80xi32, #tpu.memory_space<hbm>>
        %dma_wait3A_2544 = tpu.memref_slice %arg15[%select_n3A_2456] : memref<2x!tpu.dma_semaphore, #tpu.memory_space<semaphore_mem>> -> memref<1x!tpu.dma_semaphore, #tpu.memory_space<semaphore_mem>>
        %dma_wait3A_2545 = tpu.memref_squeeze %dma_wait3A_2544 : memref<1x!tpu.dma_semaphore, #tpu.memory_space<semaphore_mem>> -> memref<!tpu.dma_semaphore, #tpu.memory_space<semaphore_mem>>
        %dma_wait3A_2546 = arith.constant 0 : i32
        %dma_wait3A_2547 = tpu.memref_slice %arg7[%select_n3A_2538, %dma_wait3A_2539, %dma_wait3A_2546] : memref<2x5x80xi32, #tpu.memory_space<vmem>> -> memref<1x1x80xi32, #tpu.memory_space<vmem>>
        %dma_wait3A_2548 = tpu.memref_squeeze %dma_wait3A_2547 : memref<1x1x80xi32, #tpu.memory_space<vmem>> -> memref<80xi32, #tpu.memory_space<vmem>>
        %dma_wait3A_2549 = tpu.memref_slice %arg5[%multiple_of3A_2522] : memref<320000xi32, #tpu.memory_space<hbm>> -> memref<80xi32, #tpu.memory_space<hbm>>
        tpu.wait_dma2 semaphore(%dma_wait3A_2545 : memref<!tpu.dma_semaphore, #tpu.memory_space<semaphore_mem>>) src(%dma_wait3A_2549 : memref<80xi32, #tpu.memory_space<hbm>>) dst(%dma_wait3A_2548 : memref<80xi32, #tpu.memory_space<vmem>>)
        %jit3A_2550 = arith.constant 2 : i32
        %eq3A_2551 = arith.constant 0 : i32
        %eq3A_2552 = arith.cmpi eq, %jit3A_2550, %eq3A_2551 : i32
        %jit3A_2553 = arith.constant 1 : i32
        %select_n3A_2554 = arith.select %eq3A_2552, %jit3A_2553, %jit3A_2550 : i32
        %rem3A_2555 = arith.remsi %add3A_2438, %select_n3A_2554 : i32
        %ne3A_2556 = arith.constant 0 : i32
        %ne3A_2557 = arith.cmpi ne, %rem3A_2555, %ne3A_2556 : i32
        %lt3A_2558 = arith.constant 0 : i32
        %lt3A_2559 = arith.cmpi slt, %rem3A_2555, %lt3A_2558 : i32
        %lt3A_2560 = arith.constant 0 : i32
        %lt3A_2561 = arith.cmpi slt, %select_n3A_2554, %lt3A_2560 : i32
        %ne3A_2562 = arith.xori %lt3A_2559, %lt3A_2561 : i1
        %and3A_2563 = arith.andi %ne3A_2562, %ne3A_2557 : i1
        %add3A_2564 = arith.addi %rem3A_2555, %select_n3A_2554 : i32
        %select_n3A_2565 = arith.select %and3A_2563, %add3A_2564, %rem3A_2555 : i32
        %dma_wait3A_2566 = arith.constant 1 : i32
        %dma_wait3A_2567 = arith.constant 0 : i32
        %dma_wait3A_2568 = tpu.memref_slice %arg8[%select_n3A_2565, %dma_wait3A_2566, %dma_wait3A_2567] : memref<2x5x80xi32, #tpu.memory_space<vmem>> -> memref<1x1x80xi32, #tpu.memory_space<vmem>>
        %dma_wait3A_2569 = tpu.memref_squeeze %dma_wait3A_2568 : memref<1x1x80xi32, #tpu.memory_space<vmem>> -> memref<80xi32, #tpu.memory_space<vmem>>
        %dma_wait3A_2570 = tpu.memref_slice %arg6[%multiple_of3A_2522] : memref<320000xi32, #tpu.memory_space<hbm>> -> memref<80xi32, #tpu.memory_space<hbm>>
        %dma_wait3A_2571 = tpu.memref_slice %arg15[%select_n3A_2456] : memref<2x!tpu.dma_semaphore, #tpu.memory_space<semaphore_mem>> -> memref<1x!tpu.dma_semaphore, #tpu.memory_space<semaphore_mem>>
        %dma_wait3A_2572 = tpu.memref_squeeze %dma_wait3A_2571 : memref<1x!tpu.dma_semaphore, #tpu.memory_space<semaphore_mem>> -> memref<!tpu.dma_semaphore, #tpu.memory_space<semaphore_mem>>
        %dma_wait3A_2573 = arith.constant 0 : i32
        %dma_wait3A_2574 = tpu.memref_slice %arg8[%select_n3A_2565, %dma_wait3A_2566, %dma_wait3A_2573] : memref<2x5x80xi32, #tpu.memory_space<vmem>> -> memref<1x1x80xi32, #tpu.memory_space<vmem>>
        %dma_wait3A_2575 = tpu.memref_squeeze %dma_wait3A_2574 : memref<1x1x80xi32, #tpu.memory_space<vmem>> -> memref<80xi32, #tpu.memory_space<vmem>>
        %dma_wait3A_2576 = tpu.memref_slice %arg6[%multiple_of3A_2522] : memref<320000xi32, #tpu.memory_space<hbm>> -> memref<80xi32, #tpu.memory_space<hbm>>
        tpu.wait_dma2 semaphore(%dma_wait3A_2572 : memref<!tpu.dma_semaphore, #tpu.memory_space<semaphore_mem>>) src(%dma_wait3A_2576 : memref<80xi32, #tpu.memory_space<hbm>>) dst(%dma_wait3A_2575 : memref<80xi32, #tpu.memory_space<vmem>>)
        %mul3A_2577 = arith.constant 400 : i32
        %mul3A_2578 = arith.muli %add3A_2438, %mul3A_2577 : i32
        %add3A_2579 = arith.addi %mul3A_2, %mul3A_2578 : i32
        %add3A_2580 = arith.constant 160 : i32
        %add3A_2581 = arith.addi %add3A_2579, %add3A_2580 : i32
        %multiple_of3A_2582 = tpu.assume_multiple %add3A_2581, 16 : i32
        %jit3A_2583 = arith.constant 2 : i32
        %eq3A_2584 = arith.constant 0 : i32
        %eq3A_2585 = arith.cmpi eq, %jit3A_2583, %eq3A_2584 : i32
        %jit3A_2586 = arith.constant 1 : i32
        %select_n3A_2587 = arith.select %eq3A_2585, %jit3A_2586, %jit3A_2583 : i32
        %rem3A_2588 = arith.remsi %add3A_2438, %select_n3A_2587 : i32
        %ne3A_2589 = arith.constant 0 : i32
        %ne3A_2590 = arith.cmpi ne, %rem3A_2588, %ne3A_2589 : i32
        %lt3A_2591 = arith.constant 0 : i32
        %lt3A_2592 = arith.cmpi slt, %rem3A_2588, %lt3A_2591 : i32
        %lt3A_2593 = arith.constant 0 : i32
        %lt3A_2594 = arith.cmpi slt, %select_n3A_2587, %lt3A_2593 : i32
        %ne3A_2595 = arith.xori %lt3A_2592, %lt3A_2594 : i1
        %and3A_2596 = arith.andi %ne3A_2595, %ne3A_2590 : i1
        %add3A_2597 = arith.addi %rem3A_2588, %select_n3A_2587 : i32
        %select_n3A_2598 = arith.select %and3A_2596, %add3A_2597, %rem3A_2588 : i32
        %dma_wait3A_2599 = arith.constant 2 : i32
        %dma_wait3A_2600 = arith.constant 0 : i32
        %dma_wait3A_2601 = tpu.memref_slice %arg7[%select_n3A_2598, %dma_wait3A_2599, %dma_wait3A_2600] : memref<2x5x80xi32, #tpu.memory_space<vmem>> -> memref<1x1x80xi32, #tpu.memory_space<vmem>>
        %dma_wait3A_2602 = tpu.memref_squeeze %dma_wait3A_2601 : memref<1x1x80xi32, #tpu.memory_space<vmem>> -> memref<80xi32, #tpu.memory_space<vmem>>
        %dma_wait3A_2603 = tpu.memref_slice %arg5[%multiple_of3A_2582] : memref<320000xi32, #tpu.memory_space<hbm>> -> memref<80xi32, #tpu.memory_space<hbm>>
        %dma_wait3A_2604 = tpu.memref_slice %arg15[%select_n3A_2456] : memref<2x!tpu.dma_semaphore, #tpu.memory_space<semaphore_mem>> -> memref<1x!tpu.dma_semaphore, #tpu.memory_space<semaphore_mem>>
        %dma_wait3A_2605 = tpu.memref_squeeze %dma_wait3A_2604 : memref<1x!tpu.dma_semaphore, #tpu.memory_space<semaphore_mem>> -> memref<!tpu.dma_semaphore, #tpu.memory_space<semaphore_mem>>
        %dma_wait3A_2606 = arith.constant 0 : i32
        %dma_wait3A_2607 = tpu.memref_slice %arg7[%select_n3A_2598, %dma_wait3A_2599, %dma_wait3A_2606] : memref<2x5x80xi32, #tpu.memory_space<vmem>> -> memref<1x1x80xi32, #tpu.memory_space<vmem>>
        %dma_wait3A_2608 = tpu.memref_squeeze %dma_wait3A_2607 : memref<1x1x80xi32, #tpu.memory_space<vmem>> -> memref<80xi32, #tpu.memory_space<vmem>>
        %dma_wait3A_2609 = tpu.memref_slice %arg5[%multiple_of3A_2582] : memref<320000xi32, #tpu.memory_space<hbm>> -> memref<80xi32, #tpu.memory_space<hbm>>
        tpu.wait_dma2 semaphore(%dma_wait3A_2605 : memref<!tpu.dma_semaphore, #tpu.memory_space<semaphore_mem>>) src(%dma_wait3A_2609 : memref<80xi32, #tpu.memory_space<hbm>>) dst(%dma_wait3A_2608 : memref<80xi32, #tpu.memory_space<vmem>>)
        %jit3A_2610 = arith.constant 2 : i32
        %eq3A_2611 = arith.constant 0 : i32
        %eq3A_2612 = arith.cmpi eq, %jit3A_2610, %eq3A_2611 : i32
        %jit3A_2613 = arith.constant 1 : i32
        %select_n3A_2614 = arith.select %eq3A_2612, %jit3A_2613, %jit3A_2610 : i32
        %rem3A_2615 = arith.remsi %add3A_2438, %select_n3A_2614 : i32
        %ne3A_2616 = arith.constant 0 : i32
        %ne3A_2617 = arith.cmpi ne, %rem3A_2615, %ne3A_2616 : i32
        %lt3A_2618 = arith.constant 0 : i32
        %lt3A_2619 = arith.cmpi slt, %rem3A_2615, %lt3A_2618 : i32
        %lt3A_2620 = arith.constant 0 : i32
        %lt3A_2621 = arith.cmpi slt, %select_n3A_2614, %lt3A_2620 : i32
        %ne3A_2622 = arith.xori %lt3A_2619, %lt3A_2621 : i1
        %and3A_2623 = arith.andi %ne3A_2622, %ne3A_2617 : i1
        %add3A_2624 = arith.addi %rem3A_2615, %select_n3A_2614 : i32
        %select_n3A_2625 = arith.select %and3A_2623, %add3A_2624, %rem3A_2615 : i32
        %dma_wait3A_2626 = arith.constant 2 : i32
        %dma_wait3A_2627 = arith.constant 0 : i32
        %dma_wait3A_2628 = tpu.memref_slice %arg8[%select_n3A_2625, %dma_wait3A_2626, %dma_wait3A_2627] : memref<2x5x80xi32, #tpu.memory_space<vmem>> -> memref<1x1x80xi32, #tpu.memory_space<vmem>>
        %dma_wait3A_2629 = tpu.memref_squeeze %dma_wait3A_2628 : memref<1x1x80xi32, #tpu.memory_space<vmem>> -> memref<80xi32, #tpu.memory_space<vmem>>
        %dma_wait3A_2630 = tpu.memref_slice %arg6[%multiple_of3A_2582] : memref<320000xi32, #tpu.memory_space<hbm>> -> memref<80xi32, #tpu.memory_space<hbm>>
        %dma_wait3A_2631 = tpu.memref_slice %arg15[%select_n3A_2456] : memref<2x!tpu.dma_semaphore, #tpu.memory_space<semaphore_mem>> -> memref<1x!tpu.dma_semaphore, #tpu.memory_space<semaphore_mem>>
        %dma_wait3A_2632 = tpu.memref_squeeze %dma_wait3A_2631 : memref<1x!tpu.dma_semaphore, #tpu.memory_space<semaphore_mem>> -> memref<!tpu.dma_semaphore, #tpu.memory_space<semaphore_mem>>
        %dma_wait3A_2633 = arith.constant 0 : i32
        %dma_wait3A_2634 = tpu.memref_slice %arg8[%select_n3A_2625, %dma_wait3A_2626, %dma_wait3A_2633] : memref<2x5x80xi32, #tpu.memory_space<vmem>> -> memref<1x1x80xi32, #tpu.memory_space<vmem>>
        %dma_wait3A_2635 = tpu.memref_squeeze %dma_wait3A_2634 : memref<1x1x80xi32, #tpu.memory_space<vmem>> -> memref<80xi32, #tpu.memory_space<vmem>>
        %dma_wait3A_2636 = tpu.memref_slice %arg6[%multiple_of3A_2582] : memref<320000xi32, #tpu.memory_space<hbm>> -> memref<80xi32, #tpu.memory_space<hbm>>
        tpu.wait_dma2 semaphore(%dma_wait3A_2632 : memref<!tpu.dma_semaphore, #tpu.memory_space<semaphore_mem>>) src(%dma_wait3A_2636 : memref<80xi32, #tpu.memory_space<hbm>>) dst(%dma_wait3A_2635 : memref<80xi32, #tpu.memory_space<vmem>>)
        %mul3A_2637 = arith.constant 400 : i32
        %mul3A_2638 = arith.muli %add3A_2438, %mul3A_2637 : i32
        %add3A_2639 = arith.addi %mul3A_2, %mul3A_2638 : i32
        %add3A_2640 = arith.constant 240 : i32
        %add3A_2641 = arith.addi %add3A_2639, %add3A_2640 : i32
        %multiple_of3A_2642 = tpu.assume_multiple %add3A_2641, 16 : i32
        %jit3A_2643 = arith.constant 2 : i32
        %eq3A_2644 = arith.constant 0 : i32
        %eq3A_2645 = arith.cmpi eq, %jit3A_2643, %eq3A_2644 : i32
        %jit3A_2646 = arith.constant 1 : i32
        %select_n3A_2647 = arith.select %eq3A_2645, %jit3A_2646, %jit3A_2643 : i32
        %rem3A_2648 = arith.remsi %add3A_2438, %select_n3A_2647 : i32
        %ne3A_2649 = arith.constant 0 : i32
        %ne3A_2650 = arith.cmpi ne, %rem3A_2648, %ne3A_2649 : i32
        %lt3A_2651 = arith.constant 0 : i32
        %lt3A_2652 = arith.cmpi slt, %rem3A_2648, %lt3A_2651 : i32
        %lt3A_2653 = arith.constant 0 : i32
        %lt3A_2654 = arith.cmpi slt, %select_n3A_2647, %lt3A_2653 : i32
        %ne3A_2655 = arith.xori %lt3A_2652, %lt3A_2654 : i1
        %and3A_2656 = arith.andi %ne3A_2655, %ne3A_2650 : i1
        %add3A_2657 = arith.addi %rem3A_2648, %select_n3A_2647 : i32
        %select_n3A_2658 = arith.select %and3A_2656, %add3A_2657, %rem3A_2648 : i32
        %dma_wait3A_2659 = arith.constant 3 : i32
        %dma_wait3A_2660 = arith.constant 0 : i32
        %dma_wait3A_2661 = tpu.memref_slice %arg7[%select_n3A_2658, %dma_wait3A_2659, %dma_wait3A_2660] : memref<2x5x80xi32, #tpu.memory_space<vmem>> -> memref<1x1x80xi32, #tpu.memory_space<vmem>>
        %dma_wait3A_2662 = tpu.memref_squeeze %dma_wait3A_2661 : memref<1x1x80xi32, #tpu.memory_space<vmem>> -> memref<80xi32, #tpu.memory_space<vmem>>
        %dma_wait3A_2663 = tpu.memref_slice %arg5[%multiple_of3A_2642] : memref<320000xi32, #tpu.memory_space<hbm>> -> memref<80xi32, #tpu.memory_space<hbm>>
        %dma_wait3A_2664 = tpu.memref_slice %arg15[%select_n3A_2456] : memref<2x!tpu.dma_semaphore, #tpu.memory_space<semaphore_mem>> -> memref<1x!tpu.dma_semaphore, #tpu.memory_space<semaphore_mem>>
        %dma_wait3A_2665 = tpu.memref_squeeze %dma_wait3A_2664 : memref<1x!tpu.dma_semaphore, #tpu.memory_space<semaphore_mem>> -> memref<!tpu.dma_semaphore, #tpu.memory_space<semaphore_mem>>
        %dma_wait3A_2666 = arith.constant 0 : i32
        %dma_wait3A_2667 = tpu.memref_slice %arg7[%select_n3A_2658, %dma_wait3A_2659, %dma_wait3A_2666] : memref<2x5x80xi32, #tpu.memory_space<vmem>> -> memref<1x1x80xi32, #tpu.memory_space<vmem>>
        %dma_wait3A_2668 = tpu.memref_squeeze %dma_wait3A_2667 : memref<1x1x80xi32, #tpu.memory_space<vmem>> -> memref<80xi32, #tpu.memory_space<vmem>>
        %dma_wait3A_2669 = tpu.memref_slice %arg5[%multiple_of3A_2642] : memref<320000xi32, #tpu.memory_space<hbm>> -> memref<80xi32, #tpu.memory_space<hbm>>
        tpu.wait_dma2 semaphore(%dma_wait3A_2665 : memref<!tpu.dma_semaphore, #tpu.memory_space<semaphore_mem>>) src(%dma_wait3A_2669 : memref<80xi32, #tpu.memory_space<hbm>>) dst(%dma_wait3A_2668 : memref<80xi32, #tpu.memory_space<vmem>>)
        %jit3A_2670 = arith.constant 2 : i32
        %eq3A_2671 = arith.constant 0 : i32
        %eq3A_2672 = arith.cmpi eq, %jit3A_2670, %eq3A_2671 : i32
        %jit3A_2673 = arith.constant 1 : i32
        %select_n3A_2674 = arith.select %eq3A_2672, %jit3A_2673, %jit3A_2670 : i32
        %rem3A_2675 = arith.remsi %add3A_2438, %select_n3A_2674 : i32
        %ne3A_2676 = arith.constant 0 : i32
        %ne3A_2677 = arith.cmpi ne, %rem3A_2675, %ne3A_2676 : i32
        %lt3A_2678 = arith.constant 0 : i32
        %lt3A_2679 = arith.cmpi slt, %rem3A_2675, %lt3A_2678 : i32
        %lt3A_2680 = arith.constant 0 : i32
        %lt3A_2681 = arith.cmpi slt, %select_n3A_2674, %lt3A_2680 : i32
        %ne3A_2682 = arith.xori %lt3A_2679, %lt3A_2681 : i1
        %and3A_2683 = arith.andi %ne3A_2682, %ne3A_2677 : i1
        %add3A_2684 = arith.addi %rem3A_2675, %select_n3A_2674 : i32
        %select_n3A_2685 = arith.select %and3A_2683, %add3A_2684, %rem3A_2675 : i32
        %dma_wait3A_2686 = arith.constant 3 : i32
        %dma_wait3A_2687 = arith.constant 0 : i32
        %dma_wait3A_2688 = tpu.memref_slice %arg8[%select_n3A_2685, %dma_wait3A_2686, %dma_wait3A_2687] : memref<2x5x80xi32, #tpu.memory_space<vmem>> -> memref<1x1x80xi32, #tpu.memory_space<vmem>>
        %dma_wait3A_2689 = tpu.memref_squeeze %dma_wait3A_2688 : memref<1x1x80xi32, #tpu.memory_space<vmem>> -> memref<80xi32, #tpu.memory_space<vmem>>
        %dma_wait3A_2690 = tpu.memref_slice %arg6[%multiple_of3A_2642] : memref<320000xi32, #tpu.memory_space<hbm>> -> memref<80xi32, #tpu.memory_space<hbm>>
        %dma_wait3A_2691 = tpu.memref_slice %arg15[%select_n3A_2456] : memref<2x!tpu.dma_semaphore, #tpu.memory_space<semaphore_mem>> -> memref<1x!tpu.dma_semaphore, #tpu.memory_space<semaphore_mem>>
        %dma_wait3A_2692 = tpu.memref_squeeze %dma_wait3A_2691 : memref<1x!tpu.dma_semaphore, #tpu.memory_space<semaphore_mem>> -> memref<!tpu.dma_semaphore, #tpu.memory_space<semaphore_mem>>
        %dma_wait3A_2693 = arith.constant 0 : i32
        %dma_wait3A_2694 = tpu.memref_slice %arg8[%select_n3A_2685, %dma_wait3A_2686, %dma_wait3A_2693] : memref<2x5x80xi32, #tpu.memory_space<vmem>> -> memref<1x1x80xi32, #tpu.memory_space<vmem>>
        %dma_wait3A_2695 = tpu.memref_squeeze %dma_wait3A_2694 : memref<1x1x80xi32, #tpu.memory_space<vmem>> -> memref<80xi32, #tpu.memory_space<vmem>>
        %dma_wait3A_2696 = tpu.memref_slice %arg6[%multiple_of3A_2642] : memref<320000xi32, #tpu.memory_space<hbm>> -> memref<80xi32, #tpu.memory_space<hbm>>
        tpu.wait_dma2 semaphore(%dma_wait3A_2692 : memref<!tpu.dma_semaphore, #tpu.memory_space<semaphore_mem>>) src(%dma_wait3A_2696 : memref<80xi32, #tpu.memory_space<hbm>>) dst(%dma_wait3A_2695 : memref<80xi32, #tpu.memory_space<vmem>>)
        %mul3A_2697 = arith.constant 400 : i32
        %mul3A_2698 = arith.muli %add3A_2438, %mul3A_2697 : i32
        %add3A_2699 = arith.addi %mul3A_2, %mul3A_2698 : i32
        %add3A_2700 = arith.constant 320 : i32
        %add3A_2701 = arith.addi %add3A_2699, %add3A_2700 : i32
        %multiple_of3A_2702 = tpu.assume_multiple %add3A_2701, 16 : i32
        %jit3A_2703 = arith.constant 2 : i32
        %eq3A_2704 = arith.constant 0 : i32
        %eq3A_2705 = arith.cmpi eq, %jit3A_2703, %eq3A_2704 : i32
        %jit3A_2706 = arith.constant 1 : i32
        %select_n3A_2707 = arith.select %eq3A_2705, %jit3A_2706, %jit3A_2703 : i32
        %rem3A_2708 = arith.remsi %add3A_2438, %select_n3A_2707 : i32
        %ne3A_2709 = arith.constant 0 : i32
        %ne3A_2710 = arith.cmpi ne, %rem3A_2708, %ne3A_2709 : i32
        %lt3A_2711 = arith.constant 0 : i32
        %lt3A_2712 = arith.cmpi slt, %rem3A_2708, %lt3A_2711 : i32
        %lt3A_2713 = arith.constant 0 : i32
        %lt3A_2714 = arith.cmpi slt, %select_n3A_2707, %lt3A_2713 : i32
        %ne3A_2715 = arith.xori %lt3A_2712, %lt3A_2714 : i1
        %and3A_2716 = arith.andi %ne3A_2715, %ne3A_2710 : i1
        %add3A_2717 = arith.addi %rem3A_2708, %select_n3A_2707 : i32
        %select_n3A_2718 = arith.select %and3A_2716, %add3A_2717, %rem3A_2708 : i32
        %dma_wait3A_2719 = arith.constant 4 : i32
        %dma_wait3A_2720 = arith.constant 0 : i32
        %dma_wait3A_2721 = tpu.memref_slice %arg7[%select_n3A_2718, %dma_wait3A_2719, %dma_wait3A_2720] : memref<2x5x80xi32, #tpu.memory_space<vmem>> -> memref<1x1x80xi32, #tpu.memory_space<vmem>>
        %dma_wait3A_2722 = tpu.memref_squeeze %dma_wait3A_2721 : memref<1x1x80xi32, #tpu.memory_space<vmem>> -> memref<80xi32, #tpu.memory_space<vmem>>
        %dma_wait3A_2723 = tpu.memref_slice %arg5[%multiple_of3A_2702] : memref<320000xi32, #tpu.memory_space<hbm>> -> memref<80xi32, #tpu.memory_space<hbm>>
        %dma_wait3A_2724 = tpu.memref_slice %arg15[%select_n3A_2456] : memref<2x!tpu.dma_semaphore, #tpu.memory_space<semaphore_mem>> -> memref<1x!tpu.dma_semaphore, #tpu.memory_space<semaphore_mem>>
        %dma_wait3A_2725 = tpu.memref_squeeze %dma_wait3A_2724 : memref<1x!tpu.dma_semaphore, #tpu.memory_space<semaphore_mem>> -> memref<!tpu.dma_semaphore, #tpu.memory_space<semaphore_mem>>
        %dma_wait3A_2726 = arith.constant 0 : i32
        %dma_wait3A_2727 = tpu.memref_slice %arg7[%select_n3A_2718, %dma_wait3A_2719, %dma_wait3A_2726] : memref<2x5x80xi32, #tpu.memory_space<vmem>> -> memref<1x1x80xi32, #tpu.memory_space<vmem>>
        %dma_wait3A_2728 = tpu.memref_squeeze %dma_wait3A_2727 : memref<1x1x80xi32, #tpu.memory_space<vmem>> -> memref<80xi32, #tpu.memory_space<vmem>>
        %dma_wait3A_2729 = tpu.memref_slice %arg5[%multiple_of3A_2702] : memref<320000xi32, #tpu.memory_space<hbm>> -> memref<80xi32, #tpu.memory_space<hbm>>
        tpu.wait_dma2 semaphore(%dma_wait3A_2725 : memref<!tpu.dma_semaphore, #tpu.memory_space<semaphore_mem>>) src(%dma_wait3A_2729 : memref<80xi32, #tpu.memory_space<hbm>>) dst(%dma_wait3A_2728 : memref<80xi32, #tpu.memory_space<vmem>>)
        %jit3A_2730 = arith.constant 2 : i32
        %eq3A_2731 = arith.constant 0 : i32
        %eq3A_2732 = arith.cmpi eq, %jit3A_2730, %eq3A_2731 : i32
        %jit3A_2733 = arith.constant 1 : i32
        %select_n3A_2734 = arith.select %eq3A_2732, %jit3A_2733, %jit3A_2730 : i32
        %rem3A_2735 = arith.remsi %add3A_2438, %select_n3A_2734 : i32
        %ne3A_2736 = arith.constant 0 : i32
        %ne3A_2737 = arith.cmpi ne, %rem3A_2735, %ne3A_2736 : i32
        %lt3A_2738 = arith.constant 0 : i32
        %lt3A_2739 = arith.cmpi slt, %rem3A_2735, %lt3A_2738 : i32
        %lt3A_2740 = arith.constant 0 : i32
        %lt3A_2741 = arith.cmpi slt, %select_n3A_2734, %lt3A_2740 : i32
        %ne3A_2742 = arith.xori %lt3A_2739, %lt3A_2741 : i1
        %and3A_2743 = arith.andi %ne3A_2742, %ne3A_2737 : i1
        %add3A_2744 = arith.addi %rem3A_2735, %select_n3A_2734 : i32
        %select_n3A_2745 = arith.select %and3A_2743, %add3A_2744, %rem3A_2735 : i32
        %dma_wait3A_2746 = arith.constant 4 : i32
        %dma_wait3A_2747 = arith.constant 0 : i32
        %dma_wait3A_2748 = tpu.memref_slice %arg8[%select_n3A_2745, %dma_wait3A_2746, %dma_wait3A_2747] : memref<2x5x80xi32, #tpu.memory_space<vmem>> -> memref<1x1x80xi32, #tpu.memory_space<vmem>>
        %dma_wait3A_2749 = tpu.memref_squeeze %dma_wait3A_2748 : memref<1x1x80xi32, #tpu.memory_space<vmem>> -> memref<80xi32, #tpu.memory_space<vmem>>
        %dma_wait3A_2750 = tpu.memref_slice %arg6[%multiple_of3A_2702] : memref<320000xi32, #tpu.memory_space<hbm>> -> memref<80xi32, #tpu.memory_space<hbm>>
        %dma_wait3A_2751 = tpu.memref_slice %arg15[%select_n3A_2456] : memref<2x!tpu.dma_semaphore, #tpu.memory_space<semaphore_mem>> -> memref<1x!tpu.dma_semaphore, #tpu.memory_space<semaphore_mem>>
        %dma_wait3A_2752 = tpu.memref_squeeze %dma_wait3A_2751 : memref<1x!tpu.dma_semaphore, #tpu.memory_space<semaphore_mem>> -> memref<!tpu.dma_semaphore, #tpu.memory_space<semaphore_mem>>
        %dma_wait3A_2753 = arith.constant 0 : i32
        %dma_wait3A_2754 = tpu.memref_slice %arg8[%select_n3A_2745, %dma_wait3A_2746, %dma_wait3A_2753] : memref<2x5x80xi32, #tpu.memory_space<vmem>> -> memref<1x1x80xi32, #tpu.memory_space<vmem>>
        %dma_wait3A_2755 = tpu.memref_squeeze %dma_wait3A_2754 : memref<1x1x80xi32, #tpu.memory_space<vmem>> -> memref<80xi32, #tpu.memory_space<vmem>>
        %dma_wait3A_2756 = tpu.memref_slice %arg6[%multiple_of3A_2702] : memref<320000xi32, #tpu.memory_space<hbm>> -> memref<80xi32, #tpu.memory_space<hbm>>
        tpu.wait_dma2 semaphore(%dma_wait3A_2752 : memref<!tpu.dma_semaphore, #tpu.memory_space<semaphore_mem>>) src(%dma_wait3A_2756 : memref<80xi32, #tpu.memory_space<hbm>>) dst(%dma_wait3A_2755 : memref<80xi32, #tpu.memory_space<vmem>>)
      } else {
      }
      %lt3A_2408 = arith.constant 125 : i32
      %lt3A_2409 = arith.cmpi slt, %sub3A_2393, %lt3A_2408 : i32
      %convert_element_type3A_2410 = arith.extui %lt3A_2409 : i1 to i32
      %cond3A_2411 = arith.constant 0 : i32
      %cond3A_2412 = arith.cmpi ne, %convert_element_type3A_2410, %cond3A_2411 : i32
      scf.if %cond3A_2412 {
        %ge3A = arith.constant 1 : i32
        %ge3A_2437 = arith.cmpi sge, %scan3A_2319, %ge3A : i32
        %convert_element_type3A_2438 = arith.extui %ge3A_2437 : i1 to i32
        %cond3A_2439 = arith.constant 0 : i32
        %cond3A_2440 = arith.cmpi ne, %convert_element_type3A_2438, %cond3A_2439 : i32
        scf.if %cond3A_2440 {
          %jit3A_2541 = arith.constant 3 : i32
          %eq3A_2542 = arith.constant 0 : i32
          %eq3A_2543 = arith.cmpi eq, %jit3A_2541, %eq3A_2542 : i32
          %jit3A_2544 = arith.constant 1 : i32
          %select_n3A_2545 = arith.select %eq3A_2543, %jit3A_2544, %jit3A_2541 : i32
          %rem3A_2546 = arith.remsi %sub3A_2393, %select_n3A_2545 : i32
          %ne3A_2547 = arith.constant 0 : i32
          %ne3A_2548 = arith.cmpi ne, %rem3A_2546, %ne3A_2547 : i32
          %lt3A_2549 = arith.constant 0 : i32
          %lt3A_2550 = arith.cmpi slt, %rem3A_2546, %lt3A_2549 : i32
          %lt3A_2551 = arith.constant 0 : i32
          %lt3A_2552 = arith.cmpi slt, %select_n3A_2545, %lt3A_2551 : i32
          %ne3A_2553 = arith.xori %lt3A_2550, %lt3A_2552 : i1
          %and3A_2554 = arith.andi %ne3A_2553, %ne3A_2548 : i1
          %add3A_2555 = arith.addi %rem3A_2546, %select_n3A_2545 : i32
          %select_n3A_2556 = arith.select %and3A_2554, %add3A_2555, %rem3A_2546 : i32
          %jit3A_2557 = arith.constant 3 : i32
          %eq3A_2558 = arith.constant 0 : i32
          %eq3A_2559 = arith.cmpi eq, %jit3A_2557, %eq3A_2558 : i32
          %jit3A_2560 = arith.constant 1 : i32
          %select_n3A_2561 = arith.select %eq3A_2559, %jit3A_2560, %jit3A_2557 : i32
          %rem3A_2562 = arith.remsi %sub3A_2393, %select_n3A_2561 : i32
          %ne3A_2563 = arith.constant 0 : i32
          %ne3A_2564 = arith.cmpi ne, %rem3A_2562, %ne3A_2563 : i32
          %lt3A_2565 = arith.constant 0 : i32
          %lt3A_2566 = arith.cmpi slt, %rem3A_2562, %lt3A_2565 : i32
          %lt3A_2567 = arith.constant 0 : i32
          %lt3A_2568 = arith.cmpi slt, %select_n3A_2561, %lt3A_2567 : i32
          %ne3A_2569 = arith.xori %lt3A_2566, %lt3A_2568 : i1
          %and3A_2570 = arith.andi %ne3A_2569, %ne3A_2564 : i1
          %add3A_2571 = arith.addi %rem3A_2562, %select_n3A_2561 : i32
          %select_n3A_2572 = arith.select %and3A_2570, %add3A_2571, %rem3A_2562 : i32
          %dma_wait3A_2573 = arith.constant 0 : i32
          %dma_wait3A_2574 = arith.constant 0 : i32
          %dma_wait3A_2575 = tpu.memref_slice %arg10[%select_n3A_2556, %dma_wait3A_2573, %dma_wait3A_2574] : memref<3x80x128xf32, #tpu.memory_space<vmem>> -> memref<1x80x128xf32, #tpu.memory_space<vmem>>
          %dma_wait3A_2576 = tpu.memref_squeeze %dma_wait3A_2575 : memref<1x80x128xf32, #tpu.memory_space<vmem>> -> memref<80x128xf32, #tpu.memory_space<vmem>>
          %dma_wait3A_2577 = arith.constant 0 : i32
          %dma_wait3A_2578 = tpu.memref_slice %arg8[%select_n3A_2373, %select_n3A_2357, %dma_wait3A_2577] : memref<2x5x80xi32, #tpu.memory_space<vmem>> -> memref<1x1x80xi32, #tpu.memory_space<vmem>>
          %dma_wait3A_2579 = tpu.memref_squeeze %dma_wait3A_2578 : memref<1x1x80xi32, #tpu.memory_space<vmem>> -> memref<80xi32, #tpu.memory_space<vmem>>
          %dma_wait3A_2580 = arith.constant 0 : i32
          %dma_wait3A_2581 = arith.constant 0 : i32
          %dma_wait3A_2582 = tpu.memref_slice %arg12[%dma_wait3A_2580, %dma_wait3A_2581] : memref<10000x128xf32, #tpu.memory_space<vmem_shared>> -> memref<10000x128xf32, #tpu.memory_space<vmem_shared>>
          %dma_wait3A_2583 = tpu.memref_slice %arg14[%select_n3A_2572] : memref<3x!tpu.dma_semaphore, #tpu.memory_space<semaphore_mem>> -> memref<1x!tpu.dma_semaphore, #tpu.memory_space<semaphore_mem>>
          %dma_wait3A_2584 = tpu.memref_squeeze %dma_wait3A_2583 : memref<1x!tpu.dma_semaphore, #tpu.memory_space<semaphore_mem>> -> memref<!tpu.dma_semaphore, #tpu.memory_space<semaphore_mem>>
          tpu.wait_indirect_dma semaphore(%dma_wait3A_2584 : memref<!tpu.dma_semaphore, #tpu.memory_space<semaphore_mem>>) src(%dma_wait3A_2576 : memref<80x128xf32, #tpu.memory_space<vmem>>) dst(%dma_wait3A_2582 : memref<10000x128xf32, #tpu.memory_space<vmem_shared>>)
        } else {
        }
        %jit3A_2441 = arith.constant 5 : i32
        %div3A_2442 = arith.divsi %sub3A_2393, %jit3A_2441 : i32
        %sign3A_2443 = arith.constant 0 : i32
        %sign3A_2444 = arith.cmpi sgt, %sub3A_2393, %sign3A_2443 : i32
        %sign3A_2445 = arith.extui %sign3A_2444 : i1 to i32
        %sign3A_2446 = arith.constant 0 : i32
        %sign3A_2447 = arith.cmpi slt, %sub3A_2393, %sign3A_2446 : i32
        %sign3A_2448 = arith.extui %sign3A_2447 : i1 to i32
        %sign3A_2449 = arith.subi %sign3A_2445, %sign3A_2448 : i32
        %sign3A_2450 = arith.constant 0 : i32
        %sign3A_2451 = arith.cmpi sgt, %jit3A_2441, %sign3A_2450 : i32
        %sign3A_2452 = arith.extui %sign3A_2451 : i1 to i32
        %sign3A_2453 = arith.constant 0 : i32
        %sign3A_2454 = arith.cmpi slt, %jit3A_2441, %sign3A_2453 : i32
        %sign3A_2455 = arith.extui %sign3A_2454 : i1 to i32
        %sign3A_2456 = arith.subi %sign3A_2452, %sign3A_2455 : i32
        %ne3A_2457 = arith.cmpi ne, %sign3A_2449, %sign3A_2456 : i32
        %rem3A_2458 = arith.remsi %sub3A_2393, %jit3A_2441 : i32
        %ne3A_2459 = arith.constant 0 : i32
        %ne3A_2460 = arith.cmpi ne, %rem3A_2458, %ne3A_2459 : i32
        %and3A_2461 = arith.andi %ne3A_2457, %ne3A_2460 : i1
        %sub3A_2462 = arith.constant 1 : i32
        %sub3A_2463 = arith.subi %div3A_2442, %sub3A_2462 : i32
        %select_n3A_2464 = arith.select %and3A_2461, %sub3A_2463, %div3A_2442 : i32
        %jit3A_2465 = arith.constant 2 : i32
        %eq3A_2466 = arith.constant 0 : i32
        %eq3A_2467 = arith.cmpi eq, %jit3A_2465, %eq3A_2466 : i32
        %jit3A_2468 = arith.constant 1 : i32
        %select_n3A_2469 = arith.select %eq3A_2467, %jit3A_2468, %jit3A_2465 : i32
        %rem3A_2470 = arith.remsi %select_n3A_2464, %select_n3A_2469 : i32
        %ne3A_2471 = arith.constant 0 : i32
        %ne3A_2472 = arith.cmpi ne, %rem3A_2470, %ne3A_2471 : i32
        %lt3A_2473 = arith.constant 0 : i32
        %lt3A_2474 = arith.cmpi slt, %rem3A_2470, %lt3A_2473 : i32
        %lt3A_2475 = arith.constant 0 : i32
        %lt3A_2476 = arith.cmpi slt, %select_n3A_2469, %lt3A_2475 : i32
        %ne3A_2477 = arith.xori %lt3A_2474, %lt3A_2476 : i1
        %and3A_2478 = arith.andi %ne3A_2477, %ne3A_2472 : i1
        %add3A_2479 = arith.addi %rem3A_2470, %select_n3A_2469 : i32
        %select_n3A_2480 = arith.select %and3A_2478, %add3A_2479, %rem3A_2470 : i32
        %jit3A_2481 = arith.constant 5 : i32
        %eq3A_2482 = arith.constant 0 : i32
        %eq3A_2483 = arith.cmpi eq, %jit3A_2481, %eq3A_2482 : i32
        %jit3A_2484 = arith.constant 1 : i32
        %select_n3A_2485 = arith.select %eq3A_2483, %jit3A_2484, %jit3A_2481 : i32
        %rem3A_2486 = arith.remsi %sub3A_2393, %select_n3A_2485 : i32
        %ne3A_2487 = arith.constant 0 : i32
        %ne3A_2488 = arith.cmpi ne, %rem3A_2486, %ne3A_2487 : i32
        %lt3A_2489 = arith.constant 0 : i32
        %lt3A_2490 = arith.cmpi slt, %rem3A_2486, %lt3A_2489 : i32
        %lt3A_2491 = arith.constant 0 : i32
        %lt3A_2492 = arith.cmpi slt, %select_n3A_2485, %lt3A_2491 : i32
        %ne3A_2493 = arith.xori %lt3A_2490, %lt3A_2492 : i1
        %and3A_2494 = arith.andi %ne3A_2493, %ne3A_2488 : i1
        %add3A_2495 = arith.addi %rem3A_2486, %select_n3A_2485 : i32
        %select_n3A_2496 = arith.select %and3A_2494, %add3A_2495, %rem3A_2486 : i32
        %jit3A_2497 = arith.constant 3 : i32
        %eq3A_2498 = arith.constant 0 : i32
        %eq3A_2499 = arith.cmpi eq, %jit3A_2497, %eq3A_2498 : i32
        %jit3A_2500 = arith.constant 1 : i32
        %select_n3A_2501 = arith.select %eq3A_2499, %jit3A_2500, %jit3A_2497 : i32
        %rem3A_2502 = arith.remsi %sub3A_2393, %select_n3A_2501 : i32
        %ne3A_2503 = arith.constant 0 : i32
        %ne3A_2504 = arith.cmpi ne, %rem3A_2502, %ne3A_2503 : i32
        %lt3A_2505 = arith.constant 0 : i32
        %lt3A_2506 = arith.cmpi slt, %rem3A_2502, %lt3A_2505 : i32
        %lt3A_2507 = arith.constant 0 : i32
        %lt3A_2508 = arith.cmpi slt, %select_n3A_2501, %lt3A_2507 : i32
        %ne3A_2509 = arith.xori %lt3A_2506, %lt3A_2508 : i1
        %and3A_2510 = arith.andi %ne3A_2509, %ne3A_2504 : i1
        %add3A_2511 = arith.addi %rem3A_2502, %select_n3A_2501 : i32
        %select_n3A_2512 = arith.select %and3A_2510, %add3A_2511, %rem3A_2502 : i32
        %jit3A_2513 = arith.constant 3 : i32
        %eq3A_2514 = arith.constant 0 : i32
        %eq3A_2515 = arith.cmpi eq, %jit3A_2513, %eq3A_2514 : i32
        %jit3A_2516 = arith.constant 1 : i32
        %select_n3A_2517 = arith.select %eq3A_2515, %jit3A_2516, %jit3A_2513 : i32
        %rem3A_2518 = arith.remsi %sub3A_2393, %select_n3A_2517 : i32
        %ne3A_2519 = arith.constant 0 : i32
        %ne3A_2520 = arith.cmpi ne, %rem3A_2518, %ne3A_2519 : i32
        %lt3A_2521 = arith.constant 0 : i32
        %lt3A_2522 = arith.cmpi slt, %rem3A_2518, %lt3A_2521 : i32
        %lt3A_2523 = arith.constant 0 : i32
        %lt3A_2524 = arith.cmpi slt, %select_n3A_2517, %lt3A_2523 : i32
        %ne3A_2525 = arith.xori %lt3A_2522, %lt3A_2524 : i1
        %and3A_2526 = arith.andi %ne3A_2525, %ne3A_2520 : i1
        %add3A_2527 = arith.addi %rem3A_2518, %select_n3A_2517 : i32
        %select_n3A_2528 = arith.select %and3A_2526, %add3A_2527, %rem3A_2518 : i32
        %dma_start3A_2529 = arith.constant 0 : i32
        %dma_start3A_2530 = arith.constant 0 : i32
        %dma_start3A_2531 = tpu.memref_slice %arg10[%select_n3A_2512, %dma_start3A_2529, %dma_start3A_2530] : memref<3x80x128xf32, #tpu.memory_space<vmem>> -> memref<1x80x128xf32, #tpu.memory_space<vmem>>
        %dma_start3A_2532 = tpu.memref_squeeze %dma_start3A_2531 : memref<1x80x128xf32, #tpu.memory_space<vmem>> -> memref<80x128xf32, #tpu.memory_space<vmem>>
        %dma_start3A_2533 = arith.constant 0 : i32
        %dma_start3A_2534 = tpu.memref_slice %arg7[%select_n3A_2480, %select_n3A_2496, %dma_start3A_2533] : memref<2x5x80xi32, #tpu.memory_space<vmem>> -> memref<1x1x80xi32, #tpu.memory_space<vmem>>
        %dma_start3A_2535 = tpu.memref_squeeze %dma_start3A_2534 : memref<1x1x80xi32, #tpu.memory_space<vmem>> -> memref<80xi32, #tpu.memory_space<vmem>>
        %dma_start3A_2536 = arith.constant 0 : i32
        %dma_start3A_2537 = arith.constant 0 : i32
        %dma_start3A_2538 = tpu.memref_slice %arg2[%dma_start3A_2536, %dma_start3A_2537] : memref<10000x128xf32, #tpu.memory_space<hbm>> -> memref<10000x128xf32, #tpu.memory_space<hbm>>
        %dma_start3A_2539 = tpu.memref_slice %arg13[%select_n3A_2528] : memref<3x!tpu.dma_semaphore, #tpu.memory_space<semaphore_mem>> -> memref<1x!tpu.dma_semaphore, #tpu.memory_space<semaphore_mem>>
        %dma_start3A_2540 = tpu.memref_squeeze %dma_start3A_2539 : memref<1x!tpu.dma_semaphore, #tpu.memory_space<semaphore_mem>> -> memref<!tpu.dma_semaphore, #tpu.memory_space<semaphore_mem>>
        tpu.enqueue_indirect_dma source(%dma_start3A_2538 : memref<10000x128xf32, #tpu.memory_space<hbm>>) target(%dma_start3A_2532 : memref<80x128xf32, #tpu.memory_space<vmem>>) offsets(%dma_start3A_2535 : memref<80xi32, #tpu.memory_space<vmem>>) semaphore(%dma_start3A_2540 : memref<!tpu.dma_semaphore, #tpu.memory_space<semaphore_mem>>)
      } else {
      }
      %dma_wait3A_2413 = arith.constant 0 : i32
      %dma_wait3A_2414 = arith.constant 0 : i32
      %dma_wait3A_2415 = tpu.memref_slice %arg10[%select_n3A_2389, %dma_wait3A_2413, %dma_wait3A_2414] : memref<3x80x128xf32, #tpu.memory_space<vmem>> -> memref<1x80x128xf32, #tpu.memory_space<vmem>>
      %dma_wait3A_2416 = tpu.memref_squeeze %dma_wait3A_2415 : memref<1x80x128xf32, #tpu.memory_space<vmem>> -> memref<80x128xf32, #tpu.memory_space<vmem>>
      %dma_wait3A_2417 = arith.constant 0 : i32
      %dma_wait3A_2418 = tpu.memref_slice %arg7[%select_n3A_2373, %select_n3A_2357, %dma_wait3A_2417] : memref<2x5x80xi32, #tpu.memory_space<vmem>> -> memref<1x1x80xi32, #tpu.memory_space<vmem>>
      %dma_wait3A_2419 = tpu.memref_squeeze %dma_wait3A_2418 : memref<1x1x80xi32, #tpu.memory_space<vmem>> -> memref<80xi32, #tpu.memory_space<vmem>>
      %dma_wait3A_2420 = arith.constant 0 : i32
      %dma_wait3A_2421 = arith.constant 0 : i32
      %dma_wait3A_2422 = tpu.memref_slice %arg2[%dma_wait3A_2420, %dma_wait3A_2421] : memref<10000x128xf32, #tpu.memory_space<hbm>> -> memref<10000x128xf32, #tpu.memory_space<hbm>>
      %dma_wait3A_2423 = tpu.memref_slice %arg13[%select_n3A_2389] : memref<3x!tpu.dma_semaphore, #tpu.memory_space<semaphore_mem>> -> memref<1x!tpu.dma_semaphore, #tpu.memory_space<semaphore_mem>>
      %dma_wait3A_2424 = tpu.memref_squeeze %dma_wait3A_2423 : memref<1x!tpu.dma_semaphore, #tpu.memory_space<semaphore_mem>> -> memref<!tpu.dma_semaphore, #tpu.memory_space<semaphore_mem>>
      tpu.wait_indirect_dma semaphore(%dma_wait3A_2424 : memref<!tpu.dma_semaphore, #tpu.memory_space<semaphore_mem>>) src(%dma_wait3A_2422 : memref<10000x128xf32, #tpu.memory_space<hbm>>) dst(%dma_wait3A_2416 : memref<80x128xf32, #tpu.memory_space<vmem>>)
      %dma_start3A_2425 = arith.constant 0 : i32
      %dma_start3A_2426 = arith.constant 0 : i32
      %dma_start3A_2427 = tpu.memref_slice %arg10[%select_n3A_2389, %dma_start3A_2425, %dma_start3A_2426] : memref<3x80x128xf32, #tpu.memory_space<vmem>> -> memref<1x80x128xf32, #tpu.memory_space<vmem>>
      %dma_start3A_2428 = tpu.memref_squeeze %dma_start3A_2427 : memref<1x80x128xf32, #tpu.memory_space<vmem>> -> memref<80x128xf32, #tpu.memory_space<vmem>>
      %dma_start3A_2429 = arith.constant 0 : i32
      %dma_start3A_2430 = tpu.memref_slice %arg8[%select_n3A_2373, %select_n3A_2357, %dma_start3A_2429] : memref<2x5x80xi32, #tpu.memory_space<vmem>> -> memref<1x1x80xi32, #tpu.memory_space<vmem>>
      %dma_start3A_2431 = tpu.memref_squeeze %dma_start3A_2430 : memref<1x1x80xi32, #tpu.memory_space<vmem>> -> memref<80xi32, #tpu.memory_space<vmem>>
      %dma_start3A_2432 = arith.constant 0 : i32
      %dma_start3A_2433 = arith.constant 0 : i32
      %dma_start3A_2434 = tpu.memref_slice %arg12[%dma_start3A_2432, %dma_start3A_2433] : memref<10000x128xf32, #tpu.memory_space<vmem_shared>> -> memref<10000x128xf32, #tpu.memory_space<vmem_shared>>
      %dma_start3A_2435 = tpu.memref_slice %arg14[%select_n3A_2389] : memref<3x!tpu.dma_semaphore, #tpu.memory_space<semaphore_mem>> -> memref<1x!tpu.dma_semaphore, #tpu.memory_space<semaphore_mem>>
      %dma_start3A_2436 = tpu.memref_squeeze %dma_start3A_2435 : memref<1x!tpu.dma_semaphore, #tpu.memory_space<semaphore_mem>> -> memref<!tpu.dma_semaphore, #tpu.memory_space<semaphore_mem>>
      tpu.enqueue_indirect_dma source(%dma_start3A_2428 : memref<80x128xf32, #tpu.memory_space<vmem>>) target(%dma_start3A_2434 : memref<10000x128xf32, #tpu.memory_space<vmem_shared>>) offsets(%dma_start3A_2431 : memref<80xi32, #tpu.memory_space<vmem>>) semaphore(%dma_start3A_2436 : memref<!tpu.dma_semaphore, #tpu.memory_space<semaphore_mem>>) {add = true}
    }
    %scan3A_2269 = arith.constant 125 : i32
    %dma_wait3A_2270 = arith.constant 2 : i32
    %dma_wait3A_2271 = arith.constant 0 : i32
    %dma_wait3A_2272 = arith.constant 2 : i32
    %dma_wait3A_2273 = arith.constant 2 : i32
    %dma_wait3A_2274 = arith.constant 0 : i32
    %dma_wait3A_2275 = arith.constant 0 : i32
    %dma_wait3A_2276 = tpu.memref_slice %arg10[%dma_wait3A_2270, %dma_wait3A_2274, %dma_wait3A_2275] : memref<3x80x128xf32, #tpu.memory_space<vmem>> -> memref<1x80x128xf32, #tpu.memory_space<vmem>>
    %dma_wait3A_2277 = tpu.memref_squeeze %dma_wait3A_2276 : memref<1x80x128xf32, #tpu.memory_space<vmem>> -> memref<80x128xf32, #tpu.memory_space<vmem>>
    %dma_wait3A_2278 = arith.constant 0 : i32
    %dma_wait3A_2279 = tpu.memref_slice %arg8[%dma_wait3A_2271, %dma_wait3A_2272, %dma_wait3A_2278] : memref<2x5x80xi32, #tpu.memory_space<vmem>> -> memref<1x1x80xi32, #tpu.memory_space<vmem>>
    %dma_wait3A_2280 = tpu.memref_squeeze %dma_wait3A_2279 : memref<1x1x80xi32, #tpu.memory_space<vmem>> -> memref<80xi32, #tpu.memory_space<vmem>>
    %dma_wait3A_2281 = arith.constant 0 : i32
    %dma_wait3A_2282 = arith.constant 0 : i32
    %dma_wait3A_2283 = tpu.memref_slice %arg12[%dma_wait3A_2281, %dma_wait3A_2282] : memref<10000x128xf32, #tpu.memory_space<vmem_shared>> -> memref<10000x128xf32, #tpu.memory_space<vmem_shared>>
    %dma_wait3A_2284 = tpu.memref_slice %arg14[%dma_wait3A_2273] : memref<3x!tpu.dma_semaphore, #tpu.memory_space<semaphore_mem>> -> memref<1x!tpu.dma_semaphore, #tpu.memory_space<semaphore_mem>>
    %dma_wait3A_2285 = tpu.memref_squeeze %dma_wait3A_2284 : memref<1x!tpu.dma_semaphore, #tpu.memory_space<semaphore_mem>> -> memref<!tpu.dma_semaphore, #tpu.memory_space<semaphore_mem>>
    tpu.wait_indirect_dma semaphore(%dma_wait3A_2285 : memref<!tpu.dma_semaphore, #tpu.memory_space<semaphore_mem>>) src(%dma_wait3A_2277 : memref<80x128xf32, #tpu.memory_space<vmem>>) dst(%dma_wait3A_2283 : memref<10000x128xf32, #tpu.memory_space<vmem_shared>>)
    %dma_wait3A_2286 = arith.constant 0 : i32
    %dma_wait3A_2287 = arith.constant 0 : i32
    %dma_wait3A_2288 = arith.constant 3 : i32
    %dma_wait3A_2289 = arith.constant 0 : i32
    %dma_wait3A_2290 = arith.constant 0 : i32
    %dma_wait3A_2291 = arith.constant 0 : i32
    %dma_wait3A_2292 = tpu.memref_slice %arg10[%dma_wait3A_2286, %dma_wait3A_2290, %dma_wait3A_2291] : memref<3x80x128xf32, #tpu.memory_space<vmem>> -> memref<1x80x128xf32, #tpu.memory_space<vmem>>
    %dma_wait3A_2293 = tpu.memref_squeeze %dma_wait3A_2292 : memref<1x80x128xf32, #tpu.memory_space<vmem>> -> memref<80x128xf32, #tpu.memory_space<vmem>>
    %dma_wait3A_2294 = arith.constant 0 : i32
    %dma_wait3A_2295 = tpu.memref_slice %arg8[%dma_wait3A_2287, %dma_wait3A_2288, %dma_wait3A_2294] : memref<2x5x80xi32, #tpu.memory_space<vmem>> -> memref<1x1x80xi32, #tpu.memory_space<vmem>>
    %dma_wait3A_2296 = tpu.memref_squeeze %dma_wait3A_2295 : memref<1x1x80xi32, #tpu.memory_space<vmem>> -> memref<80xi32, #tpu.memory_space<vmem>>
    %dma_wait3A_2297 = arith.constant 0 : i32
    %dma_wait3A_2298 = arith.constant 0 : i32
    %dma_wait3A_2299 = tpu.memref_slice %arg12[%dma_wait3A_2297, %dma_wait3A_2298] : memref<10000x128xf32, #tpu.memory_space<vmem_shared>> -> memref<10000x128xf32, #tpu.memory_space<vmem_shared>>
    %dma_wait3A_2300 = tpu.memref_slice %arg14[%dma_wait3A_2289] : memref<3x!tpu.dma_semaphore, #tpu.memory_space<semaphore_mem>> -> memref<1x!tpu.dma_semaphore, #tpu.memory_space<semaphore_mem>>
    %dma_wait3A_2301 = tpu.memref_squeeze %dma_wait3A_2300 : memref<1x!tpu.dma_semaphore, #tpu.memory_space<semaphore_mem>> -> memref<!tpu.dma_semaphore, #tpu.memory_space<semaphore_mem>>
    tpu.wait_indirect_dma semaphore(%dma_wait3A_2301 : memref<!tpu.dma_semaphore, #tpu.memory_space<semaphore_mem>>) src(%dma_wait3A_2293 : memref<80x128xf32, #tpu.memory_space<vmem>>) dst(%dma_wait3A_2299 : memref<10000x128xf32, #tpu.memory_space<vmem_shared>>)
    %dma_wait3A_2302 = arith.constant 1 : i32
    %dma_wait3A_2303 = arith.constant 0 : i32
    %dma_wait3A_2304 = arith.constant 4 : i32
    %dma_wait3A_2305 = arith.constant 1 : i32
    %dma_wait3A_2306 = arith.constant 0 : i32
    %dma_wait3A_2307 = arith.constant 0 : i32
    %dma_wait3A_2308 = tpu.memref_slice %arg10[%dma_wait3A_2302, %dma_wait3A_2306, %dma_wait3A_2307] : memref<3x80x128xf32, #tpu.memory_space<vmem>> -> memref<1x80x128xf32, #tpu.memory_space<vmem>>
    %dma_wait3A_2309 = tpu.memref_squeeze %dma_wait3A_2308 : memref<1x80x128xf32, #tpu.memory_space<vmem>> -> memref<80x128xf32, #tpu.memory_space<vmem>>
    %dma_wait3A_2310 = arith.constant 0 : i32
    %dma_wait3A_2311 = tpu.memref_slice %arg8[%dma_wait3A_2303, %dma_wait3A_2304, %dma_wait3A_2310] : memref<2x5x80xi32, #tpu.memory_space<vmem>> -> memref<1x1x80xi32, #tpu.memory_space<vmem>>
    %dma_wait3A_2312 = tpu.memref_squeeze %dma_wait3A_2311 : memref<1x1x80xi32, #tpu.memory_space<vmem>> -> memref<80xi32, #tpu.memory_space<vmem>>
    %dma_wait3A_2313 = arith.constant 0 : i32
    %dma_wait3A_2314 = arith.constant 0 : i32
    %dma_wait3A_2315 = tpu.memref_slice %arg12[%dma_wait3A_2313, %dma_wait3A_2314] : memref<10000x128xf32, #tpu.memory_space<vmem_shared>> -> memref<10000x128xf32, #tpu.memory_space<vmem_shared>>
    %dma_wait3A_2316 = tpu.memref_slice %arg14[%dma_wait3A_2305] : memref<3x!tpu.dma_semaphore, #tpu.memory_space<semaphore_mem>> -> memref<1x!tpu.dma_semaphore, #tpu.memory_space<semaphore_mem>>
    %dma_wait3A_2317 = tpu.memref_squeeze %dma_wait3A_2316 : memref<1x!tpu.dma_semaphore, #tpu.memory_space<semaphore_mem>> -> memref<!tpu.dma_semaphore, #tpu.memory_space<semaphore_mem>>
    tpu.wait_indirect_dma semaphore(%dma_wait3A_2317 : memref<!tpu.dma_semaphore, #tpu.memory_space<semaphore_mem>>) src(%dma_wait3A_2309 : memref<80x128xf32, #tpu.memory_space<vmem>>) dst(%dma_wait3A_2315 : memref<10000x128xf32, #tpu.memory_space<vmem_shared>>)
    %barrier3A_2318 = arith.constant 0 : index
    tpu.barrier barrier_id(%barrier3A_2318)
    "tpu.region"() ({
      %run_scoped3A = tpu.sem_alloc : memref<!tpu.dma_semaphore, #tpu.memory_space<semaphore_mem>>
      %dma_start3A_2319 = arith.constant 0 : i32
      %dma_start3A_2320 = tpu.memref_slice %arg4[%arg0, %mul3A_903, %dma_start3A_2319] : memref<2x10000x128xf32, #tpu.memory_space<hbm>> -> memref<1x640x128xf32, #tpu.memory_space<hbm>>
      %dma_start3A_2321 = tpu.memref_squeeze %dma_start3A_2320 : memref<1x640x128xf32, #tpu.memory_space<hbm>> -> memref<640x128xf32, #tpu.memory_space<hbm>>
      %dma_start3A_2322 = arith.constant 0 : i32
      %dma_start3A_2323 = tpu.memref_slice %arg12[%mul3A_903, %dma_start3A_2322] : memref<10000x128xf32, #tpu.memory_space<vmem_shared>> -> memref<640x128xf32, #tpu.memory_space<vmem_shared>>
      tpu.enqueue_dma source(%dma_start3A_2323 : memref<640x128xf32, #tpu.memory_space<vmem_shared>>) target(%dma_start3A_2321 : memref<640x128xf32, #tpu.memory_space<hbm>>) target_semaphore(%run_scoped3A : memref<!tpu.dma_semaphore, #tpu.memory_space<semaphore_mem>>)
      %dma_wait3A_2324 = arith.constant 0 : i32
      %dma_wait3A_2325 = tpu.memref_slice %arg4[%arg0, %mul3A_903, %dma_wait3A_2324] : memref<2x10000x128xf32, #tpu.memory_space<hbm>> -> memref<1x640x128xf32, #tpu.memory_space<hbm>>
      %dma_wait3A_2326 = tpu.memref_squeeze %dma_wait3A_2325 : memref<1x640x128xf32, #tpu.memory_space<hbm>> -> memref<640x128xf32, #tpu.memory_space<hbm>>
      %dma_wait3A_2327 = arith.constant 0 : i32
      %dma_wait3A_2328 = tpu.memref_slice %arg12[%mul3A_903, %dma_wait3A_2327] : memref<10000x128xf32, #tpu.memory_space<vmem_shared>> -> memref<640x128xf32, #tpu.memory_space<vmem_shared>>
      tpu.wait_dma2 semaphore(%run_scoped3A : memref<!tpu.dma_semaphore, #tpu.memory_space<semaphore_mem>>) src(%dma_wait3A_2328 : memref<640x128xf32, #tpu.memory_space<vmem_shared>>) dst(%dma_wait3A_2326 : memref<640x128xf32, #tpu.memory_space<hbm>>)
      tpu.yield
    }) : () -> ()
    return
  }
}

module attributes {stable_mosaic.version = 14 : i64} {
  func.func @_tc_body(%arg0: memref<10000x128xf32, #tpu.memory_space<vmem>>, %arg1: memref<2x10000x128xf32, #tpu.memory_space<vmem>>, %arg2: memref<128x128xf32, #tpu.memory_space<vmem>>, %arg3: memref<1x128xf32, #tpu.memory_space<vmem>>, %arg4: memref<1x128xf32, #tpu.memory_space<vmem>>, %arg5: memref<1x128xf32, #tpu.memory_space<vmem>>, %arg6: memref<10000x128xf32, #tpu.memory_space<vmem>>) attributes {dimension_semantics = [], scalar_prefetch = 0 : i64, scratch_operands = 0 : i64, tpu.core_type = #tpu.core_type<tc>} {
    %get3A = arith.constant 0 : index
    %get3A_0 = arith.constant 0 : index
    %get3A_1 = vector.load %arg0[%get3A, %get3A_0] : memref<10000x128xf32, #tpu.memory_space<vmem>>, vector<10000x128xf32>
    %get3A_2 = arith.constant 0 : index
    %get3A_3 = arith.constant 0 : index
    %get3A_4 = arith.constant 0 : index
    %get3A_5 = vector.load %arg1[%get3A_2, %get3A_3, %get3A_4] : memref<2x10000x128xf32, #tpu.memory_space<vmem>>, vector<1x10000x128xf32>
    %get3A_6 = vector.shape_cast %get3A_5 : vector<1x10000x128xf32> to vector<10000x128xf32>
    %get3A_7 = arith.constant 1 : index
    %get3A_8 = arith.constant 0 : index
    %get3A_9 = arith.constant 0 : index
    %get3A_10 = vector.load %arg1[%get3A_7, %get3A_8, %get3A_9] : memref<2x10000x128xf32, #tpu.memory_space<vmem>>, vector<1x10000x128xf32>
    %get3A_11 = vector.shape_cast %get3A_10 : vector<1x10000x128xf32> to vector<10000x128xf32>
    %add3A = arith.addf %get3A_6, %get3A_11 : vector<10000x128xf32>
    %add3A_12 = arith.addf %get3A_1, %add3A : vector<10000x128xf32>
    %get3A_13 = arith.constant 0 : index
    %get3A_14 = arith.constant 0 : index
    %get3A_15 = vector.load %arg2[%get3A_13, %get3A_14] : memref<128x128xf32, #tpu.memory_space<vmem>>, vector<128x128xf32>
    %dot_general3A = arith.constant dense<0.000000e+00> : vector<10000x128xf32>
    %dot_general3A_16 = tpu.matmul %add3A_12, %get3A_15, %dot_general3A {dimension_numbers = #tpu.dot_dimension_numbers<[1], [0], [0], [1], [0, 0, 1, 1], [], []>, transpose_lhs_hint = false} : vector<10000x128xf32>, vector<128x128xf32>, vector<10000x128xf32> -> vector<10000x128xf32>
    %get3A_17 = arith.constant 0 : index
    %get3A_18 = arith.constant 0 : index
    %get3A_19 = vector.load %arg3[%get3A_17, %get3A_18] : memref<1x128xf32, #tpu.memory_space<vmem>>, vector<1x128xf32>
    %add3A_20 = vector.broadcast %get3A_19 : vector<1x128xf32> to vector<10000x128xf32>
    %add3A_21 = arith.addf %dot_general3A_16, %add3A_20 : vector<10000x128xf32>
    %reduce_sum3A = arith.constant dense<0.000000e+00> : vector<128xf32>
    %reduce_sum3A_22 = vector.multi_reduction <add>, %add3A_21, %reduce_sum3A [0] : vector<10000x128xf32> to vector<128xf32>
    %broadcast_in_dim3A = vector.shape_cast %reduce_sum3A_22 : vector<128xf32> to vector<1x128xf32>
    %div3A = arith.constant 1.000000e+04 : f32
    %div3A_23 = vector.broadcast %div3A : f32 to vector<1x128xf32>
    %div3A_24 = arith.divf %broadcast_in_dim3A, %div3A_23 : vector<1x128xf32>
    %sub3A = vector.broadcast %div3A_24 : vector<1x128xf32> to vector<10000x128xf32>
    %sub3A_25 = arith.subf %add3A_21, %sub3A : vector<10000x128xf32>
    %mul3A = arith.mulf %sub3A_25, %sub3A_25 : vector<10000x128xf32>
    %reduce_sum3A_26 = arith.constant dense<0.000000e+00> : vector<128xf32>
    %reduce_sum3A_27 = vector.multi_reduction <add>, %mul3A, %reduce_sum3A_26 [0] : vector<10000x128xf32> to vector<128xf32>
    %broadcast_in_dim3A_28 = vector.shape_cast %reduce_sum3A_27 : vector<128xf32> to vector<1x128xf32>
    %div3A_29 = arith.constant 1.000000e+04 : f32
    %div3A_30 = vector.broadcast %div3A_29 : f32 to vector<1x128xf32>
    %div3A_31 = arith.divf %broadcast_in_dim3A_28, %div3A_30 : vector<1x128xf32>
    %add3A_32 = arith.constant 9.99999974E-6 : f32
    %add3A_33 = vector.broadcast %add3A_32 : f32 to vector<1x128xf32>
    %add3A_34 = arith.addf %div3A_31, %add3A_33 : vector<1x128xf32>
    %rsqrt3A = math.rsqrt %add3A_34 : vector<1x128xf32>
    %mul3A_35 = vector.broadcast %rsqrt3A : vector<1x128xf32> to vector<10000x128xf32>
    %mul3A_36 = arith.mulf %sub3A_25, %mul3A_35 : vector<10000x128xf32>
    %get3A_37 = arith.constant 0 : index
    %get3A_38 = arith.constant 0 : index
    %get3A_39 = vector.load %arg4[%get3A_37, %get3A_38] : memref<1x128xf32, #tpu.memory_space<vmem>>, vector<1x128xf32>
    %mul3A_40 = vector.broadcast %get3A_39 : vector<1x128xf32> to vector<10000x128xf32>
    %mul3A_41 = arith.mulf %mul3A_36, %mul3A_40 : vector<10000x128xf32>
    %get3A_42 = arith.constant 0 : index
    %get3A_43 = arith.constant 0 : index
    %get3A_44 = vector.load %arg5[%get3A_42, %get3A_43] : memref<1x128xf32, #tpu.memory_space<vmem>>, vector<1x128xf32>
    %add3A_45 = vector.broadcast %get3A_44 : vector<1x128xf32> to vector<10000x128xf32>
    %add3A_46 = arith.addf %mul3A_41, %add3A_45 : vector<10000x128xf32>
    %max3A = arith.constant 0.000000e+00 : f32
    %max3A_47 = vector.broadcast %max3A : f32 to vector<10000x128xf32>
    %max3A_48 = arith.maximumf %add3A_46, %max3A_47 : vector<10000x128xf32>
    %add3A_49 = arith.addf %get3A_1, %max3A_48 : vector<10000x128xf32>
    %swap3A = arith.constant 0 : index
    %swap3A_50 = arith.constant 0 : index
    %swap3A_51 = vector.load %arg6[%swap3A, %swap3A_50] : memref<10000x128xf32, #tpu.memory_space<vmem>>, vector<10000x128xf32>
    tpu.vector_store %arg6[%swap3A, %swap3A_50], %add3A_49 {strides = array<i32>} : memref<10000x128xf32, #tpu.memory_space<vmem>>, vector<10000x128xf32>,
    return
  }
}

</mosaic_0001>

<sc_bundles>
// kernel: kernel.4.cloned.1.call-start
scs
__scs_entry_jumppad:
0x0: {  	(pc) =	sbr.rel $0x88, $3  }
0x1: {  	(tag) =	ssettag $0x0;
	lr =	simm.s32 $0x1  }
0x2: {  	[smem:$0x3F9B] =	sst lr;
	_ =	strace $0xD0000000  }
0x3: {  	_ = 	snop  }
0x4: {  	_ = 	snop  }
0x5: {  	_ = 	snop  }
0x6: {  	_ = 	snop  }
0x7: {  	_ = 	snop  }
__scs_overlays_trampoline_lowered:
0x8: {  	[smem:$0x3FAA] =	sst s0  }
0x9: {  	[smem:$0x3FAB] =	sst s1  }
0xa: {  	[smem:$0x3FAC] =	sst s2  }
0xb: {  	[smem:$0x3FAD] =	sst s3  }
0xc: {  	[smem:$0x3FAE] =	sst s4  }
0xd: {  	[smem:$0x3FAF] =	sst s5  }
0xe: {  	[smem:$0x3FB0] =	sst s6  }
0xf: {  	[smem:$0x3FB1] =	sst s7  }
0x10: {  	[smem:$0x3FB2] =	sst s8  }
0x11: {  	[smem:$0x3FB3] =	sst s9;
	s0 =	simm.s32 @!p0 $0x0  }
0x12: {  	s1 =	sld [smem:$0x3F99];
	s0 =	simm.s32 @p0 $0x1  }
0x13: {  	[smem:$0x3FB4] =	sst s0;
	s0 =	simm.s32 @!p1 $0x0  }
0x14: {  	s2 =	sld [smem:$0x3F98];
	s0 =	simm.s32 @p1 $0x1  }
0x15: {  	[smem:$0x3FB5] =	sst s0;
	s0 =	simm.s32 @!p2 $0x0  }
0x16: {  	s3 =	sld [smem:$0x3FDB];
	s0 =	simm.s32 @p2 $0x1  }
0x17: {  	s4 =	simm.s32 $0x1BF5;
	[smem:$0x3FB7] =	sst s0  }
0x18: {  	s0 =	sld [smem:$0x3F9A];
	_ =	swait.ge [sflag:s4], $0x0  }
0x19: {  	s7 =	sld [smem:$0x3F9B]  }
0x1a: {  	s8 =	sadd.s32 $0xFFFFE003, lr  }
0x1b: {  	s9 =	sadd.s32 $0xFFFFFEF7, lr;
	s5 =	simm.s32 $0xFFFFFFFF;
	p2 =	slt.u32 s8, $0xFFFFF086  }
0x1c: {  	p1 =	slt.u32 s9, $0xF7A;
	s5 =	simm.s32 @!p2 $0x0  }
0x1d: {  	s5 =	simm.s32 @p1 $0x1;
	p0 =	seq.s32 s7, s2  }
0x1e: {  	s7 =	smul.u32 @!p0 $0xF7A, s2;
	p2 =	seq.s32 @!p0 s5, $0x0  }
0x1f: {  	s9 =	smul.u32 $0xF7A, s1;
	s8 =	simm.s32 @!p0 $0x1BF5;
	p2 =	por !p2, p0  }
0x20: {  	[sflag:s8] =	ssyncset.s32 @!p0 $0xFFFFF086;
	s6 =	sadd.s32 @!p0 s3, s7;
	s7 =	simm.s32 @!p0 $0x108  }
0x21: {  	s3 =	sadd.s32 s3, s9;
	s6 =	sadd.s32 @!p0 $0x88, s6;
	s7 =	simm.s32 @p2 $0x1082  }
0x22: {  	[simem:s7], [sflag:s8] =	dma.local @!p0 [hbm:s6], $0xF7A  }
0x23: {  	s9 =	sor.u32 $0xD0000000, s2;
	s6 =	simm.s32 $0x108;
	_ =	swait.ge @!p0 [sflag:s8], $0x0  }
0x24: {  	s3 =	sadd.s32 $0x88, s3;
	s6 =	simm.s32 @!p1 $0x1082;
	[sflag:s4] =	ssyncset.s32 $0xFFFFF086  }
0x25: {  	[simem:s6], [sflag:s4] =	dma.local [hbm:s3], $0xF7A  }
0x26: {  	[smem:$0x3F9B] =	sst s1;
	(tag) =	ssettag s2;
	_ =	strace s9  }
0x27: {  	s1 =	sld [smem:$0x3FAB]  }
0x28: {  	s2 =	sld [smem:$0x3FAC]  }
0x29: {  	s4 =	sld [smem:$0x3FAE]  }
0x2a: {  	p0 =	seq.s32 s5, $0x0;
	s5 =	sld [smem:$0x3FAF]  }
0x2b: {  	s6 =	sld [smem:$0x3FB0]  }
0x2c: {  	s7 =	sld [smem:$0x3FB1]  }
0x2d: {  	s3 =	simm.s32 $0x108;
	s8 =	sld [smem:$0x3FB2]  }
0x2e: {  	s3 =	simm.s32 @!p0 $0x1082;
	s9 =	sld [smem:$0x3FB3]  }
0x2f: {  	lr =	sadd.s32 s0, s3;
	s0 =	sld [smem:$0x3FAA]  }
0x30: {  	s3 =	sld [smem:$0x3FAD]  }
0x31: {  	[smem:$0x3FB6] =	sst s10  }
0x32: {  	s10 =	sld [smem:$0x3FB4];
	_ =	sdelay $0x3  }
0x33: {  	p0 =	seq.s32 s10, $0x1;
	s10 =	sld [smem:$0x3FB6];
	_ =	sdelay $0x3  }
0x34: {  	[smem:$0x3FB6] =	sst s10  }
0x35: {  	s10 =	sld [smem:$0x3FB5];
	_ =	sdelay $0x3  }
0x36: {  	p1 =	seq.s32 s10, $0x1;
	s10 =	sld [smem:$0x3FB6];
	_ =	sdelay $0x3  }
0x37: {  	[smem:$0x3FB6] =	sst s10  }
0x38: {  	s10 =	sld [smem:$0x3FB7]  }
0x39: {  	_ = 	snop;
	(pc) =	sbr.ind lr, $3  }
0x3a: {  	_ = 	snop  }
0x3b: {  	_ = 	snop  }
0x3c: {  	p2 =	seq.s32 s10, $0x1;
	s10 =	sld [smem:$0x3FB6]  }
0x3d: {  	_ =	shalt  }
0x3e: {  	_ =	shalt  }
0x3f: {  	_ =	shalt  }
0x40: {  	_ =	shalt  }
0x41: {  	_ =	shalt  }
0x42: {  	_ =	shalt  }
0x43: {  	_ =	shalt  }
0x44: {  	_ =	shalt  }
0x45: {  	_ =	shalt  }
0x46: {  	_ =	shalt  }
0x47: {  	_ =	shalt  }
0x48: {  	_ =	shalt  }
0x49: {  	_ =	shalt  }
0x4a: {  	_ =	shalt  }
0x4b: {  	_ =	shalt  }
0x4c: {  	_ =	shalt  }
0x4d: {  	_ =	shalt  }
0x4e: {  	_ =	shalt  }
0x4f: {  	_ =	shalt  }
0x50: {  	_ =	shalt  }
0x51: {  	_ =	shalt  }
0x52: {  	_ =	shalt  }
0x53: {  	_ =	shalt  }
0x54: {  	_ =	shalt  }
0x55: {  	_ =	shalt  }
0x56: {  	_ =	shalt  }
0x57: {  	_ =	shalt  }
0x58: {  	_ =	shalt  }
0x59: {  	_ =	shalt  }
0x5a: {  	_ =	shalt  }
0x5b: {  	_ =	shalt  }
0x5c: {  	_ =	shalt  }
0x5d: {  	_ =	shalt  }
0x5e: {  	_ =	shalt  }
0x5f: {  	_ =	shalt  }
0x60: {  	_ =	shalt  }
0x61: {  	_ =	shalt  }
0x62: {  	_ =	shalt  }
0x63: {  	_ =	shalt  }
0x64: {  	_ =	shalt  }
0x65: {  	_ =	shalt  }
0x66: {  	_ =	shalt  }
0x67: {  	_ =	shalt  }
0x68: {  	_ =	shalt  }
0x69: {  	_ =	shalt  }
0x6a: {  	_ =	shalt  }
0x6b: {  	_ =	shalt  }
0x6c: {  	_ =	shalt  }
0x6d: {  	_ =	shalt  }
0x6e: {  	_ =	shalt  }
0x6f: {  	_ =	shalt  }
0x70: {  	_ =	shalt  }
0x71: {  	_ =	shalt  }
0x72: {  	_ =	shalt  }
0x73: {  	_ =	shalt  }
0x74: {  	_ =	shalt  }
0x75: {  	_ =	shalt  }
0x76: {  	_ =	shalt  }
0x77: {  	_ =	shalt  }
0x78: {  	_ =	shalt  }
0x79: {  	_ =	shalt  }
0x7a: {  	_ =	shalt  }
0x7b: {  	_ =	shalt  }
0x7c: {  	_ =	shalt  }
0x7d: {  	_ =	shalt  }
0x7e: {  	_ =	shalt  }
0x7f: {  	_ =	shalt  }
0x80: {  	_ =	shalt  }
0x81: {  	_ =	shalt  }
0x82: {  	_ =	shalt  }
0x83: {  	_ =	shalt  }
0x84: {  	_ =	shalt  }
0x85: {  	_ =	shalt  }
0x86: {  	_ =	shalt  }
0x87: {  	_ =	shalt  }
.Lfunc_end0:
.L_simem_size_0:
called_computation_lowered:
.L_overlay_start_0:
0x88: {  	s2 =	sld [smem:$0x3FD9]  }
0x89: {  	s3 =	sld [smem:$0x3FFE];
	_ =	sdelay $0x1  }
0x8a: {  	s1 =	srdreg.scid  }
0x8b: {  	s0 =	sand.u32 $0x1, s1  }
0x8c: {  	s17 =	sshll.u32 s0, $0xA;
	s2 =	sadd.s32 s3, s2  }
0x8d: {  	s2 =	sadd.s32 s2, s17  }
0x8e: {  	[smem:$0x3FC2] =	sst s2  }
0x8f: {  	_ = 	snop  }
0x90: {  	s2 =	sld [smem:$0x3FC9]  }
0x91: {  	s18 =	sld [smem:$0x3FC8]  }
0x92: {  	s4 =	sld [smem:$0x3FD0];
	(tm) =	ssettm $0x1  }
0x93: {  	s5 =	sld [smem:$0x3FFB];
	_ =	sdelay $0x3  }
0x94: {  	_ =	strace s5  }
0x95: {  	s5 =	sld [smem:$0x3FFC];
	_ =	sdelay $0x3  }
0x96: {  	_ =	strace s5  }
0x97: {  	s5 =	sld [smem:$0x3FFD];
	_ =	sdelay $0x3  }
0x98: {  	_ =	strace s5  }
0x99: {  	_ =	strace $0x8FFFFFFF  }
0x9a: {  	s19 =	sld [smem:$0x3FDB];
	_ =	sdelay $0x1  }
0x9b: {  	s6 =	simm.s32 $_scs_section_size  }
0x9c: {  	s7 =	simm.s32 $_size__tile_overlayer_lowered;
	s8 =	simm.s32 $_tile_overlayer_lowered  }
0x9d: {  	s22 =	simm.s32 $0x1BFF;
	s21 =	sshll.u32 s8, $0x1;
	s5 =	sadd.s32 s6, s19  }
0x9e: {  	s9 =	simm.s32 $0x0;
	s20 =	sshll.u32 s7, $0x1;
	s7 =	sadd.s32 s21, s5  }
0x9f: {  	[timem:s9], [sflag:s22] =	dma.local [hbm:s7], s20  }
0xa0: {  	_ =	swait.ge [sflag:s22], s20  }
0xa1: {  	s6 =	ssub.s32 $0x0, s20;
	[sflag:s22] =	ssyncset.done $0x0  }
0xa2: {  	[sflag:s22] =	ssyncadd.s32 s6;
	_ =	sdelay $0x1  }
0xa3: {  	s23 =	simm.s32 $0x1B8B  }
0xa4: {  	_ =	swait.ge [sflag:s23], $0x1  }
0xa5: {  	[sflag:s23] =	ssyncset.done $0x0  }
0xa6: {  	s25 =	simm.s32 $0x1B8E;
	s24 =	sld [smem:$0x3FFE];
	[sflag:s23] =	ssyncadd.s32 $0xFFFFFFFF  }
0xa7: {  	s26 =	simm.s32 $execute0_lowered;
	[smem:$0x3FD2] =	sst s25  }
0xa8: {  	s7 =	sshll.u32 s26, $0x1;
	_ =	strace $0x80000046;
	[dreg:$0x1] =	wrdreg $0xFFFFFFFF  }
0xa9: {  	s28 =	simm.s32 $_size_execute0_lowered;
	s5 =	sadd.s32 s5, s7;
	[dreg:$0x0] =	wrdreg $0x0  }
0xaa: {  	s7 =	sshll.u32 s28, $0x1;
	[dreg:$0x2] =	wrdreg s5  }
0xab: {  	[dreg:$0x3] =	wrdreg s7  }
0xac: {  	[dreg:$0x4] =	wrdreg $0xC0  }
0xad: {  	_ =	task [dreg:s9], $0x5FFFF  }
0xae: {  	[dreg:$0x1] =	wrdreg $0xFFFFFFFF  }
0xaf: {  	[dreg:$0x0] =	wrdreg $0x60  }
0xb0: {  	[dreg:$0x2] =	wrdreg s2  }
0xb1: {  	[dreg:$0x3] =	wrdreg s18  }
0xb2: {  	[dreg:$0x4] =	wrdreg s24  }
0xb3: {  	[dreg:$0x5] =	wrdreg s4  }
0xb4: {  	[dreg:$0x6] =	wrdreg $0x9C000  }
0xb5: {  	[dreg:$0x7] =	wrdreg $0x9  }
0xb6: {  	_ =	task.clear_ibuf [dreg:s9], $0x8FFFF;
	_ =	strace $0x90000046  }
0xb7: {  	s29 =	simm.s32 $0x9;
	_ =	strace $0x80000048  }
0xb8: {  	_ =	swait.ge [sflag:s29], $0x1  }
0xb9: {  	[sflag:s29] =	ssyncadd.s32 $0xFFFFFFFF  }
0xba: {  	_ =	strace $0x90000048  }
0xbb: {  	_ =	sfence  }
0xbc: {  	s30 =	sld [smem:$0x0];
	_ =	sdelay $0x2  }
0xbd: {  	s31 =	sshll.u32 s1, $0xD;
	s1 =	sshrl.u32 s1, $0x2  }
0xbe: {  	s3 =	sand.u32 $0x4000, s31;
	s1 =	sadd.s32 s1, s30  }
0xbf: {  	s0 =	sor.u32 s3, s0;
	s1 =	sshll.u32 s1, $0x11  }
0xc0: {  	s0 =	sor.u32 s1, s0  }
0xc1: {  	s0 =	sadd.s32 $0x8F2B, s0  }
0xc2: {  	[sflag:s0] =	ssyncadd.remote.s32 $0x1  }
0xc3: {  	_ =	sfence.sel $0xFFFF  }
0xc4: {  	[dreg:$0x0] =	wrdreg $0xFFFFFFFF;
	(pc) =	sbr.abs _section_cstart, $3  }
0xc5: {  	[dreg:$0x1] =	wrdreg $0xFFFFFFFF  }
0xc6: {  	_ =	task.clear_ibuf [dreg:s9], $0x2FFFF;
	_ =	strace $0x9FFFFFFF  }
0xc7: {  	(tm) =	ssettm $0x7FFFFFFF  }
tec
execute0_lowered:
.L_overlay_start_1:
0x0: {  	(tag) =	ssettag $0x1  }
0x1: {  	s0 =	srdreg.scid;
	s5 =	rddreg [dreg:$0x1]  }
0x2: {  	s21 =	stileid.u32;
	s7 =	rddreg [dreg:$0x2];
	s0 =	sand.u32 $0x1, s0  }
0x3: {  	s3 =	simm.s32 $0x0;
	s8 =	smul.u32 $0x13800, s21;
	s2 =	sshll.u32 s0, $0x4  }
0x4: {  	s6 =	smul.u32 $0x138800, s0;
	s0 =	ssub.s32 $0x2, s0;
	s4 =	sor.u32 s21, s2  }
0x5: {  	[smem:$0x7FF] =	sst s3;
	s23 =	sshrl.u32 s0, $0x1;
	s4 =	smul.u32 $0x2710, s4  }
0x6: {  	s2 =	rddreg [dreg:$0x3];
	s6 =	sadd.s32 s8, s6;
	s8 =	ssub.s32 s0, s23  }
0x7: {  	s6 =	sshrl.u32 s6, $0x3;
	s9 =	sand.u32 $0x7FF80, s4;
	s10 =	sshrl.u32 s4, $0x7  }
0x8: {  	s11 =	sadd.s32 $0x400, s9;
	s24 =	sshll.u32 s10, $0x5;
	s13 =	sadd.s32 $0xC00, s9  }
0x9: {  	s15 =	sadd.s32 $0x1000, s9;
	s16 =	sadd.s32 $0x1800, s9;
	s18 =	sadd.s32 $0x1C00, s9  }
0xa: {  	s23 =	sshll.u32 s10, $0x4;
	s12 =	sshrl.u32 s11, $0x2;
	s0 =	sadd.s32 s5, s24  }
0xb: {  	s28 =	sshrl.u32 s13, $0x2;
	[dreg:$0x6] =	wrdreg s0;
	s0 =	sadd.s32 $0x800, s9  }
0xc: {  	s14 =	sshrl.u32 s15, $0x2;
	s25 =	sadd.s32 s5, s12;
	s26 =	sshrl.u32 s0, $0x2  }
0xd: {  	s1 =	sshrl.u32 s16, $0x2;
	[dreg:$0x7] =	wrdreg s25;
	s12 =	sadd.s32 s5, s26  }
0xe: {  	s17 =	sshrl.u32 s18, $0x2;
	[dreg:$0x8] =	wrdreg s12;
	s12 =	sadd.s32 s5, s28  }
0xf: {  	s29 =	sadd.s32 s5, s14;
	[dreg:$0x9] =	wrdreg s12;
	s12 =	sadd.s32 $0x1400, s9  }
0x10: {  	s19 =	sadd.s32 s5, s17;
	[dreg:$0xa] =	wrdreg s29;
	s31 =	sshrl.u32 s12, $0x2  }
0x11: {  	s24 =	sshrl.u32 s11, $0x3;
	[dreg:$0xd] =	wrdreg s19;
	s14 =	sadd.s32 s5, s31  }
0x12: {  	[dreg:$0xb] =	wrdreg s14;
	s14 =	sadd.s32 s5, s1;
	s1 =	sadd.s32 $0x2000, s9  }
0x13: {  	s9 =	sadd.s32 $0x2400, s9;
	[dreg:$0xc] =	wrdreg s14;
	s20 =	sshrl.u32 s1, $0x2  }
0x14: {  	s14 =	rddreg [dreg:$0x4];
	s22 =	sshrl.u32 s9, $0x2;
	s17 =	sadd.s32 s5, s20  }
0x15: {  	s10 =	sshrl.u32 s15, $0x3;
	s5 =	sadd.s32 s5, s22;
	[dreg:$0xe] =	wrdreg s17  }
0x16: {  	s25 =	sadd.s32 s2, s23;
	s0 =	sshrl.u32 s0, $0x3;
	[dreg:$0xf] =	wrdreg s5  }
0x17: {  	s26 =	sadd.s32 s2, s24;
	_ =	strace $0x80000047;
	[dreg:$0x10] =	wrdreg s25  }
0x18: {  	s29 =	sshrl.u32 s13, $0x3;
	s31 =	sadd.s32 s2, s0;
	[dreg:$0x12] =	wrdreg s26  }
0x19: {  	s20 =	sadd.s32 s6, s7;
	s6 =	sadd.s32 s2, s29;
	[dreg:$0x14] =	wrdreg s31  }
0x1a: {  	s11 =	sshrl.u32 s12, $0x3;
	s12 =	sadd.s32 s2, s10;
	[dreg:$0x16] =	wrdreg s6  }
0x1b: {  	s16 =	sshrl.u32 s16, $0x3;
	s13 =	sadd.s32 s2, s11;
	[dreg:$0x18] =	wrdreg s12  }
0x1c: {  	s22 =	sadd.s32 s2, s16;
	[dreg:$0x1a] =	wrdreg s13  }
0x1d: {  	s8 =	smax.u32 s8, $0x1;
	s17 =	sadd.s32 $0x1400, s7;
	[smem:$0x79F] =	sst s22  }
0x1e: {  	s5 =	sadd.s32 s17, s23;
	[smem:$0x7AE] =	sst s8  }
0x1f: {  	s28 =	sadd.s32 s17, s24;
	[dreg:$0x11] =	wrdreg s5  }
0x20: {  	s0 =	sadd.s32 s17, s0;
	[dreg:$0x13] =	wrdreg s28  }
0x21: {  	s7 =	sadd.s32 s17, s29;
	[dreg:$0x15] =	wrdreg s0  }
0x22: {  	s19 =	sshrl.u32 s18, $0x3;
	s15 =	sadd.s32 s17, s11;
	[dreg:$0x17] =	wrdreg s7  }
0x23: {  	s23 =	sadd.s32 s2, s19;
	[smem:$0x79E] =	sst s15  }
0x24: {  	s9 =	sshrl.u32 s9, $0x3;
	s24 =	sadd.s32 s17, s19;
	[smem:$0x7A1] =	sst s23  }
0x25: {  	s31 =	sadd.s32 s2, s9;
	[smem:$0x7A2] =	sst s24  }
0x26: {  	s9 =	sadd.s32 s17, s9;
	[dreg:$0x1b] =	wrdreg s31  }
0x27: {  	s22 =	sadd.s32 $0xB200, s20;
	[dreg:$0x1c] =	wrdreg s9  }
0x28: {  	s25 =	sshrl.u32 s1, $0x3;
	s0 =	sadd.s32 s17, s10;
	[smem:$0x7AD] =	sst s22  }
0x29: {  	s26 =	smul.u32 $0x4E000, s21;
	s28 =	sadd.s32 s2, s25;
	[dreg:$0x19] =	wrdreg s0  }
0x2a: {  	s29 =	sadd.s32 s17, s25;
	[smem:$0x7A3] =	sst s28  }
0x2b: {  	s0 =	sadd.s32 s17, s16;
	[smem:$0x7A4] =	sst s29;
	s10 =	sshrl.u32 s26, $0x2  }
0x2c: {  	[smem:$0x7A0] =	sst s0;
	s0 =	sshrl.u32 s4, $0x3;
	s13 =	sadd.s32 s10, s14  }
0x2d: {  	s12 =	sadd.s32 s2, s0;
	[dreg:$0x1d] =	wrdreg s13  }
0x2e: {  	s14 =	sadd.s32 s17, s0;
	[smem:$0x7A7] =	sst s12  }
0x2f: {  	s23 =	sadd.s32 $0x400, s13;
	[smem:$0x7A8] =	sst s14  }
0x30: {  	s24 =	sadd.s32 $0x800, s13;
	[smem:$0x7AF] =	sst s23  }
0x31: {  	s25 =	sadd.s32 $0xC00, s13;
	[smem:$0x7B0] =	sst s24  }
0x32: {  	s26 =	sadd.s32 $0x1000, s13;
	[smem:$0x7B1] =	sst s25  }
0x33: {  	s1 =	sadd.s32 $0xA, s0;
	s28 =	sadd.s32 $0x1400, s13;
	[smem:$0x7B2] =	sst s26  }
0x34: {  	s6 =	sadd.s32 $0x14, s0;
	s29 =	sadd.s32 $0x1800, s13;
	[smem:$0x7B3] =	sst s28  }
0x35: {  	s15 =	sadd.s32 $0x1E, s0;
	s31 =	sadd.s32 $0x1C00, s13;
	[smem:$0x7B4] =	sst s29  }
0x36: {  	s16 =	sadd.s32 $0x28, s0;
	s0 =	sadd.s32 $0x2000, s13;
	[smem:$0x7B5] =	sst s31  }
0x37: {  	s10 =	sadd.s32 $0x3800, s13;
	[smem:$0x7B6] =	sst s0  }
0x38: {  	s11 =	sadd.s32 $0x3C00, s13;
	[smem:$0x7BC] =	sst s10  }
0x39: {  	s20 =	sadd.s32 $0x5800, s13;
	[smem:$0x7BD] =	sst s11  }
0x3a: {  	s22 =	sadd.s32 $0x6000, s13;
	[smem:$0x7C4] =	sst s20  }
0x3b: {  	s5 =	sadd.s32 s2, s1;
	[smem:$0x7C6] =	sst s22  }
0x3c: {  	s9 =	sadd.s32 s17, s1;
	[dreg:$0x1e] =	wrdreg s5  }
0x3d: {  	s7 =	sadd.s32 s2, s6;
	[dreg:$0x1f] =	wrdreg s9  }
0x3e: {  	s18 =	sadd.s32 s2, s15;
	[smem:$0x7A5] =	sst s7  }
0x3f: {  	s19 =	sadd.s32 s2, s16;
	[smem:$0x7A9] =	sst s18  }
0x40: {  	s21 =	sadd.s32 s17, s16;
	[smem:$0x7AB] =	sst s19  }
0x41: {  	s1 =	sadd.s32 $0x2400, s13;
	[smem:$0x7AC] =	sst s21  }
0x42: {  	s12 =	sadd.s32 $0x4000, s13;
	[smem:$0x7B7] =	sst s1  }
0x43: {  	s14 =	sadd.s32 $0x4400, s13;
	[smem:$0x7BE] =	sst s12  }
0x44: {  	s16 =	sadd.s32 $0x4C00, s13;
	[smem:$0x7BF] =	sst s14  }
0x45: {  	s23 =	sadd.s32 $0x6400, s13;
	[smem:$0x7C1] =	sst s16  }
0x46: {  	s24 =	sadd.s32 $0x6800, s13;
	[smem:$0x7C7] =	sst s23  }
0x47: {  	s25 =	sadd.s32 $0x6C00, s13;
	[smem:$0x7C8] =	sst s24  }
0x48: {  	s26 =	sadd.s32 $0x7000, s13;
	[smem:$0x7C9] =	sst s25  }
0x49: {  	s28 =	sadd.s32 $0x7400, s13;
	[smem:$0x7CA] =	sst s26  }
0x4a: {  	s29 =	sadd.s32 $0x7800, s13;
	[smem:$0x7CB] =	sst s28  }
0x4b: {  	s31 =	sadd.s32 $0x7C00, s13;
	[smem:$0x7CC] =	sst s29  }
0x4c: {  	s0 =	sadd.s32 $0x8000, s13;
	[smem:$0x7CD] =	sst s31  }
0x4d: {  	s10 =	sadd.s32 $0x9800, s13;
	[smem:$0x7CE] =	sst s0  }
0x4e: {  	s11 =	sadd.s32 $0x9C00, s13;
	[smem:$0x7D4] =	sst s10  }
0x4f: {  	s20 =	sadd.s32 $0xB800, s13;
	[smem:$0x7D5] =	sst s11  }
0x50: {  	s22 =	sadd.s32 $0xC000, s13;
	[smem:$0x7DC] =	sst s20  }
0x51: {  	s9 =	sadd.s32 s17, s6;
	[smem:$0x7DE] =	sst s22  }
0x52: {  	s5 =	sadd.s32 $0x2800, s13;
	[smem:$0x7A6] =	sst s9  }
0x53: {  	s6 =	sadd.s32 $0x2C00, s13;
	[smem:$0x7B8] =	sst s5  }
0x54: {  	s7 =	sadd.s32 $0x3000, s13;
	[smem:$0x7B9] =	sst s6  }
0x55: {  	s18 =	sadd.s32 $0x5000, s13;
	[smem:$0x7BA] =	sst s7  }
0x56: {  	s19 =	sadd.s32 $0x5400, s13;
	[smem:$0x7C2] =	sst s18  }
0x57: {  	s21 =	sadd.s32 $0x5C00, s13;
	[smem:$0x7C3] =	sst s19  }
0x58: {  	s1 =	sadd.s32 $0x8400, s13;
	[smem:$0x7C5] =	sst s21  }
0x59: {  	s12 =	sadd.s32 $0xA000, s13;
	[smem:$0x7CF] =	sst s1  }
0x5a: {  	s14 =	sadd.s32 $0xA400, s13;
	[smem:$0x7D6] =	sst s12  }
0x5b: {  	s16 =	sadd.s32 $0xAC00, s13;
	[smem:$0x7D7] =	sst s14  }
0x5c: {  	s23 =	sadd.s32 $0xC400, s13;
	[smem:$0x7D9] =	sst s16  }
0x5d: {  	s24 =	sadd.s32 $0xC800, s13;
	[smem:$0x7DF] =	sst s23  }
0x5e: {  	s25 =	sadd.s32 $0xCC00, s13;
	[smem:$0x7E0] =	sst s24  }
0x5f: {  	s26 =	sadd.s32 $0xD000, s13;
	[smem:$0x7E1] =	sst s25  }
0x60: {  	s28 =	sadd.s32 $0xD400, s13;
	[smem:$0x7E2] =	sst s26  }
0x61: {  	s29 =	sadd.s32 $0xD800, s13;
	[smem:$0x7E3] =	sst s28  }
0x62: {  	s31 =	sadd.s32 $0xDC00, s13;
	[smem:$0x7E4] =	sst s29  }
0x63: {  	s0 =	sadd.s32 $0xE000, s13;
	[smem:$0x7E5] =	sst s31  }
0x64: {  	s10 =	sadd.s32 $0xF800, s13;
	[smem:$0x7E6] =	sst s0  }
0x65: {  	s11 =	sadd.s32 $0xFC00, s13;
	[smem:$0x7EC] =	sst s10  }
0x66: {  	s20 =	sadd.s32 $0x11800, s13;
	[smem:$0x7ED] =	sst s11  }
0x67: {  	s22 =	sadd.s32 $0x12000, s13;
	[smem:$0x7F4] =	sst s20  }
0x68: {  	s9 =	sadd.s32 s17, s15;
	[smem:$0x7F6] =	sst s22  }
0x69: {  	s15 =	sadd.s32 $0x4800, s13;
	[smem:$0x7AA] =	sst s9  }
0x6a: {  	s5 =	sadd.s32 $0x8800, s13;
	[smem:$0x7C0] =	sst s15  }
0x6b: {  	s6 =	sadd.s32 $0x8C00, s13;
	[smem:$0x7D0] =	sst s5  }
0x6c: {  	s7 =	sadd.s32 $0x9000, s13;
	[smem:$0x7D1] =	sst s6  }
0x6d: {  	s18 =	sadd.s32 $0xB000, s13;
	[smem:$0x7D2] =	sst s7  }
0x6e: {  	s19 =	sadd.s32 $0xB400, s13;
	[smem:$0x7DA] =	sst s18  }
0x6f: {  	s21 =	sadd.s32 $0xBC00, s13;
	[smem:$0x7DB] =	sst s19  }
0x70: {  	s1 =	sadd.s32 $0xE400, s13;
	[smem:$0x7DD] =	sst s21  }
0x71: {  	s12 =	sadd.s32 $0x10000, s13;
	[smem:$0x7E7] =	sst s1  }
0x72: {  	s14 =	sadd.s32 $0x10400, s13;
	[smem:$0x7EE] =	sst s12  }
0x73: {  	s16 =	sadd.s32 $0x10C00, s13;
	[smem:$0x7EF] =	sst s14  }
0x74: {  	s23 =	sadd.s32 $0x12400, s13;
	[smem:$0x7F1] =	sst s16  }
0x75: {  	s24 =	sadd.s32 $0x12800, s13;
	[smem:$0x7F7] =	sst s23  }
0x76: {  	s25 =	sadd.s32 $0x12C00, s13;
	[smem:$0x7F8] =	sst s24  }
0x77: {  	s26 =	sadd.s32 $0x13000, s13;
	[smem:$0x7F9] =	sst s25  }
0x78: {  	s28 =	sadd.s32 $0x13400, s13;
	[smem:$0x7FA] =	sst s26  }
0x79: {  	s29 =	sadd.s32 $0x13800, s13;
	[smem:$0x7FB] =	sst s28  }
0x7a: {  	s31 =	sadd.s32 $0x13C00, s13;
	[smem:$0x7FC] =	sst s29  }
0x7b: {  	s9 =	sadd.s32 $0x3400, s13;
	[smem:$0x7FD] =	sst s31  }
0x7c: {  	s15 =	sadd.s32 $0xA800, s13;
	[smem:$0x7BB] =	sst s9  }
0x7d: {  	s5 =	sadd.s32 $0xE800, s13;
	[smem:$0x7D8] =	sst s15  }
0x7e: {  	s6 =	sadd.s32 $0xEC00, s13;
	[smem:$0x7E8] =	sst s5  }
0x7f: {  	s7 =	sadd.s32 $0xF000, s13;
	[smem:$0x7E9] =	sst s6  }
0x80: {  	s18 =	sadd.s32 $0x11000, s13;
	[smem:$0x7EA] =	sst s7  }
0x81: {  	s30 =	simm.s32 $0xB;
	s19 =	sadd.s32 $0x11400, s13;
	[smem:$0x7F2] =	sst s18  }
.Ltmp0:
0x82: {  	s21 =	sadd.s32 $0x11C00, s13;
	[smem:$0x7F3] =	sst s19;
	(pc) =	sbr.rel .LBB2_1-.Ltmp0, $4  }
0x83: {  	s8 =	simm.s32 $0xD;
	s9 =	sadd.s32 $0x9400, s13;
	[smem:$0x7F5] =	sst s21  }
0x84: {  	s11 =	simm.s32 $0x9800;
	s15 =	sadd.s32 $0x10800, s13;
	[smem:$0x7D3] =	sst s9  }
0x85: {  	s10 =	simm.s32 $0x9;
	s9 =	sadd.s32 $0xF400, s13;
	[smem:$0x7F0] =	sst s15  }
0x86: {  	v0 =	vimm.f32 $0.0e+00;
	s18 =	simm.s32 $0x50;
	s5 =	simm.s32 $0x0;
	[smem:$0x7EB] =	sst s9  }
.LBB2_14:
0x87: {  	s0 =	simm.s32 $0x6  }
0x88: {  	_ =	swait.ge [sflag:s0], $0x2800  }
0x89: {  	[sflag:s0] =	ssyncset.done $0x0  }
0x8a: {  	s26 =	simm.s32 $0x4;
	[sflag:s0] =	ssyncadd.s32 $0xFFFFD800  }
0x8b: {  	_ =	swait.ge [sflag:s26], $0x2800  }
0x8c: {  	[sflag:s26] =	ssyncset.done $0x0  }
0x8d: {  	s28 =	simm.s32 $0x5;
	[sflag:s26] =	ssyncadd.s32 $0xFFFFD800  }
0x8e: {  	_ =	swait.ge [sflag:s28], $0x2800  }
0x8f: {  	[sflag:s28] =	ssyncset.done $0x0  }
0x90: {  	[sflag:s28] =	ssyncadd.s32 $0xFFFFD800  }
0x91: {  	[bflag:$0x0] =	sbarrier.arrive $0xFFFF  }
0x92: {  	s20 =	stileid.u32;
	s22 =	sld [smem:$0x7AD]  }
0x93: {  	s20 =	sshll.u32 s20, $0x6;
	s21 =	rddreg [dreg:$0x1d]  }
0x94: {  	s29 =	simm.s32 $0xE;
	s20 =	sor.u32 $0x1C0E, s20;
	s21 =	sshrl.u32 s21, $0x3  }
0x95: {  	[hbm:s22], [sflag:s20] =	dma.local [spmem:s21], $0x2800  }
0x96: {  	_ =	swait.ge [sflag:s29], $0x2800  }
0x97: {  	s31 =	sld [smem:$0x7AE];
	_ =	sdelay $0x1  }
0x98: {  	s5 =	sadd.s32 $0x1, s5  }
0x99: {  	p0 =	sne.s32 s5, s31  }
.Ltmp1:
0x9a: {  	_ = 	snop;
	(pc) =	sbr.rel @!p0 .LBB2_15-.Ltmp1, $3  }
0x9b: {  	_ =	sdelay $0x1  }
0x9c: {  	[sflag:s29] =	ssyncset.done $0x0  }
0x9d: {  	[sflag:s29] =	ssyncadd.s32 $0xFFFFD800  }
.LBB2_1:
0x9e: {  	[smem:$0x79D] =	sst s5  }
0x9f: {  	s20 =	rddreg [dreg:$0x6];
	s22 =	simm.s32 $0x1000  }
0xa0: {  	[tilespmem:s22], [sflag:$0x9] =	stream.linear.gather [hbm4b:s20+s3], $0x800, $0x38;
	[tilespmem:$0x1D480] =	vst v63  }
0xa1: {  	s29 =	rddreg [dreg:$0x7];
	s23 =	simm.s32 $0x1800  }
0xa2: {  	[tilespmem:s23], [sflag:$0xA] =	stream.linear.gather [hbm4b:s29+s3], $0x800, $0x38;
	[tilespmem:$0x1D480] =	vst v63  }
0xa3: {  	_ =	swait.ge [sflag:s10], $0x800  }
0xa4: {  	[sflag:s10] =	ssyncset.done $0x0  }
0xa5: {  	s21 =	rddreg [dreg:$0x10];
	[sflag:s10] =	ssyncadd.s32 $0xFFFFF800  }
0xa6: {  	[hbm4b:s21+s3] =	stream.linear.scatter [tilespmem:s22], [sflag:$0xB], $0x80, $0x38;
	[tilespmem:$0x1D480] =	vst v63  }
0xa7: {  	s0 =	simm.s32 $0x1100;
	s31 =	sadd.s32 $0x10, s21  }
0xa8: {  	[hbm4b:s31+s3] =	stream.linear.scatter [tilespmem:s0], [sflag:$0xB], $0x80, $0x38;
	[tilespmem:$0x1D480] =	vst v63  }
0xa9: {  	s1 =	simm.s32 $0x1200;
	s0 =	sadd.s32 $0x20, s21  }
0xaa: {  	[hbm4b:s0+s3] =	stream.linear.scatter [tilespmem:s1], [sflag:$0xB], $0x80, $0x38;
	[tilespmem:$0x1D480] =	vst v63  }
0xab: {  	s7 =	simm.s32 $0x1300;
	s6 =	sadd.s32 $0x30, s21  }
0xac: {  	[hbm4b:s6+s3] =	stream.linear.scatter [tilespmem:s7], [sflag:$0xB], $0x80, $0x38;
	[tilespmem:$0x1D480] =	vst v63  }
0xad: {  	s13 =	simm.s32 $0x1400;
	s9 =	sadd.s32 $0x40, s21  }
0xae: {  	[hbm4b:s9+s3] =	stream.linear.scatter [tilespmem:s13], [sflag:$0xB], $0x80, $0x38;
	[tilespmem:$0x1D480] =	vst v63  }
0xaf: {  	s15 =	simm.s32 $0x1500;
	s14 =	sadd.s32 $0x50, s21  }
0xb0: {  	[hbm4b:s14+s3] =	stream.linear.scatter [tilespmem:s15], [sflag:$0xB], $0x80, $0x38;
	[tilespmem:$0x1D480] =	vst v63  }
0xb1: {  	s19 =	simm.s32 $0x1600;
	s16 =	sadd.s32 $0x60, s21  }
0xb2: {  	[hbm4b:s16+s3] =	stream.linear.scatter [tilespmem:s19], [sflag:$0xB], $0x80, $0x38;
	[tilespmem:$0x1D480] =	vst v63  }
0xb3: {  	s25 =	simm.s32 $0x1700;
	s24 =	sadd.s32 $0x70, s21  }
0xb4: {  	[hbm4b:s24+s3] =	stream.linear.scatter [tilespmem:s25], [sflag:$0xB], $0x80, $0x38;
	[tilespmem:$0x1D480] =	vst v63  }
0xb5: {  	s26 =	simm.s32 $0x1080;
	s21 =	rddreg [dreg:$0x11]  }
0xb6: {  	[hbm4b:s21+s3] =	stream.linear.scatter [tilespmem:s26], [sflag:$0xB], $0x80, $0x38;
	[tilespmem:$0x1D480] =	vst v63  }
0xb7: {  	s31 =	simm.s32 $0x1180;
	s28 =	sadd.s32 $0x10, s21  }
0xb8: {  	[hbm4b:s28+s3] =	stream.linear.scatter [tilespmem:s31], [sflag:$0xB], $0x80, $0x38;
	[tilespmem:$0x1D480] =	vst v63  }
0xb9: {  	s1 =	sadd.s32 $0x20, s21;
	s9 =	simm.s32 $0x1280  }
0xba: {  	[hbm4b:s1+s3] =	stream.linear.scatter [tilespmem:s9], [sflag:$0xB], $0x80, $0x38;
	[tilespmem:$0x1D480] =	vst v63  }
0xbb: {  	s14 =	sadd.s32 $0x30, s21;
	s24 =	simm.s32 $0x1380  }
0xbc: {  	[hbm4b:s14+s3] =	stream.linear.scatter [tilespmem:s24], [sflag:$0xB], $0x80, $0x38;
	[tilespmem:$0x1D480] =	vst v63  }
0xbd: {  	s25 =	sadd.s32 $0x40, s21;
	s26 =	simm.s32 $0x1480  }
0xbe: {  	[hbm4b:s25+s3] =	stream.linear.scatter [tilespmem:s26], [sflag:$0xB], $0x80, $0x38;
	[tilespmem:$0x1D480] =	vst v63  }
0xbf: {  	s28 =	sadd.s32 $0x50, s21;
	s31 =	simm.s32 $0x1580  }
0xc0: {  	[hbm4b:s28+s3] =	stream.linear.scatter [tilespmem:s31], [sflag:$0xB], $0x80, $0x38;
	[tilespmem:$0x1D480] =	vst v63  }
0xc1: {  	s9 =	sadd.s32 $0x60, s21;
	s14 =	simm.s32 $0x1680  }
0xc2: {  	[hbm4b:s9+s3] =	stream.linear.scatter [tilespmem:s14], [sflag:$0xB], $0x80, $0x38;
	[tilespmem:$0x1D480] =	vst v63  }
0xc3: {  	s28 =	sadd.s32 $0x70, s21;
	s31 =	simm.s32 $0x1780  }
0xc4: {  	[hbm4b:s28+s3] =	stream.linear.scatter [tilespmem:s31], [sflag:$0xB], $0x80, $0x38;
	[tilespmem:$0x1D480] =	vst v63  }
0xc5: {  	_ =	swait.ge [sflag:s30], $0x400  }
0xc6: {  	[sflag:s30] =	ssyncset.done $0x0  }
0xc7: {  	[sflag:s30] =	ssyncadd.s32 $0xFFFFFC00  }
0xc8: {  	_ =	swait.ge [sflag:s30], $0x400  }
0xc9: {  	[sflag:s30] =	ssyncset.done $0x0  }
0xca: {  	s0 =	simm.s32 $0xA;
	s9 =	rddreg [dreg:$0x8];
	[sflag:s30] =	ssyncadd.s32 $0xFFFFFC00  }
0xcb: {  	[tilespmem:s22], [sflag:$0x9] =	stream.linear.gather [hbm4b:s9+s3], $0x800, $0x38;
	[tilespmem:$0x1D480] =	vst v63  }
0xcc: {  	_ =	swait.ge [sflag:s0], $0x800  }
0xcd: {  	[sflag:s0] =	ssyncset.done $0x0  }
0xce: {  	s21 =	rddreg [dreg:$0x12];
	[sflag:s0] =	ssyncadd.s32 $0xFFFFF800  }
0xcf: {  	[hbm4b:s21+s3] =	stream.linear.scatter [tilespmem:s23], [sflag:$0xC], $0x80, $0x38;
	[tilespmem:$0x1D480] =	vst v63  }
0xd0: {  	s31 =	simm.s32 $0x1900;
	s14 =	sadd.s32 $0x10, s21  }
0xd1: {  	[hbm4b:s14+s3] =	stream.linear.scatter [tilespmem:s31], [sflag:$0xC], $0x80, $0x38;
	[tilespmem:$0x1D480] =	vst v63  }
0xd2: {  	s9 =	sadd.s32 $0x20, s21;
	s14 =	simm.s32 $0x1A00  }
0xd3: {  	[hbm4b:s9+s3] =	stream.linear.scatter [tilespmem:s14], [sflag:$0xC], $0x80, $0x38;
	[tilespmem:$0x1D480] =	vst v63  }
0xd4: {  	s9 =	sadd.s32 $0x30, s21;
	s14 =	simm.s32 $0x1B00  }
0xd5: {  	[hbm4b:s9+s3] =	stream.linear.scatter [tilespmem:s14], [sflag:$0xC], $0x80, $0x38;
	[tilespmem:$0x1D480] =	vst v63  }
0xd6: {  	s9 =	sadd.s32 $0x40, s21;
	s14 =	simm.s32 $0x1C00  }
0xd7: {  	[hbm4b:s9+s3] =	stream.linear.scatter [tilespmem:s14], [sflag:$0xC], $0x80, $0x38;
	[tilespmem:$0x1D480] =	vst v63  }
0xd8: {  	s9 =	sadd.s32 $0x50, s21;
	s14 =	simm.s32 $0x1D00  }
0xd9: {  	[hbm4b:s9+s3] =	stream.linear.scatter [tilespmem:s14], [sflag:$0xC], $0x80, $0x38;
	[tilespmem:$0x1D480] =	vst v63  }
0xda: {  	s9 =	sadd.s32 $0x60, s21;
	s14 =	simm.s32 $0x1E00  }
0xdb: {  	[hbm4b:s9+s3] =	stream.linear.scatter [tilespmem:s14], [sflag:$0xC], $0x80, $0x38;
	[tilespmem:$0x1D480] =	vst v63  }
0xdc: {  	s21 =	sadd.s32 $0x70, s21;
	s14 =	simm.s32 $0x1F00  }
0xdd: {  	[hbm4b:s21+s3] =	stream.linear.scatter [tilespmem:s14], [sflag:$0xC], $0x80, $0x38;
	[tilespmem:$0x1D480] =	vst v63  }
0xde: {  	s31 =	simm.s32 $0x1880;
	s21 =	rddreg [dreg:$0x13]  }
0xdf: {  	[hbm4b:s21+s3] =	stream.linear.scatter [tilespmem:s31], [sflag:$0xC], $0x80, $0x38;
	[tilespmem:$0x1D480] =	vst v63  }
0xe0: {  	s9 =	simm.s32 $0x1980;
	s20 =	sadd.s32 $0x10, s21  }
0xe1: {  	[hbm4b:s20+s3] =	stream.linear.scatter [tilespmem:s9], [sflag:$0xC], $0x80, $0x38;
	[tilespmem:$0x1D480] =	vst v63  }
0xe2: {  	s20 =	sadd.s32 $0x20, s21;
	s9 =	simm.s32 $0x1A80  }
0xe3: {  	[hbm4b:s20+s3] =	stream.linear.scatter [tilespmem:s9], [sflag:$0xC], $0x80, $0x38;
	[tilespmem:$0x1D480] =	vst v63  }
0xe4: {  	s20 =	sadd.s32 $0x30, s21;
	s9 =	simm.s32 $0x1B80  }
0xe5: {  	[hbm4b:s20+s3] =	stream.linear.scatter [tilespmem:s9], [sflag:$0xC], $0x80, $0x38;
	[tilespmem:$0x1D480] =	vst v63  }
0xe6: {  	s20 =	sadd.s32 $0x40, s21;
	s9 =	simm.s32 $0x1C80  }
0xe7: {  	[hbm4b:s20+s3] =	stream.linear.scatter [tilespmem:s9], [sflag:$0xC], $0x80, $0x38;
	[tilespmem:$0x1D480] =	vst v63  }
0xe8: {  	s20 =	sadd.s32 $0x50, s21;
	s9 =	simm.s32 $0x1D80  }
0xe9: {  	[hbm4b:s20+s3] =	stream.linear.scatter [tilespmem:s9], [sflag:$0xC], $0x80, $0x38;
	[tilespmem:$0x1D480] =	vst v63  }
0xea: {  	s20 =	sadd.s32 $0x60, s21;
	s9 =	simm.s32 $0x1E80  }
0xeb: {  	[hbm4b:s20+s3] =	stream.linear.scatter [tilespmem:s9], [sflag:$0xC], $0x80, $0x38;
	[tilespmem:$0x1D480] =	vst v63  }
0xec: {  	s31 =	sadd.s32 $0x70, s21;
	s9 =	simm.s32 $0x1F80  }
0xed: {  	[hbm4b:s31+s3] =	stream.linear.scatter [tilespmem:s9], [sflag:$0xC], $0x80, $0x38;
	[tilespmem:$0x1D480] =	vst v63  }
0xee: {  	s9 =	simm.s32 $0xC  }
0xef: {  	_ =	swait.ge [sflag:s9], $0x400  }
0xf0: {  	[sflag:s9] =	ssyncset.done $0x0  }
0xf1: {  	[sflag:s9] =	ssyncadd.s32 $0xFFFFFC00  }
0xf2: {  	_ =	swait.ge [sflag:s9], $0x400  }
0xf3: {  	[sflag:s9] =	ssyncset.done $0x0  }
0xf4: {  	s21 =	rddreg [dreg:$0x9];
	[sflag:s9] =	ssyncadd.s32 $0xFFFFFC00  }
0xf5: {  	[tilespmem:s23], [sflag:$0xA] =	stream.linear.gather [hbm4b:s21+s3], $0x800, $0x38;
	[tilespmem:$0x1D480] =	vst v63  }
0xf6: {  	_ =	swait.ge [sflag:s10], $0x800  }
0xf7: {  	[sflag:s10] =	ssyncset.done $0x0  }
0xf8: {  	s21 =	rddreg [dreg:$0x14];
	[sflag:s10] =	ssyncadd.s32 $0xFFFFF800  }
0xf9: {  	[hbm4b:s21+s3] =	stream.linear.scatter [tilespmem:s22], [sflag:$0xB], $0x80, $0x38;
	[tilespmem:$0x1D480] =	vst v63  }
0xfa: {  	s5 =	simm.s32 $0x1100;
	s31 =	sadd.s32 $0x10, s21  }
0xfb: {  	[hbm4b:s31+s3] =	stream.linear.scatter [tilespmem:s5], [sflag:$0xB], $0x80, $0x38;
	[tilespmem:$0x1D480] =	vst v63  }
0xfc: {  	s12 =	simm.s32 $0x1200;
	s31 =	sadd.s32 $0x20, s21  }
0xfd: {  	[hbm4b:s31+s3] =	stream.linear.scatter [tilespmem:s12], [sflag:$0xB], $0x80, $0x38;
	[tilespmem:$0x1D480] =	vst v63  }
0xfe: {  	s6 =	simm.s32 $0x1300;
	s5 =	sadd.s32 $0x30, s21  }
0xff: {  	[hbm4b:s5+s3] =	stream.linear.scatter [tilespmem:s6], [sflag:$0xB], $0x80, $0x38;
	[tilespmem:$0x1D480] =	vst v63  }
0x100: {  	s7 =	simm.s32 $0x1400;
	s6 =	sadd.s32 $0x40, s21  }
0x101: {  	[hbm4b:s6+s3] =	stream.linear.scatter [tilespmem:s7], [sflag:$0xB], $0x80, $0x38;
	[tilespmem:$0x1D480] =	vst v63  }
0x102: {  	s15 =	simm.s32 $0x1500;
	s12 =	sadd.s32 $0x50, s21  }
0x103: {  	[hbm4b:s12+s3] =	stream.linear.scatter [tilespmem:s15], [sflag:$0xB], $0x80, $0x38;
	[tilespmem:$0x1D480] =	vst v63  }
0x104: {  	s16 =	simm.s32 $0x1600;
	s15 =	sadd.s32 $0x60, s21  }
0x105: {  	[hbm4b:s15+s3] =	stream.linear.scatter [tilespmem:s16], [sflag:$0xB], $0x80, $0x38;
	[tilespmem:$0x1D480] =	vst v63  }
0x106: {  	s19 =	simm.s32 $0x1700;
	s21 =	sadd.s32 $0x70, s21  }
0x107: {  	[hbm4b:s21+s3] =	stream.linear.scatter [tilespmem:s19], [sflag:$0xB], $0x80, $0x38;
	[tilespmem:$0x1D480] =	vst v63  }
0x108: {  	s29 =	simm.s32 $0x1080;
	s5 =	rddreg [dreg:$0x15]  }
0x109: {  	[hbm4b:s5+s3] =	stream.linear.scatter [tilespmem:s29], [sflag:$0xB], $0x80, $0x38;
	[tilespmem:$0x1D480] =	vst v63  }
0x10a: {  	s13 =	simm.s32 $0x1180;
	s6 =	sadd.s32 $0x10, s5  }
0x10b: {  	[hbm4b:s6+s3] =	stream.linear.scatter [tilespmem:s13], [sflag:$0xB], $0x80, $0x38;
	[tilespmem:$0x1D480] =	vst v63  }
0x10c: {  	s1 =	simm.s32 $0x1280;
	s7 =	sadd.s32 $0x20, s5  }
0x10d: {  	[hbm4b:s7+s3] =	stream.linear.scatter [tilespmem:s1], [sflag:$0xB], $0x80, $0x38;
	[tilespmem:$0x1D480] =	vst v63  }
0x10e: {  	s24 =	simm.s32 $0x1380;
	s12 =	sadd.s32 $0x30, s5  }
0x10f: {  	[hbm4b:s12+s3] =	stream.linear.scatter [tilespmem:s24], [sflag:$0xB], $0x80, $0x38;
	[tilespmem:$0x1D480] =	vst v63  }
0x110: {  	s25 =	simm.s32 $0x1480;
	s13 =	sadd.s32 $0x40, s5  }
0x111: {  	[hbm4b:s13+s3] =	stream.linear.scatter [tilespmem:s25], [sflag:$0xB], $0x80, $0x38;
	[tilespmem:$0x1D480] =	vst v63  }
0x112: {  	s26 =	simm.s32 $0x1580;
	s15 =	sadd.s32 $0x50, s5  }
0x113: {  	[hbm4b:s15+s3] =	stream.linear.scatter [tilespmem:s26], [sflag:$0xB], $0x80, $0x38;
	[tilespmem:$0x1D480] =	vst v63  }
0x114: {  	s16 =	sadd.s32 $0x60, s5;
	s19 =	simm.s32 $0x1680  }
0x115: {  	[hbm4b:s16+s3] =	stream.linear.scatter [tilespmem:s19], [sflag:$0xB], $0x80, $0x38;
	[tilespmem:$0x1D480] =	vst v63  }
0x116: {  	s28 =	simm.s32 $0x1780;
	s21 =	sadd.s32 $0x70, s5  }
0x117: {  	[hbm4b:s21+s3] =	stream.linear.scatter [tilespmem:s28], [sflag:$0xB], $0x80, $0x38;
	[tilespmem:$0x1D480] =	vst v63  }
0x118: {  	_ =	swait.ge [sflag:s30], $0x400  }
0x119: {  	[sflag:s30] =	ssyncset.done $0x0  }
0x11a: {  	[sflag:s30] =	ssyncadd.s32 $0xFFFFFC00  }
0x11b: {  	_ =	swait.ge [sflag:s30], $0x400  }
0x11c: {  	[sflag:s30] =	ssyncset.done $0x0  }
0x11d: {  	s24 =	rddreg [dreg:$0xa];
	[sflag:s30] =	ssyncadd.s32 $0xFFFFFC00  }
0x11e: {  	[tilespmem:s22], [sflag:$0x9] =	stream.linear.gather [hbm4b:s24+s3], $0x800, $0x38;
	[tilespmem:$0x1D480] =	vst v63  }
0x11f: {  	_ =	swait.ge [sflag:s0], $0x800  }
0x120: {  	[sflag:s0] =	ssyncset.done $0x0  }
0x121: {  	s28 =	rddreg [dreg:$0x16];
	[sflag:s0] =	ssyncadd.s32 $0xFFFFF800  }
0x122: {  	[hbm4b:s28+s3] =	stream.linear.scatter [tilespmem:s23], [sflag:$0xC], $0x80, $0x38;
	[tilespmem:$0x1D480] =	vst v63  }
0x123: {  	s1 =	simm.s32 $0x1900;
	s5 =	sadd.s32 $0x10, s28  }
0x124: {  	[hbm4b:s5+s3] =	stream.linear.scatter [tilespmem:s1], [sflag:$0xC], $0x80, $0x38;
	[tilespmem:$0x1D480] =	vst v63  }
0x125: {  	s6 =	sadd.s32 $0x20, s28;
	s5 =	simm.s32 $0x1A00  }
0x126: {  	[hbm4b:s6+s3] =	stream.linear.scatter [tilespmem:s5], [sflag:$0xC], $0x80, $0x38;
	[tilespmem:$0x1D480] =	vst v63  }
0x127: {  	s7 =	sadd.s32 $0x30, s28;
	s6 =	simm.s32 $0x1B00  }
0x128: {  	[hbm4b:s7+s3] =	stream.linear.scatter [tilespmem:s6], [sflag:$0xC], $0x80, $0x38;
	[tilespmem:$0x1D480] =	vst v63  }
0x129: {  	s12 =	sadd.s32 $0x40, s28;
	s7 =	simm.s32 $0x1C00  }
0x12a: {  	[hbm4b:s12+s3] =	stream.linear.scatter [tilespmem:s7], [sflag:$0xC], $0x80, $0x38;
	[tilespmem:$0x1D480] =	vst v63  }
0x12b: {  	s15 =	simm.s32 $0x1D00;
	s13 =	sadd.s32 $0x50, s28  }
0x12c: {  	[hbm4b:s13+s3] =	stream.linear.scatter [tilespmem:s15], [sflag:$0xC], $0x80, $0x38;
	[tilespmem:$0x1D480] =	vst v63  }
0x12d: {  	s19 =	simm.s32 $0x1E00;
	s16 =	sadd.s32 $0x60, s28  }
0x12e: {  	[hbm4b:s16+s3] =	stream.linear.scatter [tilespmem:s19], [sflag:$0xC], $0x80, $0x38;
	[tilespmem:$0x1D480] =	vst v63  }
0x12f: {  	s24 =	sadd.s32 $0x70, s28;
	s28 =	simm.s32 $0x1F00  }
0x130: {  	[hbm4b:s24+s3] =	stream.linear.scatter [tilespmem:s28], [sflag:$0xC], $0x80, $0x38;
	[tilespmem:$0x1D480] =	vst v63  }
0x131: {  	s14 =	simm.s32 $0x1880;
	s21 =	rddreg [dreg:$0x17]  }
0x132: {  	[hbm4b:s21+s3] =	stream.linear.scatter [tilespmem:s14], [sflag:$0xC], $0x80, $0x38;
	[tilespmem:$0x1D480] =	vst v63  }
0x133: {  	s12 =	sadd.s32 $0x10, s21;
	s13 =	simm.s32 $0x1980  }
0x134: {  	[hbm4b:s12+s3] =	stream.linear.scatter [tilespmem:s13], [sflag:$0xC], $0x80, $0x38;
	[tilespmem:$0x1D480] =	vst v63  }
0x135: {  	s14 =	sadd.s32 $0x20, s21;
	s12 =	simm.s32 $0x1A80  }
0x136: {  	[hbm4b:s14+s3] =	stream.linear.scatter [tilespmem:s12], [sflag:$0xC], $0x80, $0x38;
	[tilespmem:$0x1D480] =	vst v63  }
0x137: {  	s16 =	sadd.s32 $0x30, s21;
	s19 =	simm.s32 $0x1B80  }
0x138: {  	[hbm4b:s16+s3] =	stream.linear.scatter [tilespmem:s19], [sflag:$0xC], $0x80, $0x38;
	[tilespmem:$0x1D480] =	vst v63  }
0x139: {  	s24 =	sadd.s32 $0x40, s21;
	s14 =	simm.s32 $0x1C80  }
0x13a: {  	[hbm4b:s24+s3] =	stream.linear.scatter [tilespmem:s14], [sflag:$0xC], $0x80, $0x38;
	[tilespmem:$0x1D480] =	vst v63  }
0x13b: {  	s16 =	sadd.s32 $0x50, s21;
	s24 =	simm.s32 $0x1D80  }
0x13c: {  	[hbm4b:s16+s3] =	stream.linear.scatter [tilespmem:s24], [sflag:$0xC], $0x80, $0x38;
	[tilespmem:$0x1D480] =	vst v63  }
0x13d: {  	s20 =	sadd.s32 $0x60, s21;
	s16 =	simm.s32 $0x1E80  }
0x13e: {  	[hbm4b:s20+s3] =	stream.linear.scatter [tilespmem:s16], [sflag:$0xC], $0x80, $0x38;
	[tilespmem:$0x1D480] =	vst v63  }
0x13f: {  	s16 =	sadd.s32 $0x70, s21;
	s21 =	simm.s32 $0x1F80  }
0x140: {  	[hbm4b:s16+s3] =	stream.linear.scatter [tilespmem:s21], [sflag:$0xC], $0x80, $0x38;
	[tilespmem:$0x1D480] =	vst v63  }
0x141: {  	_ =	swait.ge [sflag:s9], $0x400  }
0x142: {  	[sflag:s9] =	ssyncset.done $0x0  }
0x143: {  	[sflag:s9] =	ssyncadd.s32 $0xFFFFFC00  }
0x144: {  	_ =	swait.ge [sflag:s9], $0x400  }
0x145: {  	[sflag:s9] =	ssyncset.done $0x0  }
0x146: {  	s21 =	rddreg [dreg:$0xb];
	[sflag:s9] =	ssyncadd.s32 $0xFFFFFC00  }
0x147: {  	[tilespmem:s23], [sflag:$0xA] =	stream.linear.gather [hbm4b:s21+s3], $0x800, $0x38;
	[tilespmem:$0x1D480] =	vst v63  }
0x148: {  	_ =	swait.ge [sflag:s10], $0x800  }
0x149: {  	[sflag:s10] =	ssyncset.done $0x0  }
0x14a: {  	s21 =	rddreg [dreg:$0x18];
	[sflag:s10] =	ssyncadd.s32 $0xFFFFF800  }
0x14b: {  	[hbm4b:s21+s3] =	stream.linear.scatter [tilespmem:s22], [sflag:$0xB], $0x80, $0x38;
	[tilespmem:$0x1D480] =	vst v63  }
0x14c: {  	s16 =	simm.s32 $0x1100;
	s20 =	sadd.s32 $0x10, s21  }
0x14d: {  	[hbm4b:s20+s3] =	stream.linear.scatter [tilespmem:s16], [sflag:$0xB], $0x80, $0x38;
	[tilespmem:$0x1D480] =	vst v63  }
0x14e: {  	s31 =	simm.s32 $0x1200;
	s16 =	sadd.s32 $0x20, s21  }
0x14f: {  	[hbm4b:s16+s3] =	stream.linear.scatter [tilespmem:s31], [sflag:$0xB], $0x80, $0x38;
	[tilespmem:$0x1D480] =	vst v63  }
0x150: {  	s20 =	sadd.s32 $0x30, s21;
	s16 =	simm.s32 $0x1300  }
0x151: {  	[hbm4b:s20+s3] =	stream.linear.scatter [tilespmem:s16], [sflag:$0xB], $0x80, $0x38;
	[tilespmem:$0x1D480] =	vst v63  }
0x152: {  	s20 =	sadd.s32 $0x40, s21;
	s16 =	simm.s32 $0x1400  }
0x153: {  	[hbm4b:s20+s3] =	stream.linear.scatter [tilespmem:s16], [sflag:$0xB], $0x80, $0x38;
	[tilespmem:$0x1D480] =	vst v63  }
0x154: {  	s20 =	sadd.s32 $0x50, s21;
	s16 =	simm.s32 $0x1500  }
0x155: {  	[hbm4b:s20+s3] =	stream.linear.scatter [tilespmem:s16], [sflag:$0xB], $0x80, $0x38;
	[tilespmem:$0x1D480] =	vst v63  }
0x156: {  	s20 =	sadd.s32 $0x60, s21;
	s16 =	simm.s32 $0x1600  }
0x157: {  	[hbm4b:s20+s3] =	stream.linear.scatter [tilespmem:s16], [sflag:$0xB], $0x80, $0x38;
	[tilespmem:$0x1D480] =	vst v63  }
0x158: {  	s16 =	sadd.s32 $0x70, s21;
	s21 =	simm.s32 $0x1700  }
0x159: {  	[hbm4b:s16+s3] =	stream.linear.scatter [tilespmem:s21], [sflag:$0xB], $0x80, $0x38;
	[tilespmem:$0x1D480] =	vst v63  }
0x15a: {  	s20 =	simm.s32 $0x1080;
	s21 =	rddreg [dreg:$0x19]  }
0x15b: {  	[hbm4b:s21+s3] =	stream.linear.scatter [tilespmem:s20], [sflag:$0xB], $0x80, $0x38;
	[tilespmem:$0x1D480] =	vst v63  }
0x15c: {  	s29 =	simm.s32 $0x1180;
	s16 =	sadd.s32 $0x10, s21  }
0x15d: {  	[hbm4b:s16+s3] =	stream.linear.scatter [tilespmem:s29], [sflag:$0xB], $0x80, $0x38;
	[tilespmem:$0x1D480] =	vst v63  }
0x15e: {  	s20 =	sadd.s32 $0x20, s21;
	s16 =	simm.s32 $0x1280  }
0x15f: {  	[hbm4b:s20+s3] =	stream.linear.scatter [tilespmem:s16], [sflag:$0xB], $0x80, $0x38;
	[tilespmem:$0x1D480] =	vst v63  }
0x160: {  	s20 =	sadd.s32 $0x30, s21;
	s16 =	simm.s32 $0x1380  }
0x161: {  	[hbm4b:s20+s3] =	stream.linear.scatter [tilespmem:s16], [sflag:$0xB], $0x80, $0x38;
	[tilespmem:$0x1D480] =	vst v63  }
0x162: {  	s25 =	simm.s32 $0x1480;
	s16 =	sadd.s32 $0x40, s21  }
0x163: {  	[hbm4b:s16+s3] =	stream.linear.scatter [tilespmem:s25], [sflag:$0xB], $0x80, $0x38;
	[tilespmem:$0x1D480] =	vst v63  }
0x164: {  	s26 =	simm.s32 $0x1580;
	s16 =	sadd.s32 $0x50, s21  }
0x165: {  	[hbm4b:s16+s3] =	stream.linear.scatter [tilespmem:s26], [sflag:$0xB], $0x80, $0x38;
	[tilespmem:$0x1D480] =	vst v63  }
0x166: {  	s20 =	sadd.s32 $0x60, s21;
	s16 =	simm.s32 $0x1680  }
0x167: {  	[hbm4b:s20+s3] =	stream.linear.scatter [tilespmem:s16], [sflag:$0xB], $0x80, $0x38;
	[tilespmem:$0x1D480] =	vst v63  }
0x168: {  	s16 =	sadd.s32 $0x70, s21;
	s21 =	simm.s32 $0x1780  }
0x169: {  	[hbm4b:s16+s3] =	stream.linear.scatter [tilespmem:s21], [sflag:$0xB], $0x80, $0x38;
	[tilespmem:$0x1D480] =	vst v63  }
0x16a: {  	_ =	swait.ge [sflag:s30], $0x400  }
0x16b: {  	[sflag:s30] =	ssyncset.done $0x0  }
0x16c: {  	[sflag:s30] =	ssyncadd.s32 $0xFFFFFC00  }
0x16d: {  	_ =	swait.ge [sflag:s30], $0x400  }
0x16e: {  	[sflag:s30] =	ssyncset.done $0x0  }
0x16f: {  	s21 =	rddreg [dreg:$0xc];
	[sflag:s30] =	ssyncadd.s32 $0xFFFFFC00  }
0x170: {  	[tilespmem:s22], [sflag:$0x9] =	stream.linear.gather [hbm4b:s21+s3], $0x800, $0x38;
	[tilespmem:$0x1D480] =	vst v63  }
0x171: {  	_ =	swait.ge [sflag:s0], $0x800  }
0x172: {  	[sflag:s0] =	ssyncset.done $0x0  }
0x173: {  	s21 =	rddreg [dreg:$0x1a];
	[sflag:s0] =	ssyncadd.s32 $0xFFFFF800  }
0x174: {  	[hbm4b:s21+s3] =	stream.linear.scatter [tilespmem:s23], [sflag:$0xC], $0x80, $0x38;
	[tilespmem:$0x1D480] =	vst v63  }
0x175: {  	s16 =	sadd.s32 $0x10, s21  }
0x176: {  	[hbm4b:s16+s3] =	stream.linear.scatter [tilespmem:s1], [sflag:$0xC], $0x80, $0x38;
	[tilespmem:$0x1D480] =	vst v63  }
0x177: {  	s1 =	sadd.s32 $0x20, s21  }
0x178: {  	[hbm4b:s1+s3] =	stream.linear.scatter [tilespmem:s5], [sflag:$0xC], $0x80, $0x38;
	[tilespmem:$0x1D480] =	vst v63  }
0x179: {  	s5 =	sadd.s32 $0x30, s21  }
0x17a: {  	[hbm4b:s5+s3] =	stream.linear.scatter [tilespmem:s6], [sflag:$0xC], $0x80, $0x38;
	[tilespmem:$0x1D480] =	vst v63  }
0x17b: {  	s6 =	sadd.s32 $0x40, s21  }
0x17c: {  	[hbm4b:s6+s3] =	stream.linear.scatter [tilespmem:s7], [sflag:$0xC], $0x80, $0x38;
	[tilespmem:$0x1D480] =	vst v63  }
0x17d: {  	s7 =	sadd.s32 $0x50, s21  }
0x17e: {  	[hbm4b:s7+s3] =	stream.linear.scatter [tilespmem:s15], [sflag:$0xC], $0x80, $0x38;
	[tilespmem:$0x1D480] =	vst v63  }
0x17f: {  	s16 =	simm.s32 $0x1E00;
	s15 =	sadd.s32 $0x60, s21  }
0x180: {  	[hbm4b:s15+s3] =	stream.linear.scatter [tilespmem:s16], [sflag:$0xC], $0x80, $0x38;
	[tilespmem:$0x1D480] =	vst v63  }
0x181: {  	s1 =	sadd.s32 $0x70, s21;
	s21 =	sld [smem:$0x79E]  }
0x182: {  	[hbm4b:s1+s3] =	stream.linear.scatter [tilespmem:s28], [sflag:$0xC], $0x80, $0x38;
	[tilespmem:$0x1D480] =	vst v63  }
0x183: {  	s5 =	simm.s32 $0x1880  }
0x184: {  	[hbm4b:s21+s3] =	stream.linear.scatter [tilespmem:s5], [sflag:$0xC], $0x80, $0x38;
	[tilespmem:$0x1D480] =	vst v63  }
0x185: {  	s6 =	sadd.s32 $0x10, s21  }
0x186: {  	[hbm4b:s6+s3] =	stream.linear.scatter [tilespmem:s13], [sflag:$0xC], $0x80, $0x38;
	[tilespmem:$0x1D480] =	vst v63  }
0x187: {  	s7 =	sadd.s32 $0x20, s21  }
0x188: {  	[hbm4b:s7+s3] =	stream.linear.scatter [tilespmem:s12], [sflag:$0xC], $0x80, $0x38;
	[tilespmem:$0x1D480] =	vst v63  }
0x189: {  	s12 =	sadd.s32 $0x30, s21  }
0x18a: {  	[hbm4b:s12+s3] =	stream.linear.scatter [tilespmem:s19], [sflag:$0xC], $0x80, $0x38;
	[tilespmem:$0x1D480] =	vst v63  }
0x18b: {  	s13 =	sadd.s32 $0x40, s21  }
0x18c: {  	[hbm4b:s13+s3] =	stream.linear.scatter [tilespmem:s14], [sflag:$0xC], $0x80, $0x38;
	[tilespmem:$0x1D480] =	vst v63  }
0x18d: {  	s15 =	sadd.s32 $0x50, s21  }
0x18e: {  	[hbm4b:s15+s3] =	stream.linear.scatter [tilespmem:s24], [sflag:$0xC], $0x80, $0x38;
	[tilespmem:$0x1D480] =	vst v63  }
0x18f: {  	s28 =	simm.s32 $0x1E80;
	s24 =	sadd.s32 $0x60, s21  }
0x190: {  	[hbm4b:s24+s3] =	stream.linear.scatter [tilespmem:s28], [sflag:$0xC], $0x80, $0x38;
	[tilespmem:$0x1D480] =	vst v63  }
0x191: {  	s1 =	sadd.s32 $0x70, s21;
	s5 =	simm.s32 $0x1F80  }
0x192: {  	[hbm4b:s1+s3] =	stream.linear.scatter [tilespmem:s5], [sflag:$0xC], $0x80, $0x38;
	[tilespmem:$0x1D480] =	vst v63  }
0x193: {  	_ =	swait.ge [sflag:s9], $0x400  }
0x194: {  	[sflag:s9] =	ssyncset.done $0x0  }
0x195: {  	[sflag:s9] =	ssyncadd.s32 $0xFFFFFC00  }
0x196: {  	_ =	swait.ge [sflag:s9], $0x400  }
0x197: {  	[sflag:s9] =	ssyncset.done $0x0  }
0x198: {  	s6 =	rddreg [dreg:$0xd];
	[sflag:s9] =	ssyncadd.s32 $0xFFFFFC00  }
0x199: {  	[tilespmem:s23], [sflag:$0xA] =	stream.linear.gather [hbm4b:s6+s3], $0x800, $0x38;
	[tilespmem:$0x1D480] =	vst v63  }
0x19a: {  	_ =	swait.ge [sflag:s10], $0x800  }
0x19b: {  	s21 =	sld [smem:$0x79F]  }
0x19c: {  	[sflag:s10] =	ssyncset.done $0x0  }
0x19d: {  	[sflag:s10] =	ssyncadd.s32 $0xFFFFF800  }
0x19e: {  	[hbm4b:s21+s3] =	stream.linear.scatter [tilespmem:s22], [sflag:$0xB], $0x80, $0x38;
	[tilespmem:$0x1D480] =	vst v63  }
0x19f: {  	s12 =	simm.s32 $0x1100;
	s7 =	sadd.s32 $0x10, s21  }
0x1a0: {  	[hbm4b:s7+s3] =	stream.linear.scatter [tilespmem:s12], [sflag:$0xB], $0x80, $0x38;
	[tilespmem:$0x1D480] =	vst v63  }
0x1a1: {  	s31 =	simm.s32 $0x1200;
	s13 =	sadd.s32 $0x20, s21  }
0x1a2: {  	[hbm4b:s13+s3] =	stream.linear.scatter [tilespmem:s31], [sflag:$0xB], $0x80, $0x38;
	[tilespmem:$0x1D480] =	vst v63  }
0x1a3: {  	s15 =	simm.s32 $0x1300;
	s14 =	sadd.s32 $0x30, s21  }
0x1a4: {  	[hbm4b:s14+s3] =	stream.linear.scatter [tilespmem:s15], [sflag:$0xB], $0x80, $0x38;
	[tilespmem:$0x1D480] =	vst v63  }
0x1a5: {  	s1 =	simm.s32 $0x1400;
	s24 =	sadd.s32 $0x40, s21  }
0x1a6: {  	[hbm4b:s24+s3] =	stream.linear.scatter [tilespmem:s1], [sflag:$0xB], $0x80, $0x38;
	[tilespmem:$0x1D480] =	vst v63  }
0x1a7: {  	s6 =	sadd.s32 $0x50, s21;
	s7 =	simm.s32 $0x1500  }
0x1a8: {  	[hbm4b:s6+s3] =	stream.linear.scatter [tilespmem:s7], [sflag:$0xB], $0x80, $0x38;
	[tilespmem:$0x1D480] =	vst v63  }
0x1a9: {  	s12 =	sadd.s32 $0x60, s21;
	s13 =	simm.s32 $0x1600  }
0x1aa: {  	[hbm4b:s12+s3] =	stream.linear.scatter [tilespmem:s13], [sflag:$0xB], $0x80, $0x38;
	[tilespmem:$0x1D480] =	vst v63  }
0x1ab: {  	s14 =	sadd.s32 $0x70, s21;
	s15 =	simm.s32 $0x1700;
	s21 =	sld [smem:$0x7A0]  }
0x1ac: {  	[hbm4b:s14+s3] =	stream.linear.scatter [tilespmem:s15], [sflag:$0xB], $0x80, $0x38;
	[tilespmem:$0x1D480] =	vst v63  }
0x1ad: {  	s24 =	simm.s32 $0x1080  }
0x1ae: {  	[hbm4b:s21+s3] =	stream.linear.scatter [tilespmem:s24], [sflag:$0xB], $0x80, $0x38;
	[tilespmem:$0x1D480] =	vst v63  }
0x1af: {  	s29 =	simm.s32 $0x1180;
	s1 =	sadd.s32 $0x10, s21  }
0x1b0: {  	[hbm4b:s1+s3] =	stream.linear.scatter [tilespmem:s29], [sflag:$0xB], $0x80, $0x38;
	[tilespmem:$0x1D480] =	vst v63  }
0x1b1: {  	s5 =	sadd.s32 $0x20, s21;
	s6 =	simm.s32 $0x1280  }
0x1b2: {  	[hbm4b:s5+s3] =	stream.linear.scatter [tilespmem:s6], [sflag:$0xB], $0x80, $0x38;
	[tilespmem:$0x1D480] =	vst v63  }
0x1b3: {  	s7 =	sadd.s32 $0x30, s21;
	s12 =	simm.s32 $0x1380  }
0x1b4: {  	[hbm4b:s7+s3] =	stream.linear.scatter [tilespmem:s12], [sflag:$0xB], $0x80, $0x38;
	[tilespmem:$0x1D480] =	vst v63  }
0x1b5: {  	s25 =	simm.s32 $0x1480;
	s13 =	sadd.s32 $0x40, s21  }
0x1b6: {  	[hbm4b:s13+s3] =	stream.linear.scatter [tilespmem:s25], [sflag:$0xB], $0x80, $0x38;
	[tilespmem:$0x1D480] =	vst v63  }
0x1b7: {  	s26 =	simm.s32 $0x1580;
	s14 =	sadd.s32 $0x50, s21  }
0x1b8: {  	[hbm4b:s14+s3] =	stream.linear.scatter [tilespmem:s26], [sflag:$0xB], $0x80, $0x38;
	[tilespmem:$0x1D480] =	vst v63  }
0x1b9: {  	s15 =	sadd.s32 $0x60, s21;
	s24 =	simm.s32 $0x1680  }
0x1ba: {  	[hbm4b:s15+s3] =	stream.linear.scatter [tilespmem:s24], [sflag:$0xB], $0x80, $0x38;
	[tilespmem:$0x1D480] =	vst v63  }
0x1bb: {  	s25 =	sadd.s32 $0x70, s21;
	s26 =	simm.s32 $0x1780  }
0x1bc: {  	[hbm4b:s25+s3] =	stream.linear.scatter [tilespmem:s26], [sflag:$0xB], $0x80, $0x38;
	[tilespmem:$0x1D480] =	vst v63  }
0x1bd: {  	_ =	swait.ge [sflag:s30], $0x400  }
0x1be: {  	[sflag:s30] =	ssyncset.done $0x0  }
0x1bf: {  	[sflag:s30] =	ssyncadd.s32 $0xFFFFFC00  }
0x1c0: {  	_ =	swait.ge [sflag:s30], $0x400  }
0x1c1: {  	[sflag:s30] =	ssyncset.done $0x0  }
0x1c2: {  	s1 =	rddreg [dreg:$0xe];
	[sflag:s30] =	ssyncadd.s32 $0xFFFFFC00  }
0x1c3: {  	[tilespmem:s22], [sflag:$0x9] =	stream.linear.gather [hbm4b:s1+s3], $0x800, $0x38;
	[tilespmem:$0x1D480] =	vst v63  }
0x1c4: {  	_ =	swait.ge [sflag:s0], $0x800  }
0x1c5: {  	s5 =	sld [smem:$0x7A1]  }
0x1c6: {  	[sflag:s0] =	ssyncset.done $0x0  }
0x1c7: {  	[sflag:s0] =	ssyncadd.s32 $0xFFFFF800  }
0x1c8: {  	[hbm4b:s5+s3] =	stream.linear.scatter [tilespmem:s23], [sflag:$0xC], $0x80, $0x38;
	[tilespmem:$0x1D480] =	vst v63  }
0x1c9: {  	s14 =	simm.s32 $0x1900;
	s12 =	sadd.s32 $0x10, s5  }
0x1ca: {  	[hbm4b:s12+s3] =	stream.linear.scatter [tilespmem:s14], [sflag:$0xC], $0x80, $0x38;
	[tilespmem:$0x1D480] =	vst v63  }
0x1cb: {  	s6 =	simm.s32 $0x1A00;
	s13 =	sadd.s32 $0x20, s5  }
0x1cc: {  	[hbm4b:s13+s3] =	stream.linear.scatter [tilespmem:s6], [sflag:$0xC], $0x80, $0x38;
	[tilespmem:$0x1D480] =	vst v63  }
0x1cd: {  	s7 =	simm.s32 $0x1B00;
	s15 =	sadd.s32 $0x30, s5  }
0x1ce: {  	[hbm4b:s15+s3] =	stream.linear.scatter [tilespmem:s7], [sflag:$0xC], $0x80, $0x38;
	[tilespmem:$0x1D480] =	vst v63  }
0x1cf: {  	s24 =	sadd.s32 $0x40, s5;
	s15 =	simm.s32 $0x1C00  }
0x1d0: {  	[hbm4b:s24+s3] =	stream.linear.scatter [tilespmem:s15], [sflag:$0xC], $0x80, $0x38;
	[tilespmem:$0x1D480] =	vst v63  }
0x1d1: {  	s25 =	sadd.s32 $0x50, s5;
	s12 =	simm.s32 $0x1D00  }
0x1d2: {  	[hbm4b:s25+s3] =	stream.linear.scatter [tilespmem:s12], [sflag:$0xC], $0x80, $0x38;
	[tilespmem:$0x1D480] =	vst v63  }
0x1d3: {  	s30 =	sadd.s32 $0x60, s5;
	s13 =	simm.s32 $0x1E00  }
0x1d4: {  	[hbm4b:s30+s3] =	stream.linear.scatter [tilespmem:s13], [sflag:$0xC], $0x80, $0x38;
	[tilespmem:$0x1D480] =	vst v63  }
0x1d5: {  	s21 =	sld [smem:$0x7A2];
	s1 =	sadd.s32 $0x70, s5;
	s5 =	simm.s32 $0x1F00  }
0x1d6: {  	[hbm4b:s1+s3] =	stream.linear.scatter [tilespmem:s5], [sflag:$0xC], $0x80, $0x38;
	[tilespmem:$0x1D480] =	vst v63  }
0x1d7: {  	s16 =	simm.s32 $0x1880  }
0x1d8: {  	[hbm4b:s21+s3] =	stream.linear.scatter [tilespmem:s16], [sflag:$0xC], $0x80, $0x38;
	[tilespmem:$0x1D480] =	vst v63  }
0x1d9: {  	s30 =	simm.s32 $0x1980;
	s16 =	sadd.s32 $0x10, s21  }
0x1da: {  	[hbm4b:s16+s3] =	stream.linear.scatter [tilespmem:s30], [sflag:$0xC], $0x80, $0x38;
	[tilespmem:$0x1D480] =	vst v63  }
0x1db: {  	s24 =	sadd.s32 $0x20, s21;
	s16 =	simm.s32 $0x1A80  }
0x1dc: {  	[hbm4b:s24+s3] =	stream.linear.scatter [tilespmem:s16], [sflag:$0xC], $0x80, $0x38;
	[tilespmem:$0x1D480] =	vst v63  }
0x1dd: {  	s19 =	simm.s32 $0x1B80;
	s1 =	sadd.s32 $0x30, s21  }
0x1de: {  	[hbm4b:s1+s3] =	stream.linear.scatter [tilespmem:s19], [sflag:$0xC], $0x80, $0x38;
	[tilespmem:$0x1D480] =	vst v63  }
0x1df: {  	s5 =	sadd.s32 $0x40, s21;
	s1 =	simm.s32 $0x1C80  }
0x1e0: {  	[hbm4b:s5+s3] =	stream.linear.scatter [tilespmem:s1], [sflag:$0xC], $0x80, $0x38;
	[tilespmem:$0x1D480] =	vst v63  }
0x1e1: {  	s19 =	sadd.s32 $0x50, s21;
	s5 =	simm.s32 $0x1D80  }
0x1e2: {  	[hbm4b:s19+s3] =	stream.linear.scatter [tilespmem:s5], [sflag:$0xC], $0x80, $0x38;
	[tilespmem:$0x1D480] =	vst v63  }
0x1e3: {  	s20 =	sadd.s32 $0x60, s21;
	s19 =	simm.s32 $0x1E80  }
0x1e4: {  	[hbm4b:s20+s3] =	stream.linear.scatter [tilespmem:s19], [sflag:$0xC], $0x80, $0x38;
	[tilespmem:$0x1D480] =	vst v63  }
0x1e5: {  	s20 =	sadd.s32 $0x70, s21;
	s21 =	simm.s32 $0x1F80  }
0x1e6: {  	[hbm4b:s20+s3] =	stream.linear.scatter [tilespmem:s21], [sflag:$0xC], $0x80, $0x38;
	[tilespmem:$0x1D480] =	vst v63  }
0x1e7: {  	_ =	swait.ge [sflag:s9], $0x400  }
0x1e8: {  	[sflag:s9] =	ssyncset.done $0x0  }
0x1e9: {  	[sflag:s9] =	ssyncadd.s32 $0xFFFFFC00  }
0x1ea: {  	_ =	swait.ge [sflag:s9], $0x400  }
0x1eb: {  	[sflag:s9] =	ssyncset.done $0x0  }
0x1ec: {  	s21 =	rddreg [dreg:$0xf];
	[sflag:s9] =	ssyncadd.s32 $0xFFFFFC00  }
0x1ed: {  	[tilespmem:s23], [sflag:$0xA] =	stream.linear.gather [hbm4b:s21+s3], $0x700, $0x38;
	[tilespmem:$0x1D480] =	vst v63  }
0x1ee: {  	_ =	swait.ge [sflag:s10], $0x800  }
0x1ef: {  	s21 =	sld [smem:$0x7A3]  }
0x1f0: {  	[sflag:s10] =	ssyncset.done $0x0  }
0x1f1: {  	[sflag:s10] =	ssyncadd.s32 $0xFFFFF800  }
0x1f2: {  	[hbm4b:s21+s3] =	stream.linear.scatter [tilespmem:s22], [sflag:$0xB], $0x80, $0x38;
	[tilespmem:$0x1D480] =	vst v63  }
0x1f3: {  	s28 =	simm.s32 $0x1100;
	s22 =	sadd.s32 $0x10, s21  }
0x1f4: {  	[hbm4b:s22+s3] =	stream.linear.scatter [tilespmem:s28], [sflag:$0xB], $0x80, $0x38;
	[tilespmem:$0x1D480] =	vst v63  }
0x1f5: {  	s31 =	simm.s32 $0x1200;
	s28 =	sadd.s32 $0x20, s21  }
0x1f6: {  	[hbm4b:s28+s3] =	stream.linear.scatter [tilespmem:s31], [sflag:$0xB], $0x80, $0x38;
	[tilespmem:$0x1D480] =	vst v63  }
0x1f7: {  	s9 =	sadd.s32 $0x30, s21;
	s22 =	simm.s32 $0x1300  }
0x1f8: {  	[hbm4b:s9+s3] =	stream.linear.scatter [tilespmem:s22], [sflag:$0xB], $0x80, $0x38;
	[tilespmem:$0x1D480] =	vst v63  }
0x1f9: {  	s28 =	sadd.s32 $0x40, s21;
	s31 =	simm.s32 $0x1400  }
0x1fa: {  	[hbm4b:s28+s3] =	stream.linear.scatter [tilespmem:s31], [sflag:$0xB], $0x80, $0x38;
	[tilespmem:$0x1D480] =	vst v63  }
0x1fb: {  	s9 =	sadd.s32 $0x50, s21;
	s22 =	simm.s32 $0x1500  }
0x1fc: {  	[hbm4b:s9+s3] =	stream.linear.scatter [tilespmem:s22], [sflag:$0xB], $0x80, $0x38;
	[tilespmem:$0x1D480] =	vst v63  }
0x1fd: {  	s28 =	sadd.s32 $0x60, s21;
	s31 =	simm.s32 $0x1600  }
0x1fe: {  	[hbm4b:s28+s3] =	stream.linear.scatter [tilespmem:s31], [sflag:$0xB], $0x80, $0x38;
	[tilespmem:$0x1D480] =	vst v63  }
0x1ff: {  	s22 =	sadd.s32 $0x70, s21;
	s21 =	sld [smem:$0x7A4];
	s28 =	simm.s32 $0x1700  }
0x200: {  	[hbm4b:s22+s3] =	stream.linear.scatter [tilespmem:s28], [sflag:$0xB], $0x80, $0x38;
	[tilespmem:$0x1D480] =	vst v63  }
0x201: {  	s31 =	simm.s32 $0x1080  }
0x202: {  	[hbm4b:s21+s3] =	stream.linear.scatter [tilespmem:s31], [sflag:$0xB], $0x80, $0x38;
	[tilespmem:$0x1D480] =	vst v63  }
0x203: {  	s9 =	sadd.s32 $0x10, s21;
	s22 =	simm.s32 $0x1180  }
0x204: {  	[hbm4b:s9+s3] =	stream.linear.scatter [tilespmem:s22], [sflag:$0xB], $0x80, $0x38;
	[tilespmem:$0x1D480] =	vst v63  }
0x205: {  	s29 =	simm.s32 $0x1280;
	s28 =	sadd.s32 $0x20, s21  }
0x206: {  	[hbm4b:s28+s3] =	stream.linear.scatter [tilespmem:s29], [sflag:$0xB], $0x80, $0x38;
	[tilespmem:$0x1D480] =	vst v63  }
0x207: {  	s31 =	simm.s32 $0x1380;
	s29 =	sadd.s32 $0x30, s21  }
0x208: {  	[hbm4b:s29+s3] =	stream.linear.scatter [tilespmem:s31], [sflag:$0xB], $0x80, $0x38;
	[tilespmem:$0x1D480] =	vst v63  }
0x209: {  	s22 =	sadd.s32 $0x40, s21;
	s28 =	simm.s32 $0x1480  }
0x20a: {  	[hbm4b:s22+s3] =	stream.linear.scatter [tilespmem:s28], [sflag:$0xB], $0x80, $0x38;
	[tilespmem:$0x1D480] =	vst v63  }
0x20b: {  	s29 =	sadd.s32 $0x50, s21;
	s31 =	simm.s32 $0x1580  }
0x20c: {  	[hbm4b:s29+s3] =	stream.linear.scatter [tilespmem:s31], [sflag:$0xB], $0x80, $0x38;
	[tilespmem:$0x1D480] =	vst v63  }
0x20d: {  	s9 =	sadd.s32 $0x60, s21;
	s22 =	simm.s32 $0x1680  }
0x20e: {  	[hbm4b:s9+s3] =	stream.linear.scatter [tilespmem:s22], [sflag:$0xB], $0x80, $0x38;
	[tilespmem:$0x1D480] =	vst v63  }
0x20f: {  	s26 =	simm.s32 $0x1780;
	s28 =	sadd.s32 $0x70, s21  }
0x210: {  	[hbm4b:s28+s3] =	stream.linear.scatter [tilespmem:s26], [sflag:$0xB], $0x80, $0x38;
	[tilespmem:$0x1D480] =	vst v63  }
0x211: {  	_ =	swait.ge [sflag:s0], $0x700  }
0x212: {  	[sflag:s0] =	ssyncset.done $0x0  }
0x213: {  	s29 =	rddreg [dreg:$0x1b];
	[sflag:s0] =	ssyncadd.s32 $0xFFFFF900  }
0x214: {  	[hbm4b:s29+s3] =	stream.linear.scatter [tilespmem:s23], [sflag:$0xC], $0x80, $0x38;
	[tilespmem:$0x1D480] =	vst v63  }
0x215: {  	s31 =	sadd.s32 $0x10, s29  }
0x216: {  	[hbm4b:s31+s3] =	stream.linear.scatter [tilespmem:s14], [sflag:$0xC], $0x80, $0x38;
	[tilespmem:$0x1D480] =	vst v63  }
0x217: {  	s0 =	sadd.s32 $0x20, s29  }
0x218: {  	[hbm4b:s0+s3] =	stream.linear.scatter [tilespmem:s6], [sflag:$0xC], $0x80, $0x38;
	[tilespmem:$0x1D480] =	vst v63  }
0x219: {  	s6 =	sadd.s32 $0x30, s29  }
0x21a: {  	[hbm4b:s6+s3] =	stream.linear.scatter [tilespmem:s7], [sflag:$0xC], $0x80, $0x38;
	[tilespmem:$0x1D480] =	vst v63  }
0x21b: {  	s7 =	sadd.s32 $0x40, s29  }
0x21c: {  	[hbm4b:s7+s3] =	stream.linear.scatter [tilespmem:s15], [sflag:$0xC], $0x80, $0x38;
	[tilespmem:$0x1D480] =	vst v63  }
0x21d: {  	s9 =	sadd.s32 $0x50, s29  }
0x21e: {  	[hbm4b:s9+s3] =	stream.linear.scatter [tilespmem:s12], [sflag:$0xC], $0x80, $0x38;
	[tilespmem:$0x1D480] =	vst v63  }
0x21f: {  	s12 =	sadd.s32 $0x60, s29  }
0x220: {  	[hbm4b:s12+s3] =	stream.linear.scatter [tilespmem:s13], [sflag:$0xC], $0x80, $0x38;
	[tilespmem:$0x1D480] =	vst v63  }
0x221: {  	s25 =	simm.s32 $0x1880;
	s14 =	rddreg [dreg:$0x1c]  }
0x222: {  	[hbm4b:s14+s3] =	stream.linear.scatter [tilespmem:s25], [sflag:$0xC], $0x80, $0x38;
	[tilespmem:$0x1D480] =	vst v63  }
0x223: {  	s15 =	sadd.s32 $0x10, s14  }
0x224: {  	[hbm4b:s15+s3] =	stream.linear.scatter [tilespmem:s30], [sflag:$0xC], $0x80, $0x38;
	[tilespmem:$0x1D480] =	vst v63  }
0x225: {  	s22 =	sadd.s32 $0x20, s14  }
0x226: {  	[hbm4b:s22+s3] =	stream.linear.scatter [tilespmem:s16], [sflag:$0xC], $0x80, $0x38;
	[tilespmem:$0x1D480] =	vst v63  }
0x227: {  	s24 =	simm.s32 $0x1B80;
	s23 =	sadd.s32 $0x30, s14  }
0x228: {  	[hbm4b:s23+s3] =	stream.linear.scatter [tilespmem:s24], [sflag:$0xC], $0x80, $0x38;
	[tilespmem:$0x1D480] =	vst v63  }
0x229: {  	s20 =	simm.s32 $0x40;
	s29 =	sand.u32 $0xE00, s3;
	s25 =	sadd.s32 $0x40, s14  }
0x22a: {  	[hbm4b:s25+s3] =	stream.linear.scatter [tilespmem:s1], [sflag:$0xC], $0x80, $0x38;
	[tilespmem:$0x1D480] =	vst v63  }
0x22b: {  	s26 =	sadd.s32 $0x50, s14;
	s31 =	sshrl.u32 s29, $0x2;
	s30 =	sand.u32 $0x70, s3  }
0x22c: {  	[hbm4b:s26+s3] =	stream.linear.scatter [tilespmem:s5], [sflag:$0xC], $0x80, $0x38;
	[tilespmem:$0x1D480] =	vst v63  }
0x22d: {  	s21 =	simm.s32 $0x0;
	s28 =	sadd.s32 $0x60, s14;
	s22 =	sor.u32 s30, s31  }
0x22e: {  	[hbm4b:s28+s3] =	stream.linear.scatter [tilespmem:s19], [sflag:$0xC], $0x80, $0x38;
	[tilespmem:$0x1D480] =	vst v63  }
.LBB2_2:
0x22f: {  	p0 =	sne.s32 s20, $0xFC0  }
0x230: {  	[tilespmem:s22+$0x9800] =	vst v0;
	s21 =	sadd.s32 $0x10, s21;
	s22 =	smov.u32 s20;
	s20 =	sadd.s32 $0x40, s20  }
.Ltmp2:
0x231: {  	(pc) =	sbr.rel @p0 .LBB2_2-.Ltmp2, $4  }
0x232: {  	_ = 	snop  }
0x233: {  	s22 =	sand.u32 $0xE00, s22  }
0x234: {  	s23 =	sand.u32 $0x70, s21;
	s22 =	sshrl.u32 s22, $0x2  }
0x235: {  	s22 =	sor.u32 s23, s22  }
0x236: {  	s20 =	rddreg [dreg:$0x1d]  }
0x237: {  	[tilespmem:s22+$0x9800] =	vst v0;
	s12 =	sld [smem:$0x7AF]  }
0x238: {  	[spmem:s20] =	stream.linear.scatter [tilespmem:s11], [sflag:$0xD], $0x400, $0x38;
	[tilespmem:$0x1D480] =	vst v63  }
0x239: {  	s13 =	sld [smem:$0x7B0]  }
0x23a: {  	[spmem:s12] =	stream.linear.scatter [tilespmem:s11], [sflag:$0xD], $0x400, $0x38;
	[tilespmem:$0x1D480] =	vst v63  }
0x23b: {  	s14 =	sld [smem:$0x7B1]  }
0x23c: {  	[spmem:s13] =	stream.linear.scatter [tilespmem:s11], [sflag:$0xD], $0x400, $0x38;
	[tilespmem:$0x1D480] =	vst v63  }
0x23d: {  	s15 =	sld [smem:$0x7B2]  }
0x23e: {  	[spmem:s14] =	stream.linear.scatter [tilespmem:s11], [sflag:$0xD], $0x400, $0x38;
	[tilespmem:$0x1D480] =	vst v63  }
0x23f: {  	s16 =	sld [smem:$0x7B3]  }
0x240: {  	[spmem:s15] =	stream.linear.scatter [tilespmem:s11], [sflag:$0xD], $0x400, $0x38;
	[tilespmem:$0x1D480] =	vst v63  }
0x241: {  	s19 =	sld [smem:$0x7B4]  }
0x242: {  	[spmem:s16] =	stream.linear.scatter [tilespmem:s11], [sflag:$0xD], $0x400, $0x38;
	[tilespmem:$0x1D480] =	vst v63  }
0x243: {  	s21 =	sld [smem:$0x7B5]  }
0x244: {  	[spmem:s19] =	stream.linear.scatter [tilespmem:s11], [sflag:$0xD], $0x400, $0x38;
	[tilespmem:$0x1D480] =	vst v63  }
0x245: {  	s22 =	sld [smem:$0x7B6]  }
0x246: {  	[spmem:s21] =	stream.linear.scatter [tilespmem:s11], [sflag:$0xD], $0x400, $0x38;
	[tilespmem:$0x1D480] =	vst v63  }
0x247: {  	s23 =	sld [smem:$0x7B7]  }
0x248: {  	[spmem:s22] =	stream.linear.scatter [tilespmem:s11], [sflag:$0xD], $0x400, $0x38;
	[tilespmem:$0x1D480] =	vst v63  }
0x249: {  	s24 =	sld [smem:$0x7B8]  }
0x24a: {  	[spmem:s23] =	stream.linear.scatter [tilespmem:s11], [sflag:$0xD], $0x400, $0x38;
	[tilespmem:$0x1D480] =	vst v63  }
0x24b: {  	s25 =	sld [smem:$0x7B9]  }
0x24c: {  	[spmem:s24] =	stream.linear.scatter [tilespmem:s11], [sflag:$0xD], $0x400, $0x38;
	[tilespmem:$0x1D480] =	vst v63  }
0x24d: {  	s26 =	sld [smem:$0x7BA]  }
0x24e: {  	[spmem:s25] =	stream.linear.scatter [tilespmem:s11], [sflag:$0xD], $0x400, $0x38;
	[tilespmem:$0x1D480] =	vst v63  }
0x24f: {  	s28 =	sld [smem:$0x7BB]  }
0x250: {  	[spmem:s26] =	stream.linear.scatter [tilespmem:s11], [sflag:$0xD], $0x400, $0x38;
	[tilespmem:$0x1D480] =	vst v63  }
0x251: {  	s29 =	sld [smem:$0x7BC]  }
0x252: {  	[spmem:s28] =	stream.linear.scatter [tilespmem:s11], [sflag:$0xD], $0x400, $0x38;
	[tilespmem:$0x1D480] =	vst v63  }
0x253: {  	s31 =	sld [smem:$0x7BD]  }
0x254: {  	[spmem:s29] =	stream.linear.scatter [tilespmem:s11], [sflag:$0xD], $0x400, $0x38;
	[tilespmem:$0x1D480] =	vst v63  }
0x255: {  	s0 =	sld [smem:$0x7BE]  }
0x256: {  	[spmem:s31] =	stream.linear.scatter [tilespmem:s11], [sflag:$0xD], $0x400, $0x38;
	[tilespmem:$0x1D480] =	vst v63  }
0x257: {  	s1 =	sld [smem:$0x7BF]  }
0x258: {  	[spmem:s0] =	stream.linear.scatter [tilespmem:s11], [sflag:$0xD], $0x400, $0x38;
	[tilespmem:$0x1D480] =	vst v63  }
0x259: {  	s5 =	sld [smem:$0x7C0]  }
0x25a: {  	[spmem:s1] =	stream.linear.scatter [tilespmem:s11], [sflag:$0xD], $0x400, $0x38;
	[tilespmem:$0x1D480] =	vst v63  }
0x25b: {  	s6 =	sld [smem:$0x7C1]  }
0x25c: {  	[spmem:s5] =	stream.linear.scatter [tilespmem:s11], [sflag:$0xD], $0x400, $0x38;
	[tilespmem:$0x1D480] =	vst v63  }
0x25d: {  	s7 =	sld [smem:$0x7C2]  }
0x25e: {  	[spmem:s6] =	stream.linear.scatter [tilespmem:s11], [sflag:$0xD], $0x400, $0x38;
	[tilespmem:$0x1D480] =	vst v63  }
0x25f: {  	s9 =	sld [smem:$0x7C3]  }
0x260: {  	[spmem:s7] =	stream.linear.scatter [tilespmem:s11], [sflag:$0xD], $0x400, $0x38;
	[tilespmem:$0x1D480] =	vst v63  }
0x261: {  	s12 =	sld [smem:$0x7C4]  }
0x262: {  	[spmem:s9] =	stream.linear.scatter [tilespmem:s11], [sflag:$0xD], $0x400, $0x38;
	[tilespmem:$0x1D480] =	vst v63  }
0x263: {  	s13 =	sld [smem:$0x7C5]  }
0x264: {  	[spmem:s12] =	stream.linear.scatter [tilespmem:s11], [sflag:$0xD], $0x400, $0x38;
	[tilespmem:$0x1D480] =	vst v63  }
0x265: {  	s14 =	sld [smem:$0x7C6]  }
0x266: {  	[spmem:s13] =	stream.linear.scatter [tilespmem:s11], [sflag:$0xD], $0x400, $0x38;
	[tilespmem:$0x1D480] =	vst v63  }
0x267: {  	s15 =	sld [smem:$0x7C7]  }
0x268: {  	[spmem:s14] =	stream.linear.scatter [tilespmem:s11], [sflag:$0xD], $0x400, $0x38;
	[tilespmem:$0x1D480] =	vst v63  }
0x269: {  	s16 =	sld [smem:$0x7C8]  }
0x26a: {  	[spmem:s15] =	stream.linear.scatter [tilespmem:s11], [sflag:$0xD], $0x400, $0x38;
	[tilespmem:$0x1D480] =	vst v63  }
0x26b: {  	s19 =	sld [smem:$0x7C9]  }
0x26c: {  	[spmem:s16] =	stream.linear.scatter [tilespmem:s11], [sflag:$0xD], $0x400, $0x38;
	[tilespmem:$0x1D480] =	vst v63  }
0x26d: {  	s21 =	sld [smem:$0x7CA]  }
0x26e: {  	[spmem:s19] =	stream.linear.scatter [tilespmem:s11], [sflag:$0xD], $0x400, $0x38;
	[tilespmem:$0x1D480] =	vst v63  }
0x26f: {  	s22 =	sld [smem:$0x7CB]  }
0x270: {  	[spmem:s21] =	stream.linear.scatter [tilespmem:s11], [sflag:$0xD], $0x400, $0x38;
	[tilespmem:$0x1D480] =	vst v63  }
0x271: {  	s23 =	sld [smem:$0x7CC]  }
0x272: {  	[spmem:s22] =	stream.linear.scatter [tilespmem:s11], [sflag:$0xD], $0x400, $0x38;
	[tilespmem:$0x1D480] =	vst v63  }
0x273: {  	s24 =	sld [smem:$0x7CD]  }
0x274: {  	[spmem:s23] =	stream.linear.scatter [tilespmem:s11], [sflag:$0xD], $0x400, $0x38;
	[tilespmem:$0x1D480] =	vst v63  }
0x275: {  	s25 =	sld [smem:$0x7CE]  }
0x276: {  	[spmem:s24] =	stream.linear.scatter [tilespmem:s11], [sflag:$0xD], $0x400, $0x38;
	[tilespmem:$0x1D480] =	vst v63  }
0x277: {  	s26 =	sld [smem:$0x7CF]  }
0x278: {  	[spmem:s25] =	stream.linear.scatter [tilespmem:s11], [sflag:$0xD], $0x400, $0x38;
	[tilespmem:$0x1D480] =	vst v63  }
0x279: {  	s28 =	sld [smem:$0x7D0]  }
0x27a: {  	[spmem:s26] =	stream.linear.scatter [tilespmem:s11], [sflag:$0xD], $0x400, $0x38;
	[tilespmem:$0x1D480] =	vst v63  }
0x27b: {  	s29 =	sld [smem:$0x7D1]  }
0x27c: {  	[spmem:s28] =	stream.linear.scatter [tilespmem:s11], [sflag:$0xD], $0x400, $0x38;
	[tilespmem:$0x1D480] =	vst v63  }
0x27d: {  	s31 =	sld [smem:$0x7D2]  }
0x27e: {  	[spmem:s29] =	stream.linear.scatter [tilespmem:s11], [sflag:$0xD], $0x400, $0x38;
	[tilespmem:$0x1D480] =	vst v63  }
0x27f: {  	s0 =	sld [smem:$0x7D3]  }
0x280: {  	[spmem:s31] =	stream.linear.scatter [tilespmem:s11], [sflag:$0xD], $0x400, $0x38;
	[tilespmem:$0x1D480] =	vst v63  }
0x281: {  	s1 =	sld [smem:$0x7D4]  }
0x282: {  	[spmem:s0] =	stream.linear.scatter [tilespmem:s11], [sflag:$0xD], $0x400, $0x38;
	[tilespmem:$0x1D480] =	vst v63  }
0x283: {  	s5 =	sld [smem:$0x7D5]  }
0x284: {  	[spmem:s1] =	stream.linear.scatter [tilespmem:s11], [sflag:$0xD], $0x400, $0x38;
	[tilespmem:$0x1D480] =	vst v63  }
0x285: {  	s6 =	sld [smem:$0x7D6]  }
0x286: {  	[spmem:s5] =	stream.linear.scatter [tilespmem:s11], [sflag:$0xD], $0x400, $0x38;
	[tilespmem:$0x1D480] =	vst v63  }
0x287: {  	s7 =	sld [smem:$0x7D7]  }
0x288: {  	[spmem:s6] =	stream.linear.scatter [tilespmem:s11], [sflag:$0xD], $0x400, $0x38;
	[tilespmem:$0x1D480] =	vst v63  }
0x289: {  	s9 =	sld [smem:$0x7D8]  }
0x28a: {  	[spmem:s7] =	stream.linear.scatter [tilespmem:s11], [sflag:$0xD], $0x400, $0x38;
	[tilespmem:$0x1D480] =	vst v63  }
0x28b: {  	s12 =	sld [smem:$0x7D9]  }
0x28c: {  	[spmem:s9] =	stream.linear.scatter [tilespmem:s11], [sflag:$0xD], $0x400, $0x38;
	[tilespmem:$0x1D480] =	vst v63  }
0x28d: {  	s13 =	sld [smem:$0x7DA]  }
0x28e: {  	[spmem:s12] =	stream.linear.scatter [tilespmem:s11], [sflag:$0xD], $0x400, $0x38;
	[tilespmem:$0x1D480] =	vst v63  }
0x28f: {  	s14 =	sld [smem:$0x7DB]  }
0x290: {  	[spmem:s13] =	stream.linear.scatter [tilespmem:s11], [sflag:$0xD], $0x400, $0x38;
	[tilespmem:$0x1D480] =	vst v63  }
0x291: {  	s15 =	sld [smem:$0x7DC]  }
0x292: {  	[spmem:s14] =	stream.linear.scatter [tilespmem:s11], [sflag:$0xD], $0x400, $0x38;
	[tilespmem:$0x1D480] =	vst v63  }
0x293: {  	s16 =	sld [smem:$0x7DD]  }
0x294: {  	[spmem:s15] =	stream.linear.scatter [tilespmem:s11], [sflag:$0xD], $0x400, $0x38;
	[tilespmem:$0x1D480] =	vst v63  }
0x295: {  	s19 =	sld [smem:$0x7DE]  }
0x296: {  	[spmem:s16] =	stream.linear.scatter [tilespmem:s11], [sflag:$0xD], $0x400, $0x38;
	[tilespmem:$0x1D480] =	vst v63  }
0x297: {  	s21 =	sld [smem:$0x7DF]  }
0x298: {  	[spmem:s19] =	stream.linear.scatter [tilespmem:s11], [sflag:$0xD], $0x400, $0x38;
	[tilespmem:$0x1D480] =	vst v63  }
0x299: {  	s22 =	sld [smem:$0x7E0]  }
0x29a: {  	[spmem:s21] =	stream.linear.scatter [tilespmem:s11], [sflag:$0xD], $0x400, $0x38;
	[tilespmem:$0x1D480] =	vst v63  }
0x29b: {  	s23 =	sld [smem:$0x7E1]  }
0x29c: {  	[spmem:s22] =	stream.linear.scatter [tilespmem:s11], [sflag:$0xD], $0x400, $0x38;
	[tilespmem:$0x1D480] =	vst v63  }
0x29d: {  	s24 =	sld [smem:$0x7E2]  }
0x29e: {  	[spmem:s23] =	stream.linear.scatter [tilespmem:s11], [sflag:$0xD], $0x400, $0x38;
	[tilespmem:$0x1D480] =	vst v63  }
0x29f: {  	s25 =	sld [smem:$0x7E3]  }
0x2a0: {  	[spmem:s24] =	stream.linear.scatter [tilespmem:s11], [sflag:$0xD], $0x400, $0x38;
	[tilespmem:$0x1D480] =	vst v63  }
0x2a1: {  	s26 =	sld [smem:$0x7E4]  }
0x2a2: {  	[spmem:s25] =	stream.linear.scatter [tilespmem:s11], [sflag:$0xD], $0x400, $0x38;
	[tilespmem:$0x1D480] =	vst v63  }
0x2a3: {  	s28 =	sld [smem:$0x7E5]  }
0x2a4: {  	[spmem:s26] =	stream.linear.scatter [tilespmem:s11], [sflag:$0xD], $0x400, $0x38;
	[tilespmem:$0x1D480] =	vst v63  }
0x2a5: {  	s29 =	sld [smem:$0x7E6]  }
0x2a6: {  	[spmem:s28] =	stream.linear.scatter [tilespmem:s11], [sflag:$0xD], $0x400, $0x38;
	[tilespmem:$0x1D480] =	vst v63  }
0x2a7: {  	s31 =	sld [smem:$0x7E7]  }
0x2a8: {  	[spmem:s29] =	stream.linear.scatter [tilespmem:s11], [sflag:$0xD], $0x400, $0x38;
	[tilespmem:$0x1D480] =	vst v63  }
0x2a9: {  	s0 =	sld [smem:$0x7E8]  }
0x2aa: {  	[spmem:s31] =	stream.linear.scatter [tilespmem:s11], [sflag:$0xD], $0x400, $0x38;
	[tilespmem:$0x1D480] =	vst v63  }
0x2ab: {  	s1 =	sld [smem:$0x7E9]  }
0x2ac: {  	[spmem:s0] =	stream.linear.scatter [tilespmem:s11], [sflag:$0xD], $0x400, $0x38;
	[tilespmem:$0x1D480] =	vst v63  }
0x2ad: {  	s5 =	sld [smem:$0x7EA]  }
0x2ae: {  	[spmem:s1] =	stream.linear.scatter [tilespmem:s11], [sflag:$0xD], $0x400, $0x38;
	[tilespmem:$0x1D480] =	vst v63  }
0x2af: {  	s6 =	sld [smem:$0x7EB]  }
0x2b0: {  	[spmem:s5] =	stream.linear.scatter [tilespmem:s11], [sflag:$0xD], $0x400, $0x38;
	[tilespmem:$0x1D480] =	vst v63  }
0x2b1: {  	s7 =	sld [smem:$0x7EC]  }
0x2b2: {  	[spmem:s6] =	stream.linear.scatter [tilespmem:s11], [sflag:$0xD], $0x400, $0x38;
	[tilespmem:$0x1D480] =	vst v63  }
0x2b3: {  	s9 =	sld [smem:$0x7ED]  }
0x2b4: {  	[spmem:s7] =	stream.linear.scatter [tilespmem:s11], [sflag:$0xD], $0x400, $0x38;
	[tilespmem:$0x1D480] =	vst v63  }
0x2b5: {  	s12 =	sld [smem:$0x7EE]  }
0x2b6: {  	[spmem:s9] =	stream.linear.scatter [tilespmem:s11], [sflag:$0xD], $0x400, $0x38;
	[tilespmem:$0x1D480] =	vst v63  }
0x2b7: {  	s13 =	sld [smem:$0x7EF]  }
0x2b8: {  	[spmem:s12] =	stream.linear.scatter [tilespmem:s11], [sflag:$0xD], $0x400, $0x38;
	[tilespmem:$0x1D480] =	vst v63  }
0x2b9: {  	s14 =	sld [smem:$0x7F0]  }
0x2ba: {  	[spmem:s13] =	stream.linear.scatter [tilespmem:s11], [sflag:$0xD], $0x400, $0x38;
	[tilespmem:$0x1D480] =	vst v63  }
0x2bb: {  	s15 =	sld [smem:$0x7F1]  }
0x2bc: {  	[spmem:s14] =	stream.linear.scatter [tilespmem:s11], [sflag:$0xD], $0x400, $0x38;
	[tilespmem:$0x1D480] =	vst v63  }
0x2bd: {  	s16 =	sld [smem:$0x7F2]  }
0x2be: {  	[spmem:s15] =	stream.linear.scatter [tilespmem:s11], [sflag:$0xD], $0x400, $0x38;
	[tilespmem:$0x1D480] =	vst v63  }
0x2bf: {  	s19 =	sld [smem:$0x7F3]  }
0x2c0: {  	[spmem:s16] =	stream.linear.scatter [tilespmem:s11], [sflag:$0xD], $0x400, $0x38;
	[tilespmem:$0x1D480] =	vst v63  }
0x2c1: {  	s21 =	sld [smem:$0x7F4]  }
0x2c2: {  	[spmem:s19] =	stream.linear.scatter [tilespmem:s11], [sflag:$0xD], $0x400, $0x38;
	[tilespmem:$0x1D480] =	vst v63  }
0x2c3: {  	s22 =	sld [smem:$0x7F5]  }
0x2c4: {  	[spmem:s21] =	stream.linear.scatter [tilespmem:s11], [sflag:$0xD], $0x400, $0x38;
	[tilespmem:$0x1D480] =	vst v63  }
0x2c5: {  	s23 =	sld [smem:$0x7F6]  }
0x2c6: {  	[spmem:s22] =	stream.linear.scatter [tilespmem:s11], [sflag:$0xD], $0x400, $0x38;
	[tilespmem:$0x1D480] =	vst v63  }
0x2c7: {  	s24 =	sld [smem:$0x7F7]  }
0x2c8: {  	[spmem:s23] =	stream.linear.scatter [tilespmem:s11], [sflag:$0xD], $0x400, $0x38;
	[tilespmem:$0x1D480] =	vst v63  }
0x2c9: {  	s25 =	sld [smem:$0x7F8]  }
0x2ca: {  	[spmem:s24] =	stream.linear.scatter [tilespmem:s11], [sflag:$0xD], $0x400, $0x38;
	[tilespmem:$0x1D480] =	vst v63  }
0x2cb: {  	s26 =	sld [smem:$0x7F9]  }
0x2cc: {  	[spmem:s25] =	stream.linear.scatter [tilespmem:s11], [sflag:$0xD], $0x400, $0x38;
	[tilespmem:$0x1D480] =	vst v63  }
0x2cd: {  	s28 =	sld [smem:$0x7FA]  }
0x2ce: {  	[spmem:s26] =	stream.linear.scatter [tilespmem:s11], [sflag:$0xD], $0x400, $0x38;
	[tilespmem:$0x1D480] =	vst v63  }
0x2cf: {  	s29 =	sld [smem:$0x7FB]  }
0x2d0: {  	[spmem:s28] =	stream.linear.scatter [tilespmem:s11], [sflag:$0xD], $0x400, $0x38;
	[tilespmem:$0x1D480] =	vst v63  }
0x2d1: {  	s31 =	sld [smem:$0x7FC]  }
0x2d2: {  	[spmem:s29] =	stream.linear.scatter [tilespmem:s11], [sflag:$0xD], $0x400, $0x38;
	[tilespmem:$0x1D480] =	vst v63  }
0x2d3: {  	s0 =	sld [smem:$0x7FD]  }
0x2d4: {  	[spmem:s31] =	stream.linear.scatter [tilespmem:s11], [sflag:$0xD], $0x400, $0x38;
	[tilespmem:$0x1D480] =	vst v63  }
0x2d5: {  	_ = 	snop  }
0x2d6: {  	[spmem:s0] =	stream.linear.scatter [tilespmem:s11], [sflag:$0xD], $0x400, $0x38;
	[tilespmem:$0x1D480] =	vst v63  }
0x2d7: {  	_ =	swait.ge [sflag:s8], $0x400  }
0x2d8: {  	[sflag:s8] =	ssyncset.done $0x0  }
0x2d9: {  	[sflag:s8] =	ssyncadd.s32 $0xFFFFFC00  }
0x2da: {  	_ =	swait.ge [sflag:s8], $0x400  }
0x2db: {  	[sflag:s8] =	ssyncset.done $0x0  }
0x2dc: {  	[sflag:s8] =	ssyncadd.s32 $0xFFFFFC00  }
0x2dd: {  	_ =	swait.ge [sflag:s8], $0x400  }
0x2de: {  	[sflag:s8] =	ssyncset.done $0x0  }
0x2df: {  	[sflag:s8] =	ssyncadd.s32 $0xFFFFFC00  }
0x2e0: {  	_ =	swait.ge [sflag:s8], $0x400  }
0x2e1: {  	[sflag:s8] =	ssyncset.done $0x0  }
0x2e2: {  	[sflag:s8] =	ssyncadd.s32 $0xFFFFFC00  }
0x2e3: {  	_ =	swait.ge [sflag:s8], $0x400  }
0x2e4: {  	[sflag:s8] =	ssyncset.done $0x0  }
0x2e5: {  	[sflag:s8] =	ssyncadd.s32 $0xFFFFFC00  }
0x2e6: {  	_ =	swait.ge [sflag:s8], $0x400  }
0x2e7: {  	[sflag:s8] =	ssyncset.done $0x0  }
0x2e8: {  	[sflag:s8] =	ssyncadd.s32 $0xFFFFFC00  }
0x2e9: {  	_ =	swait.ge [sflag:s8], $0x400  }
0x2ea: {  	[sflag:s8] =	ssyncset.done $0x0  }
0x2eb: {  	[sflag:s8] =	ssyncadd.s32 $0xFFFFFC00  }
0x2ec: {  	_ =	swait.ge [sflag:s8], $0x400  }
0x2ed: {  	[sflag:s8] =	ssyncset.done $0x0  }
0x2ee: {  	[sflag:s8] =	ssyncadd.s32 $0xFFFFFC00  }
0x2ef: {  	_ =	swait.ge [sflag:s8], $0x400  }
0x2f0: {  	[sflag:s8] =	ssyncset.done $0x0  }
0x2f1: {  	[sflag:s8] =	ssyncadd.s32 $0xFFFFFC00  }
0x2f2: {  	_ =	swait.ge [sflag:s8], $0x400  }
0x2f3: {  	[sflag:s8] =	ssyncset.done $0x0  }
0x2f4: {  	[sflag:s8] =	ssyncadd.s32 $0xFFFFFC00  }
0x2f5: {  	_ =	swait.ge [sflag:s8], $0x400  }
0x2f6: {  	[sflag:s8] =	ssyncset.done $0x0  }
0x2f7: {  	[sflag:s8] =	ssyncadd.s32 $0xFFFFFC00  }
0x2f8: {  	_ =	swait.ge [sflag:s8], $0x400  }
0x2f9: {  	[sflag:s8] =	ssyncset.done $0x0  }
0x2fa: {  	[sflag:s8] =	ssyncadd.s32 $0xFFFFFC00  }
0x2fb: {  	_ =	swait.ge [sflag:s8], $0x400  }
0x2fc: {  	[sflag:s8] =	ssyncset.done $0x0  }
0x2fd: {  	[sflag:s8] =	ssyncadd.s32 $0xFFFFFC00  }
0x2fe: {  	_ =	swait.ge [sflag:s8], $0x400  }
0x2ff: {  	[sflag:s8] =	ssyncset.done $0x0  }
0x300: {  	[sflag:s8] =	ssyncadd.s32 $0xFFFFFC00  }
0x301: {  	_ =	swait.ge [sflag:s8], $0x400  }
0x302: {  	[sflag:s8] =	ssyncset.done $0x0  }
0x303: {  	[sflag:s8] =	ssyncadd.s32 $0xFFFFFC00  }
0x304: {  	_ =	swait.ge [sflag:s8], $0x400  }
0x305: {  	[sflag:s8] =	ssyncset.done $0x0  }
0x306: {  	[sflag:s8] =	ssyncadd.s32 $0xFFFFFC00  }
0x307: {  	_ =	swait.ge [sflag:s8], $0x400  }
0x308: {  	[sflag:s8] =	ssyncset.done $0x0  }
0x309: {  	[sflag:s8] =	ssyncadd.s32 $0xFFFFFC00  }
0x30a: {  	_ =	swait.ge [sflag:s8], $0x400  }
0x30b: {  	[sflag:s8] =	ssyncset.done $0x0  }
0x30c: {  	[sflag:s8] =	ssyncadd.s32 $0xFFFFFC00  }
0x30d: {  	_ =	swait.ge [sflag:s8], $0x400  }
0x30e: {  	[sflag:s8] =	ssyncset.done $0x0  }
0x30f: {  	[sflag:s8] =	ssyncadd.s32 $0xFFFFFC00  }
0x310: {  	_ =	swait.ge [sflag:s8], $0x400  }
0x311: {  	[sflag:s8] =	ssyncset.done $0x0  }
0x312: {  	[sflag:s8] =	ssyncadd.s32 $0xFFFFFC00  }
0x313: {  	_ =	swait.ge [sflag:s8], $0x400  }
0x314: {  	[sflag:s8] =	ssyncset.done $0x0  }
0x315: {  	[sflag:s8] =	ssyncadd.s32 $0xFFFFFC00  }
0x316: {  	_ =	swait.ge [sflag:s8], $0x400  }
0x317: {  	[sflag:s8] =	ssyncset.done $0x0  }
0x318: {  	[sflag:s8] =	ssyncadd.s32 $0xFFFFFC00  }
0x319: {  	_ =	swait.ge [sflag:s8], $0x400  }
0x31a: {  	[sflag:s8] =	ssyncset.done $0x0  }
0x31b: {  	[sflag:s8] =	ssyncadd.s32 $0xFFFFFC00  }
0x31c: {  	_ =	swait.ge [sflag:s8], $0x400  }
0x31d: {  	[sflag:s8] =	ssyncset.done $0x0  }
0x31e: {  	[sflag:s8] =	ssyncadd.s32 $0xFFFFFC00  }
0x31f: {  	_ =	swait.ge [sflag:s8], $0x400  }
0x320: {  	[sflag:s8] =	ssyncset.done $0x0  }
0x321: {  	[sflag:s8] =	ssyncadd.s32 $0xFFFFFC00  }
0x322: {  	_ =	swait.ge [sflag:s8], $0x400  }
0x323: {  	[sflag:s8] =	ssyncset.done $0x0  }
0x324: {  	[sflag:s8] =	ssyncadd.s32 $0xFFFFFC00  }
0x325: {  	_ =	swait.ge [sflag:s8], $0x400  }
0x326: {  	[sflag:s8] =	ssyncset.done $0x0  }
0x327: {  	[sflag:s8] =	ssyncadd.s32 $0xFFFFFC00  }
0x328: {  	_ =	swait.ge [sflag:s8], $0x400  }
0x329: {  	[sflag:s8] =	ssyncset.done $0x0  }
0x32a: {  	[sflag:s8] =	ssyncadd.s32 $0xFFFFFC00  }
0x32b: {  	_ =	swait.ge [sflag:s8], $0x400  }
0x32c: {  	[sflag:s8] =	ssyncset.done $0x0  }
0x32d: {  	[sflag:s8] =	ssyncadd.s32 $0xFFFFFC00  }
0x32e: {  	_ =	swait.ge [sflag:s8], $0x400  }
0x32f: {  	[sflag:s8] =	ssyncset.done $0x0  }
0x330: {  	[sflag:s8] =	ssyncadd.s32 $0xFFFFFC00  }
0x331: {  	_ =	swait.ge [sflag:s8], $0x400  }
0x332: {  	[sflag:s8] =	ssyncset.done $0x0  }
0x333: {  	[sflag:s8] =	ssyncadd.s32 $0xFFFFFC00  }
0x334: {  	_ =	swait.ge [sflag:s8], $0x400  }
0x335: {  	[sflag:s8] =	ssyncset.done $0x0  }
0x336: {  	[sflag:s8] =	ssyncadd.s32 $0xFFFFFC00  }
0x337: {  	_ =	swait.ge [sflag:s8], $0x400  }
0x338: {  	[sflag:s8] =	ssyncset.done $0x0  }
0x339: {  	[sflag:s8] =	ssyncadd.s32 $0xFFFFFC00  }
0x33a: {  	_ =	swait.ge [sflag:s8], $0x400  }
0x33b: {  	[sflag:s8] =	ssyncset.done $0x0  }
0x33c: {  	[sflag:s8] =	ssyncadd.s32 $0xFFFFFC00  }
0x33d: {  	_ =	swait.ge [sflag:s8], $0x400  }
0x33e: {  	[sflag:s8] =	ssyncset.done $0x0  }
0x33f: {  	[sflag:s8] =	ssyncadd.s32 $0xFFFFFC00  }
0x340: {  	_ =	swait.ge [sflag:s8], $0x400  }
0x341: {  	[sflag:s8] =	ssyncset.done $0x0  }
0x342: {  	[sflag:s8] =	ssyncadd.s32 $0xFFFFFC00  }
0x343: {  	_ =	swait.ge [sflag:s8], $0x400  }
0x344: {  	[sflag:s8] =	ssyncset.done $0x0  }
0x345: {  	[sflag:s8] =	ssyncadd.s32 $0xFFFFFC00  }
0x346: {  	_ =	swait.ge [sflag:s8], $0x400  }
0x347: {  	[sflag:s8] =	ssyncset.done $0x0  }
0x348: {  	[sflag:s8] =	ssyncadd.s32 $0xFFFFFC00  }
0x349: {  	_ =	swait.ge [sflag:s8], $0x400  }
0x34a: {  	[sflag:s8] =	ssyncset.done $0x0  }
0x34b: {  	[sflag:s8] =	ssyncadd.s32 $0xFFFFFC00  }
0x34c: {  	_ =	swait.ge [sflag:s8], $0x400  }
0x34d: {  	[sflag:s8] =	ssyncset.done $0x0  }
0x34e: {  	[sflag:s8] =	ssyncadd.s32 $0xFFFFFC00  }
0x34f: {  	_ =	swait.ge [sflag:s8], $0x400  }
0x350: {  	[sflag:s8] =	ssyncset.done $0x0  }
0x351: {  	[sflag:s8] =	ssyncadd.s32 $0xFFFFFC00  }
0x352: {  	_ =	swait.ge [sflag:s8], $0x400  }
0x353: {  	[sflag:s8] =	ssyncset.done $0x0  }
0x354: {  	[sflag:s8] =	ssyncadd.s32 $0xFFFFFC00  }
0x355: {  	_ =	swait.ge [sflag:s8], $0x400  }
0x356: {  	[sflag:s8] =	ssyncset.done $0x0  }
0x357: {  	[sflag:s8] =	ssyncadd.s32 $0xFFFFFC00  }
0x358: {  	_ =	swait.ge [sflag:s8], $0x400  }
0x359: {  	[sflag:s8] =	ssyncset.done $0x0  }
0x35a: {  	[sflag:s8] =	ssyncadd.s32 $0xFFFFFC00  }
0x35b: {  	_ =	swait.ge [sflag:s8], $0x400  }
0x35c: {  	[sflag:s8] =	ssyncset.done $0x0  }
0x35d: {  	[sflag:s8] =	ssyncadd.s32 $0xFFFFFC00  }
0x35e: {  	_ =	swait.ge [sflag:s8], $0x400  }
0x35f: {  	[sflag:s8] =	ssyncset.done $0x0  }
0x360: {  	[sflag:s8] =	ssyncadd.s32 $0xFFFFFC00  }
0x361: {  	_ =	swait.ge [sflag:s8], $0x400  }
0x362: {  	[sflag:s8] =	ssyncset.done $0x0  }
0x363: {  	[sflag:s8] =	ssyncadd.s32 $0xFFFFFC00  }
0x364: {  	_ =	swait.ge [sflag:s8], $0x400  }
0x365: {  	[sflag:s8] =	ssyncset.done $0x0  }
0x366: {  	[sflag:s8] =	ssyncadd.s32 $0xFFFFFC00  }
0x367: {  	_ =	swait.ge [sflag:s8], $0x400  }
0x368: {  	[sflag:s8] =	ssyncset.done $0x0  }
0x369: {  	[sflag:s8] =	ssyncadd.s32 $0xFFFFFC00  }
0x36a: {  	_ =	swait.ge [sflag:s8], $0x400  }
0x36b: {  	[sflag:s8] =	ssyncset.done $0x0  }
0x36c: {  	[sflag:s8] =	ssyncadd.s32 $0xFFFFFC00  }
0x36d: {  	_ =	swait.ge [sflag:s8], $0x400  }
0x36e: {  	[sflag:s8] =	ssyncset.done $0x0  }
0x36f: {  	[sflag:s8] =	ssyncadd.s32 $0xFFFFFC00  }
0x370: {  	_ =	swait.ge [sflag:s8], $0x400  }
0x371: {  	[sflag:s8] =	ssyncset.done $0x0  }
0x372: {  	[sflag:s8] =	ssyncadd.s32 $0xFFFFFC00  }
0x373: {  	_ =	swait.ge [sflag:s8], $0x400  }
0x374: {  	[sflag:s8] =	ssyncset.done $0x0  }
0x375: {  	[sflag:s8] =	ssyncadd.s32 $0xFFFFFC00  }
0x376: {  	_ =	swait.ge [sflag:s8], $0x400  }
0x377: {  	[sflag:s8] =	ssyncset.done $0x0  }
0x378: {  	[sflag:s8] =	ssyncadd.s32 $0xFFFFFC00  }
0x379: {  	_ =	swait.ge [sflag:s8], $0x400  }
0x37a: {  	[sflag:s8] =	ssyncset.done $0x0  }
0x37b: {  	[sflag:s8] =	ssyncadd.s32 $0xFFFFFC00  }
0x37c: {  	_ =	swait.ge [sflag:s8], $0x400  }
0x37d: {  	[sflag:s8] =	ssyncset.done $0x0  }
0x37e: {  	[sflag:s8] =	ssyncadd.s32 $0xFFFFFC00  }
0x37f: {  	_ =	swait.ge [sflag:s8], $0x400  }
0x380: {  	[sflag:s8] =	ssyncset.done $0x0  }
0x381: {  	[sflag:s8] =	ssyncadd.s32 $0xFFFFFC00  }
0x382: {  	_ =	swait.ge [sflag:s8], $0x400  }
0x383: {  	[sflag:s8] =	ssyncset.done $0x0  }
0x384: {  	[sflag:s8] =	ssyncadd.s32 $0xFFFFFC00  }
0x385: {  	_ =	swait.ge [sflag:s8], $0x400  }
0x386: {  	[sflag:s8] =	ssyncset.done $0x0  }
0x387: {  	[sflag:s8] =	ssyncadd.s32 $0xFFFFFC00  }
0x388: {  	_ =	swait.ge [sflag:s8], $0x400  }
0x389: {  	[sflag:s8] =	ssyncset.done $0x0  }
0x38a: {  	[sflag:s8] =	ssyncadd.s32 $0xFFFFFC00  }
0x38b: {  	_ =	swait.ge [sflag:s8], $0x400  }
0x38c: {  	[sflag:s8] =	ssyncset.done $0x0  }
0x38d: {  	[sflag:s8] =	ssyncadd.s32 $0xFFFFFC00  }
0x38e: {  	_ =	swait.ge [sflag:s8], $0x400  }
0x38f: {  	[sflag:s8] =	ssyncset.done $0x0  }
0x390: {  	[sflag:s8] =	ssyncadd.s32 $0xFFFFFC00  }
0x391: {  	_ =	swait.ge [sflag:s8], $0x400  }
0x392: {  	[sflag:s8] =	ssyncset.done $0x0  }
0x393: {  	[sflag:s8] =	ssyncadd.s32 $0xFFFFFC00  }
0x394: {  	_ =	swait.ge [sflag:s8], $0x400  }
0x395: {  	[sflag:s8] =	ssyncset.done $0x0  }
0x396: {  	[sflag:s8] =	ssyncadd.s32 $0xFFFFFC00  }
0x397: {  	_ =	swait.ge [sflag:s8], $0x400  }
0x398: {  	[sflag:s8] =	ssyncset.done $0x0  }
0x399: {  	[sflag:s8] =	ssyncadd.s32 $0xFFFFFC00  }
0x39a: {  	_ =	swait.ge [sflag:s8], $0x400  }
0x39b: {  	[sflag:s8] =	ssyncset.done $0x0  }
0x39c: {  	[sflag:s8] =	ssyncadd.s32 $0xFFFFFC00  }
0x39d: {  	_ =	swait.ge [sflag:s8], $0x400  }
0x39e: {  	[sflag:s8] =	ssyncset.done $0x0  }
0x39f: {  	[sflag:s8] =	ssyncadd.s32 $0xFFFFFC00  }
0x3a0: {  	_ =	swait.ge [sflag:s8], $0x400  }
0x3a1: {  	[sflag:s8] =	ssyncset.done $0x0  }
0x3a2: {  	[sflag:s8] =	ssyncadd.s32 $0xFFFFFC00  }
0x3a3: {  	_ =	swait.ge [sflag:s8], $0x400  }
0x3a4: {  	[sflag:s8] =	ssyncset.done $0x0  }
0x3a5: {  	[sflag:s8] =	ssyncadd.s32 $0xFFFFFC00  }
0x3a6: {  	_ =	swait.ge [sflag:s8], $0x400  }
0x3a7: {  	[sflag:s8] =	ssyncset.done $0x0  }
0x3a8: {  	[sflag:s8] =	ssyncadd.s32 $0xFFFFFC00  }
0x3a9: {  	_ =	swait.ge [sflag:s8], $0x400  }
0x3aa: {  	[sflag:s8] =	ssyncset.done $0x0  }
0x3ab: {  	[sflag:s8] =	ssyncadd.s32 $0xFFFFFC00  }
0x3ac: {  	_ =	swait.ge [sflag:s8], $0x400  }
0x3ad: {  	[sflag:s8] =	ssyncset.done $0x0  }
0x3ae: {  	[sflag:s8] =	ssyncadd.s32 $0xFFFFFC00  }
0x3af: {  	_ =	swait.ge [sflag:s8], $0x400  }
0x3b0: {  	[sflag:s8] =	ssyncset.done $0x0  }
0x3b1: {  	[sflag:s8] =	ssyncadd.s32 $0xFFFFFC00  }
0x3b2: {  	_ =	swait.ge [sflag:s8], $0x400  }
0x3b3: {  	[sflag:s8] =	ssyncset.done $0x0  }
0x3b4: {  	[sflag:s8] =	ssyncadd.s32 $0xFFFFFC00  }
0x3b5: {  	_ =	swait.ge [sflag:s8], $0x400  }
0x3b6: {  	[sflag:s8] =	ssyncset.done $0x0  }
0x3b7: {  	[sflag:s8] =	ssyncadd.s32 $0xFFFFFC00  }
0x3b8: {  	_ =	swait.ge [sflag:s8], $0x400  }
0x3b9: {  	[sflag:s8] =	ssyncset.done $0x0  }
0x3ba: {  	[sflag:s8] =	ssyncadd.s32 $0xFFFFFC00  }
0x3bb: {  	_ =	swait.ge [sflag:s8], $0x400  }
0x3bc: {  	[sflag:s8] =	ssyncset.done $0x0  }
0x3bd: {  	[sflag:s8] =	ssyncadd.s32 $0xFFFFFC00  }
0x3be: {  	_ =	swait.ge [sflag:s8], $0x400  }
0x3bf: {  	[sflag:s8] =	ssyncset.done $0x0  }
0x3c0: {  	[sflag:s8] =	ssyncadd.s32 $0xFFFFFC00  }
0x3c1: {  	_ =	swait.ge [sflag:s8], $0x400  }
0x3c2: {  	[sflag:s8] =	ssyncset.done $0x0  }
0x3c3: {  	[sflag:s8] =	ssyncadd.s32 $0xFFFFFC00  }
0x3c4: {  	_ =	swait.ge [sflag:s8], $0x400  }
0x3c5: {  	[sflag:s8] =	ssyncset.done $0x0  }
0x3c6: {  	s30 =	simm.s32 $0xB;
	[sflag:s8] =	ssyncadd.s32 $0xFFFFFC00  }
0x3c7: {  	_ =	swait.ge [sflag:s30], $0x400  }
0x3c8: {  	[sflag:s30] =	ssyncset.done $0x0  }
0x3c9: {  	[sflag:s30] =	ssyncadd.s32 $0xFFFFFC00  }
0x3ca: {  	_ =	swait.ge [sflag:s30], $0x400  }
0x3cb: {  	[sflag:s30] =	ssyncset.done $0x0  }
0x3cc: {  	s0 =	simm.s32 $0xC;
	[sflag:s30] =	ssyncadd.s32 $0xFFFFFC00  }
0x3cd: {  	_ =	swait.ge [sflag:s0], $0x380  }
0x3ce: {  	[sflag:s0] =	ssyncset.done $0x0  }
0x3cf: {  	[sflag:s0] =	ssyncadd.s32 $0xFFFFFC80  }
0x3d0: {  	_ =	swait.ge [sflag:s0], $0x380  }
0x3d1: {  	s21 =	sld [smem:$0x7A7]  }
0x3d2: {  	[sflag:s0] =	ssyncset.done $0x0  }
0x3d3: {  	s20 =	simm.s32 $0x0;
	s1 =	sld [smem:$0x7A8];
	[sflag:s0] =	ssyncadd.s32 $0xFFFFFC80  }
0x3d4: {  	[tilespmem:s20], [sflag:$0x7] =	stream.linear.gather [hbm4b:s21+s20], $0x50, $0x38;
	[tilespmem:$0x1D480] =	vst v63  }
0x3d5: {  	s5 =	simm.s32 $0x800;
	s6 =	rddreg [dreg:$0x1e]  }
0x3d6: {  	[tilespmem:s5], [sflag:$0x7] =	stream.linear.gather [hbm4b:s1+s20], $0x50, $0x38;
	[tilespmem:$0x1D480] =	vst v63  }
0x3d7: {  	s7 =	simm.s32 $0x80;
	s9 =	rddreg [dreg:$0x1f]  }
0x3d8: {  	[tilespmem:s7], [sflag:$0x7] =	stream.linear.gather [hbm4b:s6+s20], $0x50, $0x38;
	[tilespmem:$0x1D480] =	vst v63  }
0x3d9: {  	s12 =	sld [smem:$0x7A5];
	s5 =	simm.s32 $0x880  }
0x3da: {  	[tilespmem:s5], [sflag:$0x7] =	stream.linear.gather [hbm4b:s9+s20], $0x50, $0x38;
	[tilespmem:$0x1D480] =	vst v63  }
0x3db: {  	s13 =	simm.s32 $0x100;
	s14 =	sld [smem:$0x7A6]  }
0x3dc: {  	[tilespmem:s13], [sflag:$0x7] =	stream.linear.gather [hbm4b:s12+s20], $0x50, $0x38;
	[tilespmem:$0x1D480] =	vst v63  }
0x3dd: {  	s15 =	simm.s32 $0x900;
	s16 =	sld [smem:$0x7A9]  }
0x3de: {  	[tilespmem:s15], [sflag:$0x7] =	stream.linear.gather [hbm4b:s14+s20], $0x50, $0x38;
	[tilespmem:$0x1D480] =	vst v63  }
0x3df: {  	s19 =	simm.s32 $0x180;
	s22 =	sld [smem:$0x7AA]  }
0x3e0: {  	[tilespmem:s19], [sflag:$0x7] =	stream.linear.gather [hbm4b:s16+s20], $0x50, $0x38;
	[tilespmem:$0x1D480] =	vst v63  }
0x3e1: {  	s23 =	simm.s32 $0x980;
	s24 =	sld [smem:$0x7AB]  }
0x3e2: {  	[tilespmem:s23], [sflag:$0x7] =	stream.linear.gather [hbm4b:s22+s20], $0x50, $0x38;
	[tilespmem:$0x1D480] =	vst v63  }
0x3e3: {  	s25 =	simm.s32 $0x200;
	s26 =	sld [smem:$0x7AC]  }
0x3e4: {  	[tilespmem:s25], [sflag:$0x7] =	stream.linear.gather [hbm4b:s24+s20], $0x50, $0x38;
	[tilespmem:$0x1D480] =	vst v63  }
0x3e5: {  	s28 =	simm.s32 $0xA00;
	s1 =	simm.s32 $0x7  }
0x3e6: {  	[tilespmem:s28], [sflag:$0x7] =	stream.linear.gather [hbm4b:s26+s20], $0x50, $0x38;
	[tilespmem:$0x1D480] =	vst v63  }
0x3e7: {  	_ =	swait.ge [sflag:s1], $0x50  }
0x3e8: {  	[sflag:s1] =	ssyncset.done $0x0  }
0x3e9: {  	[sflag:s1] =	ssyncadd.s32 $0xFFFFFFB0  }
0x3ea: {  	_ =	swait.ge [sflag:s1], $0x50  }
0x3eb: {  	[sflag:s1] =	ssyncset.done $0x0  }
0x3ec: {  	[sflag:s1] =	ssyncadd.s32 $0xFFFFFFB0  }
0x3ed: {  	_ =	swait.ge [sflag:s1], $0x50  }
0x3ee: {  	[sflag:s1] =	ssyncset.done $0x0  }
0x3ef: {  	[sflag:s1] =	ssyncadd.s32 $0xFFFFFFB0  }
0x3f0: {  	_ =	swait.ge [sflag:s1], $0x50  }
0x3f1: {  	[sflag:s1] =	ssyncset.done $0x0  }
0x3f2: {  	[sflag:s1] =	ssyncadd.s32 $0xFFFFFFB0  }
0x3f3: {  	_ =	swait.ge [sflag:s1], $0x50  }
0x3f4: {  	[sflag:s1] =	ssyncset.done $0x0  }
0x3f5: {  	[sflag:s1] =	ssyncadd.s32 $0xFFFFFFB0  }
0x3f6: {  	_ =	swait.ge [sflag:s1], $0x50  }
0x3f7: {  	[sflag:s1] =	ssyncset.done $0x0  }
0x3f8: {  	[sflag:s1] =	ssyncadd.s32 $0xFFFFFFB0  }
0x3f9: {  	_ =	swait.ge [sflag:s1], $0x50  }
0x3fa: {  	[sflag:s1] =	ssyncset.done $0x0  }
0x3fb: {  	[sflag:s1] =	ssyncadd.s32 $0xFFFFFFB0  }
0x3fc: {  	_ =	swait.ge [sflag:s1], $0x50  }
0x3fd: {  	[sflag:s1] =	ssyncset.done $0x0  }
0x3fe: {  	[sflag:s1] =	ssyncadd.s32 $0xFFFFFFB0  }
0x3ff: {  	_ =	swait.ge [sflag:s1], $0x50  }
0x400: {  	[sflag:s1] =	ssyncset.done $0x0  }
0x401: {  	[sflag:s1] =	ssyncadd.s32 $0xFFFFFFB0  }
0x402: {  	_ =	swait.ge [sflag:s1], $0x50  }
0x403: {  	[sflag:s1] =	ssyncset.done $0x0  }
0x404: {  	[sflag:s1] =	ssyncadd.s32 $0xFFFFFFB0  }
0x405: {  	[bflag:$0x0] =	sbarrier.arrive $0xFFFF  }
0x406: {  	s1 =	rddreg [dreg:$0x0]  }
0x407: {  	s29 =	simm.s32 $0x2000;
	s5 =	sld [smem:$0x79D]  }
0x408: {  	[tilespmem:s29], [sflag:$0x1] =	stream.indirect.gather [hbm4b:s1+s18], $0x80, s20, s18, $0xb8;
	[tilespmem:$0x1D480] =	vst v63  }
0x409: {  	s31 =	simm.s32 $0x4800;
	s0 =	rddreg [dreg:$0x4]  }
0x40a: {  	[tilespmem:s31], [sflag:$0x2] =	stream.indirect.gather [hbm4b:s1+s18], $0x80, s7, s18, $0xb8;
	[tilespmem:$0x1D480] =	vst v63  }
.LBB2_4:
0x40b: {  	s21 =	smul.u32 $0xCD, s20;
	_ =	sdelay $0x1  }
0x40c: {  	s21 =	sshrl.u32 s21, $0xA  }
0x40d: {  	s21 =	sand.u32 $0x3F, s21  }
0x40e: {  	s22 =	smul.u32 $0x5, s21;
	_ =	sdelay $0x1  }
0x40f: {  	p0 =	sgt.u32 s20, $0x77;
	s22 =	ssub.s32 s20, s22  }
0x410: {  	s23 =	sand.u32 @!p0 $0xFF, s22  }
0x411: {  	p1 =	sne.s32 @!p0 s23, $0x0  }
0x412: {  	p1 =	por p0, p1  }
.Ltmp3:
0x413: {  	_ = 	snop;
	(pc) =	sbr.rel @p1 .LBB2_6-.Ltmp3, $1  }
0x414: {  	_ =	sdelay $0x3  }
0x415: {  	s23 =	sadd.s32 $0x1, s21  }
0x416: {  	s24 =	smul.u32 $0x190, s23;
	_ =	sdelay $0x1  }
0x417: {  	s24 =	sadd.s32 s4, s24  }
0x418: {  	s23 =	sand.u32 $0x1, s23;
	s24 =	sshrl.u32 s24, $0x3  }
0x419: {  	s25 =	sadd.s32 $0x7, s23;
	s23 =	sshll.u32 s23, $0xA;
	s26 =	sadd.s32 s2, s24  }
0x41a: {  	[tilespmem:s23], [sflag:s25] =	stream.linear.gather [hbm4b:s26+s3], $0x50, $0x38;
	[tilespmem:$0x1D480] =	vst v63  }
0x41b: {  	s16 =	sor.u32 $0x800, s23;
	s28 =	sadd.s32 s17, s24;
	s19 =	sadd.s32 $0xA, s24  }
0x41c: {  	[tilespmem:s16], [sflag:s25] =	stream.linear.gather [hbm4b:s28+s3], $0x50, $0x38;
	[tilespmem:$0x1D480] =	vst v63  }
0x41d: {  	s31 =	sor.u32 $0x80, s23;
	s29 =	sadd.s32 s2, s19  }
0x41e: {  	[tilespmem:s31], [sflag:s25] =	stream.linear.gather [hbm4b:s29+s3], $0x50, $0x38;
	[tilespmem:$0x1D480] =	vst v63  }
0x41f: {  	s6 =	sor.u32 $0x880, s23;
	s7 =	sadd.s32 $0x14, s24;
	s26 =	sadd.s32 s17, s19  }
0x420: {  	[tilespmem:s6], [sflag:s25] =	stream.linear.gather [hbm4b:s26+s3], $0x50, $0x38;
	[tilespmem:$0x1D480] =	vst v63  }
0x421: {  	s9 =	sor.u32 $0x100, s23;
	s12 =	sadd.s32 s2, s7  }
0x422: {  	[tilespmem:s9], [sflag:s25] =	stream.linear.gather [hbm4b:s12+s3], $0x50, $0x38;
	[tilespmem:$0x1D480] =	vst v63  }
0x423: {  	s13 =	sor.u32 $0x900, s23;
	s14 =	sadd.s32 $0x1E, s24;
	s26 =	sadd.s32 s17, s7  }
0x424: {  	[tilespmem:s13], [sflag:s25] =	stream.linear.gather [hbm4b:s26+s3], $0x50, $0x38;
	[tilespmem:$0x1D480] =	vst v63  }
0x425: {  	s15 =	sor.u32 $0x180, s23;
	s16 =	sadd.s32 s2, s14  }
0x426: {  	[tilespmem:s15], [sflag:s25] =	stream.linear.gather [hbm4b:s16+s3], $0x50, $0x38;
	[tilespmem:$0x1D480] =	vst v63  }
0x427: {  	s24 =	sadd.s32 $0x28, s24;
	s19 =	sor.u32 $0x980, s23;
	s26 =	sadd.s32 s17, s14  }
0x428: {  	[tilespmem:s19], [sflag:s25] =	stream.linear.gather [hbm4b:s26+s3], $0x50, $0x38;
	[tilespmem:$0x1D480] =	vst v63  }
0x429: {  	s29 =	sor.u32 $0x200, s23;
	s31 =	sadd.s32 s2, s24  }
0x42a: {  	[tilespmem:s29], [sflag:s25] =	stream.linear.gather [hbm4b:s31+s3], $0x50, $0x38;
	[tilespmem:$0x1D480] =	vst v63  }
0x42b: {  	s23 =	sor.u32 $0xA00, s23;
	s24 =	sadd.s32 s17, s24  }
0x42c: {  	[tilespmem:s23], [sflag:s25] =	stream.linear.gather [hbm4b:s24+s3], $0x50, $0x38;
	[tilespmem:$0x1D480] =	vst v63  }
.LBB2_10:
0x42d: {  	p0 =	seq.s32 s20, $0x0  }
.Ltmp4:
0x42e: {  	_ = 	snop;
	(pc) =	sbr.rel @!p0 .LBB2_8-.Ltmp4, $1  }
0x42f: {  	_ =	sdelay $0x3  }
.Ltmp5:
0x430: {  	(pc) =	sbr.rel .LBB2_12-.Ltmp5, $2  }
0x431: {  	_ =	sdelay $0x2  }
0x432: {  	s23 =	simm.s32 $0x2;
	s24 =	simm.s32 $0x2  }
.LBB2_6:
0x433: {  	p1 =	sne.s32 @!p0 s23, $0x3  }
0x434: {  	p0 =	por p0, p1  }
.Ltmp6:
0x435: {  	_ = 	snop;
	(pc) =	sbr.rel @p0 .LBB2_9-.Ltmp6, $1  }
0x436: {  	_ =	sdelay $0x3  }
0x437: {  	s23 =	sxor.u32 $0xFFFFFFFF, s21  }
0x438: {  	s23 =	sand.u32 $0x1, s23  }
0x439: {  	s23 =	sadd.s32 $0x7, s23  }
0x43a: {  	_ =	swait.ge [sflag:s23], $0x50  }
0x43b: {  	[sflag:s23] =	ssyncset.done $0x0  }
0x43c: {  	[sflag:s23] =	ssyncadd.s32 $0xFFFFFFB0  }
0x43d: {  	_ =	swait.ge [sflag:s23], $0x50  }
0x43e: {  	[sflag:s23] =	ssyncset.done $0x0  }
0x43f: {  	[sflag:s23] =	ssyncadd.s32 $0xFFFFFFB0  }
0x440: {  	_ =	swait.ge [sflag:s23], $0x50  }
0x441: {  	[sflag:s23] =	ssyncset.done $0x0  }
0x442: {  	[sflag:s23] =	ssyncadd.s32 $0xFFFFFFB0  }
0x443: {  	_ =	swait.ge [sflag:s23], $0x50  }
0x444: {  	[sflag:s23] =	ssyncset.done $0x0  }
0x445: {  	[sflag:s23] =	ssyncadd.s32 $0xFFFFFFB0  }
0x446: {  	_ =	swait.ge [sflag:s23], $0x50  }
0x447: {  	[sflag:s23] =	ssyncset.done $0x0  }
0x448: {  	[sflag:s23] =	ssyncadd.s32 $0xFFFFFFB0  }
0x449: {  	_ =	swait.ge [sflag:s23], $0x50  }
0x44a: {  	[sflag:s23] =	ssyncset.done $0x0  }
0x44b: {  	[sflag:s23] =	ssyncadd.s32 $0xFFFFFFB0  }
0x44c: {  	_ =	swait.ge [sflag:s23], $0x50  }
0x44d: {  	[sflag:s23] =	ssyncset.done $0x0  }
0x44e: {  	[sflag:s23] =	ssyncadd.s32 $0xFFFFFFB0  }
0x44f: {  	_ =	swait.ge [sflag:s23], $0x50  }
0x450: {  	[sflag:s23] =	ssyncset.done $0x0  }
0x451: {  	[sflag:s23] =	ssyncadd.s32 $0xFFFFFFB0  }
0x452: {  	_ =	swait.ge [sflag:s23], $0x50  }
0x453: {  	[sflag:s23] =	ssyncset.done $0x0  }
0x454: {  	[sflag:s23] =	ssyncadd.s32 $0xFFFFFFB0  }
0x455: {  	_ =	swait.ge [sflag:s23], $0x50  }
0x456: {  	[sflag:s23] =	ssyncset.done $0x0  }
0x457: {  	[sflag:s23] =	ssyncadd.s32 $0xFFFFFFB0  }
.LBB2_8:
0x458: {  	s24 =	sadd.s32 $0x2, s20  }
0x459: {  	s23 =	sand.u32 $0xFF, s24  }
0x45a: {  	s23 =	smul.u32 $0xAB, s23;
	_ =	sdelay $0x1  }
0x45b: {  	s23 =	sshrl.u32 s23, $0x9  }
0x45c: {  	s23 =	smul.u32 $0x3, s23;
	_ =	sdelay $0x1  }
0x45d: {  	s23 =	ssub.s32 s24, s23  }
0x45e: {  	s23 =	sand.u32 $0xFF, s23  }
0x45f: {  	s25 =	sor.u32 $0x4, s23  }
0x460: {  	_ =	swait.ge [sflag:s25], $0x2800  }
0x461: {  	[sflag:s25] =	ssyncset.done $0x0  }
0x462: {  	[sflag:s25] =	ssyncadd.s32 $0xFFFFD800  }
.LBB2_12:
0x463: {  	s25 =	sand.u32 $0xFF, s24  }
0x464: {  	s25 =	smul.u32 $0xCD, s25;
	_ =	sdelay $0x1  }
0x465: {  	s26 =	sshrl.u32 s25, $0xA  }
0x466: {  	s26 =	smul.u32 $0x5, s26;
	_ =	sdelay $0x1  }
0x467: {  	s29 =	smul.u32 $0xA000, s23;
	s28 =	ssub.s32 s24, s26  }
0x468: {  	s24 =	sand.u32 $0xFF, s28  }
0x469: {  	s25 =	sand.u32 $0x400, s25;
	s26 =	sshrl.u32 s29, $0x2;
	s24 =	sshll.u32 s24, $0x7  }
0x46a: {  	s31 =	sadd.s32 $0x1, s23;
	s26 =	sadd.s32 $0x2000, s26;
	s24 =	sor.u32 s24, s25  }
0x46b: {  	[tilespmem:s26], [sflag:s31] =	stream.indirect.gather [hbm4b:s1+s18], $0x80, s24, s18, $0xb8;
	[tilespmem:$0x1D480] =	vst v63  }
.LBB2_13:
0x46c: {  	s23 =	smul.u32 $0xAB, s20;
	_ =	sdelay $0x1  }
0x46d: {  	s23 =	sshrl.u32 s23, $0x9  }
0x46e: {  	s23 =	sand.u32 $0x7F, s23  }
0x46f: {  	s23 =	smul.u32 $0x3, s23;
	_ =	sdelay $0x1  }
0x470: {  	s22 =	sand.u32 $0xFF, s22;
	s23 =	ssub.s32 s20, s23  }
0x471: {  	s21 =	sshll.u32 s21, $0xA;
	s20 =	sadd.s32 $0x1, s20;
	s23 =	sand.u32 $0xFF, s23  }
0x472: {  	s21 =	sand.u32 $0x400, s21;
	p0 =	sne.s32 s20, $0x7D;
	s24 =	smul.u32 $0xA000, s23  }
.Ltmp7:
0x473: {  	s22 =	sshll.u32 s22, $0x7;
	s25 =	sadd.s32 $0x1, s23;
	(pc) =	sbr.rel @p0 .LBB2_4-.Ltmp7, $4  }
.Ltmp8:
0x474: {  	s21 =	sadd.s32 s22, s21;
	_ =	swait.ge [sflag:s25], $0x2800;
	(pc) =	sbr.rel @!p0 .LBB2_14-.Ltmp8, $4  }
0x475: {  	s21 =	sadd.s32 $0x800, s21;
	s24 =	sshrl.u32 s24, $0x2;
	[sflag:s25] =	ssyncset.done $0x0  }
0x476: {  	s31 =	sadd.s32 $0x4, s23;
	s24 =	sadd.s32 $0x2000, s24;
	[sflag:s25] =	ssyncadd.s32 $0xFFFFD800  }
0x477: {  	[spmem:s0] =	stream.indirect.scatter.add.f32 [tilespmem:s24], [sflag:s31], $0x80, s21, s18, $0xb8;
	[tilespmem:$0x1D480] =	vst v63  }
0x478: {  	_ = 	snop  }
.LBB2_9:
0x479: {  	p0 =	sgt.u32 s20, $0x7A  }
.Ltmp9:
0x47a: {  	_ = 	snop;
	(pc) =	sbr.rel @p0 .LBB2_13-.Ltmp9, $4  }
.Ltmp10:
0x47b: {  	_ = 	snop;
	(pc) =	sbr.rel @!p0 .LBB2_10-.Ltmp10, $4  }
0x47c: {  	_ = 	snop  }
0x47d: {  	_ = 	snop  }
0x47e: {  	_ = 	snop  }
0x47f: {  	_ = 	snop  }
.LBB2_15:
0x480: {  	_ =	sfence.sel $0x180000  }
0x481: {  	[bflag:$0x0] =	sbarrier.arrive $0xFFFF  }
0x482: {  	_ =	strace $0x90000047  }
0x483: {  	s0 =	stileid.u32;
	[bflag:$0x2] =	sbarrier.arrive $0xFFFF  }
0x484: {  	p0 =	sne.s32 s0, $0x0;
	s0 =	rddreg [dreg:$0x5]  }
0x485: {  	s0 =	sadd.s32 @!p0 $0x100000, s0  }
0x486: {  	[sflag:s0] =	ssyncadd.tile.s32 @!p0 $0x1;
	_ =	shalt  }
.Lfunc_end2:
_tile_overlayer_lowered:
.L_overlay_start_2:
0x487: {  	(tag) =	ssettag $0x2  }
0x488: {  	s0 =	rddreg [dreg:$0x0];
	s2 =	stileid.u32  }
0x489: {  	s1 =	rddreg [dreg:$0x1];
	p0 =	sne.s32 s2, $0x0  }
0x48a: {  	s3 =	rddreg [dreg:$0x2];
	[bflag:$0x3] =	sbarrier.arrive $0xFFFF;
	s2 =	simm.s32 @!p0 $0x1C0E  }
0x48b: {  	[timem:s3], [sflag:s2] =	dma.local @!p0 [hbm:s0], s1  }
0x48c: {  	s0 =	simm.s32 @!p0 $0xE  }
0x48d: {  	_ =	swait.ge @!p0 [sflag:s0], s1  }
0x48e: {  	s1 =	ssub.s32 @!p0 $0x0, s1;
	[sflag:s0] =	ssyncset.done @!p0 $0x0  }
0x48f: {  	[sflag:s0] =	ssyncadd.s32 @!p0 s1  }
0x490: {  	[bflag:$0x3] =	sbarrier.arrive $0xFFFF  }
0x491: {  	_ =	shalt  }

</sc_bundles>
